<compile_context>
chip_gen: v7x
topology: tpu7x:2x2x1
jax: 0.10.2.dev20260603
libtpu: 0.0.44.dev20260713+nightly
codegen_flags: <defaults>
</compile_context>

<pallas_src>
import functools

import jax
import jax.numpy as jnp
from jax import lax
from jax.experimental import pallas as pl
from jax.experimental.pallas import tpu as pltpu
from jax.experimental.pallas import tpu_sc as plsc

N = 10000
E = 320000
D = 128
DH = D // 2
DO = 16
NN = 10016
NC = 2
NS = 16
NW = NC * NS
CHUNK = 128
CPT = 80
EP = NW * CPT * CHUNK
TRASH = N
RPT = NN // NS
G = 5
R = N // G

_mesh = plsc.VectorSubcoreMesh(core_axis_name="c", subcore_axis_name="s")


@functools.partial(
    pl.kernel,
    out_type=jax.ShapeDtypeStruct((NC, NN, DO), jnp.float32),
    mesh=_mesh,
    scratch_types=[
        pltpu.VMEM((CPT, CHUNK), jnp.int32),
        pltpu.VMEM((CHUNK, DO), jnp.float32),
        pltpu.SemaphoreType.DMA,
        pltpu.SemaphoreType.DMA,
        pltpu.SemaphoreType.DMA,
        pltpu.SemaphoreType.DMA,
        pltpu.VMEM_SHARED((NN, DO), jnp.float32),
    ],
    compiler_params=pltpu.CompilerParams(use_tc_tiling_on_sc=False),
)
def _deg_kernel(dsts_hbm, ones_hbm, zeros_hbm, hist_out,
                dst_v, ones_v, s0, s1, s2, s3, hist_s):
    cid = lax.axis_index("c")
    sid = lax.axis_index("s")
    wid = cid * NS + sid
    ssem = (s0, s1, s2, s3)
    pltpu.sync_copy(dsts_hbm.at[wid], dst_v)
    pltpu.sync_copy(ones_hbm, ones_v)
    pltpu.sync_copy(zeros_hbm, hist_s.at[pl.ds(sid * RPT, RPT)])
    plsc.subcore_barrier()

    def body(i, carry):
        for b in range(4):
            j = 4 * i + b

            @pl.when(i > 0)
            def _():
                pltpu.make_async_copy(ones_v, hist_s.at[dst_v.at[j - 4]],
                                      ssem[b]).wait()

            pltpu.async_copy(ones_v, hist_s.at[dst_v.at[j]], ssem[b],
                             add=True)
        return carry

    lax.fori_loop(0, CPT // 4, body, 0)
    for b in range(4):
        pltpu.make_async_copy(ones_v, hist_s.at[dst_v.at[CPT - 4 + b]],
                              ssem[b]).wait()
    plsc.subcore_barrier()
    pltpu.sync_copy(hist_s.at[pl.ds(sid * RPT, RPT)],
                    hist_out.at[cid].at[pl.ds(sid * RPT, RPT)])


def _pipeline(table, src_v, dst_v, bufs, gsem, ssem, acc, n_chunks):
    nbuf = len(bufs)

    def start_gather(j, b):
        pltpu.async_copy(table.at[src_v.at[j]], bufs[b], gsem[b])

    def wait_gather(j, b):
        pltpu.make_async_copy(table.at[src_v.at[j]], bufs[b], gsem[b]).wait()

    def start_scatter(j, b):
        pltpu.async_copy(bufs[b], acc.at[dst_v.at[j]], ssem[b], add=True)

    def wait_scatter(j, b):
        pltpu.make_async_copy(bufs[b], acc.at[dst_v.at[j]], ssem[b]).wait()

    ngroups = n_chunks // nbuf
    for b in range(nbuf):
        start_gather(b, b)

    def body(g, carry):
        c0 = nbuf * g
        for b in range(nbuf):
            wait_gather(c0 + b, b)
            start_scatter(c0 + b, b)
        for b in range(nbuf):
            wait_scatter(c0 + b, b)

            @pl.when(g < ngroups - 1)
            def _():
                start_gather(c0 + nbuf + b, b)

        return carry

    lax.fori_loop(0, ngroups, body, 0)


def _agg_scratch(cpt, chunk, nbuf, d):
    return (
        [pltpu.VMEM((cpt, chunk), jnp.int32)] * 2
        + [pltpu.VMEM((chunk, d), jnp.float32)] * nbuf
        + [pltpu.SemaphoreType.DMA] * (2 * nbuf)
        + [pltpu.VMEM_SHARED((NN, d), jnp.float32)]
    )


_LASTB = N - (NS - 1) * RPT
CB = 64
NB2 = 10
CPTB = EP // (NS * CB)
_NGRP = CPTB // NB2
_NHALF = _NGRP // 2


@functools.partial(
    pl.kernel,
    out_type=jax.ShapeDtypeStruct((NC, NN, DH), jnp.float32),
    mesh=_mesh,
    scratch_types=(
        [pltpu.VMEM((NB2, CB), jnp.int32)] * 4
        + [pltpu.VMEM((CB, DH), jnp.float32)] * NB2
        + [pltpu.SemaphoreType.DMA] * (2 * NB2 + 4)
        + [pltpu.VMEM_SHARED((NN, DH), jnp.float32)]
        + [pltpu.VMEM_SHARED((NN, DH), jnp.float32)]
    ),
    compiler_params=pltpu.CompilerParams(use_tc_tiling_on_sc=False),
)
def _agg128(hs2_hbm, srcs_hbm, dsts_hbm, zeros_hbm, out_hbm,
            w0s, w0d, w1s, w1d, *rest):
    bufs = rest[:NB2]
    gsem = rest[NB2:2 * NB2]
    ssem = rest[2 * NB2:3 * NB2]
    is0, id0, is1, id1 = rest[3 * NB2:3 * NB2 + 4]
    table_s, acc = rest[-2], rest[-1]
    cid = lax.axis_index("c")
    sid = lax.axis_index("s")
    my_src = srcs_hbm.at[sid]
    my_dst = dsts_hbm.at[sid]

    def swin(g):
        return my_src.at[pl.ds(g * NB2, NB2)]

    def dwin(g):
        return my_dst.at[pl.ds(g * NB2, NB2)]

    def phase1(cs, cd, g):
        for b in range(NB2):
            pltpu.make_async_copy(table_s.at[cs.at[b]], bufs[b],
                                  gsem[b]).wait()
            pltpu.async_copy(bufs[b], acc.at[cd.at[b]], ssem[b], add=True)

    def phase2(cd, ns, g):
        for b in range(NB2):
            pltpu.make_async_copy(bufs[b], acc.at[cd.at[b]], ssem[b]).wait()

            @pl.when(g < _NGRP - 1)
            def _():
                pltpu.async_copy(table_s.at[ns.at[b]], bufs[b], gsem[b])

    pltpu.sync_copy(zeros_hbm, acc.at[pl.ds(sid * RPT, RPT)])

    @pl.when(sid < NS - 1)
    def _():
        pltpu.sync_copy(hs2_hbm.at[cid].at[pl.ds(sid * RPT, RPT)],
                        table_s.at[pl.ds(sid * RPT, RPT)])

    @pl.when(sid == NS - 1)
    def _():
        pltpu.sync_copy(hs2_hbm.at[cid].at[pl.ds((NS - 1) * RPT, _LASTB)],
                        table_s.at[pl.ds((NS - 1) * RPT, _LASTB)])

    pltpu.sync_copy(swin(0), w0s)
    pltpu.sync_copy(dwin(0), w0d)
    pltpu.async_copy(swin(1), w1s, is1)
    pltpu.async_copy(dwin(1), w1d, id1)
    plsc.subcore_barrier()
    for b in range(NB2):
        pltpu.async_copy(table_s.at[w0s.at[b]], bufs[b], gsem[b])

    def body(i, carry):
        g0 = 2 * i
        g1 = g0 + 1
        pltpu.make_async_copy(swin(g1), w1s, is1).wait()
        pltpu.make_async_copy(dwin(g1), w1d, id1).wait()
        phase1(w0s, w0d, g0)

        @pl.when(i < _NHALF - 1)
        def _():
            pltpu.async_copy(swin(g0 + 2), w0s, is0)

        phase2(w0d, w1s, g0)

        @pl.when(i < _NHALF - 1)
        def _():
            pltpu.async_copy(dwin(g0 + 2), w0d, id0)
            pltpu.make_async_copy(swin(g0 + 2), w0s, is0).wait()

        phase1(w1s, w1d, g1)

        @pl.when(i < _NHALF - 1)
        def _():
            pltpu.async_copy(swin(g1 + 2), w1s, is1)

        phase2(w1d, w0s, g1)

        @pl.when(i < _NHALF - 1)
        def _():
            pltpu.async_copy(dwin(g1 + 2), w1d, id1)
            pltpu.make_async_copy(dwin(g0 + 2), w0d, id0).wait()

        return carry

    lax.fori_loop(0, _NHALF, body, 0)
    plsc.subcore_barrier()
    pltpu.sync_copy(acc.at[pl.ds(sid * RPT, RPT)],
                    out_hbm.at[cid].at[pl.ds(sid * RPT, RPT)])


_LAST = N - (NS - 1) * RPT


CPTC = EP // (NW * CB)


@functools.partial(
    pl.kernel,
    out_type=jax.ShapeDtypeStruct((NC, NN, DO), jnp.float32),
    mesh=_mesh,
    scratch_types=_agg_scratch(CPTC, CB, NB2, DO)
    + [pltpu.VMEM_SHARED((NN, DO), jnp.float32)],
    compiler_params=pltpu.CompilerParams(use_tc_tiling_on_sc=False),
)
def _agg16(h2s_hbm, srcs_hbm, dsts_hbm, zeros_hbm, out_hbm,
           src_v, dst_v, *rest):
    bufs, gsem, ssem, acc, table_s = (rest[:NB2], rest[NB2:2 * NB2],
                                      rest[2 * NB2:3 * NB2], rest[-2],
                                      rest[-1])
    cid = lax.axis_index("c")
    sid = lax.axis_index("s")
    wid = cid * NS + sid
    pltpu.sync_copy(srcs_hbm.at[wid], src_v)
    pltpu.sync_copy(dsts_hbm.at[wid], dst_v)
    pltpu.sync_copy(zeros_hbm, acc.at[pl.ds(sid * RPT, RPT)])

    @pl.when(sid < NS - 1)
    def _():
        pltpu.sync_copy(h2s_hbm.at[pl.ds(sid * RPT, RPT)],
                        table_s.at[pl.ds(sid * RPT, RPT)])

    @pl.when(sid == NS - 1)
    def _():
        pltpu.sync_copy(h2s_hbm.at[pl.ds((NS - 1) * RPT, _LAST)],
                        table_s.at[pl.ds((NS - 1) * RPT, _LAST)])

    plsc.subcore_barrier()
    _pipeline(table_s, src_v, dst_v, bufs, gsem, ssem, acc, CPTC)
    plsc.subcore_barrier()
    pltpu.sync_copy(acc.at[pl.ds(sid * RPT, RPT)],
                    out_hbm.at[cid].at[pl.ds(sid * RPT, RPT)])


def _tc1_body(x_ref, w1_ref, hist_ref, hs_ref, dinv_ref):
    deg = hist_ref[0, :, 0:1] + hist_ref[1, :, 0:1]
    dinv = lax.rsqrt(deg + 1.0)
    h = jnp.dot(x_ref[...], w1_ref[...], preferred_element_type=jnp.float32)
    hs = h * dinv
    hs_ref[0] = hs[:, :DH]
    hs_ref[1] = hs[:, DH:]
    dinv_ref[...] = dinv


def _tc1(x, w1, hist):
    return pl.pallas_call(
        _tc1_body,
        grid=(G,),
        in_specs=[
            pl.BlockSpec((R, D), lambda i: (i, 0)),
            pl.BlockSpec((D, D), lambda i: (0, 0)),
            pl.BlockSpec((NC, R, DO), lambda i: (0, i, 0)),
        ],
        out_specs=[
            pl.BlockSpec((NC, R, DH), lambda i: (0, i, 0)),
            pl.BlockSpec((R, 1), lambda i: (i, 0)),
        ],
        out_shape=[
            jax.ShapeDtypeStruct((NC, N, DH), jnp.float32),
            jax.ShapeDtypeStruct((N, 1), jnp.float32),
        ],
    )(x, w1, hist)


def _tc2_body(agg_ref, hs_ref, dinv_ref, b1_ref, w2_ref, h2s_ref):
    dinv = dinv_ref[...]
    a = jnp.concatenate([agg_ref[0] + hs_ref[0],
                         agg_ref[1] + hs_ref[1]], axis=1)
    out1 = a * dinv + b1_ref[...]
    r = jnp.maximum(out1, 0.0)
    h2 = jnp.dot(r, w2_ref[...], preferred_element_type=jnp.float32)
    h2s_ref[...] = h2 * dinv


def _tc2(agg, hs2, dinv, b1r, w2p):
    return pl.pallas_call(
        _tc2_body,
        grid=(G,),
        in_specs=[
            pl.BlockSpec((NC, R, DH), lambda i: (0, i, 0)),
            pl.BlockSpec((NC, R, DH), lambda i: (0, i, 0)),
            pl.BlockSpec((R, 1), lambda i: (i, 0)),
            pl.BlockSpec((1, D), lambda i: (0, 0)),
            pl.BlockSpec((D, DO), lambda i: (0, 0)),
        ],
        out_specs=pl.BlockSpec((R, DO), lambda i: (i, 0)),
        out_shape=jax.ShapeDtypeStruct((N, DO), jnp.float32),
    )(agg, hs2, dinv, b1r, w2p)


def _tc3_body(agg_ref, h2s_ref, dinv_ref, b2_ref, out_ref):
    a = agg_ref[0] + agg_ref[1] + h2s_ref[...]
    out_ref[...] = (a * dinv_ref[...])[:, :3] + b2_ref[...]


def _tc3(agg2, h2s, dinv, b2r):
    return pl.pallas_call(
        _tc3_body,
        grid=(G,),
        in_specs=[
            pl.BlockSpec((NC, R, DO), lambda i: (0, i, 0)),
            pl.BlockSpec((R, DO), lambda i: (i, 0)),
            pl.BlockSpec((R, 1), lambda i: (i, 0)),
            pl.BlockSpec((1, 3), lambda i: (0, 0)),
        ],
        out_specs=pl.BlockSpec((R, 3), lambda i: (i, 0)),
        out_shape=jax.ShapeDtypeStruct((N, 3), jnp.float32),
    )(agg2, h2s, dinv, b2r)


def kernel(x, edge_index, W1, b1, W2, b2):
    f32 = jnp.float32
    src = edge_index[0]
    dst = edge_index[1]
    src_p = jnp.concatenate([src, jnp.zeros((EP - E,), jnp.int32)])
    dst_p = jnp.concatenate([dst, jnp.full((EP - E,), TRASH, jnp.int32)])
    dsts = dst_p.reshape(NW, CPT, CHUNK)
    srcs_c = src_p.reshape(NW, CPTC, CB)
    dsts_c = dst_p.reshape(NW, CPTC, CB)
    srcs_b = src_p.reshape(NS, CPTB, CB)
    dsts_b = dst_p.reshape(NS, CPTB, CB)
    ones_r = jnp.ones((CHUNK, DO), f32)
    zeros_b = jnp.zeros((RPT, DH), f32)
    zeros_c = jnp.zeros((RPT, DO), f32)
    w2p = jnp.concatenate([W2, jnp.zeros((D, DO - W2.shape[1]), f32)], axis=1)
    b1r = b1.reshape(1, D)
    b2r = b2.reshape(1, 3)

    hist = _deg_kernel(dsts, ones_r, zeros_c)

    hs2, dinv = _tc1(x, W1, hist)

    agg = _agg128(hs2, srcs_b, dsts_b, zeros_b)

    h2s = _tc2(agg, hs2, dinv, b1r, w2p)

    agg2 = _agg16(h2s, srcs_c, dsts_c, zeros_c)

    return _tc3(agg2, h2s, dinv, b2r)

# --- scband reference (transcript-rebuilt; emitter-appended) ---
"""Pipeline reference for scband-gnnclassifier-81046032876152 (READ-ONLY COPY).

The authoritative reference and input builder live on the scoring server;
editing this copy changes nothing except your own understanding.
"""

import jax, jax.numpy as jnp
import numpy as np

N = 10000
E = 320000
D_IN = 128
D_HID = 128
D_OUT = 3


def setup_inputs(seed: int = 0) -> dict:
    key = jax.random.key(seed)
    k1, k2, k3, k4 = jax.random.split(key, 4)
    x = jax.random.normal(k1, (N, D_IN), dtype=jnp.float32)
    edge_index = jax.random.randint(k2, (2, E), 0, N, dtype=jnp.int32)
    W1 = jax.random.normal(k3, (D_IN, D_HID), dtype=jnp.float32) * 0.05
    b1 = jnp.zeros((D_HID,), dtype=jnp.float32)
    W2 = jax.random.normal(k4, (D_HID, D_OUT), dtype=jnp.float32) * 0.05
    b2 = jnp.zeros((D_OUT,), dtype=jnp.float32)
    return {"x": x, "edge_index": edge_index, "W1": W1, "b1": b1, "W2": W2, "b2": b2}


def _gcn_conv(x, edge_index, W, b):
    # Faithful PyG GCNConv: add self-loops, symmetric deg^-1/2 normalization,
    # linear transform, scatter-add aggregation, bias.
    n = x.shape[0]
    src = edge_index[0]
    dst = edge_index[1]
    loop = jnp.arange(n, dtype=src.dtype)
    src = jnp.concatenate([src, loop])
    dst = jnp.concatenate([dst, loop])
    deg = jnp.zeros((n,), dtype=x.dtype).at[dst].add(1.0)
    dinv = jnp.where(deg > 0, deg ** -0.5, 0.0)
    norm = dinv[src] * dinv[dst]
    h = x @ W
    msg = h[src] * norm[:, None]
    out = jnp.zeros((n, W.shape[1]), dtype=x.dtype).at[dst].add(msg)
    return out + b


def reference(x, edge_index, W1, b1, W2, b2):
    h = _gcn_conv(x, edge_index, W1, b1)
    h = jax.nn.relu(h)
    out = _gcn_conv(h, edge_index, W2, b2)
    return out

if __name__ == "__main__":
    import jax
    _d = setup_inputs()
    print(jax.jit(kernel)(*tuple(_d.values())))

</pallas_src>

<mosaic_0001>
#map = affine_map<(d0, d1) -> (0, 0, 0)>
#map1 = affine_map<(d0, d1) -> (0, 0)>
module attributes {stable_mosaic.version = 14 : i64} {
  func.func @_deg_kernel(%arg0: i32, %arg1: i32, %arg2: memref<32x80x128xi32, #tpu.memory_space<hbm>>, %arg3: memref<128x16xf32, #tpu.memory_space<hbm>>, %arg4: memref<626x16xf32, #tpu.memory_space<hbm>>, %arg5: memref<2x10016x16xf32, #tpu.memory_space<hbm>>, %arg6: memref<80x128xi32, #tpu.memory_space<vmem>>, %arg7: memref<128x16xf32, #tpu.memory_space<vmem>>, %arg8: memref<!tpu.dma_semaphore, #tpu.memory_space<semaphore_mem>>, %arg9: memref<!tpu.dma_semaphore, #tpu.memory_space<semaphore_mem>>, %arg10: memref<!tpu.dma_semaphore, #tpu.memory_space<semaphore_mem>>, %arg11: memref<!tpu.dma_semaphore, #tpu.memory_space<semaphore_mem>>, %arg12: memref<10016x16xf32, #tpu.memory_space<vmem_shared>>) attributes {dimension_semantics = [#tpu.dimension_semantics<core_parallel>, #tpu.dimension_semantics<subcore_parallel>], iteration_bounds = array<i64: 2, 16>, scalar_prefetch = 0 : i64, scratch_operands = 7 : i64, tpu.core_type = #tpu.core_type<sc_vector_subcore>, window_params = [{transform_indices = #map}, {transform_indices = #map1}, {transform_indices = #map1}, {transform_indices = #map}]} {
    %mul3A = arith.constant 16 : i32
    %mul3A_0 = arith.muli %arg0, %mul3A : i32
    %add3A = arith.addi %mul3A_0, %arg1 : i32
    "tpu.region"() ({
      %run_scoped3A = tpu.sem_alloc : memref<!tpu.dma_semaphore, #tpu.memory_space<semaphore_mem>>
      %dma_start3A = arith.constant 0 : i32
      %dma_start3A_40 = arith.constant 0 : i32
      %dma_start3A_41 = tpu.memref_slice %arg2[%add3A, %dma_start3A, %dma_start3A_40] : memref<32x80x128xi32, #tpu.memory_space<hbm>> -> memref<1x80x128xi32, #tpu.memory_space<hbm>>
      %dma_start3A_42 = tpu.memref_squeeze %dma_start3A_41 : memref<1x80x128xi32, #tpu.memory_space<hbm>> -> memref<80x128xi32, #tpu.memory_space<hbm>>
      %dma_start3A_43 = arith.constant 0 : i32
      %dma_start3A_44 = arith.constant 0 : i32
      %dma_start3A_45 = tpu.memref_slice %arg2[%add3A, %dma_start3A_43, %dma_start3A_44] : memref<32x80x128xi32, #tpu.memory_space<hbm>> -> memref<1x80x128xi32, #tpu.memory_space<hbm>>
      %dma_start3A_46 = tpu.memref_squeeze %dma_start3A_45 : memref<1x80x128xi32, #tpu.memory_space<hbm>> -> memref<80x128xi32, #tpu.memory_space<hbm>>
      tpu.enqueue_dma source(%dma_start3A_46 : memref<80x128xi32, #tpu.memory_space<hbm>>) target(%arg6 : memref<80x128xi32, #tpu.memory_space<vmem>>) target_semaphore(%run_scoped3A : memref<!tpu.dma_semaphore, #tpu.memory_space<semaphore_mem>>)
      %dma_wait3A_47 = arith.constant 0 : i32
      %dma_wait3A_48 = arith.constant 0 : i32
      %dma_wait3A_49 = tpu.memref_slice %arg2[%add3A, %dma_wait3A_47, %dma_wait3A_48] : memref<32x80x128xi32, #tpu.memory_space<hbm>> -> memref<1x80x128xi32, #tpu.memory_space<hbm>>
      %dma_wait3A_50 = tpu.memref_squeeze %dma_wait3A_49 : memref<1x80x128xi32, #tpu.memory_space<hbm>> -> memref<80x128xi32, #tpu.memory_space<hbm>>
      %dma_wait3A_51 = arith.constant 0 : i32
      %dma_wait3A_52 = arith.constant 0 : i32
      %dma_wait3A_53 = tpu.memref_slice %arg2[%add3A, %dma_wait3A_51, %dma_wait3A_52] : memref<32x80x128xi32, #tpu.memory_space<hbm>> -> memref<1x80x128xi32, #tpu.memory_space<hbm>>
      %dma_wait3A_54 = tpu.memref_squeeze %dma_wait3A_53 : memref<1x80x128xi32, #tpu.memory_space<hbm>> -> memref<80x128xi32, #tpu.memory_space<hbm>>
      tpu.wait_dma2 semaphore(%run_scoped3A : memref<!tpu.dma_semaphore, #tpu.memory_space<semaphore_mem>>) src(%dma_wait3A_54 : memref<80x128xi32, #tpu.memory_space<hbm>>) dst(%arg6 : memref<80x128xi32, #tpu.memory_space<vmem>>)
      tpu.yield
    }) : () -> ()
    "tpu.region"() ({
      %run_scoped3A = tpu.sem_alloc : memref<!tpu.dma_semaphore, #tpu.memory_space<semaphore_mem>>
      tpu.enqueue_dma source(%arg3 : memref<128x16xf32, #tpu.memory_space<hbm>>) target(%arg7 : memref<128x16xf32, #tpu.memory_space<vmem>>) target_semaphore(%run_scoped3A : memref<!tpu.dma_semaphore, #tpu.memory_space<semaphore_mem>>)
      tpu.wait_dma2 semaphore(%run_scoped3A : memref<!tpu.dma_semaphore, #tpu.memory_space<semaphore_mem>>) src(%arg3 : memref<128x16xf32, #tpu.memory_space<hbm>>) dst(%arg7 : memref<128x16xf32, #tpu.memory_space<vmem>>)
      tpu.yield
    }) : () -> ()
    %mul3A_1 = arith.constant 626 : i32
    %mul3A_2 = arith.muli %arg1, %mul3A_1 : i32
    "tpu.region"() ({
      %run_scoped3A = tpu.sem_alloc : memref<!tpu.dma_semaphore, #tpu.memory_space<semaphore_mem>>
      %dma_start3A = arith.constant 0 : i32
      %dma_start3A_40 = tpu.memref_slice %arg12[%mul3A_2, %dma_start3A] : memref<10016x16xf32, #tpu.memory_space<vmem_shared>> -> memref<626x16xf32, #tpu.memory_space<vmem_shared>>
      tpu.enqueue_dma source(%arg4 : memref<626x16xf32, #tpu.memory_space<hbm>>) target(%dma_start3A_40 : memref<626x16xf32, #tpu.memory_space<vmem_shared>>) target_semaphore(%run_scoped3A : memref<!tpu.dma_semaphore, #tpu.memory_space<semaphore_mem>>)
      %dma_wait3A_41 = arith.constant 0 : i32
      %dma_wait3A_42 = tpu.memref_slice %arg12[%mul3A_2, %dma_wait3A_41] : memref<10016x16xf32, #tpu.memory_space<vmem_shared>> -> memref<626x16xf32, #tpu.memory_space<vmem_shared>>
      tpu.wait_dma2 semaphore(%run_scoped3A : memref<!tpu.dma_semaphore, #tpu.memory_space<semaphore_mem>>) src(%arg4 : memref<626x16xf32, #tpu.memory_space<hbm>>) dst(%dma_wait3A_42 : memref<626x16xf32, #tpu.memory_space<vmem_shared>>)
      tpu.yield
    }) : () -> ()
    %barrier3A = arith.constant 0 : index
    tpu.barrier barrier_id(%barrier3A)
    %scan3A = arith.constant 0 : i32
    %scan3A_3 = arith.constant 0 : i32
    %scan3A_4 = arith.constant 20 : i32
    %scan3A_5 = arith.addi %scan3A_3, %scan3A_4 : i32
    %scan3A_6 = arith.constant 1 : i32
    scf.for %scan3A_40 = %scan3A_3 to %scan3A_5 step %scan3A_6  : i32 {
      %mul3A_41 = arith.constant 4 : i32
      %mul3A_42 = arith.muli %mul3A_41, %scan3A_40 : i32
      %add3A_43 = arith.constant 0 : i32
      %add3A_44 = arith.addi %mul3A_42, %add3A_43 : i32
      %gt3A = arith.constant 0 : i32
      %gt3A_45 = arith.cmpi sgt, %scan3A_40, %gt3A : i32
      %convert_element_type3A = arith.extui %gt3A_45 : i1 to i32
      %cond3A = arith.constant 0 : i32
      %cond3A_46 = arith.cmpi ne, %convert_element_type3A, %cond3A : i32
      scf.if %cond3A_46 {
        %sub3A = arith.constant 4 : i32
        %sub3A_97 = arith.subi %add3A_44, %sub3A : i32
        %dma_wait3A_98 = arith.constant 0 : i32
        %dma_wait3A_99 = tpu.memref_slice %arg6[%sub3A_97, %dma_wait3A_98] : memref<80x128xi32, #tpu.memory_space<vmem>> -> memref<1x128xi32, #tpu.memory_space<vmem>>
        %dma_wait3A_100 = tpu.memref_squeeze %dma_wait3A_99 : memref<1x128xi32, #tpu.memory_space<vmem>> -> memref<128xi32, #tpu.memory_space<vmem>>
        %dma_wait3A_101 = arith.constant 0 : i32
        %dma_wait3A_102 = arith.constant 0 : i32
        %dma_wait3A_103 = tpu.memref_slice %arg12[%dma_wait3A_101, %dma_wait3A_102] : memref<10016x16xf32, #tpu.memory_space<vmem_shared>> -> memref<10016x16xf32, #tpu.memory_space<vmem_shared>>
        tpu.wait_indirect_dma semaphore(%arg8 : memref<!tpu.dma_semaphore, #tpu.memory_space<semaphore_mem>>) src(%arg7 : memref<128x16xf32, #tpu.memory_space<vmem>>) dst(%dma_wait3A_103 : memref<10016x16xf32, #tpu.memory_space<vmem_shared>>)
      } else {
      }
      %dma_start3A = arith.constant 0 : i32
      %dma_start3A_47 = tpu.memref_slice %arg6[%add3A_44, %dma_start3A] : memref<80x128xi32, #tpu.memory_space<vmem>> -> memref<1x128xi32, #tpu.memory_space<vmem>>
      %dma_start3A_48 = tpu.memref_squeeze %dma_start3A_47 : memref<1x128xi32, #tpu.memory_space<vmem>> -> memref<128xi32, #tpu.memory_space<vmem>>
      %dma_start3A_49 = arith.constant 0 : i32
      %dma_start3A_50 = arith.constant 0 : i32
      %dma_start3A_51 = tpu.memref_slice %arg12[%dma_start3A_49, %dma_start3A_50] : memref<10016x16xf32, #tpu.memory_space<vmem_shared>> -> memref<10016x16xf32, #tpu.memory_space<vmem_shared>>
      tpu.enqueue_indirect_dma source(%arg7 : memref<128x16xf32, #tpu.memory_space<vmem>>) target(%dma_start3A_51 : memref<10016x16xf32, #tpu.memory_space<vmem_shared>>) offsets(%dma_start3A_48 : memref<128xi32, #tpu.memory_space<vmem>>) semaphore(%arg8 : memref<!tpu.dma_semaphore, #tpu.memory_space<semaphore_mem>>) {add = true}
      %mul3A_52 = arith.constant 4 : i32
      %mul3A_53 = arith.muli %mul3A_52, %scan3A_40 : i32
      %add3A_54 = arith.constant 1 : i32
      %add3A_55 = arith.addi %mul3A_53, %add3A_54 : i32
      %gt3A_56 = arith.constant 0 : i32
      %gt3A_57 = arith.cmpi sgt, %scan3A_40, %gt3A_56 : i32
      %convert_element_type3A_58 = arith.extui %gt3A_57 : i1 to i32
      %cond3A_59 = arith.constant 0 : i32
      %cond3A_60 = arith.cmpi ne, %convert_element_type3A_58, %cond3A_59 : i32
      scf.if %cond3A_60 {
        %sub3A = arith.constant 4 : i32
        %sub3A_97 = arith.subi %add3A_55, %sub3A : i32
        %dma_wait3A_98 = arith.constant 0 : i32
        %dma_wait3A_99 = tpu.memref_slice %arg6[%sub3A_97, %dma_wait3A_98] : memref<80x128xi32, #tpu.memory_space<vmem>> -> memref<1x128xi32, #tpu.memory_space<vmem>>
        %dma_wait3A_100 = tpu.memref_squeeze %dma_wait3A_99 : memref<1x128xi32, #tpu.memory_space<vmem>> -> memref<128xi32, #tpu.memory_space<vmem>>
        %dma_wait3A_101 = arith.constant 0 : i32
        %dma_wait3A_102 = arith.constant 0 : i32
        %dma_wait3A_103 = tpu.memref_slice %arg12[%dma_wait3A_101, %dma_wait3A_102] : memref<10016x16xf32, #tpu.memory_space<vmem_shared>> -> memref<10016x16xf32, #tpu.memory_space<vmem_shared>>
        tpu.wait_indirect_dma semaphore(%arg9 : memref<!tpu.dma_semaphore, #tpu.memory_space<semaphore_mem>>) src(%arg7 : memref<128x16xf32, #tpu.memory_space<vmem>>) dst(%dma_wait3A_103 : memref<10016x16xf32, #tpu.memory_space<vmem_shared>>)
      } else {
      }
      %dma_start3A_61 = arith.constant 0 : i32
      %dma_start3A_62 = tpu.memref_slice %arg6[%add3A_55, %dma_start3A_61] : memref<80x128xi32, #tpu.memory_space<vmem>> -> memref<1x128xi32, #tpu.memory_space<vmem>>
      %dma_start3A_63 = tpu.memref_squeeze %dma_start3A_62 : memref<1x128xi32, #tpu.memory_space<vmem>> -> memref<128xi32, #tpu.memory_space<vmem>>
      %dma_start3A_64 = arith.constant 0 : i32
      %dma_start3A_65 = arith.constant 0 : i32
      %dma_start3A_66 = tpu.memref_slice %arg12[%dma_start3A_64, %dma_start3A_65] : memref<10016x16xf32, #tpu.memory_space<vmem_shared>> -> memref<10016x16xf32, #tpu.memory_space<vmem_shared>>
      tpu.enqueue_indirect_dma source(%arg7 : memref<128x16xf32, #tpu.memory_space<vmem>>) target(%dma_start3A_66 : memref<10016x16xf32, #tpu.memory_space<vmem_shared>>) offsets(%dma_start3A_63 : memref<128xi32, #tpu.memory_space<vmem>>) semaphore(%arg9 : memref<!tpu.dma_semaphore, #tpu.memory_space<semaphore_mem>>) {add = true}
      %mul3A_67 = arith.constant 4 : i32
      %mul3A_68 = arith.muli %mul3A_67, %scan3A_40 : i32
      %add3A_69 = arith.constant 2 : i32
      %add3A_70 = arith.addi %mul3A_68, %add3A_69 : i32
      %gt3A_71 = arith.constant 0 : i32
      %gt3A_72 = arith.cmpi sgt, %scan3A_40, %gt3A_71 : i32
      %convert_element_type3A_73 = arith.extui %gt3A_72 : i1 to i32
      %cond3A_74 = arith.constant 0 : i32
      %cond3A_75 = arith.cmpi ne, %convert_element_type3A_73, %cond3A_74 : i32
      scf.if %cond3A_75 {
        %sub3A = arith.constant 4 : i32
        %sub3A_97 = arith.subi %add3A_70, %sub3A : i32
        %dma_wait3A_98 = arith.constant 0 : i32
        %dma_wait3A_99 = tpu.memref_slice %arg6[%sub3A_97, %dma_wait3A_98] : memref<80x128xi32, #tpu.memory_space<vmem>> -> memref<1x128xi32, #tpu.memory_space<vmem>>
        %dma_wait3A_100 = tpu.memref_squeeze %dma_wait3A_99 : memref<1x128xi32, #tpu.memory_space<vmem>> -> memref<128xi32, #tpu.memory_space<vmem>>
        %dma_wait3A_101 = arith.constant 0 : i32
        %dma_wait3A_102 = arith.constant 0 : i32
        %dma_wait3A_103 = tpu.memref_slice %arg12[%dma_wait3A_101, %dma_wait3A_102] : memref<10016x16xf32, #tpu.memory_space<vmem_shared>> -> memref<10016x16xf32, #tpu.memory_space<vmem_shared>>
        tpu.wait_indirect_dma semaphore(%arg10 : memref<!tpu.dma_semaphore, #tpu.memory_space<semaphore_mem>>) src(%arg7 : memref<128x16xf32, #tpu.memory_space<vmem>>) dst(%dma_wait3A_103 : memref<10016x16xf32, #tpu.memory_space<vmem_shared>>)
      } else {
      }
      %dma_start3A_76 = arith.constant 0 : i32
      %dma_start3A_77 = tpu.memref_slice %arg6[%add3A_70, %dma_start3A_76] : memref<80x128xi32, #tpu.memory_space<vmem>> -> memref<1x128xi32, #tpu.memory_space<vmem>>
      %dma_start3A_78 = tpu.memref_squeeze %dma_start3A_77 : memref<1x128xi32, #tpu.memory_space<vmem>> -> memref<128xi32, #tpu.memory_space<vmem>>
      %dma_start3A_79 = arith.constant 0 : i32
      %dma_start3A_80 = arith.constant 0 : i32
      %dma_start3A_81 = tpu.memref_slice %arg12[%dma_start3A_79, %dma_start3A_80] : memref<10016x16xf32, #tpu.memory_space<vmem_shared>> -> memref<10016x16xf32, #tpu.memory_space<vmem_shared>>
      tpu.enqueue_indirect_dma source(%arg7 : memref<128x16xf32, #tpu.memory_space<vmem>>) target(%dma_start3A_81 : memref<10016x16xf32, #tpu.memory_space<vmem_shared>>) offsets(%dma_start3A_78 : memref<128xi32, #tpu.memory_space<vmem>>) semaphore(%arg10 : memref<!tpu.dma_semaphore, #tpu.memory_space<semaphore_mem>>) {add = true}
      %mul3A_82 = arith.constant 4 : i32
      %mul3A_83 = arith.muli %mul3A_82, %scan3A_40 : i32
      %add3A_84 = arith.constant 3 : i32
      %add3A_85 = arith.addi %mul3A_83, %add3A_84 : i32
      %gt3A_86 = arith.constant 0 : i32
      %gt3A_87 = arith.cmpi sgt, %scan3A_40, %gt3A_86 : i32
      %convert_element_type3A_88 = arith.extui %gt3A_87 : i1 to i32
      %cond3A_89 = arith.constant 0 : i32
      %cond3A_90 = arith.cmpi ne, %convert_element_type3A_88, %cond3A_89 : i32
      scf.if %cond3A_90 {
        %sub3A = arith.constant 4 : i32
        %sub3A_97 = arith.subi %add3A_85, %sub3A : i32
        %dma_wait3A_98 = arith.constant 0 : i32
        %dma_wait3A_99 = tpu.memref_slice %arg6[%sub3A_97, %dma_wait3A_98] : memref<80x128xi32, #tpu.memory_space<vmem>> -> memref<1x128xi32, #tpu.memory_space<vmem>>
        %dma_wait3A_100 = tpu.memref_squeeze %dma_wait3A_99 : memref<1x128xi32, #tpu.memory_space<vmem>> -> memref<128xi32, #tpu.memory_space<vmem>>
        %dma_wait3A_101 = arith.constant 0 : i32
        %dma_wait3A_102 = arith.constant 0 : i32
        %dma_wait3A_103 = tpu.memref_slice %arg12[%dma_wait3A_101, %dma_wait3A_102] : memref<10016x16xf32, #tpu.memory_space<vmem_shared>> -> memref<10016x16xf32, #tpu.memory_space<vmem_shared>>
        tpu.wait_indirect_dma semaphore(%arg11 : memref<!tpu.dma_semaphore, #tpu.memory_space<semaphore_mem>>) src(%arg7 : memref<128x16xf32, #tpu.memory_space<vmem>>) dst(%dma_wait3A_103 : memref<10016x16xf32, #tpu.memory_space<vmem_shared>>)
      } else {
      }
      %dma_start3A_91 = arith.constant 0 : i32
      %dma_start3A_92 = tpu.memref_slice %arg6[%add3A_85, %dma_start3A_91] : memref<80x128xi32, #tpu.memory_space<vmem>> -> memref<1x128xi32, #tpu.memory_space<vmem>>
      %dma_start3A_93 = tpu.memref_squeeze %dma_start3A_92 : memref<1x128xi32, #tpu.memory_space<vmem>> -> memref<128xi32, #tpu.memory_space<vmem>>
      %dma_start3A_94 = arith.constant 0 : i32
      %dma_start3A_95 = arith.constant 0 : i32
      %dma_start3A_96 = tpu.memref_slice %arg12[%dma_start3A_94, %dma_start3A_95] : memref<10016x16xf32, #tpu.memory_space<vmem_shared>> -> memref<10016x16xf32, #tpu.memory_space<vmem_shared>>
      tpu.enqueue_indirect_dma source(%arg7 : memref<128x16xf32, #tpu.memory_space<vmem>>) target(%dma_start3A_96 : memref<10016x16xf32, #tpu.memory_space<vmem_shared>>) offsets(%dma_start3A_93 : memref<128xi32, #tpu.memory_space<vmem>>) semaphore(%arg11 : memref<!tpu.dma_semaphore, #tpu.memory_space<semaphore_mem>>) {add = true}
    }
    %scan3A_7 = arith.constant 20 : i32
    %dma_wait3A = arith.constant 76 : i32
    %dma_wait3A_8 = arith.constant 0 : i32
    %dma_wait3A_9 = tpu.memref_slice %arg6[%dma_wait3A, %dma_wait3A_8] : memref<80x128xi32, #tpu.memory_space<vmem>> -> memref<1x128xi32, #tpu.memory_space<vmem>>
    %dma_wait3A_10 = tpu.memref_squeeze %dma_wait3A_9 : memref<1x128xi32, #tpu.memory_space<vmem>> -> memref<128xi32, #tpu.memory_space<vmem>>
    %dma_wait3A_11 = arith.constant 0 : i32
    %dma_wait3A_12 = arith.constant 0 : i32
    %dma_wait3A_13 = tpu.memref_slice %arg12[%dma_wait3A_11, %dma_wait3A_12] : memref<10016x16xf32, #tpu.memory_space<vmem_shared>> -> memref<10016x16xf32, #tpu.memory_space<vmem_shared>>
    tpu.wait_indirect_dma semaphore(%arg8 : memref<!tpu.dma_semaphore, #tpu.memory_space<semaphore_mem>>) src(%arg7 : memref<128x16xf32, #tpu.memory_space<vmem>>) dst(%dma_wait3A_13 : memref<10016x16xf32, #tpu.memory_space<vmem_shared>>)
    %dma_wait3A_14 = arith.constant 77 : i32
    %dma_wait3A_15 = arith.constant 0 : i32
    %dma_wait3A_16 = tpu.memref_slice %arg6[%dma_wait3A_14, %dma_wait3A_15] : memref<80x128xi32, #tpu.memory_space<vmem>> -> memref<1x128xi32, #tpu.memory_space<vmem>>
    %dma_wait3A_17 = tpu.memref_squeeze %dma_wait3A_16 : memref<1x128xi32, #tpu.memory_space<vmem>> -> memref<128xi32, #tpu.memory_space<vmem>>
    %dma_wait3A_18 = arith.constant 0 : i32
    %dma_wait3A_19 = arith.constant 0 : i32
    %dma_wait3A_20 = tpu.memref_slice %arg12[%dma_wait3A_18, %dma_wait3A_19] : memref<10016x16xf32, #tpu.memory_space<vmem_shared>> -> memref<10016x16xf32, #tpu.memory_space<vmem_shared>>
    tpu.wait_indirect_dma semaphore(%arg9 : memref<!tpu.dma_semaphore, #tpu.memory_space<semaphore_mem>>) src(%arg7 : memref<128x16xf32, #tpu.memory_space<vmem>>) dst(%dma_wait3A_20 : memref<10016x16xf32, #tpu.memory_space<vmem_shared>>)
    %dma_wait3A_21 = arith.constant 78 : i32
    %dma_wait3A_22 = arith.constant 0 : i32
    %dma_wait3A_23 = tpu.memref_slice %arg6[%dma_wait3A_21, %dma_wait3A_22] : memref<80x128xi32, #tpu.memory_space<vmem>> -> memref<1x128xi32, #tpu.memory_space<vmem>>
    %dma_wait3A_24 = tpu.memref_squeeze %dma_wait3A_23 : memref<1x128xi32, #tpu.memory_space<vmem>> -> memref<128xi32, #tpu.memory_space<vmem>>
    %dma_wait3A_25 = arith.constant 0 : i32
    %dma_wait3A_26 = arith.constant 0 : i32
    %dma_wait3A_27 = tpu.memref_slice %arg12[%dma_wait3A_25, %dma_wait3A_26] : memref<10016x16xf32, #tpu.memory_space<vmem_shared>> -> memref<10016x16xf32, #tpu.memory_space<vmem_shared>>
    tpu.wait_indirect_dma semaphore(%arg10 : memref<!tpu.dma_semaphore, #tpu.memory_space<semaphore_mem>>) src(%arg7 : memref<128x16xf32, #tpu.memory_space<vmem>>) dst(%dma_wait3A_27 : memref<10016x16xf32, #tpu.memory_space<vmem_shared>>)
    %dma_wait3A_28 = arith.constant 79 : i32
    %dma_wait3A_29 = arith.constant 0 : i32
    %dma_wait3A_30 = tpu.memref_slice %arg6[%dma_wait3A_28, %dma_wait3A_29] : memref<80x128xi32, #tpu.memory_space<vmem>> -> memref<1x128xi32, #tpu.memory_space<vmem>>
    %dma_wait3A_31 = tpu.memref_squeeze %dma_wait3A_30 : memref<1x128xi32, #tpu.memory_space<vmem>> -> memref<128xi32, #tpu.memory_space<vmem>>
    %dma_wait3A_32 = arith.constant 0 : i32
    %dma_wait3A_33 = arith.constant 0 : i32
    %dma_wait3A_34 = tpu.memref_slice %arg12[%dma_wait3A_32, %dma_wait3A_33] : memref<10016x16xf32, #tpu.memory_space<vmem_shared>> -> memref<10016x16xf32, #tpu.memory_space<vmem_shared>>
    tpu.wait_indirect_dma semaphore(%arg11 : memref<!tpu.dma_semaphore, #tpu.memory_space<semaphore_mem>>) src(%arg7 : memref<128x16xf32, #tpu.memory_space<vmem>>) dst(%dma_wait3A_34 : memref<10016x16xf32, #tpu.memory_space<vmem_shared>>)
    %barrier3A_35 = arith.constant 0 : index
    tpu.barrier barrier_id(%barrier3A_35)
    %mul3A_36 = arith.constant 626 : i32
    %mul3A_37 = arith.muli %arg1, %mul3A_36 : i32
    %mul3A_38 = arith.constant 626 : i32
    %mul3A_39 = arith.muli %arg1, %mul3A_38 : i32
    "tpu.region"() ({
      %run_scoped3A = tpu.sem_alloc : memref<!tpu.dma_semaphore, #tpu.memory_space<semaphore_mem>>
      %dma_start3A = arith.constant 0 : i32
      %dma_start3A_40 = arith.constant 0 : i32
      %dma_start3A_41 = tpu.memref_slice %arg5[%arg0, %dma_start3A, %dma_start3A_40] : memref<2x10016x16xf32, #tpu.memory_space<hbm>> -> memref<1x10016x16xf32, #tpu.memory_space<hbm>>
      %dma_start3A_42 = tpu.memref_squeeze %dma_start3A_41 : memref<1x10016x16xf32, #tpu.memory_space<hbm>> -> memref<10016x16xf32, #tpu.memory_space<hbm>>
      %dma_start3A_43 = arith.constant 0 : i32
      %dma_start3A_44 = tpu.memref_slice %dma_start3A_42[%mul3A_39, %dma_start3A_43] : memref<10016x16xf32, #tpu.memory_space<hbm>> -> memref<626x16xf32, #tpu.memory_space<hbm>>
      %dma_start3A_45 = arith.constant 0 : i32
      %dma_start3A_46 = tpu.memref_slice %arg12[%mul3A_37, %dma_start3A_45] : memref<10016x16xf32, #tpu.memory_space<vmem_shared>> -> memref<626x16xf32, #tpu.memory_space<vmem_shared>>
      tpu.enqueue_dma source(%dma_start3A_46 : memref<626x16xf32, #tpu.memory_space<vmem_shared>>) target(%dma_start3A_44 : memref<626x16xf32, #tpu.memory_space<hbm>>) target_semaphore(%run_scoped3A : memref<!tpu.dma_semaphore, #tpu.memory_space<semaphore_mem>>)
      %dma_wait3A_47 = arith.constant 0 : i32
      %dma_wait3A_48 = arith.constant 0 : i32
      %dma_wait3A_49 = tpu.memref_slice %arg5[%arg0, %dma_wait3A_47, %dma_wait3A_48] : memref<2x10016x16xf32, #tpu.memory_space<hbm>> -> memref<1x10016x16xf32, #tpu.memory_space<hbm>>
      %dma_wait3A_50 = tpu.memref_squeeze %dma_wait3A_49 : memref<1x10016x16xf32, #tpu.memory_space<hbm>> -> memref<10016x16xf32, #tpu.memory_space<hbm>>
      %dma_wait3A_51 = arith.constant 0 : i32
      %dma_wait3A_52 = tpu.memref_slice %dma_wait3A_50[%mul3A_39, %dma_wait3A_51] : memref<10016x16xf32, #tpu.memory_space<hbm>> -> memref<626x16xf32, #tpu.memory_space<hbm>>
      %dma_wait3A_53 = arith.constant 0 : i32
      %dma_wait3A_54 = tpu.memref_slice %arg12[%mul3A_37, %dma_wait3A_53] : memref<10016x16xf32, #tpu.memory_space<vmem_shared>> -> memref<626x16xf32, #tpu.memory_space<vmem_shared>>
      tpu.wait_dma2 semaphore(%run_scoped3A : memref<!tpu.dma_semaphore, #tpu.memory_space<semaphore_mem>>) src(%dma_wait3A_54 : memref<626x16xf32, #tpu.memory_space<vmem_shared>>) dst(%dma_wait3A_52 : memref<626x16xf32, #tpu.memory_space<hbm>>)
      tpu.yield
    }) : () -> ()
    return
  }
}

#map = affine_map<(d0, d1) -> (0, 0, 0)>
#map1 = affine_map<(d0, d1) -> (0, 0)>
module attributes {stable_mosaic.version = 14 : i64} {
  func.func @_agg128(%arg0: i32, %arg1: i32, %arg2: memref<2x10000x64xf32, #tpu.memory_space<hbm>>, %arg3: memref<16x320x64xi32, #tpu.memory_space<hbm>>, %arg4: memref<16x320x64xi32, #tpu.memory_space<hbm>>, %arg5: memref<626x64xf32, #tpu.memory_space<hbm>>, %arg6: memref<2x10016x64xf32, #tpu.memory_space<hbm>>, %arg7: memref<10x64xi32, #tpu.memory_space<vmem>>, %arg8: memref<10x64xi32, #tpu.memory_space<vmem>>, %arg9: memref<10x64xi32, #tpu.memory_space<vmem>>, %arg10: memref<10x64xi32, #tpu.memory_space<vmem>>, %arg11: memref<64x64xf32, #tpu.memory_space<vmem>>, %arg12: memref<64x64xf32, #tpu.memory_space<vmem>>, %arg13: memref<64x64xf32, #tpu.memory_space<vmem>>, %arg14: memref<64x64xf32, #tpu.memory_space<vmem>>, %arg15: memref<64x64xf32, #tpu.memory_space<vmem>>, %arg16: memref<64x64xf32, #tpu.memory_space<vmem>>, %arg17: memref<64x64xf32, #tpu.memory_space<vmem>>, %arg18: memref<64x64xf32, #tpu.memory_space<vmem>>, %arg19: memref<64x64xf32, #tpu.memory_space<vmem>>, %arg20: memref<64x64xf32, #tpu.memory_space<vmem>>, %arg21: memref<!tpu.dma_semaphore, #tpu.memory_space<semaphore_mem>>, %arg22: memref<!tpu.dma_semaphore, #tpu.memory_space<semaphore_mem>>, %arg23: memref<!tpu.dma_semaphore, #tpu.memory_space<semaphore_mem>>, %arg24: memref<!tpu.dma_semaphore, #tpu.memory_space<semaphore_mem>>, %arg25: memref<!tpu.dma_semaphore, #tpu.memory_space<semaphore_mem>>, %arg26: memref<!tpu.dma_semaphore, #tpu.memory_space<semaphore_mem>>, %arg27: memref<!tpu.dma_semaphore, #tpu.memory_space<semaphore_mem>>, %arg28: memref<!tpu.dma_semaphore, #tpu.memory_space<semaphore_mem>>, %arg29: memref<!tpu.dma_semaphore, #tpu.memory_space<semaphore_mem>>, %arg30: memref<!tpu.dma_semaphore, #tpu.memory_space<semaphore_mem>>, %arg31: memref<!tpu.dma_semaphore, #tpu.memory_space<semaphore_mem>>, %arg32: memref<!tpu.dma_semaphore, #tpu.memory_space<semaphore_mem>>, %arg33: memref<!tpu.dma_semaphore, #tpu.memory_space<semaphore_mem>>, %arg34: memref<!tpu.dma_semaphore, #tpu.memory_space<semaphore_mem>>, %arg35: memref<!tpu.dma_semaphore, #tpu.memory_space<semaphore_mem>>, %arg36: memref<!tpu.dma_semaphore, #tpu.memory_space<semaphore_mem>>, %arg37: memref<!tpu.dma_semaphore, #tpu.memory_space<semaphore_mem>>, %arg38: memref<!tpu.dma_semaphore, #tpu.memory_space<semaphore_mem>>, %arg39: memref<!tpu.dma_semaphore, #tpu.memory_space<semaphore_mem>>, %arg40: memref<!tpu.dma_semaphore, #tpu.memory_space<semaphore_mem>>, %arg41: memref<!tpu.dma_semaphore, #tpu.memory_space<semaphore_mem>>, %arg42: memref<!tpu.dma_semaphore, #tpu.memory_space<semaphore_mem>>, %arg43: memref<!tpu.dma_semaphore, #tpu.memory_space<semaphore_mem>>, %arg44: memref<!tpu.dma_semaphore, #tpu.memory_space<semaphore_mem>>, %arg45: memref<10016x64xf32, #tpu.memory_space<vmem_shared>>, %arg46: memref<10016x64xf32, #tpu.memory_space<vmem_shared>>) attributes {dimension_semantics = [#tpu.dimension_semantics<core_parallel>, #tpu.dimension_semantics<subcore_parallel>], iteration_bounds = array<i64: 2, 16>, scalar_prefetch = 0 : i64, scratch_operands = 40 : i64, tpu.core_type = #tpu.core_type<sc_vector_subcore>, window_params = [{transform_indices = #map}, {transform_indices = #map}, {transform_indices = #map}, {transform_indices = #map1}, {transform_indices = #map}]} {
    %mul3A = arith.constant 626 : i32
    %mul3A_0 = arith.muli %arg1, %mul3A : i32
    "tpu.region"() ({
      %run_scoped3A = tpu.sem_alloc : memref<!tpu.dma_semaphore, #tpu.memory_space<semaphore_mem>>
      %dma_start3A_114 = arith.constant 0 : i32
      %dma_start3A_115 = tpu.memref_slice %arg46[%mul3A_0, %dma_start3A_114] : memref<10016x64xf32, #tpu.memory_space<vmem_shared>> -> memref<626x64xf32, #tpu.memory_space<vmem_shared>>
      tpu.enqueue_dma source(%arg5 : memref<626x64xf32, #tpu.memory_space<hbm>>) target(%dma_start3A_115 : memref<626x64xf32, #tpu.memory_space<vmem_shared>>) target_semaphore(%run_scoped3A : memref<!tpu.dma_semaphore, #tpu.memory_space<semaphore_mem>>)
      %dma_wait3A = arith.constant 0 : i32
      %dma_wait3A_116 = tpu.memref_slice %arg46[%mul3A_0, %dma_wait3A] : memref<10016x64xf32, #tpu.memory_space<vmem_shared>> -> memref<626x64xf32, #tpu.memory_space<vmem_shared>>
      tpu.wait_dma2 semaphore(%run_scoped3A : memref<!tpu.dma_semaphore, #tpu.memory_space<semaphore_mem>>) src(%arg5 : memref<626x64xf32, #tpu.memory_space<hbm>>) dst(%dma_wait3A_116 : memref<626x64xf32, #tpu.memory_space<vmem_shared>>)
      tpu.yield
    }) : () -> ()
    %lt3A = arith.constant 15 : i32
    %lt3A_1 = arith.cmpi slt, %arg1, %lt3A : i32
    %convert_element_type3A = arith.extui %lt3A_1 : i1 to i32
    %cond3A = arith.constant 0 : i32
    %cond3A_2 = arith.cmpi ne, %convert_element_type3A, %cond3A : i32
    scf.if %cond3A_2 {
      %mul3A_114 = arith.constant 626 : i32
      %mul3A_115 = arith.muli %arg1, %mul3A_114 : i32
      %mul3A_116 = arith.constant 626 : i32
      %mul3A_117 = arith.muli %arg1, %mul3A_116 : i32
      "tpu.region"() ({
        %run_scoped3A = tpu.sem_alloc : memref<!tpu.dma_semaphore, #tpu.memory_space<semaphore_mem>>
        %dma_start3A_118 = arith.constant 0 : i32
        %dma_start3A_119 = tpu.memref_slice %arg45[%mul3A_117, %dma_start3A_118] : memref<10016x64xf32, #tpu.memory_space<vmem_shared>> -> memref<626x64xf32, #tpu.memory_space<vmem_shared>>
        %dma_start3A_120 = arith.constant 0 : i32
        %dma_start3A_121 = arith.constant 0 : i32
        %dma_start3A_122 = tpu.memref_slice %arg2[%arg0, %dma_start3A_120, %dma_start3A_121] : memref<2x10000x64xf32, #tpu.memory_space<hbm>> -> memref<1x10000x64xf32, #tpu.memory_space<hbm>>
        %dma_start3A_123 = tpu.memref_squeeze %dma_start3A_122 : memref<1x10000x64xf32, #tpu.memory_space<hbm>> -> memref<10000x64xf32, #tpu.memory_space<hbm>>
        %dma_start3A_124 = arith.constant 0 : i32
        %dma_start3A_125 = tpu.memref_slice %dma_start3A_123[%mul3A_115, %dma_start3A_124] : memref<10000x64xf32, #tpu.memory_space<hbm>> -> memref<626x64xf32, #tpu.memory_space<hbm>>
        tpu.enqueue_dma source(%dma_start3A_125 : memref<626x64xf32, #tpu.memory_space<hbm>>) target(%dma_start3A_119 : memref<626x64xf32, #tpu.memory_space<vmem_shared>>) target_semaphore(%run_scoped3A : memref<!tpu.dma_semaphore, #tpu.memory_space<semaphore_mem>>)
        %dma_wait3A = arith.constant 0 : i32
        %dma_wait3A_126 = tpu.memref_slice %arg45[%mul3A_117, %dma_wait3A] : memref<10016x64xf32, #tpu.memory_space<vmem_shared>> -> memref<626x64xf32, #tpu.memory_space<vmem_shared>>
        %dma_wait3A_127 = arith.constant 0 : i32
        %dma_wait3A_128 = arith.constant 0 : i32
        %dma_wait3A_129 = tpu.memref_slice %arg2[%arg0, %dma_wait3A_127, %dma_wait3A_128] : memref<2x10000x64xf32, #tpu.memory_space<hbm>> -> memref<1x10000x64xf32, #tpu.memory_space<hbm>>
        %dma_wait3A_130 = tpu.memref_squeeze %dma_wait3A_129 : memref<1x10000x64xf32, #tpu.memory_space<hbm>> -> memref<10000x64xf32, #tpu.memory_space<hbm>>
        %dma_wait3A_131 = arith.constant 0 : i32
        %dma_wait3A_132 = tpu.memref_slice %dma_wait3A_130[%mul3A_115, %dma_wait3A_131] : memref<10000x64xf32, #tpu.memory_space<hbm>> -> memref<626x64xf32, #tpu.memory_space<hbm>>
        tpu.wait_dma2 semaphore(%run_scoped3A : memref<!tpu.dma_semaphore, #tpu.memory_space<semaphore_mem>>) src(%dma_wait3A_132 : memref<626x64xf32, #tpu.memory_space<hbm>>) dst(%dma_wait3A_126 : memref<626x64xf32, #tpu.memory_space<vmem_shared>>)
        tpu.yield
      }) : () -> ()
    } else {
    }
    %eq3A = arith.constant 15 : i32
    %eq3A_3 = arith.cmpi eq, %arg1, %eq3A : i32
    %convert_element_type3A_4 = arith.extui %eq3A_3 : i1 to i32
    %cond3A_5 = arith.constant 0 : i32
    %cond3A_6 = arith.cmpi ne, %convert_element_type3A_4, %cond3A_5 : i32
    scf.if %cond3A_6 {
      "tpu.region"() ({
        %run_scoped3A = tpu.sem_alloc : memref<!tpu.dma_semaphore, #tpu.memory_space<semaphore_mem>>
        %dma_start3A_114 = arith.constant 9390 : i32
        %dma_start3A_115 = arith.constant 0 : i32
        %dma_start3A_116 = tpu.memref_slice %arg45[%dma_start3A_114, %dma_start3A_115] : memref<10016x64xf32, #tpu.memory_space<vmem_shared>> -> memref<610x64xf32, #tpu.memory_space<vmem_shared>>
        %dma_start3A_117 = arith.constant 0 : i32
        %dma_start3A_118 = arith.constant 0 : i32
        %dma_start3A_119 = tpu.memref_slice %arg2[%arg0, %dma_start3A_117, %dma_start3A_118] : memref<2x10000x64xf32, #tpu.memory_space<hbm>> -> memref<1x10000x64xf32, #tpu.memory_space<hbm>>
        %dma_start3A_120 = tpu.memref_squeeze %dma_start3A_119 : memref<1x10000x64xf32, #tpu.memory_space<hbm>> -> memref<10000x64xf32, #tpu.memory_space<hbm>>
        %dma_start3A_121 = arith.constant 9390 : i32
        %dma_start3A_122 = arith.constant 0 : i32
        %dma_start3A_123 = tpu.memref_slice %dma_start3A_120[%dma_start3A_121, %dma_start3A_122] : memref<10000x64xf32, #tpu.memory_space<hbm>> -> memref<610x64xf32, #tpu.memory_space<hbm>>
        tpu.enqueue_dma source(%dma_start3A_123 : memref<610x64xf32, #tpu.memory_space<hbm>>) target(%dma_start3A_116 : memref<610x64xf32, #tpu.memory_space<vmem_shared>>) target_semaphore(%run_scoped3A : memref<!tpu.dma_semaphore, #tpu.memory_space<semaphore_mem>>)
        %dma_wait3A = arith.constant 9390 : i32
        %dma_wait3A_124 = arith.constant 0 : i32
        %dma_wait3A_125 = tpu.memref_slice %arg45[%dma_wait3A, %dma_wait3A_124] : memref<10016x64xf32, #tpu.memory_space<vmem_shared>> -> memref<610x64xf32, #tpu.memory_space<vmem_shared>>
        %dma_wait3A_126 = arith.constant 0 : i32
        %dma_wait3A_127 = arith.constant 0 : i32
        %dma_wait3A_128 = tpu.memref_slice %arg2[%arg0, %dma_wait3A_126, %dma_wait3A_127] : memref<2x10000x64xf32, #tpu.memory_space<hbm>> -> memref<1x10000x64xf32, #tpu.memory_space<hbm>>
        %dma_wait3A_129 = tpu.memref_squeeze %dma_wait3A_128 : memref<1x10000x64xf32, #tpu.memory_space<hbm>> -> memref<10000x64xf32, #tpu.memory_space<hbm>>
        %dma_wait3A_130 = arith.constant 9390 : i32
        %dma_wait3A_131 = arith.constant 0 : i32
        %dma_wait3A_132 = tpu.memref_slice %dma_wait3A_129[%dma_wait3A_130, %dma_wait3A_131] : memref<10000x64xf32, #tpu.memory_space<hbm>> -> memref<610x64xf32, #tpu.memory_space<hbm>>
        tpu.wait_dma2 semaphore(%run_scoped3A : memref<!tpu.dma_semaphore, #tpu.memory_space<semaphore_mem>>) src(%dma_wait3A_132 : memref<610x64xf32, #tpu.memory_space<hbm>>) dst(%dma_wait3A_125 : memref<610x64xf32, #tpu.memory_space<vmem_shared>>)
        tpu.yield
      }) : () -> ()
    } else {
    }
    "tpu.region"() ({
      %run_scoped3A = tpu.sem_alloc : memref<!tpu.dma_semaphore, #tpu.memory_space<semaphore_mem>>
      %dma_start3A_114 = arith.constant 0 : i32
      %dma_start3A_115 = arith.constant 0 : i32
      %dma_start3A_116 = tpu.memref_slice %arg3[%arg1, %dma_start3A_114, %dma_start3A_115] : memref<16x320x64xi32, #tpu.memory_space<hbm>> -> memref<1x320x64xi32, #tpu.memory_space<hbm>>
      %dma_start3A_117 = tpu.memref_squeeze %dma_start3A_116 : memref<1x320x64xi32, #tpu.memory_space<hbm>> -> memref<320x64xi32, #tpu.memory_space<hbm>>
      %dma_start3A_118 = arith.constant 0 : i32
      %dma_start3A_119 = arith.constant 0 : i32
      %dma_start3A_120 = tpu.memref_slice %dma_start3A_117[%dma_start3A_118, %dma_start3A_119] : memref<320x64xi32, #tpu.memory_space<hbm>> -> memref<10x64xi32, #tpu.memory_space<hbm>>
      %dma_start3A_121 = arith.constant 0 : i32
      %dma_start3A_122 = arith.constant 0 : i32
      %dma_start3A_123 = tpu.memref_slice %arg3[%arg1, %dma_start3A_121, %dma_start3A_122] : memref<16x320x64xi32, #tpu.memory_space<hbm>> -> memref<1x320x64xi32, #tpu.memory_space<hbm>>
      %dma_start3A_124 = tpu.memref_squeeze %dma_start3A_123 : memref<1x320x64xi32, #tpu.memory_space<hbm>> -> memref<320x64xi32, #tpu.memory_space<hbm>>
      %dma_start3A_125 = arith.constant 0 : i32
      %dma_start3A_126 = arith.constant 0 : i32
      %dma_start3A_127 = tpu.memref_slice %dma_start3A_124[%dma_start3A_125, %dma_start3A_126] : memref<320x64xi32, #tpu.memory_space<hbm>> -> memref<10x64xi32, #tpu.memory_space<hbm>>
      tpu.enqueue_dma source(%dma_start3A_127 : memref<10x64xi32, #tpu.memory_space<hbm>>) target(%arg7 : memref<10x64xi32, #tpu.memory_space<vmem>>) target_semaphore(%run_scoped3A : memref<!tpu.dma_semaphore, #tpu.memory_space<semaphore_mem>>)
      %dma_wait3A = arith.constant 0 : i32
      %dma_wait3A_128 = arith.constant 0 : i32
      %dma_wait3A_129 = tpu.memref_slice %arg3[%arg1, %dma_wait3A, %dma_wait3A_128] : memref<16x320x64xi32, #tpu.memory_space<hbm>> -> memref<1x320x64xi32, #tpu.memory_space<hbm>>
      %dma_wait3A_130 = tpu.memref_squeeze %dma_wait3A_129 : memref<1x320x64xi32, #tpu.memory_space<hbm>> -> memref<320x64xi32, #tpu.memory_space<hbm>>
      %dma_wait3A_131 = arith.constant 0 : i32
      %dma_wait3A_132 = arith.constant 0 : i32
      %dma_wait3A_133 = tpu.memref_slice %dma_wait3A_130[%dma_wait3A_131, %dma_wait3A_132] : memref<320x64xi32, #tpu.memory_space<hbm>> -> memref<10x64xi32, #tpu.memory_space<hbm>>
      %dma_wait3A_134 = arith.constant 0 : i32
      %dma_wait3A_135 = arith.constant 0 : i32
      %dma_wait3A_136 = tpu.memref_slice %arg3[%arg1, %dma_wait3A_134, %dma_wait3A_135] : memref<16x320x64xi32, #tpu.memory_space<hbm>> -> memref<1x320x64xi32, #tpu.memory_space<hbm>>
      %dma_wait3A_137 = tpu.memref_squeeze %dma_wait3A_136 : memref<1x320x64xi32, #tpu.memory_space<hbm>> -> memref<320x64xi32, #tpu.memory_space<hbm>>
      %dma_wait3A_138 = arith.constant 0 : i32
      %dma_wait3A_139 = arith.constant 0 : i32
      %dma_wait3A_140 = tpu.memref_slice %dma_wait3A_137[%dma_wait3A_138, %dma_wait3A_139] : memref<320x64xi32, #tpu.memory_space<hbm>> -> memref<10x64xi32, #tpu.memory_space<hbm>>
      tpu.wait_dma2 semaphore(%run_scoped3A : memref<!tpu.dma_semaphore, #tpu.memory_space<semaphore_mem>>) src(%dma_wait3A_140 : memref<10x64xi32, #tpu.memory_space<hbm>>) dst(%arg7 : memref<10x64xi32, #tpu.memory_space<vmem>>)
      tpu.yield
    }) : () -> ()
    "tpu.region"() ({
      %run_scoped3A = tpu.sem_alloc : memref<!tpu.dma_semaphore, #tpu.memory_space<semaphore_mem>>
      %dma_start3A_114 = arith.constant 0 : i32
      %dma_start3A_115 = arith.constant 0 : i32
      %dma_start3A_116 = tpu.memref_slice %arg4[%arg1, %dma_start3A_114, %dma_start3A_115] : memref<16x320x64xi32, #tpu.memory_space<hbm>> -> memref<1x320x64xi32, #tpu.memory_space<hbm>>
      %dma_start3A_117 = tpu.memref_squeeze %dma_start3A_116 : memref<1x320x64xi32, #tpu.memory_space<hbm>> -> memref<320x64xi32, #tpu.memory_space<hbm>>
      %dma_start3A_118 = arith.constant 0 : i32
      %dma_start3A_119 = arith.constant 0 : i32
      %dma_start3A_120 = tpu.memref_slice %dma_start3A_117[%dma_start3A_118, %dma_start3A_119] : memref<320x64xi32, #tpu.memory_space<hbm>> -> memref<10x64xi32, #tpu.memory_space<hbm>>
      %dma_start3A_121 = arith.constant 0 : i32
      %dma_start3A_122 = arith.constant 0 : i32
      %dma_start3A_123 = tpu.memref_slice %arg4[%arg1, %dma_start3A_121, %dma_start3A_122] : memref<16x320x64xi32, #tpu.memory_space<hbm>> -> memref<1x320x64xi32, #tpu.memory_space<hbm>>
      %dma_start3A_124 = tpu.memref_squeeze %dma_start3A_123 : memref<1x320x64xi32, #tpu.memory_space<hbm>> -> memref<320x64xi32, #tpu.memory_space<hbm>>
      %dma_start3A_125 = arith.constant 0 : i32
      %dma_start3A_126 = arith.constant 0 : i32
      %dma_start3A_127 = tpu.memref_slice %dma_start3A_124[%dma_start3A_125, %dma_start3A_126] : memref<320x64xi32, #tpu.memory_space<hbm>> -> memref<10x64xi32, #tpu.memory_space<hbm>>
      tpu.enqueue_dma source(%dma_start3A_127 : memref<10x64xi32, #tpu.memory_space<hbm>>) target(%arg8 : memref<10x64xi32, #tpu.memory_space<vmem>>) target_semaphore(%run_scoped3A : memref<!tpu.dma_semaphore, #tpu.memory_space<semaphore_mem>>)
      %dma_wait3A = arith.constant 0 : i32
      %dma_wait3A_128 = arith.constant 0 : i32
      %dma_wait3A_129 = tpu.memref_slice %arg4[%arg1, %dma_wait3A, %dma_wait3A_128] : memref<16x320x64xi32, #tpu.memory_space<hbm>> -> memref<1x320x64xi32, #tpu.memory_space<hbm>>
      %dma_wait3A_130 = tpu.memref_squeeze %dma_wait3A_129 : memref<1x320x64xi32, #tpu.memory_space<hbm>> -> memref<320x64xi32, #tpu.memory_space<hbm>>
      %dma_wait3A_131 = arith.constant 0 : i32
      %dma_wait3A_132 = arith.constant 0 : i32
      %dma_wait3A_133 = tpu.memref_slice %dma_wait3A_130[%dma_wait3A_131, %dma_wait3A_132] : memref<320x64xi32, #tpu.memory_space<hbm>> -> memref<10x64xi32, #tpu.memory_space<hbm>>
      %dma_wait3A_134 = arith.constant 0 : i32
      %dma_wait3A_135 = arith.constant 0 : i32
      %dma_wait3A_136 = tpu.memref_slice %arg4[%arg1, %dma_wait3A_134, %dma_wait3A_135] : memref<16x320x64xi32, #tpu.memory_space<hbm>> -> memref<1x320x64xi32, #tpu.memory_space<hbm>>
      %dma_wait3A_137 = tpu.memref_squeeze %dma_wait3A_136 : memref<1x320x64xi32, #tpu.memory_space<hbm>> -> memref<320x64xi32, #tpu.memory_space<hbm>>
      %dma_wait3A_138 = arith.constant 0 : i32
      %dma_wait3A_139 = arith.constant 0 : i32
      %dma_wait3A_140 = tpu.memref_slice %dma_wait3A_137[%dma_wait3A_138, %dma_wait3A_139] : memref<320x64xi32, #tpu.memory_space<hbm>> -> memref<10x64xi32, #tpu.memory_space<hbm>>
      tpu.wait_dma2 semaphore(%run_scoped3A : memref<!tpu.dma_semaphore, #tpu.memory_space<semaphore_mem>>) src(%dma_wait3A_140 : memref<10x64xi32, #tpu.memory_space<hbm>>) dst(%arg8 : memref<10x64xi32, #tpu.memory_space<vmem>>)
      tpu.yield
    }) : () -> ()
    %dma_start3A = arith.constant 0 : i32
    %dma_start3A_7 = arith.constant 0 : i32
    %dma_start3A_8 = tpu.memref_slice %arg3[%arg1, %dma_start3A, %dma_start3A_7] : memref<16x320x64xi32, #tpu.memory_space<hbm>> -> memref<1x320x64xi32, #tpu.memory_space<hbm>>
    %dma_start3A_9 = tpu.memref_squeeze %dma_start3A_8 : memref<1x320x64xi32, #tpu.memory_space<hbm>> -> memref<320x64xi32, #tpu.memory_space<hbm>>
    %dma_start3A_10 = arith.constant 10 : i32
    %dma_start3A_11 = arith.constant 0 : i32
    %dma_start3A_12 = tpu.memref_slice %dma_start3A_9[%dma_start3A_10, %dma_start3A_11] : memref<320x64xi32, #tpu.memory_space<hbm>> -> memref<10x64xi32, #tpu.memory_space<hbm>>
    %dma_start3A_13 = arith.constant 0 : i32
    %dma_start3A_14 = arith.constant 0 : i32
    %dma_start3A_15 = tpu.memref_slice %arg3[%arg1, %dma_start3A_13, %dma_start3A_14] : memref<16x320x64xi32, #tpu.memory_space<hbm>> -> memref<1x320x64xi32, #tpu.memory_space<hbm>>
    %dma_start3A_16 = tpu.memref_squeeze %dma_start3A_15 : memref<1x320x64xi32, #tpu.memory_space<hbm>> -> memref<320x64xi32, #tpu.memory_space<hbm>>
    %dma_start3A_17 = arith.constant 10 : i32
    %dma_start3A_18 = arith.constant 0 : i32
    %dma_start3A_19 = tpu.memref_slice %dma_start3A_16[%dma_start3A_17, %dma_start3A_18] : memref<320x64xi32, #tpu.memory_space<hbm>> -> memref<10x64xi32, #tpu.memory_space<hbm>>
    tpu.enqueue_dma source(%dma_start3A_19 : memref<10x64xi32, #tpu.memory_space<hbm>>) target(%arg9 : memref<10x64xi32, #tpu.memory_space<vmem>>) target_semaphore(%arg43 : memref<!tpu.dma_semaphore, #tpu.memory_space<semaphore_mem>>)
    %dma_start3A_20 = arith.constant 0 : i32
    %dma_start3A_21 = arith.constant 0 : i32
    %dma_start3A_22 = tpu.memref_slice %arg4[%arg1, %dma_start3A_20, %dma_start3A_21] : memref<16x320x64xi32, #tpu.memory_space<hbm>> -> memref<1x320x64xi32, #tpu.memory_space<hbm>>
    %dma_start3A_23 = tpu.memref_squeeze %dma_start3A_22 : memref<1x320x64xi32, #tpu.memory_space<hbm>> -> memref<320x64xi32, #tpu.memory_space<hbm>>
    %dma_start3A_24 = arith.constant 10 : i32
    %dma_start3A_25 = arith.constant 0 : i32
    %dma_start3A_26 = tpu.memref_slice %dma_start3A_23[%dma_start3A_24, %dma_start3A_25] : memref<320x64xi32, #tpu.memory_space<hbm>> -> memref<10x64xi32, #tpu.memory_space<hbm>>
    %dma_start3A_27 = arith.constant 0 : i32
    %dma_start3A_28 = arith.constant 0 : i32
    %dma_start3A_29 = tpu.memref_slice %arg4[%arg1, %dma_start3A_27, %dma_start3A_28] : memref<16x320x64xi32, #tpu.memory_space<hbm>> -> memref<1x320x64xi32, #tpu.memory_space<hbm>>
    %dma_start3A_30 = tpu.memref_squeeze %dma_start3A_29 : memref<1x320x64xi32, #tpu.memory_space<hbm>> -> memref<320x64xi32, #tpu.memory_space<hbm>>
    %dma_start3A_31 = arith.constant 10 : i32
    %dma_start3A_32 = arith.constant 0 : i32
    %dma_start3A_33 = tpu.memref_slice %dma_start3A_30[%dma_start3A_31, %dma_start3A_32] : memref<320x64xi32, #tpu.memory_space<hbm>> -> memref<10x64xi32, #tpu.memory_space<hbm>>
    tpu.enqueue_dma source(%dma_start3A_33 : memref<10x64xi32, #tpu.memory_space<hbm>>) target(%arg10 : memref<10x64xi32, #tpu.memory_space<vmem>>) target_semaphore(%arg44 : memref<!tpu.dma_semaphore, #tpu.memory_space<semaphore_mem>>)
    %barrier3A = arith.constant 0 : index
    tpu.barrier barrier_id(%barrier3A)
    %dma_start3A_34 = arith.constant 0 : i32
    %dma_start3A_35 = arith.constant 0 : i32
    %dma_start3A_36 = tpu.memref_slice %arg7[%dma_start3A_34, %dma_start3A_35] : memref<10x64xi32, #tpu.memory_space<vmem>> -> memref<1x64xi32, #tpu.memory_space<vmem>>
    %dma_start3A_37 = tpu.memref_squeeze %dma_start3A_36 : memref<1x64xi32, #tpu.memory_space<vmem>> -> memref<64xi32, #tpu.memory_space<vmem>>
    %dma_start3A_38 = arith.constant 0 : i32
    %dma_start3A_39 = arith.constant 0 : i32
    %dma_start3A_40 = tpu.memref_slice %arg45[%dma_start3A_38, %dma_start3A_39] : memref<10016x64xf32, #tpu.memory_space<vmem_shared>> -> memref<10016x64xf32, #tpu.memory_space<vmem_shared>>
    tpu.enqueue_indirect_dma source(%dma_start3A_40 : memref<10016x64xf32, #tpu.memory_space<vmem_shared>>) target(%arg11 : memref<64x64xf32, #tpu.memory_space<vmem>>) offsets(%dma_start3A_37 : memref<64xi32, #tpu.memory_space<vmem>>) semaphore(%arg21 : memref<!tpu.dma_semaphore, #tpu.memory_space<semaphore_mem>>)
    %dma_start3A_41 = arith.constant 1 : i32
    %dma_start3A_42 = arith.constant 0 : i32
    %dma_start3A_43 = tpu.memref_slice %arg7[%dma_start3A_41, %dma_start3A_42] : memref<10x64xi32, #tpu.memory_space<vmem>> -> memref<1x64xi32, #tpu.memory_space<vmem>>
    %dma_start3A_44 = tpu.memref_squeeze %dma_start3A_43 : memref<1x64xi32, #tpu.memory_space<vmem>> -> memref<64xi32, #tpu.memory_space<vmem>>
    %dma_start3A_45 = arith.constant 0 : i32
    %dma_start3A_46 = arith.constant 0 : i32
    %dma_start3A_47 = tpu.memref_slice %arg45[%dma_start3A_45, %dma_start3A_46] : memref<10016x64xf32, #tpu.memory_space<vmem_shared>> -> memref<10016x64xf32, #tpu.memory_space<vmem_shared>>
    tpu.enqueue_indirect_dma source(%dma_start3A_47 : memref<10016x64xf32, #tpu.memory_space<vmem_shared>>) target(%arg12 : memref<64x64xf32, #tpu.memory_space<vmem>>) offsets(%dma_start3A_44 : memref<64xi32, #tpu.memory_space<vmem>>) semaphore(%arg22 : memref<!tpu.dma_semaphore, #tpu.memory_space<semaphore_mem>>)
    %dma_start3A_48 = arith.constant 2 : i32
    %dma_start3A_49 = arith.constant 0 : i32
    %dma_start3A_50 = tpu.memref_slice %arg7[%dma_start3A_48, %dma_start3A_49] : memref<10x64xi32, #tpu.memory_space<vmem>> -> memref<1x64xi32, #tpu.memory_space<vmem>>
    %dma_start3A_51 = tpu.memref_squeeze %dma_start3A_50 : memref<1x64xi32, #tpu.memory_space<vmem>> -> memref<64xi32, #tpu.memory_space<vmem>>
    %dma_start3A_52 = arith.constant 0 : i32
    %dma_start3A_53 = arith.constant 0 : i32
    %dma_start3A_54 = tpu.memref_slice %arg45[%dma_start3A_52, %dma_start3A_53] : memref<10016x64xf32, #tpu.memory_space<vmem_shared>> -> memref<10016x64xf32, #tpu.memory_space<vmem_shared>>
    tpu.enqueue_indirect_dma source(%dma_start3A_54 : memref<10016x64xf32, #tpu.memory_space<vmem_shared>>) target(%arg13 : memref<64x64xf32, #tpu.memory_space<vmem>>) offsets(%dma_start3A_51 : memref<64xi32, #tpu.memory_space<vmem>>) semaphore(%arg23 : memref<!tpu.dma_semaphore, #tpu.memory_space<semaphore_mem>>)
    %dma_start3A_55 = arith.constant 3 : i32
    %dma_start3A_56 = arith.constant 0 : i32
    %dma_start3A_57 = tpu.memref_slice %arg7[%dma_start3A_55, %dma_start3A_56] : memref<10x64xi32, #tpu.memory_space<vmem>> -> memref<1x64xi32, #tpu.memory_space<vmem>>
    %dma_start3A_58 = tpu.memref_squeeze %dma_start3A_57 : memref<1x64xi32, #tpu.memory_space<vmem>> -> memref<64xi32, #tpu.memory_space<vmem>>
    %dma_start3A_59 = arith.constant 0 : i32
    %dma_start3A_60 = arith.constant 0 : i32
    %dma_start3A_61 = tpu.memref_slice %arg45[%dma_start3A_59, %dma_start3A_60] : memref<10016x64xf32, #tpu.memory_space<vmem_shared>> -> memref<10016x64xf32, #tpu.memory_space<vmem_shared>>
    tpu.enqueue_indirect_dma source(%dma_start3A_61 : memref<10016x64xf32, #tpu.memory_space<vmem_shared>>) target(%arg14 : memref<64x64xf32, #tpu.memory_space<vmem>>) offsets(%dma_start3A_58 : memref<64xi32, #tpu.memory_space<vmem>>) semaphore(%arg24 : memref<!tpu.dma_semaphore, #tpu.memory_space<semaphore_mem>>)
    %dma_start3A_62 = arith.constant 4 : i32
    %dma_start3A_63 = arith.constant 0 : i32
    %dma_start3A_64 = tpu.memref_slice %arg7[%dma_start3A_62, %dma_start3A_63] : memref<10x64xi32, #tpu.memory_space<vmem>> -> memref<1x64xi32, #tpu.memory_space<vmem>>
    %dma_start3A_65 = tpu.memref_squeeze %dma_start3A_64 : memref<1x64xi32, #tpu.memory_space<vmem>> -> memref<64xi32, #tpu.memory_space<vmem>>
    %dma_start3A_66 = arith.constant 0 : i32
    %dma_start3A_67 = arith.constant 0 : i32
    %dma_start3A_68 = tpu.memref_slice %arg45[%dma_start3A_66, %dma_start3A_67] : memref<10016x64xf32, #tpu.memory_space<vmem_shared>> -> memref<10016x64xf32, #tpu.memory_space<vmem_shared>>
    tpu.enqueue_indirect_dma source(%dma_start3A_68 : memref<10016x64xf32, #tpu.memory_space<vmem_shared>>) target(%arg15 : memref<64x64xf32, #tpu.memory_space<vmem>>) offsets(%dma_start3A_65 : memref<64xi32, #tpu.memory_space<vmem>>) semaphore(%arg25 : memref<!tpu.dma_semaphore, #tpu.memory_space<semaphore_mem>>)
    %dma_start3A_69 = arith.constant 5 : i32
    %dma_start3A_70 = arith.constant 0 : i32
    %dma_start3A_71 = tpu.memref_slice %arg7[%dma_start3A_69, %dma_start3A_70] : memref<10x64xi32, #tpu.memory_space<vmem>> -> memref<1x64xi32, #tpu.memory_space<vmem>>
    %dma_start3A_72 = tpu.memref_squeeze %dma_start3A_71 : memref<1x64xi32, #tpu.memory_space<vmem>> -> memref<64xi32, #tpu.memory_space<vmem>>
    %dma_start3A_73 = arith.constant 0 : i32
    %dma_start3A_74 = arith.constant 0 : i32
    %dma_start3A_75 = tpu.memref_slice %arg45[%dma_start3A_73, %dma_start3A_74] : memref<10016x64xf32, #tpu.memory_space<vmem_shared>> -> memref<10016x64xf32, #tpu.memory_space<vmem_shared>>
    tpu.enqueue_indirect_dma source(%dma_start3A_75 : memref<10016x64xf32, #tpu.memory_space<vmem_shared>>) target(%arg16 : memref<64x64xf32, #tpu.memory_space<vmem>>) offsets(%dma_start3A_72 : memref<64xi32, #tpu.memory_space<vmem>>) semaphore(%arg26 : memref<!tpu.dma_semaphore, #tpu.memory_space<semaphore_mem>>)
    %dma_start3A_76 = arith.constant 6 : i32
    %dma_start3A_77 = arith.constant 0 : i32
    %dma_start3A_78 = tpu.memref_slice %arg7[%dma_start3A_76, %dma_start3A_77] : memref<10x64xi32, #tpu.memory_space<vmem>> -> memref<1x64xi32, #tpu.memory_space<vmem>>
    %dma_start3A_79 = tpu.memref_squeeze %dma_start3A_78 : memref<1x64xi32, #tpu.memory_space<vmem>> -> memref<64xi32, #tpu.memory_space<vmem>>
    %dma_start3A_80 = arith.constant 0 : i32
    %dma_start3A_81 = arith.constant 0 : i32
    %dma_start3A_82 = tpu.memref_slice %arg45[%dma_start3A_80, %dma_start3A_81] : memref<10016x64xf32, #tpu.memory_space<vmem_shared>> -> memref<10016x64xf32, #tpu.memory_space<vmem_shared>>
    tpu.enqueue_indirect_dma source(%dma_start3A_82 : memref<10016x64xf32, #tpu.memory_space<vmem_shared>>) target(%arg17 : memref<64x64xf32, #tpu.memory_space<vmem>>) offsets(%dma_start3A_79 : memref<64xi32, #tpu.memory_space<vmem>>) semaphore(%arg27 : memref<!tpu.dma_semaphore, #tpu.memory_space<semaphore_mem>>)
    %dma_start3A_83 = arith.constant 7 : i32
    %dma_start3A_84 = arith.constant 0 : i32
    %dma_start3A_85 = tpu.memref_slice %arg7[%dma_start3A_83, %dma_start3A_84] : memref<10x64xi32, #tpu.memory_space<vmem>> -> memref<1x64xi32, #tpu.memory_space<vmem>>
    %dma_start3A_86 = tpu.memref_squeeze %dma_start3A_85 : memref<1x64xi32, #tpu.memory_space<vmem>> -> memref<64xi32, #tpu.memory_space<vmem>>
    %dma_start3A_87 = arith.constant 0 : i32
    %dma_start3A_88 = arith.constant 0 : i32
    %dma_start3A_89 = tpu.memref_slice %arg45[%dma_start3A_87, %dma_start3A_88] : memref<10016x64xf32, #tpu.memory_space<vmem_shared>> -> memref<10016x64xf32, #tpu.memory_space<vmem_shared>>
    tpu.enqueue_indirect_dma source(%dma_start3A_89 : memref<10016x64xf32, #tpu.memory_space<vmem_shared>>) target(%arg18 : memref<64x64xf32, #tpu.memory_space<vmem>>) offsets(%dma_start3A_86 : memref<64xi32, #tpu.memory_space<vmem>>) semaphore(%arg28 : memref<!tpu.dma_semaphore, #tpu.memory_space<semaphore_mem>>)
    %dma_start3A_90 = arith.constant 8 : i32
    %dma_start3A_91 = arith.constant 0 : i32
    %dma_start3A_92 = tpu.memref_slice %arg7[%dma_start3A_90, %dma_start3A_91] : memref<10x64xi32, #tpu.memory_space<vmem>> -> memref<1x64xi32, #tpu.memory_space<vmem>>
    %dma_start3A_93 = tpu.memref_squeeze %dma_start3A_92 : memref<1x64xi32, #tpu.memory_space<vmem>> -> memref<64xi32, #tpu.memory_space<vmem>>
    %dma_start3A_94 = arith.constant 0 : i32
    %dma_start3A_95 = arith.constant 0 : i32
    %dma_start3A_96 = tpu.memref_slice %arg45[%dma_start3A_94, %dma_start3A_95] : memref<10016x64xf32, #tpu.memory_space<vmem_shared>> -> memref<10016x64xf32, #tpu.memory_space<vmem_shared>>
    tpu.enqueue_indirect_dma source(%dma_start3A_96 : memref<10016x64xf32, #tpu.memory_space<vmem_shared>>) target(%arg19 : memref<64x64xf32, #tpu.memory_space<vmem>>) offsets(%dma_start3A_93 : memref<64xi32, #tpu.memory_space<vmem>>) semaphore(%arg29 : memref<!tpu.dma_semaphore, #tpu.memory_space<semaphore_mem>>)
    %dma_start3A_97 = arith.constant 9 : i32
    %dma_start3A_98 = arith.constant 0 : i32
    %dma_start3A_99 = tpu.memref_slice %arg7[%dma_start3A_97, %dma_start3A_98] : memref<10x64xi32, #tpu.memory_space<vmem>> -> memref<1x64xi32, #tpu.memory_space<vmem>>
    %dma_start3A_100 = tpu.memref_squeeze %dma_start3A_99 : memref<1x64xi32, #tpu.memory_space<vmem>> -> memref<64xi32, #tpu.memory_space<vmem>>
    %dma_start3A_101 = arith.constant 0 : i32
    %dma_start3A_102 = arith.constant 0 : i32
    %dma_start3A_103 = tpu.memref_slice %arg45[%dma_start3A_101, %dma_start3A_102] : memref<10016x64xf32, #tpu.memory_space<vmem_shared>> -> memref<10016x64xf32, #tpu.memory_space<vmem_shared>>
    tpu.enqueue_indirect_dma source(%dma_start3A_103 : memref<10016x64xf32, #tpu.memory_space<vmem_shared>>) target(%arg20 : memref<64x64xf32, #tpu.memory_space<vmem>>) offsets(%dma_start3A_100 : memref<64xi32, #tpu.memory_space<vmem>>) semaphore(%arg30 : memref<!tpu.dma_semaphore, #tpu.memory_space<semaphore_mem>>)
    %scan3A = arith.constant 0 : i32
    %scan3A_104 = arith.constant 0 : i32
    %scan3A_105 = arith.constant 16 : i32
    %scan3A_106 = arith.addi %scan3A_104, %scan3A_105 : i32
    %scan3A_107 = arith.constant 1 : i32
    scf.for %scan3A_114 = %scan3A_104 to %scan3A_106 step %scan3A_107  : i32 {
      %mul3A_115 = arith.constant 2 : i32
      %mul3A_116 = arith.muli %mul3A_115, %scan3A_114 : i32
      %add3A = arith.constant 1 : i32
      %add3A_117 = arith.addi %mul3A_116, %add3A : i32
      %mul3A_118 = arith.constant 10 : i32
      %mul3A_119 = arith.muli %add3A_117, %mul3A_118 : i32
      %dma_wait3A = arith.constant 0 : i32
      %dma_wait3A_120 = arith.constant 0 : i32
      %dma_wait3A_121 = tpu.memref_slice %arg3[%arg1, %dma_wait3A, %dma_wait3A_120] : memref<16x320x64xi32, #tpu.memory_space<hbm>> -> memref<1x320x64xi32, #tpu.memory_space<hbm>>
      %dma_wait3A_122 = tpu.memref_squeeze %dma_wait3A_121 : memref<1x320x64xi32, #tpu.memory_space<hbm>> -> memref<320x64xi32, #tpu.memory_space<hbm>>
      %dma_wait3A_123 = arith.constant 0 : i32
      %dma_wait3A_124 = tpu.memref_slice %dma_wait3A_122[%mul3A_119, %dma_wait3A_123] : memref<320x64xi32, #tpu.memory_space<hbm>> -> memref<10x64xi32, #tpu.memory_space<hbm>>
      %dma_wait3A_125 = arith.constant 0 : i32
      %dma_wait3A_126 = arith.constant 0 : i32
      %dma_wait3A_127 = tpu.memref_slice %arg3[%arg1, %dma_wait3A_125, %dma_wait3A_126] : memref<16x320x64xi32, #tpu.memory_space<hbm>> -> memref<1x320x64xi32, #tpu.memory_space<hbm>>
      %dma_wait3A_128 = tpu.memref_squeeze %dma_wait3A_127 : memref<1x320x64xi32, #tpu.memory_space<hbm>> -> memref<320x64xi32, #tpu.memory_space<hbm>>
      %dma_wait3A_129 = arith.constant 0 : i32
      %dma_wait3A_130 = tpu.memref_slice %dma_wait3A_128[%mul3A_119, %dma_wait3A_129] : memref<320x64xi32, #tpu.memory_space<hbm>> -> memref<10x64xi32, #tpu.memory_space<hbm>>
      tpu.wait_dma2 semaphore(%arg43 : memref<!tpu.dma_semaphore, #tpu.memory_space<semaphore_mem>>) src(%dma_wait3A_130 : memref<10x64xi32, #tpu.memory_space<hbm>>) dst(%arg9 : memref<10x64xi32, #tpu.memory_space<vmem>>)
      %mul3A_131 = arith.constant 10 : i32
      %mul3A_132 = arith.muli %add3A_117, %mul3A_131 : i32
      %dma_wait3A_133 = arith.constant 0 : i32
      %dma_wait3A_134 = arith.constant 0 : i32
      %dma_wait3A_135 = tpu.memref_slice %arg4[%arg1, %dma_wait3A_133, %dma_wait3A_134] : memref<16x320x64xi32, #tpu.memory_space<hbm>> -> memref<1x320x64xi32, #tpu.memory_space<hbm>>
      %dma_wait3A_136 = tpu.memref_squeeze %dma_wait3A_135 : memref<1x320x64xi32, #tpu.memory_space<hbm>> -> memref<320x64xi32, #tpu.memory_space<hbm>>
      %dma_wait3A_137 = arith.constant 0 : i32
      %dma_wait3A_138 = tpu.memref_slice %dma_wait3A_136[%mul3A_132, %dma_wait3A_137] : memref<320x64xi32, #tpu.memory_space<hbm>> -> memref<10x64xi32, #tpu.memory_space<hbm>>
      %dma_wait3A_139 = arith.constant 0 : i32
      %dma_wait3A_140 = arith.constant 0 : i32
      %dma_wait3A_141 = tpu.memref_slice %arg4[%arg1, %dma_wait3A_139, %dma_wait3A_140] : memref<16x320x64xi32, #tpu.memory_space<hbm>> -> memref<1x320x64xi32, #tpu.memory_space<hbm>>
      %dma_wait3A_142 = tpu.memref_squeeze %dma_wait3A_141 : memref<1x320x64xi32, #tpu.memory_space<hbm>> -> memref<320x64xi32, #tpu.memory_space<hbm>>
      %dma_wait3A_143 = arith.constant 0 : i32
      %dma_wait3A_144 = tpu.memref_slice %dma_wait3A_142[%mul3A_132, %dma_wait3A_143] : memref<320x64xi32, #tpu.memory_space<hbm>> -> memref<10x64xi32, #tpu.memory_space<hbm>>
      tpu.wait_dma2 semaphore(%arg44 : memref<!tpu.dma_semaphore, #tpu.memory_space<semaphore_mem>>) src(%dma_wait3A_144 : memref<10x64xi32, #tpu.memory_space<hbm>>) dst(%arg10 : memref<10x64xi32, #tpu.memory_space<vmem>>)
      %dma_wait3A_145 = arith.constant 0 : i32
      %dma_wait3A_146 = arith.constant 0 : i32
      %dma_wait3A_147 = tpu.memref_slice %arg7[%dma_wait3A_145, %dma_wait3A_146] : memref<10x64xi32, #tpu.memory_space<vmem>> -> memref<1x64xi32, #tpu.memory_space<vmem>>
      %dma_wait3A_148 = tpu.memref_squeeze %dma_wait3A_147 : memref<1x64xi32, #tpu.memory_space<vmem>> -> memref<64xi32, #tpu.memory_space<vmem>>
      %dma_wait3A_149 = arith.constant 0 : i32
      %dma_wait3A_150 = arith.constant 0 : i32
      %dma_wait3A_151 = tpu.memref_slice %arg45[%dma_wait3A_149, %dma_wait3A_150] : memref<10016x64xf32, #tpu.memory_space<vmem_shared>> -> memref<10016x64xf32, #tpu.memory_space<vmem_shared>>
      tpu.wait_indirect_dma semaphore(%arg21 : memref<!tpu.dma_semaphore, #tpu.memory_space<semaphore_mem>>) src(%dma_wait3A_151 : memref<10016x64xf32, #tpu.memory_space<vmem_shared>>) dst(%arg11 : memref<64x64xf32, #tpu.memory_space<vmem>>)
      %dma_start3A_152 = arith.constant 0 : i32
      %dma_start3A_153 = arith.constant 0 : i32
      %dma_start3A_154 = tpu.memref_slice %arg8[%dma_start3A_152, %dma_start3A_153] : memref<10x64xi32, #tpu.memory_space<vmem>> -> memref<1x64xi32, #tpu.memory_space<vmem>>
      %dma_start3A_155 = tpu.memref_squeeze %dma_start3A_154 : memref<1x64xi32, #tpu.memory_space<vmem>> -> memref<64xi32, #tpu.memory_space<vmem>>
      %dma_start3A_156 = arith.constant 0 : i32
      %dma_start3A_157 = arith.constant 0 : i32
      %dma_start3A_158 = tpu.memref_slice %arg46[%dma_start3A_156, %dma_start3A_157] : memref<10016x64xf32, #tpu.memory_space<vmem_shared>> -> memref<10016x64xf32, #tpu.memory_space<vmem_shared>>
      tpu.enqueue_indirect_dma source(%arg11 : memref<64x64xf32, #tpu.memory_space<vmem>>) target(%dma_start3A_158 : memref<10016x64xf32, #tpu.memory_space<vmem_shared>>) offsets(%dma_start3A_155 : memref<64xi32, #tpu.memory_space<vmem>>) semaphore(%arg31 : memref<!tpu.dma_semaphore, #tpu.memory_space<semaphore_mem>>) {add = true}
      %dma_wait3A_159 = arith.constant 1 : i32
      %dma_wait3A_160 = arith.constant 0 : i32
      %dma_wait3A_161 = tpu.memref_slice %arg7[%dma_wait3A_159, %dma_wait3A_160] : memref<10x64xi32, #tpu.memory_space<vmem>> -> memref<1x64xi32, #tpu.memory_space<vmem>>
      %dma_wait3A_162 = tpu.memref_squeeze %dma_wait3A_161 : memref<1x64xi32, #tpu.memory_space<vmem>> -> memref<64xi32, #tpu.memory_space<vmem>>
      %dma_wait3A_163 = arith.constant 0 : i32
      %dma_wait3A_164 = arith.constant 0 : i32
      %dma_wait3A_165 = tpu.memref_slice %arg45[%dma_wait3A_163, %dma_wait3A_164] : memref<10016x64xf32, #tpu.memory_space<vmem_shared>> -> memref<10016x64xf32, #tpu.memory_space<vmem_shared>>
      tpu.wait_indirect_dma semaphore(%arg22 : memref<!tpu.dma_semaphore, #tpu.memory_space<semaphore_mem>>) src(%dma_wait3A_165 : memref<10016x64xf32, #tpu.memory_space<vmem_shared>>) dst(%arg12 : memref<64x64xf32, #tpu.memory_space<vmem>>)
      %dma_start3A_166 = arith.constant 1 : i32
      %dma_start3A_167 = arith.constant 0 : i32
      %dma_start3A_168 = tpu.memref_slice %arg8[%dma_start3A_166, %dma_start3A_167] : memref<10x64xi32, #tpu.memory_space<vmem>> -> memref<1x64xi32, #tpu.memory_space<vmem>>
      %dma_start3A_169 = tpu.memref_squeeze %dma_start3A_168 : memref<1x64xi32, #tpu.memory_space<vmem>> -> memref<64xi32, #tpu.memory_space<vmem>>
      %dma_start3A_170 = arith.constant 0 : i32
      %dma_start3A_171 = arith.constant 0 : i32
      %dma_start3A_172 = tpu.memref_slice %arg46[%dma_start3A_170, %dma_start3A_171] : memref<10016x64xf32, #tpu.memory_space<vmem_shared>> -> memref<10016x64xf32, #tpu.memory_space<vmem_shared>>
      tpu.enqueue_indirect_dma source(%arg12 : memref<64x64xf32, #tpu.memory_space<vmem>>) target(%dma_start3A_172 : memref<10016x64xf32, #tpu.memory_space<vmem_shared>>) offsets(%dma_start3A_169 : memref<64xi32, #tpu.memory_space<vmem>>) semaphore(%arg32 : memref<!tpu.dma_semaphore, #tpu.memory_space<semaphore_mem>>) {add = true}
      %dma_wait3A_173 = arith.constant 2 : i32
      %dma_wait3A_174 = arith.constant 0 : i32
      %dma_wait3A_175 = tpu.memref_slice %arg7[%dma_wait3A_173, %dma_wait3A_174] : memref<10x64xi32, #tpu.memory_space<vmem>> -> memref<1x64xi32, #tpu.memory_space<vmem>>
      %dma_wait3A_176 = tpu.memref_squeeze %dma_wait3A_175 : memref<1x64xi32, #tpu.memory_space<vmem>> -> memref<64xi32, #tpu.memory_space<vmem>>
      %dma_wait3A_177 = arith.constant 0 : i32
      %dma_wait3A_178 = arith.constant 0 : i32
      %dma_wait3A_179 = tpu.memref_slice %arg45[%dma_wait3A_177, %dma_wait3A_178] : memref<10016x64xf32, #tpu.memory_space<vmem_shared>> -> memref<10016x64xf32, #tpu.memory_space<vmem_shared>>
      tpu.wait_indirect_dma semaphore(%arg23 : memref<!tpu.dma_semaphore, #tpu.memory_space<semaphore_mem>>) src(%dma_wait3A_179 : memref<10016x64xf32, #tpu.memory_space<vmem_shared>>) dst(%arg13 : memref<64x64xf32, #tpu.memory_space<vmem>>)
      %dma_start3A_180 = arith.constant 2 : i32
      %dma_start3A_181 = arith.constant 0 : i32
      %dma_start3A_182 = tpu.memref_slice %arg8[%dma_start3A_180, %dma_start3A_181] : memref<10x64xi32, #tpu.memory_space<vmem>> -> memref<1x64xi32, #tpu.memory_space<vmem>>
      %dma_start3A_183 = tpu.memref_squeeze %dma_start3A_182 : memref<1x64xi32, #tpu.memory_space<vmem>> -> memref<64xi32, #tpu.memory_space<vmem>>
      %dma_start3A_184 = arith.constant 0 : i32
      %dma_start3A_185 = arith.constant 0 : i32
      %dma_start3A_186 = tpu.memref_slice %arg46[%dma_start3A_184, %dma_start3A_185] : memref<10016x64xf32, #tpu.memory_space<vmem_shared>> -> memref<10016x64xf32, #tpu.memory_space<vmem_shared>>
      tpu.enqueue_indirect_dma source(%arg13 : memref<64x64xf32, #tpu.memory_space<vmem>>) target(%dma_start3A_186 : memref<10016x64xf32, #tpu.memory_space<vmem_shared>>) offsets(%dma_start3A_183 : memref<64xi32, #tpu.memory_space<vmem>>) semaphore(%arg33 : memref<!tpu.dma_semaphore, #tpu.memory_space<semaphore_mem>>) {add = true}
      %dma_wait3A_187 = arith.constant 3 : i32
      %dma_wait3A_188 = arith.constant 0 : i32
      %dma_wait3A_189 = tpu.memref_slice %arg7[%dma_wait3A_187, %dma_wait3A_188] : memref<10x64xi32, #tpu.memory_space<vmem>> -> memref<1x64xi32, #tpu.memory_space<vmem>>
      %dma_wait3A_190 = tpu.memref_squeeze %dma_wait3A_189 : memref<1x64xi32, #tpu.memory_space<vmem>> -> memref<64xi32, #tpu.memory_space<vmem>>
      %dma_wait3A_191 = arith.constant 0 : i32
      %dma_wait3A_192 = arith.constant 0 : i32
      %dma_wait3A_193 = tpu.memref_slice %arg45[%dma_wait3A_191, %dma_wait3A_192] : memref<10016x64xf32, #tpu.memory_space<vmem_shared>> -> memref<10016x64xf32, #tpu.memory_space<vmem_shared>>
      tpu.wait_indirect_dma semaphore(%arg24 : memref<!tpu.dma_semaphore, #tpu.memory_space<semaphore_mem>>) src(%dma_wait3A_193 : memref<10016x64xf32, #tpu.memory_space<vmem_shared>>) dst(%arg14 : memref<64x64xf32, #tpu.memory_space<vmem>>)
      %dma_start3A_194 = arith.constant 3 : i32
      %dma_start3A_195 = arith.constant 0 : i32
      %dma_start3A_196 = tpu.memref_slice %arg8[%dma_start3A_194, %dma_start3A_195] : memref<10x64xi32, #tpu.memory_space<vmem>> -> memref<1x64xi32, #tpu.memory_space<vmem>>
      %dma_start3A_197 = tpu.memref_squeeze %dma_start3A_196 : memref<1x64xi32, #tpu.memory_space<vmem>> -> memref<64xi32, #tpu.memory_space<vmem>>
      %dma_start3A_198 = arith.constant 0 : i32
      %dma_start3A_199 = arith.constant 0 : i32
      %dma_start3A_200 = tpu.memref_slice %arg46[%dma_start3A_198, %dma_start3A_199] : memref<10016x64xf32, #tpu.memory_space<vmem_shared>> -> memref<10016x64xf32, #tpu.memory_space<vmem_shared>>
      tpu.enqueue_indirect_dma source(%arg14 : memref<64x64xf32, #tpu.memory_space<vmem>>) target(%dma_start3A_200 : memref<10016x64xf32, #tpu.memory_space<vmem_shared>>) offsets(%dma_start3A_197 : memref<64xi32, #tpu.memory_space<vmem>>) semaphore(%arg34 : memref<!tpu.dma_semaphore, #tpu.memory_space<semaphore_mem>>) {add = true}
      %dma_wait3A_201 = arith.constant 4 : i32
      %dma_wait3A_202 = arith.constant 0 : i32
      %dma_wait3A_203 = tpu.memref_slice %arg7[%dma_wait3A_201, %dma_wait3A_202] : memref<10x64xi32, #tpu.memory_space<vmem>> -> memref<1x64xi32, #tpu.memory_space<vmem>>
      %dma_wait3A_204 = tpu.memref_squeeze %dma_wait3A_203 : memref<1x64xi32, #tpu.memory_space<vmem>> -> memref<64xi32, #tpu.memory_space<vmem>>
      %dma_wait3A_205 = arith.constant 0 : i32
      %dma_wait3A_206 = arith.constant 0 : i32
      %dma_wait3A_207 = tpu.memref_slice %arg45[%dma_wait3A_205, %dma_wait3A_206] : memref<10016x64xf32, #tpu.memory_space<vmem_shared>> -> memref<10016x64xf32, #tpu.memory_space<vmem_shared>>
      tpu.wait_indirect_dma semaphore(%arg25 : memref<!tpu.dma_semaphore, #tpu.memory_space<semaphore_mem>>) src(%dma_wait3A_207 : memref<10016x64xf32, #tpu.memory_space<vmem_shared>>) dst(%arg15 : memref<64x64xf32, #tpu.memory_space<vmem>>)
      %dma_start3A_208 = arith.constant 4 : i32
      %dma_start3A_209 = arith.constant 0 : i32
      %dma_start3A_210 = tpu.memref_slice %arg8[%dma_start3A_208, %dma_start3A_209] : memref<10x64xi32, #tpu.memory_space<vmem>> -> memref<1x64xi32, #tpu.memory_space<vmem>>
      %dma_start3A_211 = tpu.memref_squeeze %dma_start3A_210 : memref<1x64xi32, #tpu.memory_space<vmem>> -> memref<64xi32, #tpu.memory_space<vmem>>
      %dma_start3A_212 = arith.constant 0 : i32
      %dma_start3A_213 = arith.constant 0 : i32
      %dma_start3A_214 = tpu.memref_slice %arg46[%dma_start3A_212, %dma_start3A_213] : memref<10016x64xf32, #tpu.memory_space<vmem_shared>> -> memref<10016x64xf32, #tpu.memory_space<vmem_shared>>
      tpu.enqueue_indirect_dma source(%arg15 : memref<64x64xf32, #tpu.memory_space<vmem>>) target(%dma_start3A_214 : memref<10016x64xf32, #tpu.memory_space<vmem_shared>>) offsets(%dma_start3A_211 : memref<64xi32, #tpu.memory_space<vmem>>) semaphore(%arg35 : memref<!tpu.dma_semaphore, #tpu.memory_space<semaphore_mem>>) {add = true}
      %dma_wait3A_215 = arith.constant 5 : i32
      %dma_wait3A_216 = arith.constant 0 : i32
      %dma_wait3A_217 = tpu.memref_slice %arg7[%dma_wait3A_215, %dma_wait3A_216] : memref<10x64xi32, #tpu.memory_space<vmem>> -> memref<1x64xi32, #tpu.memory_space<vmem>>
      %dma_wait3A_218 = tpu.memref_squeeze %dma_wait3A_217 : memref<1x64xi32, #tpu.memory_space<vmem>> -> memref<64xi32, #tpu.memory_space<vmem>>
      %dma_wait3A_219 = arith.constant 0 : i32
      %dma_wait3A_220 = arith.constant 0 : i32
      %dma_wait3A_221 = tpu.memref_slice %arg45[%dma_wait3A_219, %dma_wait3A_220] : memref<10016x64xf32, #tpu.memory_space<vmem_shared>> -> memref<10016x64xf32, #tpu.memory_space<vmem_shared>>
      tpu.wait_indirect_dma semaphore(%arg26 : memref<!tpu.dma_semaphore, #tpu.memory_space<semaphore_mem>>) src(%dma_wait3A_221 : memref<10016x64xf32, #tpu.memory_space<vmem_shared>>) dst(%arg16 : memref<64x64xf32, #tpu.memory_space<vmem>>)
      %dma_start3A_222 = arith.constant 5 : i32
      %dma_start3A_223 = arith.constant 0 : i32
      %dma_start3A_224 = tpu.memref_slice %arg8[%dma_start3A_222, %dma_start3A_223] : memref<10x64xi32, #tpu.memory_space<vmem>> -> memref<1x64xi32, #tpu.memory_space<vmem>>
      %dma_start3A_225 = tpu.memref_squeeze %dma_start3A_224 : memref<1x64xi32, #tpu.memory_space<vmem>> -> memref<64xi32, #tpu.memory_space<vmem>>
      %dma_start3A_226 = arith.constant 0 : i32
      %dma_start3A_227 = arith.constant 0 : i32
      %dma_start3A_228 = tpu.memref_slice %arg46[%dma_start3A_226, %dma_start3A_227] : memref<10016x64xf32, #tpu.memory_space<vmem_shared>> -> memref<10016x64xf32, #tpu.memory_space<vmem_shared>>
      tpu.enqueue_indirect_dma source(%arg16 : memref<64x64xf32, #tpu.memory_space<vmem>>) target(%dma_start3A_228 : memref<10016x64xf32, #tpu.memory_space<vmem_shared>>) offsets(%dma_start3A_225 : memref<64xi32, #tpu.memory_space<vmem>>) semaphore(%arg36 : memref<!tpu.dma_semaphore, #tpu.memory_space<semaphore_mem>>) {add = true}
      %dma_wait3A_229 = arith.constant 6 : i32
      %dma_wait3A_230 = arith.constant 0 : i32
      %dma_wait3A_231 = tpu.memref_slice %arg7[%dma_wait3A_229, %dma_wait3A_230] : memref<10x64xi32, #tpu.memory_space<vmem>> -> memref<1x64xi32, #tpu.memory_space<vmem>>
      %dma_wait3A_232 = tpu.memref_squeeze %dma_wait3A_231 : memref<1x64xi32, #tpu.memory_space<vmem>> -> memref<64xi32, #tpu.memory_space<vmem>>
      %dma_wait3A_233 = arith.constant 0 : i32
      %dma_wait3A_234 = arith.constant 0 : i32
      %dma_wait3A_235 = tpu.memref_slice %arg45[%dma_wait3A_233, %dma_wait3A_234] : memref<10016x64xf32, #tpu.memory_space<vmem_shared>> -> memref<10016x64xf32, #tpu.memory_space<vmem_shared>>
      tpu.wait_indirect_dma semaphore(%arg27 : memref<!tpu.dma_semaphore, #tpu.memory_space<semaphore_mem>>) src(%dma_wait3A_235 : memref<10016x64xf32, #tpu.memory_space<vmem_shared>>) dst(%arg17 : memref<64x64xf32, #tpu.memory_space<vmem>>)
      %dma_start3A_236 = arith.constant 6 : i32
      %dma_start3A_237 = arith.constant 0 : i32
      %dma_start3A_238 = tpu.memref_slice %arg8[%dma_start3A_236, %dma_start3A_237] : memref<10x64xi32, #tpu.memory_space<vmem>> -> memref<1x64xi32, #tpu.memory_space<vmem>>
      %dma_start3A_239 = tpu.memref_squeeze %dma_start3A_238 : memref<1x64xi32, #tpu.memory_space<vmem>> -> memref<64xi32, #tpu.memory_space<vmem>>
      %dma_start3A_240 = arith.constant 0 : i32
      %dma_start3A_241 = arith.constant 0 : i32
      %dma_start3A_242 = tpu.memref_slice %arg46[%dma_start3A_240, %dma_start3A_241] : memref<10016x64xf32, #tpu.memory_space<vmem_shared>> -> memref<10016x64xf32, #tpu.memory_space<vmem_shared>>
      tpu.enqueue_indirect_dma source(%arg17 : memref<64x64xf32, #tpu.memory_space<vmem>>) target(%dma_start3A_242 : memref<10016x64xf32, #tpu.memory_space<vmem_shared>>) offsets(%dma_start3A_239 : memref<64xi32, #tpu.memory_space<vmem>>) semaphore(%arg37 : memref<!tpu.dma_semaphore, #tpu.memory_space<semaphore_mem>>) {add = true}
      %dma_wait3A_243 = arith.constant 7 : i32
      %dma_wait3A_244 = arith.constant 0 : i32
      %dma_wait3A_245 = tpu.memref_slice %arg7[%dma_wait3A_243, %dma_wait3A_244] : memref<10x64xi32, #tpu.memory_space<vmem>> -> memref<1x64xi32, #tpu.memory_space<vmem>>
      %dma_wait3A_246 = tpu.memref_squeeze %dma_wait3A_245 : memref<1x64xi32, #tpu.memory_space<vmem>> -> memref<64xi32, #tpu.memory_space<vmem>>
      %dma_wait3A_247 = arith.constant 0 : i32
      %dma_wait3A_248 = arith.constant 0 : i32
      %dma_wait3A_249 = tpu.memref_slice %arg45[%dma_wait3A_247, %dma_wait3A_248] : memref<10016x64xf32, #tpu.memory_space<vmem_shared>> -> memref<10016x64xf32, #tpu.memory_space<vmem_shared>>
      tpu.wait_indirect_dma semaphore(%arg28 : memref<!tpu.dma_semaphore, #tpu.memory_space<semaphore_mem>>) src(%dma_wait3A_249 : memref<10016x64xf32, #tpu.memory_space<vmem_shared>>) dst(%arg18 : memref<64x64xf32, #tpu.memory_space<vmem>>)
      %dma_start3A_250 = arith.constant 7 : i32
      %dma_start3A_251 = arith.constant 0 : i32
      %dma_start3A_252 = tpu.memref_slice %arg8[%dma_start3A_250, %dma_start3A_251] : memref<10x64xi32, #tpu.memory_space<vmem>> -> memref<1x64xi32, #tpu.memory_space<vmem>>
      %dma_start3A_253 = tpu.memref_squeeze %dma_start3A_252 : memref<1x64xi32, #tpu.memory_space<vmem>> -> memref<64xi32, #tpu.memory_space<vmem>>
      %dma_start3A_254 = arith.constant 0 : i32
      %dma_start3A_255 = arith.constant 0 : i32
      %dma_start3A_256 = tpu.memref_slice %arg46[%dma_start3A_254, %dma_start3A_255] : memref<10016x64xf32, #tpu.memory_space<vmem_shared>> -> memref<10016x64xf32, #tpu.memory_space<vmem_shared>>
      tpu.enqueue_indirect_dma source(%arg18 : memref<64x64xf32, #tpu.memory_space<vmem>>) target(%dma_start3A_256 : memref<10016x64xf32, #tpu.memory_space<vmem_shared>>) offsets(%dma_start3A_253 : memref<64xi32, #tpu.memory_space<vmem>>) semaphore(%arg38 : memref<!tpu.dma_semaphore, #tpu.memory_space<semaphore_mem>>) {add = true}
      %dma_wait3A_257 = arith.constant 8 : i32
      %dma_wait3A_258 = arith.constant 0 : i32
      %dma_wait3A_259 = tpu.memref_slice %arg7[%dma_wait3A_257, %dma_wait3A_258] : memref<10x64xi32, #tpu.memory_space<vmem>> -> memref<1x64xi32, #tpu.memory_space<vmem>>
      %dma_wait3A_260 = tpu.memref_squeeze %dma_wait3A_259 : memref<1x64xi32, #tpu.memory_space<vmem>> -> memref<64xi32, #tpu.memory_space<vmem>>
      %dma_wait3A_261 = arith.constant 0 : i32
      %dma_wait3A_262 = arith.constant 0 : i32
      %dma_wait3A_263 = tpu.memref_slice %arg45[%dma_wait3A_261, %dma_wait3A_262] : memref<10016x64xf32, #tpu.memory_space<vmem_shared>> -> memref<10016x64xf32, #tpu.memory_space<vmem_shared>>
      tpu.wait_indirect_dma semaphore(%arg29 : memref<!tpu.dma_semaphore, #tpu.memory_space<semaphore_mem>>) src(%dma_wait3A_263 : memref<10016x64xf32, #tpu.memory_space<vmem_shared>>) dst(%arg19 : memref<64x64xf32, #tpu.memory_space<vmem>>)
      %dma_start3A_264 = arith.constant 8 : i32
      %dma_start3A_265 = arith.constant 0 : i32
      %dma_start3A_266 = tpu.memref_slice %arg8[%dma_start3A_264, %dma_start3A_265] : memref<10x64xi32, #tpu.memory_space<vmem>> -> memref<1x64xi32, #tpu.memory_space<vmem>>
      %dma_start3A_267 = tpu.memref_squeeze %dma_start3A_266 : memref<1x64xi32, #tpu.memory_space<vmem>> -> memref<64xi32, #tpu.memory_space<vmem>>
      %dma_start3A_268 = arith.constant 0 : i32
      %dma_start3A_269 = arith.constant 0 : i32
      %dma_start3A_270 = tpu.memref_slice %arg46[%dma_start3A_268, %dma_start3A_269] : memref<10016x64xf32, #tpu.memory_space<vmem_shared>> -> memref<10016x64xf32, #tpu.memory_space<vmem_shared>>
      tpu.enqueue_indirect_dma source(%arg19 : memref<64x64xf32, #tpu.memory_space<vmem>>) target(%dma_start3A_270 : memref<10016x64xf32, #tpu.memory_space<vmem_shared>>) offsets(%dma_start3A_267 : memref<64xi32, #tpu.memory_space<vmem>>) semaphore(%arg39 : memref<!tpu.dma_semaphore, #tpu.memory_space<semaphore_mem>>) {add = true}
      %dma_wait3A_271 = arith.constant 9 : i32
      %dma_wait3A_272 = arith.constant 0 : i32
      %dma_wait3A_273 = tpu.memref_slice %arg7[%dma_wait3A_271, %dma_wait3A_272] : memref<10x64xi32, #tpu.memory_space<vmem>> -> memref<1x64xi32, #tpu.memory_space<vmem>>
      %dma_wait3A_274 = tpu.memref_squeeze %dma_wait3A_273 : memref<1x64xi32, #tpu.memory_space<vmem>> -> memref<64xi32, #tpu.memory_space<vmem>>
      %dma_wait3A_275 = arith.constant 0 : i32
      %dma_wait3A_276 = arith.constant 0 : i32
      %dma_wait3A_277 = tpu.memref_slice %arg45[%dma_wait3A_275, %dma_wait3A_276] : memref<10016x64xf32, #tpu.memory_space<vmem_shared>> -> memref<10016x64xf32, #tpu.memory_space<vmem_shared>>
      tpu.wait_indirect_dma semaphore(%arg30 : memref<!tpu.dma_semaphore, #tpu.memory_space<semaphore_mem>>) src(%dma_wait3A_277 : memref<10016x64xf32, #tpu.memory_space<vmem_shared>>) dst(%arg20 : memref<64x64xf32, #tpu.memory_space<vmem>>)
      %dma_start3A_278 = arith.constant 9 : i32
      %dma_start3A_279 = arith.constant 0 : i32
      %dma_start3A_280 = tpu.memref_slice %arg8[%dma_start3A_278, %dma_start3A_279] : memref<10x64xi32, #tpu.memory_space<vmem>> -> memref<1x64xi32, #tpu.memory_space<vmem>>
      %dma_start3A_281 = tpu.memref_squeeze %dma_start3A_280 : memref<1x64xi32, #tpu.memory_space<vmem>> -> memref<64xi32, #tpu.memory_space<vmem>>
      %dma_start3A_282 = arith.constant 0 : i32
      %dma_start3A_283 = arith.constant 0 : i32
      %dma_start3A_284 = tpu.memref_slice %arg46[%dma_start3A_282, %dma_start3A_283] : memref<10016x64xf32, #tpu.memory_space<vmem_shared>> -> memref<10016x64xf32, #tpu.memory_space<vmem_shared>>
      tpu.enqueue_indirect_dma source(%arg20 : memref<64x64xf32, #tpu.memory_space<vmem>>) target(%dma_start3A_284 : memref<10016x64xf32, #tpu.memory_space<vmem_shared>>) offsets(%dma_start3A_281 : memref<64xi32, #tpu.memory_space<vmem>>) semaphore(%arg40 : memref<!tpu.dma_semaphore, #tpu.memory_space<semaphore_mem>>) {add = true}
      %lt3A_285 = arith.constant 15 : i32
      %lt3A_286 = arith.cmpi slt, %scan3A_114, %lt3A_285 : i32
      %convert_element_type3A_287 = arith.extui %lt3A_286 : i1 to i32
      %cond3A_288 = arith.constant 0 : i32
      %cond3A_289 = arith.cmpi ne, %convert_element_type3A_287, %cond3A_288 : i32
      scf.if %cond3A_289 {
        %add3A_685 = arith.constant 2 : i32
        %add3A_686 = arith.addi %mul3A_116, %add3A_685 : i32
        %mul3A_687 = arith.constant 10 : i32
        %mul3A_688 = arith.muli %add3A_686, %mul3A_687 : i32
        %dma_start3A_689 = arith.constant 0 : i32
        %dma_start3A_690 = arith.constant 0 : i32
        %dma_start3A_691 = tpu.memref_slice %arg3[%arg1, %dma_start3A_689, %dma_start3A_690] : memref<16x320x64xi32, #tpu.memory_space<hbm>> -> memref<1x320x64xi32, #tpu.memory_space<hbm>>
        %dma_start3A_692 = tpu.memref_squeeze %dma_start3A_691 : memref<1x320x64xi32, #tpu.memory_space<hbm>> -> memref<320x64xi32, #tpu.memory_space<hbm>>
        %dma_start3A_693 = arith.constant 0 : i32
        %dma_start3A_694 = tpu.memref_slice %dma_start3A_692[%mul3A_688, %dma_start3A_693] : memref<320x64xi32, #tpu.memory_space<hbm>> -> memref<10x64xi32, #tpu.memory_space<hbm>>
        %dma_start3A_695 = arith.constant 0 : i32
        %dma_start3A_696 = arith.constant 0 : i32
        %dma_start3A_697 = tpu.memref_slice %arg3[%arg1, %dma_start3A_695, %dma_start3A_696] : memref<16x320x64xi32, #tpu.memory_space<hbm>> -> memref<1x320x64xi32, #tpu.memory_space<hbm>>
        %dma_start3A_698 = tpu.memref_squeeze %dma_start3A_697 : memref<1x320x64xi32, #tpu.memory_space<hbm>> -> memref<320x64xi32, #tpu.memory_space<hbm>>
        %dma_start3A_699 = arith.constant 0 : i32
        %dma_start3A_700 = tpu.memref_slice %dma_start3A_698[%mul3A_688, %dma_start3A_699] : memref<320x64xi32, #tpu.memory_space<hbm>> -> memref<10x64xi32, #tpu.memory_space<hbm>>
        tpu.enqueue_dma source(%dma_start3A_700 : memref<10x64xi32, #tpu.memory_space<hbm>>) target(%arg7 : memref<10x64xi32, #tpu.memory_space<vmem>>) target_semaphore(%arg41 : memref<!tpu.dma_semaphore, #tpu.memory_space<semaphore_mem>>)
      } else {
      }
      %dma_wait3A_290 = arith.constant 0 : i32
      %dma_wait3A_291 = arith.constant 0 : i32
      %dma_wait3A_292 = tpu.memref_slice %arg8[%dma_wait3A_290, %dma_wait3A_291] : memref<10x64xi32, #tpu.memory_space<vmem>> -> memref<1x64xi32, #tpu.memory_space<vmem>>
      %dma_wait3A_293 = tpu.memref_squeeze %dma_wait3A_292 : memref<1x64xi32, #tpu.memory_space<vmem>> -> memref<64xi32, #tpu.memory_space<vmem>>
      %dma_wait3A_294 = arith.constant 0 : i32
      %dma_wait3A_295 = arith.constant 0 : i32
      %dma_wait3A_296 = tpu.memref_slice %arg46[%dma_wait3A_294, %dma_wait3A_295] : memref<10016x64xf32, #tpu.memory_space<vmem_shared>> -> memref<10016x64xf32, #tpu.memory_space<vmem_shared>>
      tpu.wait_indirect_dma semaphore(%arg31 : memref<!tpu.dma_semaphore, #tpu.memory_space<semaphore_mem>>) src(%arg11 : memref<64x64xf32, #tpu.memory_space<vmem>>) dst(%dma_wait3A_296 : memref<10016x64xf32, #tpu.memory_space<vmem_shared>>)
      %lt3A_297 = arith.constant 31 : i32
      %lt3A_298 = arith.cmpi slt, %mul3A_116, %lt3A_297 : i32
      %convert_element_type3A_299 = arith.extui %lt3A_298 : i1 to i32
      %cond3A_300 = arith.constant 0 : i32
      %cond3A_301 = arith.cmpi ne, %convert_element_type3A_299, %cond3A_300 : i32
      scf.if %cond3A_301 {
        %dma_start3A_685 = arith.constant 0 : i32
        %dma_start3A_686 = arith.constant 0 : i32
        %dma_start3A_687 = tpu.memref_slice %arg9[%dma_start3A_685, %dma_start3A_686] : memref<10x64xi32, #tpu.memory_space<vmem>> -> memref<1x64xi32, #tpu.memory_space<vmem>>
        %dma_start3A_688 = tpu.memref_squeeze %dma_start3A_687 : memref<1x64xi32, #tpu.memory_space<vmem>> -> memref<64xi32, #tpu.memory_space<vmem>>
        %dma_start3A_689 = arith.constant 0 : i32
        %dma_start3A_690 = arith.constant 0 : i32
        %dma_start3A_691 = tpu.memref_slice %arg45[%dma_start3A_689, %dma_start3A_690] : memref<10016x64xf32, #tpu.memory_space<vmem_shared>> -> memref<10016x64xf32, #tpu.memory_space<vmem_shared>>
        tpu.enqueue_indirect_dma source(%dma_start3A_691 : memref<10016x64xf32, #tpu.memory_space<vmem_shared>>) target(%arg11 : memref<64x64xf32, #tpu.memory_space<vmem>>) offsets(%dma_start3A_688 : memref<64xi32, #tpu.memory_space<vmem>>) semaphore(%arg21 : memref<!tpu.dma_semaphore, #tpu.memory_space<semaphore_mem>>)
      } else {
      }
      %dma_wait3A_302 = arith.constant 1 : i32
      %dma_wait3A_303 = arith.constant 0 : i32
      %dma_wait3A_304 = tpu.memref_slice %arg8[%dma_wait3A_302, %dma_wait3A_303] : memref<10x64xi32, #tpu.memory_space<vmem>> -> memref<1x64xi32, #tpu.memory_space<vmem>>
      %dma_wait3A_305 = tpu.memref_squeeze %dma_wait3A_304 : memref<1x64xi32, #tpu.memory_space<vmem>> -> memref<64xi32, #tpu.memory_space<vmem>>
      %dma_wait3A_306 = arith.constant 0 : i32
      %dma_wait3A_307 = arith.constant 0 : i32
      %dma_wait3A_308 = tpu.memref_slice %arg46[%dma_wait3A_306, %dma_wait3A_307] : memref<10016x64xf32, #tpu.memory_space<vmem_shared>> -> memref<10016x64xf32, #tpu.memory_space<vmem_shared>>
      tpu.wait_indirect_dma semaphore(%arg32 : memref<!tpu.dma_semaphore, #tpu.memory_space<semaphore_mem>>) src(%arg12 : memref<64x64xf32, #tpu.memory_space<vmem>>) dst(%dma_wait3A_308 : memref<10016x64xf32, #tpu.memory_space<vmem_shared>>)
      %lt3A_309 = arith.constant 31 : i32
      %lt3A_310 = arith.cmpi slt, %mul3A_116, %lt3A_309 : i32
      %convert_element_type3A_311 = arith.extui %lt3A_310 : i1 to i32
      %cond3A_312 = arith.constant 0 : i32
      %cond3A_313 = arith.cmpi ne, %convert_element_type3A_311, %cond3A_312 : i32
      scf.if %cond3A_313 {
        %dma_start3A_685 = arith.constant 1 : i32
        %dma_start3A_686 = arith.constant 0 : i32
        %dma_start3A_687 = tpu.memref_slice %arg9[%dma_start3A_685, %dma_start3A_686] : memref<10x64xi32, #tpu.memory_space<vmem>> -> memref<1x64xi32, #tpu.memory_space<vmem>>
        %dma_start3A_688 = tpu.memref_squeeze %dma_start3A_687 : memref<1x64xi32, #tpu.memory_space<vmem>> -> memref<64xi32, #tpu.memory_space<vmem>>
        %dma_start3A_689 = arith.constant 0 : i32
        %dma_start3A_690 = arith.constant 0 : i32
        %dma_start3A_691 = tpu.memref_slice %arg45[%dma_start3A_689, %dma_start3A_690] : memref<10016x64xf32, #tpu.memory_space<vmem_shared>> -> memref<10016x64xf32, #tpu.memory_space<vmem_shared>>
        tpu.enqueue_indirect_dma source(%dma_start3A_691 : memref<10016x64xf32, #tpu.memory_space<vmem_shared>>) target(%arg12 : memref<64x64xf32, #tpu.memory_space<vmem>>) offsets(%dma_start3A_688 : memref<64xi32, #tpu.memory_space<vmem>>) semaphore(%arg22 : memref<!tpu.dma_semaphore, #tpu.memory_space<semaphore_mem>>)
      } else {
      }
      %dma_wait3A_314 = arith.constant 2 : i32
      %dma_wait3A_315 = arith.constant 0 : i32
      %dma_wait3A_316 = tpu.memref_slice %arg8[%dma_wait3A_314, %dma_wait3A_315] : memref<10x64xi32, #tpu.memory_space<vmem>> -> memref<1x64xi32, #tpu.memory_space<vmem>>
      %dma_wait3A_317 = tpu.memref_squeeze %dma_wait3A_316 : memref<1x64xi32, #tpu.memory_space<vmem>> -> memref<64xi32, #tpu.memory_space<vmem>>
      %dma_wait3A_318 = arith.constant 0 : i32
      %dma_wait3A_319 = arith.constant 0 : i32
      %dma_wait3A_320 = tpu.memref_slice %arg46[%dma_wait3A_318, %dma_wait3A_319] : memref<10016x64xf32, #tpu.memory_space<vmem_shared>> -> memref<10016x64xf32, #tpu.memory_space<vmem_shared>>
      tpu.wait_indirect_dma semaphore(%arg33 : memref<!tpu.dma_semaphore, #tpu.memory_space<semaphore_mem>>) src(%arg13 : memref<64x64xf32, #tpu.memory_space<vmem>>) dst(%dma_wait3A_320 : memref<10016x64xf32, #tpu.memory_space<vmem_shared>>)
      %lt3A_321 = arith.constant 31 : i32
      %lt3A_322 = arith.cmpi slt, %mul3A_116, %lt3A_321 : i32
      %convert_element_type3A_323 = arith.extui %lt3A_322 : i1 to i32
      %cond3A_324 = arith.constant 0 : i32
      %cond3A_325 = arith.cmpi ne, %convert_element_type3A_323, %cond3A_324 : i32
      scf.if %cond3A_325 {
        %dma_start3A_685 = arith.constant 2 : i32
        %dma_start3A_686 = arith.constant 0 : i32
        %dma_start3A_687 = tpu.memref_slice %arg9[%dma_start3A_685, %dma_start3A_686] : memref<10x64xi32, #tpu.memory_space<vmem>> -> memref<1x64xi32, #tpu.memory_space<vmem>>
        %dma_start3A_688 = tpu.memref_squeeze %dma_start3A_687 : memref<1x64xi32, #tpu.memory_space<vmem>> -> memref<64xi32, #tpu.memory_space<vmem>>
        %dma_start3A_689 = arith.constant 0 : i32
        %dma_start3A_690 = arith.constant 0 : i32
        %dma_start3A_691 = tpu.memref_slice %arg45[%dma_start3A_689, %dma_start3A_690] : memref<10016x64xf32, #tpu.memory_space<vmem_shared>> -> memref<10016x64xf32, #tpu.memory_space<vmem_shared>>
        tpu.enqueue_indirect_dma source(%dma_start3A_691 : memref<10016x64xf32, #tpu.memory_space<vmem_shared>>) target(%arg13 : memref<64x64xf32, #tpu.memory_space<vmem>>) offsets(%dma_start3A_688 : memref<64xi32, #tpu.memory_space<vmem>>) semaphore(%arg23 : memref<!tpu.dma_semaphore, #tpu.memory_space<semaphore_mem>>)
      } else {
      }
      %dma_wait3A_326 = arith.constant 3 : i32
      %dma_wait3A_327 = arith.constant 0 : i32
      %dma_wait3A_328 = tpu.memref_slice %arg8[%dma_wait3A_326, %dma_wait3A_327] : memref<10x64xi32, #tpu.memory_space<vmem>> -> memref<1x64xi32, #tpu.memory_space<vmem>>
      %dma_wait3A_329 = tpu.memref_squeeze %dma_wait3A_328 : memref<1x64xi32, #tpu.memory_space<vmem>> -> memref<64xi32, #tpu.memory_space<vmem>>
      %dma_wait3A_330 = arith.constant 0 : i32
      %dma_wait3A_331 = arith.constant 0 : i32
      %dma_wait3A_332 = tpu.memref_slice %arg46[%dma_wait3A_330, %dma_wait3A_331] : memref<10016x64xf32, #tpu.memory_space<vmem_shared>> -> memref<10016x64xf32, #tpu.memory_space<vmem_shared>>
      tpu.wait_indirect_dma semaphore(%arg34 : memref<!tpu.dma_semaphore, #tpu.memory_space<semaphore_mem>>) src(%arg14 : memref<64x64xf32, #tpu.memory_space<vmem>>) dst(%dma_wait3A_332 : memref<10016x64xf32, #tpu.memory_space<vmem_shared>>)
      %lt3A_333 = arith.constant 31 : i32
      %lt3A_334 = arith.cmpi slt, %mul3A_116, %lt3A_333 : i32
      %convert_element_type3A_335 = arith.extui %lt3A_334 : i1 to i32
      %cond3A_336 = arith.constant 0 : i32
      %cond3A_337 = arith.cmpi ne, %convert_element_type3A_335, %cond3A_336 : i32
      scf.if %cond3A_337 {
        %dma_start3A_685 = arith.constant 3 : i32
        %dma_start3A_686 = arith.constant 0 : i32
        %dma_start3A_687 = tpu.memref_slice %arg9[%dma_start3A_685, %dma_start3A_686] : memref<10x64xi32, #tpu.memory_space<vmem>> -> memref<1x64xi32, #tpu.memory_space<vmem>>
        %dma_start3A_688 = tpu.memref_squeeze %dma_start3A_687 : memref<1x64xi32, #tpu.memory_space<vmem>> -> memref<64xi32, #tpu.memory_space<vmem>>
        %dma_start3A_689 = arith.constant 0 : i32
        %dma_start3A_690 = arith.constant 0 : i32
        %dma_start3A_691 = tpu.memref_slice %arg45[%dma_start3A_689, %dma_start3A_690] : memref<10016x64xf32, #tpu.memory_space<vmem_shared>> -> memref<10016x64xf32, #tpu.memory_space<vmem_shared>>
        tpu.enqueue_indirect_dma source(%dma_start3A_691 : memref<10016x64xf32, #tpu.memory_space<vmem_shared>>) target(%arg14 : memref<64x64xf32, #tpu.memory_space<vmem>>) offsets(%dma_start3A_688 : memref<64xi32, #tpu.memory_space<vmem>>) semaphore(%arg24 : memref<!tpu.dma_semaphore, #tpu.memory_space<semaphore_mem>>)
      } else {
      }
      %dma_wait3A_338 = arith.constant 4 : i32
      %dma_wait3A_339 = arith.constant 0 : i32
      %dma_wait3A_340 = tpu.memref_slice %arg8[%dma_wait3A_338, %dma_wait3A_339] : memref<10x64xi32, #tpu.memory_space<vmem>> -> memref<1x64xi32, #tpu.memory_space<vmem>>
      %dma_wait3A_341 = tpu.memref_squeeze %dma_wait3A_340 : memref<1x64xi32, #tpu.memory_space<vmem>> -> memref<64xi32, #tpu.memory_space<vmem>>
      %dma_wait3A_342 = arith.constant 0 : i32
      %dma_wait3A_343 = arith.constant 0 : i32
      %dma_wait3A_344 = tpu.memref_slice %arg46[%dma_wait3A_342, %dma_wait3A_343] : memref<10016x64xf32, #tpu.memory_space<vmem_shared>> -> memref<10016x64xf32, #tpu.memory_space<vmem_shared>>
      tpu.wait_indirect_dma semaphore(%arg35 : memref<!tpu.dma_semaphore, #tpu.memory_space<semaphore_mem>>) src(%arg15 : memref<64x64xf32, #tpu.memory_space<vmem>>) dst(%dma_wait3A_344 : memref<10016x64xf32, #tpu.memory_space<vmem_shared>>)
      %lt3A_345 = arith.constant 31 : i32
      %lt3A_346 = arith.cmpi slt, %mul3A_116, %lt3A_345 : i32
      %convert_element_type3A_347 = arith.extui %lt3A_346 : i1 to i32
      %cond3A_348 = arith.constant 0 : i32
      %cond3A_349 = arith.cmpi ne, %convert_element_type3A_347, %cond3A_348 : i32
      scf.if %cond3A_349 {
        %dma_start3A_685 = arith.constant 4 : i32
        %dma_start3A_686 = arith.constant 0 : i32
        %dma_start3A_687 = tpu.memref_slice %arg9[%dma_start3A_685, %dma_start3A_686] : memref<10x64xi32, #tpu.memory_space<vmem>> -> memref<1x64xi32, #tpu.memory_space<vmem>>
        %dma_start3A_688 = tpu.memref_squeeze %dma_start3A_687 : memref<1x64xi32, #tpu.memory_space<vmem>> -> memref<64xi32, #tpu.memory_space<vmem>>
        %dma_start3A_689 = arith.constant 0 : i32
        %dma_start3A_690 = arith.constant 0 : i32
        %dma_start3A_691 = tpu.memref_slice %arg45[%dma_start3A_689, %dma_start3A_690] : memref<10016x64xf32, #tpu.memory_space<vmem_shared>> -> memref<10016x64xf32, #tpu.memory_space<vmem_shared>>
        tpu.enqueue_indirect_dma source(%dma_start3A_691 : memref<10016x64xf32, #tpu.memory_space<vmem_shared>>) target(%arg15 : memref<64x64xf32, #tpu.memory_space<vmem>>) offsets(%dma_start3A_688 : memref<64xi32, #tpu.memory_space<vmem>>) semaphore(%arg25 : memref<!tpu.dma_semaphore, #tpu.memory_space<semaphore_mem>>)
      } else {
      }
      %dma_wait3A_350 = arith.constant 5 : i32
      %dma_wait3A_351 = arith.constant 0 : i32
      %dma_wait3A_352 = tpu.memref_slice %arg8[%dma_wait3A_350, %dma_wait3A_351] : memref<10x64xi32, #tpu.memory_space<vmem>> -> memref<1x64xi32, #tpu.memory_space<vmem>>
      %dma_wait3A_353 = tpu.memref_squeeze %dma_wait3A_352 : memref<1x64xi32, #tpu.memory_space<vmem>> -> memref<64xi32, #tpu.memory_space<vmem>>
      %dma_wait3A_354 = arith.constant 0 : i32
      %dma_wait3A_355 = arith.constant 0 : i32
      %dma_wait3A_356 = tpu.memref_slice %arg46[%dma_wait3A_354, %dma_wait3A_355] : memref<10016x64xf32, #tpu.memory_space<vmem_shared>> -> memref<10016x64xf32, #tpu.memory_space<vmem_shared>>
      tpu.wait_indirect_dma semaphore(%arg36 : memref<!tpu.dma_semaphore, #tpu.memory_space<semaphore_mem>>) src(%arg16 : memref<64x64xf32, #tpu.memory_space<vmem>>) dst(%dma_wait3A_356 : memref<10016x64xf32, #tpu.memory_space<vmem_shared>>)
      %lt3A_357 = arith.constant 31 : i32
      %lt3A_358 = arith.cmpi slt, %mul3A_116, %lt3A_357 : i32
      %convert_element_type3A_359 = arith.extui %lt3A_358 : i1 to i32
      %cond3A_360 = arith.constant 0 : i32
      %cond3A_361 = arith.cmpi ne, %convert_element_type3A_359, %cond3A_360 : i32
      scf.if %cond3A_361 {
        %dma_start3A_685 = arith.constant 5 : i32
        %dma_start3A_686 = arith.constant 0 : i32
        %dma_start3A_687 = tpu.memref_slice %arg9[%dma_start3A_685, %dma_start3A_686] : memref<10x64xi32, #tpu.memory_space<vmem>> -> memref<1x64xi32, #tpu.memory_space<vmem>>
        %dma_start3A_688 = tpu.memref_squeeze %dma_start3A_687 : memref<1x64xi32, #tpu.memory_space<vmem>> -> memref<64xi32, #tpu.memory_space<vmem>>
        %dma_start3A_689 = arith.constant 0 : i32
        %dma_start3A_690 = arith.constant 0 : i32
        %dma_start3A_691 = tpu.memref_slice %arg45[%dma_start3A_689, %dma_start3A_690] : memref<10016x64xf32, #tpu.memory_space<vmem_shared>> -> memref<10016x64xf32, #tpu.memory_space<vmem_shared>>
        tpu.enqueue_indirect_dma source(%dma_start3A_691 : memref<10016x64xf32, #tpu.memory_space<vmem_shared>>) target(%arg16 : memref<64x64xf32, #tpu.memory_space<vmem>>) offsets(%dma_start3A_688 : memref<64xi32, #tpu.memory_space<vmem>>) semaphore(%arg26 : memref<!tpu.dma_semaphore, #tpu.memory_space<semaphore_mem>>)
      } else {
      }
      %dma_wait3A_362 = arith.constant 6 : i32
      %dma_wait3A_363 = arith.constant 0 : i32
      %dma_wait3A_364 = tpu.memref_slice %arg8[%dma_wait3A_362, %dma_wait3A_363] : memref<10x64xi32, #tpu.memory_space<vmem>> -> memref<1x64xi32, #tpu.memory_space<vmem>>
      %dma_wait3A_365 = tpu.memref_squeeze %dma_wait3A_364 : memref<1x64xi32, #tpu.memory_space<vmem>> -> memref<64xi32, #tpu.memory_space<vmem>>
      %dma_wait3A_366 = arith.constant 0 : i32
      %dma_wait3A_367 = arith.constant 0 : i32
      %dma_wait3A_368 = tpu.memref_slice %arg46[%dma_wait3A_366, %dma_wait3A_367] : memref<10016x64xf32, #tpu.memory_space<vmem_shared>> -> memref<10016x64xf32, #tpu.memory_space<vmem_shared>>
      tpu.wait_indirect_dma semaphore(%arg37 : memref<!tpu.dma_semaphore, #tpu.memory_space<semaphore_mem>>) src(%arg17 : memref<64x64xf32, #tpu.memory_space<vmem>>) dst(%dma_wait3A_368 : memref<10016x64xf32, #tpu.memory_space<vmem_shared>>)
      %lt3A_369 = arith.constant 31 : i32
      %lt3A_370 = arith.cmpi slt, %mul3A_116, %lt3A_369 : i32
      %convert_element_type3A_371 = arith.extui %lt3A_370 : i1 to i32
      %cond3A_372 = arith.constant 0 : i32
      %cond3A_373 = arith.cmpi ne, %convert_element_type3A_371, %cond3A_372 : i32
      scf.if %cond3A_373 {
        %dma_start3A_685 = arith.constant 6 : i32
        %dma_start3A_686 = arith.constant 0 : i32
        %dma_start3A_687 = tpu.memref_slice %arg9[%dma_start3A_685, %dma_start3A_686] : memref<10x64xi32, #tpu.memory_space<vmem>> -> memref<1x64xi32, #tpu.memory_space<vmem>>
        %dma_start3A_688 = tpu.memref_squeeze %dma_start3A_687 : memref<1x64xi32, #tpu.memory_space<vmem>> -> memref<64xi32, #tpu.memory_space<vmem>>
        %dma_start3A_689 = arith.constant 0 : i32
        %dma_start3A_690 = arith.constant 0 : i32
        %dma_start3A_691 = tpu.memref_slice %arg45[%dma_start3A_689, %dma_start3A_690] : memref<10016x64xf32, #tpu.memory_space<vmem_shared>> -> memref<10016x64xf32, #tpu.memory_space<vmem_shared>>
        tpu.enqueue_indirect_dma source(%dma_start3A_691 : memref<10016x64xf32, #tpu.memory_space<vmem_shared>>) target(%arg17 : memref<64x64xf32, #tpu.memory_space<vmem>>) offsets(%dma_start3A_688 : memref<64xi32, #tpu.memory_space<vmem>>) semaphore(%arg27 : memref<!tpu.dma_semaphore, #tpu.memory_space<semaphore_mem>>)
      } else {
      }
      %dma_wait3A_374 = arith.constant 7 : i32
      %dma_wait3A_375 = arith.constant 0 : i32
      %dma_wait3A_376 = tpu.memref_slice %arg8[%dma_wait3A_374, %dma_wait3A_375] : memref<10x64xi32, #tpu.memory_space<vmem>> -> memref<1x64xi32, #tpu.memory_space<vmem>>
      %dma_wait3A_377 = tpu.memref_squeeze %dma_wait3A_376 : memref<1x64xi32, #tpu.memory_space<vmem>> -> memref<64xi32, #tpu.memory_space<vmem>>
      %dma_wait3A_378 = arith.constant 0 : i32
      %dma_wait3A_379 = arith.constant 0 : i32
      %dma_wait3A_380 = tpu.memref_slice %arg46[%dma_wait3A_378, %dma_wait3A_379] : memref<10016x64xf32, #tpu.memory_space<vmem_shared>> -> memref<10016x64xf32, #tpu.memory_space<vmem_shared>>
      tpu.wait_indirect_dma semaphore(%arg38 : memref<!tpu.dma_semaphore, #tpu.memory_space<semaphore_mem>>) src(%arg18 : memref<64x64xf32, #tpu.memory_space<vmem>>) dst(%dma_wait3A_380 : memref<10016x64xf32, #tpu.memory_space<vmem_shared>>)
      %lt3A_381 = arith.constant 31 : i32
      %lt3A_382 = arith.cmpi slt, %mul3A_116, %lt3A_381 : i32
      %convert_element_type3A_383 = arith.extui %lt3A_382 : i1 to i32
      %cond3A_384 = arith.constant 0 : i32
      %cond3A_385 = arith.cmpi ne, %convert_element_type3A_383, %cond3A_384 : i32
      scf.if %cond3A_385 {
        %dma_start3A_685 = arith.constant 7 : i32
        %dma_start3A_686 = arith.constant 0 : i32
        %dma_start3A_687 = tpu.memref_slice %arg9[%dma_start3A_685, %dma_start3A_686] : memref<10x64xi32, #tpu.memory_space<vmem>> -> memref<1x64xi32, #tpu.memory_space<vmem>>
        %dma_start3A_688 = tpu.memref_squeeze %dma_start3A_687 : memref<1x64xi32, #tpu.memory_space<vmem>> -> memref<64xi32, #tpu.memory_space<vmem>>
        %dma_start3A_689 = arith.constant 0 : i32
        %dma_start3A_690 = arith.constant 0 : i32
        %dma_start3A_691 = tpu.memref_slice %arg45[%dma_start3A_689, %dma_start3A_690] : memref<10016x64xf32, #tpu.memory_space<vmem_shared>> -> memref<10016x64xf32, #tpu.memory_space<vmem_shared>>
        tpu.enqueue_indirect_dma source(%dma_start3A_691 : memref<10016x64xf32, #tpu.memory_space<vmem_shared>>) target(%arg18 : memref<64x64xf32, #tpu.memory_space<vmem>>) offsets(%dma_start3A_688 : memref<64xi32, #tpu.memory_space<vmem>>) semaphore(%arg28 : memref<!tpu.dma_semaphore, #tpu.memory_space<semaphore_mem>>)
      } else {
      }
      %dma_wait3A_386 = arith.constant 8 : i32
      %dma_wait3A_387 = arith.constant 0 : i32
      %dma_wait3A_388 = tpu.memref_slice %arg8[%dma_wait3A_386, %dma_wait3A_387] : memref<10x64xi32, #tpu.memory_space<vmem>> -> memref<1x64xi32, #tpu.memory_space<vmem>>
      %dma_wait3A_389 = tpu.memref_squeeze %dma_wait3A_388 : memref<1x64xi32, #tpu.memory_space<vmem>> -> memref<64xi32, #tpu.memory_space<vmem>>
      %dma_wait3A_390 = arith.constant 0 : i32
      %dma_wait3A_391 = arith.constant 0 : i32
      %dma_wait3A_392 = tpu.memref_slice %arg46[%dma_wait3A_390, %dma_wait3A_391] : memref<10016x64xf32, #tpu.memory_space<vmem_shared>> -> memref<10016x64xf32, #tpu.memory_space<vmem_shared>>
      tpu.wait_indirect_dma semaphore(%arg39 : memref<!tpu.dma_semaphore, #tpu.memory_space<semaphore_mem>>) src(%arg19 : memref<64x64xf32, #tpu.memory_space<vmem>>) dst(%dma_wait3A_392 : memref<10016x64xf32, #tpu.memory_space<vmem_shared>>)
      %lt3A_393 = arith.constant 31 : i32
      %lt3A_394 = arith.cmpi slt, %mul3A_116, %lt3A_393 : i32
      %convert_element_type3A_395 = arith.extui %lt3A_394 : i1 to i32
      %cond3A_396 = arith.constant 0 : i32
      %cond3A_397 = arith.cmpi ne, %convert_element_type3A_395, %cond3A_396 : i32
      scf.if %cond3A_397 {
        %dma_start3A_685 = arith.constant 8 : i32
        %dma_start3A_686 = arith.constant 0 : i32
        %dma_start3A_687 = tpu.memref_slice %arg9[%dma_start3A_685, %dma_start3A_686] : memref<10x64xi32, #tpu.memory_space<vmem>> -> memref<1x64xi32, #tpu.memory_space<vmem>>
        %dma_start3A_688 = tpu.memref_squeeze %dma_start3A_687 : memref<1x64xi32, #tpu.memory_space<vmem>> -> memref<64xi32, #tpu.memory_space<vmem>>
        %dma_start3A_689 = arith.constant 0 : i32
        %dma_start3A_690 = arith.constant 0 : i32
        %dma_start3A_691 = tpu.memref_slice %arg45[%dma_start3A_689, %dma_start3A_690] : memref<10016x64xf32, #tpu.memory_space<vmem_shared>> -> memref<10016x64xf32, #tpu.memory_space<vmem_shared>>
        tpu.enqueue_indirect_dma source(%dma_start3A_691 : memref<10016x64xf32, #tpu.memory_space<vmem_shared>>) target(%arg19 : memref<64x64xf32, #tpu.memory_space<vmem>>) offsets(%dma_start3A_688 : memref<64xi32, #tpu.memory_space<vmem>>) semaphore(%arg29 : memref<!tpu.dma_semaphore, #tpu.memory_space<semaphore_mem>>)
      } else {
      }
      %dma_wait3A_398 = arith.constant 9 : i32
      %dma_wait3A_399 = arith.constant 0 : i32
      %dma_wait3A_400 = tpu.memref_slice %arg8[%dma_wait3A_398, %dma_wait3A_399] : memref<10x64xi32, #tpu.memory_space<vmem>> -> memref<1x64xi32, #tpu.memory_space<vmem>>
      %dma_wait3A_401 = tpu.memref_squeeze %dma_wait3A_400 : memref<1x64xi32, #tpu.memory_space<vmem>> -> memref<64xi32, #tpu.memory_space<vmem>>
      %dma_wait3A_402 = arith.constant 0 : i32
      %dma_wait3A_403 = arith.constant 0 : i32
      %dma_wait3A_404 = tpu.memref_slice %arg46[%dma_wait3A_402, %dma_wait3A_403] : memref<10016x64xf32, #tpu.memory_space<vmem_shared>> -> memref<10016x64xf32, #tpu.memory_space<vmem_shared>>
      tpu.wait_indirect_dma semaphore(%arg40 : memref<!tpu.dma_semaphore, #tpu.memory_space<semaphore_mem>>) src(%arg20 : memref<64x64xf32, #tpu.memory_space<vmem>>) dst(%dma_wait3A_404 : memref<10016x64xf32, #tpu.memory_space<vmem_shared>>)
      %lt3A_405 = arith.constant 31 : i32
      %lt3A_406 = arith.cmpi slt, %mul3A_116, %lt3A_405 : i32
      %convert_element_type3A_407 = arith.extui %lt3A_406 : i1 to i32
      %cond3A_408 = arith.constant 0 : i32
      %cond3A_409 = arith.cmpi ne, %convert_element_type3A_407, %cond3A_408 : i32
      scf.if %cond3A_409 {
        %dma_start3A_685 = arith.constant 9 : i32
        %dma_start3A_686 = arith.constant 0 : i32
        %dma_start3A_687 = tpu.memref_slice %arg9[%dma_start3A_685, %dma_start3A_686] : memref<10x64xi32, #tpu.memory_space<vmem>> -> memref<1x64xi32, #tpu.memory_space<vmem>>
        %dma_start3A_688 = tpu.memref_squeeze %dma_start3A_687 : memref<1x64xi32, #tpu.memory_space<vmem>> -> memref<64xi32, #tpu.memory_space<vmem>>
        %dma_start3A_689 = arith.constant 0 : i32
        %dma_start3A_690 = arith.constant 0 : i32
        %dma_start3A_691 = tpu.memref_slice %arg45[%dma_start3A_689, %dma_start3A_690] : memref<10016x64xf32, #tpu.memory_space<vmem_shared>> -> memref<10016x64xf32, #tpu.memory_space<vmem_shared>>
        tpu.enqueue_indirect_dma source(%dma_start3A_691 : memref<10016x64xf32, #tpu.memory_space<vmem_shared>>) target(%arg20 : memref<64x64xf32, #tpu.memory_space<vmem>>) offsets(%dma_start3A_688 : memref<64xi32, #tpu.memory_space<vmem>>) semaphore(%arg30 : memref<!tpu.dma_semaphore, #tpu.memory_space<semaphore_mem>>)
      } else {
      }
      %lt3A_410 = arith.constant 15 : i32
      %lt3A_411 = arith.cmpi slt, %scan3A_114, %lt3A_410 : i32
      %convert_element_type3A_412 = arith.extui %lt3A_411 : i1 to i32
      %cond3A_413 = arith.constant 0 : i32
      %cond3A_414 = arith.cmpi ne, %convert_element_type3A_412, %cond3A_413 : i32
      scf.if %cond3A_414 {
        %add3A_685 = arith.constant 2 : i32
        %add3A_686 = arith.addi %mul3A_116, %add3A_685 : i32
        %mul3A_687 = arith.constant 10 : i32
        %mul3A_688 = arith.muli %add3A_686, %mul3A_687 : i32
        %dma_start3A_689 = arith.constant 0 : i32
        %dma_start3A_690 = arith.constant 0 : i32
        %dma_start3A_691 = tpu.memref_slice %arg4[%arg1, %dma_start3A_689, %dma_start3A_690] : memref<16x320x64xi32, #tpu.memory_space<hbm>> -> memref<1x320x64xi32, #tpu.memory_space<hbm>>
        %dma_start3A_692 = tpu.memref_squeeze %dma_start3A_691 : memref<1x320x64xi32, #tpu.memory_space<hbm>> -> memref<320x64xi32, #tpu.memory_space<hbm>>
        %dma_start3A_693 = arith.constant 0 : i32
        %dma_start3A_694 = tpu.memref_slice %dma_start3A_692[%mul3A_688, %dma_start3A_693] : memref<320x64xi32, #tpu.memory_space<hbm>> -> memref<10x64xi32, #tpu.memory_space<hbm>>
        %dma_start3A_695 = arith.constant 0 : i32
        %dma_start3A_696 = arith.constant 0 : i32
        %dma_start3A_697 = tpu.memref_slice %arg4[%arg1, %dma_start3A_695, %dma_start3A_696] : memref<16x320x64xi32, #tpu.memory_space<hbm>> -> memref<1x320x64xi32, #tpu.memory_space<hbm>>
        %dma_start3A_698 = tpu.memref_squeeze %dma_start3A_697 : memref<1x320x64xi32, #tpu.memory_space<hbm>> -> memref<320x64xi32, #tpu.memory_space<hbm>>
        %dma_start3A_699 = arith.constant 0 : i32
        %dma_start3A_700 = tpu.memref_slice %dma_start3A_698[%mul3A_688, %dma_start3A_699] : memref<320x64xi32, #tpu.memory_space<hbm>> -> memref<10x64xi32, #tpu.memory_space<hbm>>
        tpu.enqueue_dma source(%dma_start3A_700 : memref<10x64xi32, #tpu.memory_space<hbm>>) target(%arg8 : memref<10x64xi32, #tpu.memory_space<vmem>>) target_semaphore(%arg42 : memref<!tpu.dma_semaphore, #tpu.memory_space<semaphore_mem>>)
        %add3A_701 = arith.constant 2 : i32
        %add3A_702 = arith.addi %mul3A_116, %add3A_701 : i32
        %mul3A_703 = arith.constant 10 : i32
        %mul3A_704 = arith.muli %add3A_702, %mul3A_703 : i32
        %dma_wait3A_705 = arith.constant 0 : i32
        %dma_wait3A_706 = arith.constant 0 : i32
        %dma_wait3A_707 = tpu.memref_slice %arg3[%arg1, %dma_wait3A_705, %dma_wait3A_706] : memref<16x320x64xi32, #tpu.memory_space<hbm>> -> memref<1x320x64xi32, #tpu.memory_space<hbm>>
        %dma_wait3A_708 = tpu.memref_squeeze %dma_wait3A_707 : memref<1x320x64xi32, #tpu.memory_space<hbm>> -> memref<320x64xi32, #tpu.memory_space<hbm>>
        %dma_wait3A_709 = arith.constant 0 : i32
        %dma_wait3A_710 = tpu.memref_slice %dma_wait3A_708[%mul3A_704, %dma_wait3A_709] : memref<320x64xi32, #tpu.memory_space<hbm>> -> memref<10x64xi32, #tpu.memory_space<hbm>>
        %dma_wait3A_711 = arith.constant 0 : i32
        %dma_wait3A_712 = arith.constant 0 : i32
        %dma_wait3A_713 = tpu.memref_slice %arg3[%arg1, %dma_wait3A_711, %dma_wait3A_712] : memref<16x320x64xi32, #tpu.memory_space<hbm>> -> memref<1x320x64xi32, #tpu.memory_space<hbm>>
        %dma_wait3A_714 = tpu.memref_squeeze %dma_wait3A_713 : memref<1x320x64xi32, #tpu.memory_space<hbm>> -> memref<320x64xi32, #tpu.memory_space<hbm>>
        %dma_wait3A_715 = arith.constant 0 : i32
        %dma_wait3A_716 = tpu.memref_slice %dma_wait3A_714[%mul3A_704, %dma_wait3A_715] : memref<320x64xi32, #tpu.memory_space<hbm>> -> memref<10x64xi32, #tpu.memory_space<hbm>>
        tpu.wait_dma2 semaphore(%arg41 : memref<!tpu.dma_semaphore, #tpu.memory_space<semaphore_mem>>) src(%dma_wait3A_716 : memref<10x64xi32, #tpu.memory_space<hbm>>) dst(%arg7 : memref<10x64xi32, #tpu.memory_space<vmem>>)
      } else {
      }
      %dma_wait3A_415 = arith.constant 0 : i32
      %dma_wait3A_416 = arith.constant 0 : i32
      %dma_wait3A_417 = tpu.memref_slice %arg9[%dma_wait3A_415, %dma_wait3A_416] : memref<10x64xi32, #tpu.memory_space<vmem>> -> memref<1x64xi32, #tpu.memory_space<vmem>>
      %dma_wait3A_418 = tpu.memref_squeeze %dma_wait3A_417 : memref<1x64xi32, #tpu.memory_space<vmem>> -> memref<64xi32, #tpu.memory_space<vmem>>
      %dma_wait3A_419 = arith.constant 0 : i32
      %dma_wait3A_420 = arith.constant 0 : i32
      %dma_wait3A_421 = tpu.memref_slice %arg45[%dma_wait3A_419, %dma_wait3A_420] : memref<10016x64xf32, #tpu.memory_space<vmem_shared>> -> memref<10016x64xf32, #tpu.memory_space<vmem_shared>>
      tpu.wait_indirect_dma semaphore(%arg21 : memref<!tpu.dma_semaphore, #tpu.memory_space<semaphore_mem>>) src(%dma_wait3A_421 : memref<10016x64xf32, #tpu.memory_space<vmem_shared>>) dst(%arg11 : memref<64x64xf32, #tpu.memory_space<vmem>>)
      %dma_start3A_422 = arith.constant 0 : i32
      %dma_start3A_423 = arith.constant 0 : i32
      %dma_start3A_424 = tpu.memref_slice %arg10[%dma_start3A_422, %dma_start3A_423] : memref<10x64xi32, #tpu.memory_space<vmem>> -> memref<1x64xi32, #tpu.memory_space<vmem>>
      %dma_start3A_425 = tpu.memref_squeeze %dma_start3A_424 : memref<1x64xi32, #tpu.memory_space<vmem>> -> memref<64xi32, #tpu.memory_space<vmem>>
      %dma_start3A_426 = arith.constant 0 : i32
      %dma_start3A_427 = arith.constant 0 : i32
      %dma_start3A_428 = tpu.memref_slice %arg46[%dma_start3A_426, %dma_start3A_427] : memref<10016x64xf32, #tpu.memory_space<vmem_shared>> -> memref<10016x64xf32, #tpu.memory_space<vmem_shared>>
      tpu.enqueue_indirect_dma source(%arg11 : memref<64x64xf32, #tpu.memory_space<vmem>>) target(%dma_start3A_428 : memref<10016x64xf32, #tpu.memory_space<vmem_shared>>) offsets(%dma_start3A_425 : memref<64xi32, #tpu.memory_space<vmem>>) semaphore(%arg31 : memref<!tpu.dma_semaphore, #tpu.memory_space<semaphore_mem>>) {add = true}
      %dma_wait3A_429 = arith.constant 1 : i32
      %dma_wait3A_430 = arith.constant 0 : i32
      %dma_wait3A_431 = tpu.memref_slice %arg9[%dma_wait3A_429, %dma_wait3A_430] : memref<10x64xi32, #tpu.memory_space<vmem>> -> memref<1x64xi32, #tpu.memory_space<vmem>>
      %dma_wait3A_432 = tpu.memref_squeeze %dma_wait3A_431 : memref<1x64xi32, #tpu.memory_space<vmem>> -> memref<64xi32, #tpu.memory_space<vmem>>
      %dma_wait3A_433 = arith.constant 0 : i32
      %dma_wait3A_434 = arith.constant 0 : i32
      %dma_wait3A_435 = tpu.memref_slice %arg45[%dma_wait3A_433, %dma_wait3A_434] : memref<10016x64xf32, #tpu.memory_space<vmem_shared>> -> memref<10016x64xf32, #tpu.memory_space<vmem_shared>>
      tpu.wait_indirect_dma semaphore(%arg22 : memref<!tpu.dma_semaphore, #tpu.memory_space<semaphore_mem>>) src(%dma_wait3A_435 : memref<10016x64xf32, #tpu.memory_space<vmem_shared>>) dst(%arg12 : memref<64x64xf32, #tpu.memory_space<vmem>>)
      %dma_start3A_436 = arith.constant 1 : i32
      %dma_start3A_437 = arith.constant 0 : i32
      %dma_start3A_438 = tpu.memref_slice %arg10[%dma_start3A_436, %dma_start3A_437] : memref<10x64xi32, #tpu.memory_space<vmem>> -> memref<1x64xi32, #tpu.memory_space<vmem>>
      %dma_start3A_439 = tpu.memref_squeeze %dma_start3A_438 : memref<1x64xi32, #tpu.memory_space<vmem>> -> memref<64xi32, #tpu.memory_space<vmem>>
      %dma_start3A_440 = arith.constant 0 : i32
      %dma_start3A_441 = arith.constant 0 : i32
      %dma_start3A_442 = tpu.memref_slice %arg46[%dma_start3A_440, %dma_start3A_441] : memref<10016x64xf32, #tpu.memory_space<vmem_shared>> -> memref<10016x64xf32, #tpu.memory_space<vmem_shared>>
      tpu.enqueue_indirect_dma source(%arg12 : memref<64x64xf32, #tpu.memory_space<vmem>>) target(%dma_start3A_442 : memref<10016x64xf32, #tpu.memory_space<vmem_shared>>) offsets(%dma_start3A_439 : memref<64xi32, #tpu.memory_space<vmem>>) semaphore(%arg32 : memref<!tpu.dma_semaphore, #tpu.memory_space<semaphore_mem>>) {add = true}
      %dma_wait3A_443 = arith.constant 2 : i32
      %dma_wait3A_444 = arith.constant 0 : i32
      %dma_wait3A_445 = tpu.memref_slice %arg9[%dma_wait3A_443, %dma_wait3A_444] : memref<10x64xi32, #tpu.memory_space<vmem>> -> memref<1x64xi32, #tpu.memory_space<vmem>>
      %dma_wait3A_446 = tpu.memref_squeeze %dma_wait3A_445 : memref<1x64xi32, #tpu.memory_space<vmem>> -> memref<64xi32, #tpu.memory_space<vmem>>
      %dma_wait3A_447 = arith.constant 0 : i32
      %dma_wait3A_448 = arith.constant 0 : i32
      %dma_wait3A_449 = tpu.memref_slice %arg45[%dma_wait3A_447, %dma_wait3A_448] : memref<10016x64xf32, #tpu.memory_space<vmem_shared>> -> memref<10016x64xf32, #tpu.memory_space<vmem_shared>>
      tpu.wait_indirect_dma semaphore(%arg23 : memref<!tpu.dma_semaphore, #tpu.memory_space<semaphore_mem>>) src(%dma_wait3A_449 : memref<10016x64xf32, #tpu.memory_space<vmem_shared>>) dst(%arg13 : memref<64x64xf32, #tpu.memory_space<vmem>>)
      %dma_start3A_450 = arith.constant 2 : i32
      %dma_start3A_451 = arith.constant 0 : i32
      %dma_start3A_452 = tpu.memref_slice %arg10[%dma_start3A_450, %dma_start3A_451] : memref<10x64xi32, #tpu.memory_space<vmem>> -> memref<1x64xi32, #tpu.memory_space<vmem>>
      %dma_start3A_453 = tpu.memref_squeeze %dma_start3A_452 : memref<1x64xi32, #tpu.memory_space<vmem>> -> memref<64xi32, #tpu.memory_space<vmem>>
      %dma_start3A_454 = arith.constant 0 : i32
      %dma_start3A_455 = arith.constant 0 : i32
      %dma_start3A_456 = tpu.memref_slice %arg46[%dma_start3A_454, %dma_start3A_455] : memref<10016x64xf32, #tpu.memory_space<vmem_shared>> -> memref<10016x64xf32, #tpu.memory_space<vmem_shared>>
      tpu.enqueue_indirect_dma source(%arg13 : memref<64x64xf32, #tpu.memory_space<vmem>>) target(%dma_start3A_456 : memref<10016x64xf32, #tpu.memory_space<vmem_shared>>) offsets(%dma_start3A_453 : memref<64xi32, #tpu.memory_space<vmem>>) semaphore(%arg33 : memref<!tpu.dma_semaphore, #tpu.memory_space<semaphore_mem>>) {add = true}
      %dma_wait3A_457 = arith.constant 3 : i32
      %dma_wait3A_458 = arith.constant 0 : i32
      %dma_wait3A_459 = tpu.memref_slice %arg9[%dma_wait3A_457, %dma_wait3A_458] : memref<10x64xi32, #tpu.memory_space<vmem>> -> memref<1x64xi32, #tpu.memory_space<vmem>>
      %dma_wait3A_460 = tpu.memref_squeeze %dma_wait3A_459 : memref<1x64xi32, #tpu.memory_space<vmem>> -> memref<64xi32, #tpu.memory_space<vmem>>
      %dma_wait3A_461 = arith.constant 0 : i32
      %dma_wait3A_462 = arith.constant 0 : i32
      %dma_wait3A_463 = tpu.memref_slice %arg45[%dma_wait3A_461, %dma_wait3A_462] : memref<10016x64xf32, #tpu.memory_space<vmem_shared>> -> memref<10016x64xf32, #tpu.memory_space<vmem_shared>>
      tpu.wait_indirect_dma semaphore(%arg24 : memref<!tpu.dma_semaphore, #tpu.memory_space<semaphore_mem>>) src(%dma_wait3A_463 : memref<10016x64xf32, #tpu.memory_space<vmem_shared>>) dst(%arg14 : memref<64x64xf32, #tpu.memory_space<vmem>>)
      %dma_start3A_464 = arith.constant 3 : i32
      %dma_start3A_465 = arith.constant 0 : i32
      %dma_start3A_466 = tpu.memref_slice %arg10[%dma_start3A_464, %dma_start3A_465] : memref<10x64xi32, #tpu.memory_space<vmem>> -> memref<1x64xi32, #tpu.memory_space<vmem>>
      %dma_start3A_467 = tpu.memref_squeeze %dma_start3A_466 : memref<1x64xi32, #tpu.memory_space<vmem>> -> memref<64xi32, #tpu.memory_space<vmem>>
      %dma_start3A_468 = arith.constant 0 : i32
      %dma_start3A_469 = arith.constant 0 : i32
      %dma_start3A_470 = tpu.memref_slice %arg46[%dma_start3A_468, %dma_start3A_469] : memref<10016x64xf32, #tpu.memory_space<vmem_shared>> -> memref<10016x64xf32, #tpu.memory_space<vmem_shared>>
      tpu.enqueue_indirect_dma source(%arg14 : memref<64x64xf32, #tpu.memory_space<vmem>>) target(%dma_start3A_470 : memref<10016x64xf32, #tpu.memory_space<vmem_shared>>) offsets(%dma_start3A_467 : memref<64xi32, #tpu.memory_space<vmem>>) semaphore(%arg34 : memref<!tpu.dma_semaphore, #tpu.memory_space<semaphore_mem>>) {add = true}
      %dma_wait3A_471 = arith.constant 4 : i32
      %dma_wait3A_472 = arith.constant 0 : i32
      %dma_wait3A_473 = tpu.memref_slice %arg9[%dma_wait3A_471, %dma_wait3A_472] : memref<10x64xi32, #tpu.memory_space<vmem>> -> memref<1x64xi32, #tpu.memory_space<vmem>>
      %dma_wait3A_474 = tpu.memref_squeeze %dma_wait3A_473 : memref<1x64xi32, #tpu.memory_space<vmem>> -> memref<64xi32, #tpu.memory_space<vmem>>
      %dma_wait3A_475 = arith.constant 0 : i32
      %dma_wait3A_476 = arith.constant 0 : i32
      %dma_wait3A_477 = tpu.memref_slice %arg45[%dma_wait3A_475, %dma_wait3A_476] : memref<10016x64xf32, #tpu.memory_space<vmem_shared>> -> memref<10016x64xf32, #tpu.memory_space<vmem_shared>>
      tpu.wait_indirect_dma semaphore(%arg25 : memref<!tpu.dma_semaphore, #tpu.memory_space<semaphore_mem>>) src(%dma_wait3A_477 : memref<10016x64xf32, #tpu.memory_space<vmem_shared>>) dst(%arg15 : memref<64x64xf32, #tpu.memory_space<vmem>>)
      %dma_start3A_478 = arith.constant 4 : i32
      %dma_start3A_479 = arith.constant 0 : i32
      %dma_start3A_480 = tpu.memref_slice %arg10[%dma_start3A_478, %dma_start3A_479] : memref<10x64xi32, #tpu.memory_space<vmem>> -> memref<1x64xi32, #tpu.memory_space<vmem>>
      %dma_start3A_481 = tpu.memref_squeeze %dma_start3A_480 : memref<1x64xi32, #tpu.memory_space<vmem>> -> memref<64xi32, #tpu.memory_space<vmem>>
      %dma_start3A_482 = arith.constant 0 : i32
      %dma_start3A_483 = arith.constant 0 : i32
      %dma_start3A_484 = tpu.memref_slice %arg46[%dma_start3A_482, %dma_start3A_483] : memref<10016x64xf32, #tpu.memory_space<vmem_shared>> -> memref<10016x64xf32, #tpu.memory_space<vmem_shared>>
      tpu.enqueue_indirect_dma source(%arg15 : memref<64x64xf32, #tpu.memory_space<vmem>>) target(%dma_start3A_484 : memref<10016x64xf32, #tpu.memory_space<vmem_shared>>) offsets(%dma_start3A_481 : memref<64xi32, #tpu.memory_space<vmem>>) semaphore(%arg35 : memref<!tpu.dma_semaphore, #tpu.memory_space<semaphore_mem>>) {add = true}
      %dma_wait3A_485 = arith.constant 5 : i32
      %dma_wait3A_486 = arith.constant 0 : i32
      %dma_wait3A_487 = tpu.memref_slice %arg9[%dma_wait3A_485, %dma_wait3A_486] : memref<10x64xi32, #tpu.memory_space<vmem>> -> memref<1x64xi32, #tpu.memory_space<vmem>>
      %dma_wait3A_488 = tpu.memref_squeeze %dma_wait3A_487 : memref<1x64xi32, #tpu.memory_space<vmem>> -> memref<64xi32, #tpu.memory_space<vmem>>
      %dma_wait3A_489 = arith.constant 0 : i32
      %dma_wait3A_490 = arith.constant 0 : i32
      %dma_wait3A_491 = tpu.memref_slice %arg45[%dma_wait3A_489, %dma_wait3A_490] : memref<10016x64xf32, #tpu.memory_space<vmem_shared>> -> memref<10016x64xf32, #tpu.memory_space<vmem_shared>>
      tpu.wait_indirect_dma semaphore(%arg26 : memref<!tpu.dma_semaphore, #tpu.memory_space<semaphore_mem>>) src(%dma_wait3A_491 : memref<10016x64xf32, #tpu.memory_space<vmem_shared>>) dst(%arg16 : memref<64x64xf32, #tpu.memory_space<vmem>>)
      %dma_start3A_492 = arith.constant 5 : i32
      %dma_start3A_493 = arith.constant 0 : i32
      %dma_start3A_494 = tpu.memref_slice %arg10[%dma_start3A_492, %dma_start3A_493] : memref<10x64xi32, #tpu.memory_space<vmem>> -> memref<1x64xi32, #tpu.memory_space<vmem>>
      %dma_start3A_495 = tpu.memref_squeeze %dma_start3A_494 : memref<1x64xi32, #tpu.memory_space<vmem>> -> memref<64xi32, #tpu.memory_space<vmem>>
      %dma_start3A_496 = arith.constant 0 : i32
      %dma_start3A_497 = arith.constant 0 : i32
      %dma_start3A_498 = tpu.memref_slice %arg46[%dma_start3A_496, %dma_start3A_497] : memref<10016x64xf32, #tpu.memory_space<vmem_shared>> -> memref<10016x64xf32, #tpu.memory_space<vmem_shared>>
      tpu.enqueue_indirect_dma source(%arg16 : memref<64x64xf32, #tpu.memory_space<vmem>>) target(%dma_start3A_498 : memref<10016x64xf32, #tpu.memory_space<vmem_shared>>) offsets(%dma_start3A_495 : memref<64xi32, #tpu.memory_space<vmem>>) semaphore(%arg36 : memref<!tpu.dma_semaphore, #tpu.memory_space<semaphore_mem>>) {add = true}
      %dma_wait3A_499 = arith.constant 6 : i32
      %dma_wait3A_500 = arith.constant 0 : i32
      %dma_wait3A_501 = tpu.memref_slice %arg9[%dma_wait3A_499, %dma_wait3A_500] : memref<10x64xi32, #tpu.memory_space<vmem>> -> memref<1x64xi32, #tpu.memory_space<vmem>>
      %dma_wait3A_502 = tpu.memref_squeeze %dma_wait3A_501 : memref<1x64xi32, #tpu.memory_space<vmem>> -> memref<64xi32, #tpu.memory_space<vmem>>
      %dma_wait3A_503 = arith.constant 0 : i32
      %dma_wait3A_504 = arith.constant 0 : i32
      %dma_wait3A_505 = tpu.memref_slice %arg45[%dma_wait3A_503, %dma_wait3A_504] : memref<10016x64xf32, #tpu.memory_space<vmem_shared>> -> memref<10016x64xf32, #tpu.memory_space<vmem_shared>>
      tpu.wait_indirect_dma semaphore(%arg27 : memref<!tpu.dma_semaphore, #tpu.memory_space<semaphore_mem>>) src(%dma_wait3A_505 : memref<10016x64xf32, #tpu.memory_space<vmem_shared>>) dst(%arg17 : memref<64x64xf32, #tpu.memory_space<vmem>>)
      %dma_start3A_506 = arith.constant 6 : i32
      %dma_start3A_507 = arith.constant 0 : i32
      %dma_start3A_508 = tpu.memref_slice %arg10[%dma_start3A_506, %dma_start3A_507] : memref<10x64xi32, #tpu.memory_space<vmem>> -> memref<1x64xi32, #tpu.memory_space<vmem>>
      %dma_start3A_509 = tpu.memref_squeeze %dma_start3A_508 : memref<1x64xi32, #tpu.memory_space<vmem>> -> memref<64xi32, #tpu.memory_space<vmem>>
      %dma_start3A_510 = arith.constant 0 : i32
      %dma_start3A_511 = arith.constant 0 : i32
      %dma_start3A_512 = tpu.memref_slice %arg46[%dma_start3A_510, %dma_start3A_511] : memref<10016x64xf32, #tpu.memory_space<vmem_shared>> -> memref<10016x64xf32, #tpu.memory_space<vmem_shared>>
      tpu.enqueue_indirect_dma source(%arg17 : memref<64x64xf32, #tpu.memory_space<vmem>>) target(%dma_start3A_512 : memref<10016x64xf32, #tpu.memory_space<vmem_shared>>) offsets(%dma_start3A_509 : memref<64xi32, #tpu.memory_space<vmem>>) semaphore(%arg37 : memref<!tpu.dma_semaphore, #tpu.memory_space<semaphore_mem>>) {add = true}
      %dma_wait3A_513 = arith.constant 7 : i32
      %dma_wait3A_514 = arith.constant 0 : i32
      %dma_wait3A_515 = tpu.memref_slice %arg9[%dma_wait3A_513, %dma_wait3A_514] : memref<10x64xi32, #tpu.memory_space<vmem>> -> memref<1x64xi32, #tpu.memory_space<vmem>>
      %dma_wait3A_516 = tpu.memref_squeeze %dma_wait3A_515 : memref<1x64xi32, #tpu.memory_space<vmem>> -> memref<64xi32, #tpu.memory_space<vmem>>
      %dma_wait3A_517 = arith.constant 0 : i32
      %dma_wait3A_518 = arith.constant 0 : i32
      %dma_wait3A_519 = tpu.memref_slice %arg45[%dma_wait3A_517, %dma_wait3A_518] : memref<10016x64xf32, #tpu.memory_space<vmem_shared>> -> memref<10016x64xf32, #tpu.memory_space<vmem_shared>>
      tpu.wait_indirect_dma semaphore(%arg28 : memref<!tpu.dma_semaphore, #tpu.memory_space<semaphore_mem>>) src(%dma_wait3A_519 : memref<10016x64xf32, #tpu.memory_space<vmem_shared>>) dst(%arg18 : memref<64x64xf32, #tpu.memory_space<vmem>>)
      %dma_start3A_520 = arith.constant 7 : i32
      %dma_start3A_521 = arith.constant 0 : i32
      %dma_start3A_522 = tpu.memref_slice %arg10[%dma_start3A_520, %dma_start3A_521] : memref<10x64xi32, #tpu.memory_space<vmem>> -> memref<1x64xi32, #tpu.memory_space<vmem>>
      %dma_start3A_523 = tpu.memref_squeeze %dma_start3A_522 : memref<1x64xi32, #tpu.memory_space<vmem>> -> memref<64xi32, #tpu.memory_space<vmem>>
      %dma_start3A_524 = arith.constant 0 : i32
      %dma_start3A_525 = arith.constant 0 : i32
      %dma_start3A_526 = tpu.memref_slice %arg46[%dma_start3A_524, %dma_start3A_525] : memref<10016x64xf32, #tpu.memory_space<vmem_shared>> -> memref<10016x64xf32, #tpu.memory_space<vmem_shared>>
      tpu.enqueue_indirect_dma source(%arg18 : memref<64x64xf32, #tpu.memory_space<vmem>>) target(%dma_start3A_526 : memref<10016x64xf32, #tpu.memory_space<vmem_shared>>) offsets(%dma_start3A_523 : memref<64xi32, #tpu.memory_space<vmem>>) semaphore(%arg38 : memref<!tpu.dma_semaphore, #tpu.memory_space<semaphore_mem>>) {add = true}
      %dma_wait3A_527 = arith.constant 8 : i32
      %dma_wait3A_528 = arith.constant 0 : i32
      %dma_wait3A_529 = tpu.memref_slice %arg9[%dma_wait3A_527, %dma_wait3A_528] : memref<10x64xi32, #tpu.memory_space<vmem>> -> memref<1x64xi32, #tpu.memory_space<vmem>>
      %dma_wait3A_530 = tpu.memref_squeeze %dma_wait3A_529 : memref<1x64xi32, #tpu.memory_space<vmem>> -> memref<64xi32, #tpu.memory_space<vmem>>
      %dma_wait3A_531 = arith.constant 0 : i32
      %dma_wait3A_532 = arith.constant 0 : i32
      %dma_wait3A_533 = tpu.memref_slice %arg45[%dma_wait3A_531, %dma_wait3A_532] : memref<10016x64xf32, #tpu.memory_space<vmem_shared>> -> memref<10016x64xf32, #tpu.memory_space<vmem_shared>>
      tpu.wait_indirect_dma semaphore(%arg29 : memref<!tpu.dma_semaphore, #tpu.memory_space<semaphore_mem>>) src(%dma_wait3A_533 : memref<10016x64xf32, #tpu.memory_space<vmem_shared>>) dst(%arg19 : memref<64x64xf32, #tpu.memory_space<vmem>>)
      %dma_start3A_534 = arith.constant 8 : i32
      %dma_start3A_535 = arith.constant 0 : i32
      %dma_start3A_536 = tpu.memref_slice %arg10[%dma_start3A_534, %dma_start3A_535] : memref<10x64xi32, #tpu.memory_space<vmem>> -> memref<1x64xi32, #tpu.memory_space<vmem>>
      %dma_start3A_537 = tpu.memref_squeeze %dma_start3A_536 : memref<1x64xi32, #tpu.memory_space<vmem>> -> memref<64xi32, #tpu.memory_space<vmem>>
      %dma_start3A_538 = arith.constant 0 : i32
      %dma_start3A_539 = arith.constant 0 : i32
      %dma_start3A_540 = tpu.memref_slice %arg46[%dma_start3A_538, %dma_start3A_539] : memref<10016x64xf32, #tpu.memory_space<vmem_shared>> -> memref<10016x64xf32, #tpu.memory_space<vmem_shared>>
      tpu.enqueue_indirect_dma source(%arg19 : memref<64x64xf32, #tpu.memory_space<vmem>>) target(%dma_start3A_540 : memref<10016x64xf32, #tpu.memory_space<vmem_shared>>) offsets(%dma_start3A_537 : memref<64xi32, #tpu.memory_space<vmem>>) semaphore(%arg39 : memref<!tpu.dma_semaphore, #tpu.memory_space<semaphore_mem>>) {add = true}
      %dma_wait3A_541 = arith.constant 9 : i32
      %dma_wait3A_542 = arith.constant 0 : i32
      %dma_wait3A_543 = tpu.memref_slice %arg9[%dma_wait3A_541, %dma_wait3A_542] : memref<10x64xi32, #tpu.memory_space<vmem>> -> memref<1x64xi32, #tpu.memory_space<vmem>>
      %dma_wait3A_544 = tpu.memref_squeeze %dma_wait3A_543 : memref<1x64xi32, #tpu.memory_space<vmem>> -> memref<64xi32, #tpu.memory_space<vmem>>
      %dma_wait3A_545 = arith.constant 0 : i32
      %dma_wait3A_546 = arith.constant 0 : i32
      %dma_wait3A_547 = tpu.memref_slice %arg45[%dma_wait3A_545, %dma_wait3A_546] : memref<10016x64xf32, #tpu.memory_space<vmem_shared>> -> memref<10016x64xf32, #tpu.memory_space<vmem_shared>>
      tpu.wait_indirect_dma semaphore(%arg30 : memref<!tpu.dma_semaphore, #tpu.memory_space<semaphore_mem>>) src(%dma_wait3A_547 : memref<10016x64xf32, #tpu.memory_space<vmem_shared>>) dst(%arg20 : memref<64x64xf32, #tpu.memory_space<vmem>>)
      %dma_start3A_548 = arith.constant 9 : i32
      %dma_start3A_549 = arith.constant 0 : i32
      %dma_start3A_550 = tpu.memref_slice %arg10[%dma_start3A_548, %dma_start3A_549] : memref<10x64xi32, #tpu.memory_space<vmem>> -> memref<1x64xi32, #tpu.memory_space<vmem>>
      %dma_start3A_551 = tpu.memref_squeeze %dma_start3A_550 : memref<1x64xi32, #tpu.memory_space<vmem>> -> memref<64xi32, #tpu.memory_space<vmem>>
      %dma_start3A_552 = arith.constant 0 : i32
      %dma_start3A_553 = arith.constant 0 : i32
      %dma_start3A_554 = tpu.memref_slice %arg46[%dma_start3A_552, %dma_start3A_553] : memref<10016x64xf32, #tpu.memory_space<vmem_shared>> -> memref<10016x64xf32, #tpu.memory_space<vmem_shared>>
      tpu.enqueue_indirect_dma source(%arg20 : memref<64x64xf32, #tpu.memory_space<vmem>>) target(%dma_start3A_554 : memref<10016x64xf32, #tpu.memory_space<vmem_shared>>) offsets(%dma_start3A_551 : memref<64xi32, #tpu.memory_space<vmem>>) semaphore(%arg40 : memref<!tpu.dma_semaphore, #tpu.memory_space<semaphore_mem>>) {add = true}
      %lt3A_555 = arith.constant 15 : i32
      %lt3A_556 = arith.cmpi slt, %scan3A_114, %lt3A_555 : i32
      %convert_element_type3A_557 = arith.extui %lt3A_556 : i1 to i32
      %cond3A_558 = arith.constant 0 : i32
      %cond3A_559 = arith.cmpi ne, %convert_element_type3A_557, %cond3A_558 : i32
      scf.if %cond3A_559 {
        %add3A_685 = arith.constant 2 : i32
        %add3A_686 = arith.addi %add3A_117, %add3A_685 : i32
        %mul3A_687 = arith.constant 10 : i32
        %mul3A_688 = arith.muli %add3A_686, %mul3A_687 : i32
        %dma_start3A_689 = arith.constant 0 : i32
        %dma_start3A_690 = arith.constant 0 : i32
        %dma_start3A_691 = tpu.memref_slice %arg3[%arg1, %dma_start3A_689, %dma_start3A_690] : memref<16x320x64xi32, #tpu.memory_space<hbm>> -> memref<1x320x64xi32, #tpu.memory_space<hbm>>
        %dma_start3A_692 = tpu.memref_squeeze %dma_start3A_691 : memref<1x320x64xi32, #tpu.memory_space<hbm>> -> memref<320x64xi32, #tpu.memory_space<hbm>>
        %dma_start3A_693 = arith.constant 0 : i32
        %dma_start3A_694 = tpu.memref_slice %dma_start3A_692[%mul3A_688, %dma_start3A_693] : memref<320x64xi32, #tpu.memory_space<hbm>> -> memref<10x64xi32, #tpu.memory_space<hbm>>
        %dma_start3A_695 = arith.constant 0 : i32
        %dma_start3A_696 = arith.constant 0 : i32
        %dma_start3A_697 = tpu.memref_slice %arg3[%arg1, %dma_start3A_695, %dma_start3A_696] : memref<16x320x64xi32, #tpu.memory_space<hbm>> -> memref<1x320x64xi32, #tpu.memory_space<hbm>>
        %dma_start3A_698 = tpu.memref_squeeze %dma_start3A_697 : memref<1x320x64xi32, #tpu.memory_space<hbm>> -> memref<320x64xi32, #tpu.memory_space<hbm>>
        %dma_start3A_699 = arith.constant 0 : i32
        %dma_start3A_700 = tpu.memref_slice %dma_start3A_698[%mul3A_688, %dma_start3A_699] : memref<320x64xi32, #tpu.memory_space<hbm>> -> memref<10x64xi32, #tpu.memory_space<hbm>>
        tpu.enqueue_dma source(%dma_start3A_700 : memref<10x64xi32, #tpu.memory_space<hbm>>) target(%arg9 : memref<10x64xi32, #tpu.memory_space<vmem>>) target_semaphore(%arg43 : memref<!tpu.dma_semaphore, #tpu.memory_space<semaphore_mem>>)
      } else {
      }
      %dma_wait3A_560 = arith.constant 0 : i32
      %dma_wait3A_561 = arith.constant 0 : i32
      %dma_wait3A_562 = tpu.memref_slice %arg10[%dma_wait3A_560, %dma_wait3A_561] : memref<10x64xi32, #tpu.memory_space<vmem>> -> memref<1x64xi32, #tpu.memory_space<vmem>>
      %dma_wait3A_563 = tpu.memref_squeeze %dma_wait3A_562 : memref<1x64xi32, #tpu.memory_space<vmem>> -> memref<64xi32, #tpu.memory_space<vmem>>
      %dma_wait3A_564 = arith.constant 0 : i32
      %dma_wait3A_565 = arith.constant 0 : i32
      %dma_wait3A_566 = tpu.memref_slice %arg46[%dma_wait3A_564, %dma_wait3A_565] : memref<10016x64xf32, #tpu.memory_space<vmem_shared>> -> memref<10016x64xf32, #tpu.memory_space<vmem_shared>>
      tpu.wait_indirect_dma semaphore(%arg31 : memref<!tpu.dma_semaphore, #tpu.memory_space<semaphore_mem>>) src(%arg11 : memref<64x64xf32, #tpu.memory_space<vmem>>) dst(%dma_wait3A_566 : memref<10016x64xf32, #tpu.memory_space<vmem_shared>>)
      %lt3A_567 = arith.constant 31 : i32
      %lt3A_568 = arith.cmpi slt, %add3A_117, %lt3A_567 : i32
      %convert_element_type3A_569 = arith.extui %lt3A_568 : i1 to i32
      %cond3A_570 = arith.constant 0 : i32
      %cond3A_571 = arith.cmpi ne, %convert_element_type3A_569, %cond3A_570 : i32
      scf.if %cond3A_571 {
        %dma_start3A_685 = arith.constant 0 : i32
        %dma_start3A_686 = arith.constant 0 : i32
        %dma_start3A_687 = tpu.memref_slice %arg7[%dma_start3A_685, %dma_start3A_686] : memref<10x64xi32, #tpu.memory_space<vmem>> -> memref<1x64xi32, #tpu.memory_space<vmem>>
        %dma_start3A_688 = tpu.memref_squeeze %dma_start3A_687 : memref<1x64xi32, #tpu.memory_space<vmem>> -> memref<64xi32, #tpu.memory_space<vmem>>
        %dma_start3A_689 = arith.constant 0 : i32
        %dma_start3A_690 = arith.constant 0 : i32
        %dma_start3A_691 = tpu.memref_slice %arg45[%dma_start3A_689, %dma_start3A_690] : memref<10016x64xf32, #tpu.memory_space<vmem_shared>> -> memref<10016x64xf32, #tpu.memory_space<vmem_shared>>
        tpu.enqueue_indirect_dma source(%dma_start3A_691 : memref<10016x64xf32, #tpu.memory_space<vmem_shared>>) target(%arg11 : memref<64x64xf32, #tpu.memory_space<vmem>>) offsets(%dma_start3A_688 : memref<64xi32, #tpu.memory_space<vmem>>) semaphore(%arg21 : memref<!tpu.dma_semaphore, #tpu.memory_space<semaphore_mem>>)
      } else {
      }
      %dma_wait3A_572 = arith.constant 1 : i32
      %dma_wait3A_573 = arith.constant 0 : i32
      %dma_wait3A_574 = tpu.memref_slice %arg10[%dma_wait3A_572, %dma_wait3A_573] : memref<10x64xi32, #tpu.memory_space<vmem>> -> memref<1x64xi32, #tpu.memory_space<vmem>>
      %dma_wait3A_575 = tpu.memref_squeeze %dma_wait3A_574 : memref<1x64xi32, #tpu.memory_space<vmem>> -> memref<64xi32, #tpu.memory_space<vmem>>
      %dma_wait3A_576 = arith.constant 0 : i32
      %dma_wait3A_577 = arith.constant 0 : i32
      %dma_wait3A_578 = tpu.memref_slice %arg46[%dma_wait3A_576, %dma_wait3A_577] : memref<10016x64xf32, #tpu.memory_space<vmem_shared>> -> memref<10016x64xf32, #tpu.memory_space<vmem_shared>>
      tpu.wait_indirect_dma semaphore(%arg32 : memref<!tpu.dma_semaphore, #tpu.memory_space<semaphore_mem>>) src(%arg12 : memref<64x64xf32, #tpu.memory_space<vmem>>) dst(%dma_wait3A_578 : memref<10016x64xf32, #tpu.memory_space<vmem_shared>>)
      %lt3A_579 = arith.constant 31 : i32
      %lt3A_580 = arith.cmpi slt, %add3A_117, %lt3A_579 : i32
      %convert_element_type3A_581 = arith.extui %lt3A_580 : i1 to i32
      %cond3A_582 = arith.constant 0 : i32
      %cond3A_583 = arith.cmpi ne, %convert_element_type3A_581, %cond3A_582 : i32
      scf.if %cond3A_583 {
        %dma_start3A_685 = arith.constant 1 : i32
        %dma_start3A_686 = arith.constant 0 : i32
        %dma_start3A_687 = tpu.memref_slice %arg7[%dma_start3A_685, %dma_start3A_686] : memref<10x64xi32, #tpu.memory_space<vmem>> -> memref<1x64xi32, #tpu.memory_space<vmem>>
        %dma_start3A_688 = tpu.memref_squeeze %dma_start3A_687 : memref<1x64xi32, #tpu.memory_space<vmem>> -> memref<64xi32, #tpu.memory_space<vmem>>
        %dma_start3A_689 = arith.constant 0 : i32
        %dma_start3A_690 = arith.constant 0 : i32
        %dma_start3A_691 = tpu.memref_slice %arg45[%dma_start3A_689, %dma_start3A_690] : memref<10016x64xf32, #tpu.memory_space<vmem_shared>> -> memref<10016x64xf32, #tpu.memory_space<vmem_shared>>
        tpu.enqueue_indirect_dma source(%dma_start3A_691 : memref<10016x64xf32, #tpu.memory_space<vmem_shared>>) target(%arg12 : memref<64x64xf32, #tpu.memory_space<vmem>>) offsets(%dma_start3A_688 : memref<64xi32, #tpu.memory_space<vmem>>) semaphore(%arg22 : memref<!tpu.dma_semaphore, #tpu.memory_space<semaphore_mem>>)
      } else {
      }
      %dma_wait3A_584 = arith.constant 2 : i32
      %dma_wait3A_585 = arith.constant 0 : i32
      %dma_wait3A_586 = tpu.memref_slice %arg10[%dma_wait3A_584, %dma_wait3A_585] : memref<10x64xi32, #tpu.memory_space<vmem>> -> memref<1x64xi32, #tpu.memory_space<vmem>>
      %dma_wait3A_587 = tpu.memref_squeeze %dma_wait3A_586 : memref<1x64xi32, #tpu.memory_space<vmem>> -> memref<64xi32, #tpu.memory_space<vmem>>
      %dma_wait3A_588 = arith.constant 0 : i32
      %dma_wait3A_589 = arith.constant 0 : i32
      %dma_wait3A_590 = tpu.memref_slice %arg46[%dma_wait3A_588, %dma_wait3A_589] : memref<10016x64xf32, #tpu.memory_space<vmem_shared>> -> memref<10016x64xf32, #tpu.memory_space<vmem_shared>>
      tpu.wait_indirect_dma semaphore(%arg33 : memref<!tpu.dma_semaphore, #tpu.memory_space<semaphore_mem>>) src(%arg13 : memref<64x64xf32, #tpu.memory_space<vmem>>) dst(%dma_wait3A_590 : memref<10016x64xf32, #tpu.memory_space<vmem_shared>>)
      %lt3A_591 = arith.constant 31 : i32
      %lt3A_592 = arith.cmpi slt, %add3A_117, %lt3A_591 : i32
      %convert_element_type3A_593 = arith.extui %lt3A_592 : i1 to i32
      %cond3A_594 = arith.constant 0 : i32
      %cond3A_595 = arith.cmpi ne, %convert_element_type3A_593, %cond3A_594 : i32
      scf.if %cond3A_595 {
        %dma_start3A_685 = arith.constant 2 : i32
        %dma_start3A_686 = arith.constant 0 : i32
        %dma_start3A_687 = tpu.memref_slice %arg7[%dma_start3A_685, %dma_start3A_686] : memref<10x64xi32, #tpu.memory_space<vmem>> -> memref<1x64xi32, #tpu.memory_space<vmem>>
        %dma_start3A_688 = tpu.memref_squeeze %dma_start3A_687 : memref<1x64xi32, #tpu.memory_space<vmem>> -> memref<64xi32, #tpu.memory_space<vmem>>
        %dma_start3A_689 = arith.constant 0 : i32
        %dma_start3A_690 = arith.constant 0 : i32
        %dma_start3A_691 = tpu.memref_slice %arg45[%dma_start3A_689, %dma_start3A_690] : memref<10016x64xf32, #tpu.memory_space<vmem_shared>> -> memref<10016x64xf32, #tpu.memory_space<vmem_shared>>
        tpu.enqueue_indirect_dma source(%dma_start3A_691 : memref<10016x64xf32, #tpu.memory_space<vmem_shared>>) target(%arg13 : memref<64x64xf32, #tpu.memory_space<vmem>>) offsets(%dma_start3A_688 : memref<64xi32, #tpu.memory_space<vmem>>) semaphore(%arg23 : memref<!tpu.dma_semaphore, #tpu.memory_space<semaphore_mem>>)
      } else {
      }
      %dma_wait3A_596 = arith.constant 3 : i32
      %dma_wait3A_597 = arith.constant 0 : i32
      %dma_wait3A_598 = tpu.memref_slice %arg10[%dma_wait3A_596, %dma_wait3A_597] : memref<10x64xi32, #tpu.memory_space<vmem>> -> memref<1x64xi32, #tpu.memory_space<vmem>>
      %dma_wait3A_599 = tpu.memref_squeeze %dma_wait3A_598 : memref<1x64xi32, #tpu.memory_space<vmem>> -> memref<64xi32, #tpu.memory_space<vmem>>
      %dma_wait3A_600 = arith.constant 0 : i32
      %dma_wait3A_601 = arith.constant 0 : i32
      %dma_wait3A_602 = tpu.memref_slice %arg46[%dma_wait3A_600, %dma_wait3A_601] : memref<10016x64xf32, #tpu.memory_space<vmem_shared>> -> memref<10016x64xf32, #tpu.memory_space<vmem_shared>>
      tpu.wait_indirect_dma semaphore(%arg34 : memref<!tpu.dma_semaphore, #tpu.memory_space<semaphore_mem>>) src(%arg14 : memref<64x64xf32, #tpu.memory_space<vmem>>) dst(%dma_wait3A_602 : memref<10016x64xf32, #tpu.memory_space<vmem_shared>>)
      %lt3A_603 = arith.constant 31 : i32
      %lt3A_604 = arith.cmpi slt, %add3A_117, %lt3A_603 : i32
      %convert_element_type3A_605 = arith.extui %lt3A_604 : i1 to i32
      %cond3A_606 = arith.constant 0 : i32
      %cond3A_607 = arith.cmpi ne, %convert_element_type3A_605, %cond3A_606 : i32
      scf.if %cond3A_607 {
        %dma_start3A_685 = arith.constant 3 : i32
        %dma_start3A_686 = arith.constant 0 : i32
        %dma_start3A_687 = tpu.memref_slice %arg7[%dma_start3A_685, %dma_start3A_686] : memref<10x64xi32, #tpu.memory_space<vmem>> -> memref<1x64xi32, #tpu.memory_space<vmem>>
        %dma_start3A_688 = tpu.memref_squeeze %dma_start3A_687 : memref<1x64xi32, #tpu.memory_space<vmem>> -> memref<64xi32, #tpu.memory_space<vmem>>
        %dma_start3A_689 = arith.constant 0 : i32
        %dma_start3A_690 = arith.constant 0 : i32
        %dma_start3A_691 = tpu.memref_slice %arg45[%dma_start3A_689, %dma_start3A_690] : memref<10016x64xf32, #tpu.memory_space<vmem_shared>> -> memref<10016x64xf32, #tpu.memory_space<vmem_shared>>
        tpu.enqueue_indirect_dma source(%dma_start3A_691 : memref<10016x64xf32, #tpu.memory_space<vmem_shared>>) target(%arg14 : memref<64x64xf32, #tpu.memory_space<vmem>>) offsets(%dma_start3A_688 : memref<64xi32, #tpu.memory_space<vmem>>) semaphore(%arg24 : memref<!tpu.dma_semaphore, #tpu.memory_space<semaphore_mem>>)
      } else {
      }
      %dma_wait3A_608 = arith.constant 4 : i32
      %dma_wait3A_609 = arith.constant 0 : i32
      %dma_wait3A_610 = tpu.memref_slice %arg10[%dma_wait3A_608, %dma_wait3A_609] : memref<10x64xi32, #tpu.memory_space<vmem>> -> memref<1x64xi32, #tpu.memory_space<vmem>>
      %dma_wait3A_611 = tpu.memref_squeeze %dma_wait3A_610 : memref<1x64xi32, #tpu.memory_space<vmem>> -> memref<64xi32, #tpu.memory_space<vmem>>
      %dma_wait3A_612 = arith.constant 0 : i32
      %dma_wait3A_613 = arith.constant 0 : i32
      %dma_wait3A_614 = tpu.memref_slice %arg46[%dma_wait3A_612, %dma_wait3A_613] : memref<10016x64xf32, #tpu.memory_space<vmem_shared>> -> memref<10016x64xf32, #tpu.memory_space<vmem_shared>>
      tpu.wait_indirect_dma semaphore(%arg35 : memref<!tpu.dma_semaphore, #tpu.memory_space<semaphore_mem>>) src(%arg15 : memref<64x64xf32, #tpu.memory_space<vmem>>) dst(%dma_wait3A_614 : memref<10016x64xf32, #tpu.memory_space<vmem_shared>>)
      %lt3A_615 = arith.constant 31 : i32
      %lt3A_616 = arith.cmpi slt, %add3A_117, %lt3A_615 : i32
      %convert_element_type3A_617 = arith.extui %lt3A_616 : i1 to i32
      %cond3A_618 = arith.constant 0 : i32
      %cond3A_619 = arith.cmpi ne, %convert_element_type3A_617, %cond3A_618 : i32
      scf.if %cond3A_619 {
        %dma_start3A_685 = arith.constant 4 : i32
        %dma_start3A_686 = arith.constant 0 : i32
        %dma_start3A_687 = tpu.memref_slice %arg7[%dma_start3A_685, %dma_start3A_686] : memref<10x64xi32, #tpu.memory_space<vmem>> -> memref<1x64xi32, #tpu.memory_space<vmem>>
        %dma_start3A_688 = tpu.memref_squeeze %dma_start3A_687 : memref<1x64xi32, #tpu.memory_space<vmem>> -> memref<64xi32, #tpu.memory_space<vmem>>
        %dma_start3A_689 = arith.constant 0 : i32
        %dma_start3A_690 = arith.constant 0 : i32
        %dma_start3A_691 = tpu.memref_slice %arg45[%dma_start3A_689, %dma_start3A_690] : memref<10016x64xf32, #tpu.memory_space<vmem_shared>> -> memref<10016x64xf32, #tpu.memory_space<vmem_shared>>
        tpu.enqueue_indirect_dma source(%dma_start3A_691 : memref<10016x64xf32, #tpu.memory_space<vmem_shared>>) target(%arg15 : memref<64x64xf32, #tpu.memory_space<vmem>>) offsets(%dma_start3A_688 : memref<64xi32, #tpu.memory_space<vmem>>) semaphore(%arg25 : memref<!tpu.dma_semaphore, #tpu.memory_space<semaphore_mem>>)
      } else {
      }
      %dma_wait3A_620 = arith.constant 5 : i32
      %dma_wait3A_621 = arith.constant 0 : i32
      %dma_wait3A_622 = tpu.memref_slice %arg10[%dma_wait3A_620, %dma_wait3A_621] : memref<10x64xi32, #tpu.memory_space<vmem>> -> memref<1x64xi32, #tpu.memory_space<vmem>>
      %dma_wait3A_623 = tpu.memref_squeeze %dma_wait3A_622 : memref<1x64xi32, #tpu.memory_space<vmem>> -> memref<64xi32, #tpu.memory_space<vmem>>
      %dma_wait3A_624 = arith.constant 0 : i32
      %dma_wait3A_625 = arith.constant 0 : i32
      %dma_wait3A_626 = tpu.memref_slice %arg46[%dma_wait3A_624, %dma_wait3A_625] : memref<10016x64xf32, #tpu.memory_space<vmem_shared>> -> memref<10016x64xf32, #tpu.memory_space<vmem_shared>>
      tpu.wait_indirect_dma semaphore(%arg36 : memref<!tpu.dma_semaphore, #tpu.memory_space<semaphore_mem>>) src(%arg16 : memref<64x64xf32, #tpu.memory_space<vmem>>) dst(%dma_wait3A_626 : memref<10016x64xf32, #tpu.memory_space<vmem_shared>>)
      %lt3A_627 = arith.constant 31 : i32
      %lt3A_628 = arith.cmpi slt, %add3A_117, %lt3A_627 : i32
      %convert_element_type3A_629 = arith.extui %lt3A_628 : i1 to i32
      %cond3A_630 = arith.constant 0 : i32
      %cond3A_631 = arith.cmpi ne, %convert_element_type3A_629, %cond3A_630 : i32
      scf.if %cond3A_631 {
        %dma_start3A_685 = arith.constant 5 : i32
        %dma_start3A_686 = arith.constant 0 : i32
        %dma_start3A_687 = tpu.memref_slice %arg7[%dma_start3A_685, %dma_start3A_686] : memref<10x64xi32, #tpu.memory_space<vmem>> -> memref<1x64xi32, #tpu.memory_space<vmem>>
        %dma_start3A_688 = tpu.memref_squeeze %dma_start3A_687 : memref<1x64xi32, #tpu.memory_space<vmem>> -> memref<64xi32, #tpu.memory_space<vmem>>
        %dma_start3A_689 = arith.constant 0 : i32
        %dma_start3A_690 = arith.constant 0 : i32
        %dma_start3A_691 = tpu.memref_slice %arg45[%dma_start3A_689, %dma_start3A_690] : memref<10016x64xf32, #tpu.memory_space<vmem_shared>> -> memref<10016x64xf32, #tpu.memory_space<vmem_shared>>
        tpu.enqueue_indirect_dma source(%dma_start3A_691 : memref<10016x64xf32, #tpu.memory_space<vmem_shared>>) target(%arg16 : memref<64x64xf32, #tpu.memory_space<vmem>>) offsets(%dma_start3A_688 : memref<64xi32, #tpu.memory_space<vmem>>) semaphore(%arg26 : memref<!tpu.dma_semaphore, #tpu.memory_space<semaphore_mem>>)
      } else {
      }
      %dma_wait3A_632 = arith.constant 6 : i32
      %dma_wait3A_633 = arith.constant 0 : i32
      %dma_wait3A_634 = tpu.memref_slice %arg10[%dma_wait3A_632, %dma_wait3A_633] : memref<10x64xi32, #tpu.memory_space<vmem>> -> memref<1x64xi32, #tpu.memory_space<vmem>>
      %dma_wait3A_635 = tpu.memref_squeeze %dma_wait3A_634 : memref<1x64xi32, #tpu.memory_space<vmem>> -> memref<64xi32, #tpu.memory_space<vmem>>
      %dma_wait3A_636 = arith.constant 0 : i32
      %dma_wait3A_637 = arith.constant 0 : i32
      %dma_wait3A_638 = tpu.memref_slice %arg46[%dma_wait3A_636, %dma_wait3A_637] : memref<10016x64xf32, #tpu.memory_space<vmem_shared>> -> memref<10016x64xf32, #tpu.memory_space<vmem_shared>>
      tpu.wait_indirect_dma semaphore(%arg37 : memref<!tpu.dma_semaphore, #tpu.memory_space<semaphore_mem>>) src(%arg17 : memref<64x64xf32, #tpu.memory_space<vmem>>) dst(%dma_wait3A_638 : memref<10016x64xf32, #tpu.memory_space<vmem_shared>>)
      %lt3A_639 = arith.constant 31 : i32
      %lt3A_640 = arith.cmpi slt, %add3A_117, %lt3A_639 : i32
      %convert_element_type3A_641 = arith.extui %lt3A_640 : i1 to i32
      %cond3A_642 = arith.constant 0 : i32
      %cond3A_643 = arith.cmpi ne, %convert_element_type3A_641, %cond3A_642 : i32
      scf.if %cond3A_643 {
        %dma_start3A_685 = arith.constant 6 : i32
        %dma_start3A_686 = arith.constant 0 : i32
        %dma_start3A_687 = tpu.memref_slice %arg7[%dma_start3A_685, %dma_start3A_686] : memref<10x64xi32, #tpu.memory_space<vmem>> -> memref<1x64xi32, #tpu.memory_space<vmem>>
        %dma_start3A_688 = tpu.memref_squeeze %dma_start3A_687 : memref<1x64xi32, #tpu.memory_space<vmem>> -> memref<64xi32, #tpu.memory_space<vmem>>
        %dma_start3A_689 = arith.constant 0 : i32
        %dma_start3A_690 = arith.constant 0 : i32
        %dma_start3A_691 = tpu.memref_slice %arg45[%dma_start3A_689, %dma_start3A_690] : memref<10016x64xf32, #tpu.memory_space<vmem_shared>> -> memref<10016x64xf32, #tpu.memory_space<vmem_shared>>
        tpu.enqueue_indirect_dma source(%dma_start3A_691 : memref<10016x64xf32, #tpu.memory_space<vmem_shared>>) target(%arg17 : memref<64x64xf32, #tpu.memory_space<vmem>>) offsets(%dma_start3A_688 : memref<64xi32, #tpu.memory_space<vmem>>) semaphore(%arg27 : memref<!tpu.dma_semaphore, #tpu.memory_space<semaphore_mem>>)
      } else {
      }
      %dma_wait3A_644 = arith.constant 7 : i32
      %dma_wait3A_645 = arith.constant 0 : i32
      %dma_wait3A_646 = tpu.memref_slice %arg10[%dma_wait3A_644, %dma_wait3A_645] : memref<10x64xi32, #tpu.memory_space<vmem>> -> memref<1x64xi32, #tpu.memory_space<vmem>>
      %dma_wait3A_647 = tpu.memref_squeeze %dma_wait3A_646 : memref<1x64xi32, #tpu.memory_space<vmem>> -> memref<64xi32, #tpu.memory_space<vmem>>
      %dma_wait3A_648 = arith.constant 0 : i32
      %dma_wait3A_649 = arith.constant 0 : i32
      %dma_wait3A_650 = tpu.memref_slice %arg46[%dma_wait3A_648, %dma_wait3A_649] : memref<10016x64xf32, #tpu.memory_space<vmem_shared>> -> memref<10016x64xf32, #tpu.memory_space<vmem_shared>>
      tpu.wait_indirect_dma semaphore(%arg38 : memref<!tpu.dma_semaphore, #tpu.memory_space<semaphore_mem>>) src(%arg18 : memref<64x64xf32, #tpu.memory_space<vmem>>) dst(%dma_wait3A_650 : memref<10016x64xf32, #tpu.memory_space<vmem_shared>>)
      %lt3A_651 = arith.constant 31 : i32
      %lt3A_652 = arith.cmpi slt, %add3A_117, %lt3A_651 : i32
      %convert_element_type3A_653 = arith.extui %lt3A_652 : i1 to i32
      %cond3A_654 = arith.constant 0 : i32
      %cond3A_655 = arith.cmpi ne, %convert_element_type3A_653, %cond3A_654 : i32
      scf.if %cond3A_655 {
        %dma_start3A_685 = arith.constant 7 : i32
        %dma_start3A_686 = arith.constant 0 : i32
        %dma_start3A_687 = tpu.memref_slice %arg7[%dma_start3A_685, %dma_start3A_686] : memref<10x64xi32, #tpu.memory_space<vmem>> -> memref<1x64xi32, #tpu.memory_space<vmem>>
        %dma_start3A_688 = tpu.memref_squeeze %dma_start3A_687 : memref<1x64xi32, #tpu.memory_space<vmem>> -> memref<64xi32, #tpu.memory_space<vmem>>
        %dma_start3A_689 = arith.constant 0 : i32
        %dma_start3A_690 = arith.constant 0 : i32
        %dma_start3A_691 = tpu.memref_slice %arg45[%dma_start3A_689, %dma_start3A_690] : memref<10016x64xf32, #tpu.memory_space<vmem_shared>> -> memref<10016x64xf32, #tpu.memory_space<vmem_shared>>
        tpu.enqueue_indirect_dma source(%dma_start3A_691 : memref<10016x64xf32, #tpu.memory_space<vmem_shared>>) target(%arg18 : memref<64x64xf32, #tpu.memory_space<vmem>>) offsets(%dma_start3A_688 : memref<64xi32, #tpu.memory_space<vmem>>) semaphore(%arg28 : memref<!tpu.dma_semaphore, #tpu.memory_space<semaphore_mem>>)
      } else {
      }
      %dma_wait3A_656 = arith.constant 8 : i32
      %dma_wait3A_657 = arith.constant 0 : i32
      %dma_wait3A_658 = tpu.memref_slice %arg10[%dma_wait3A_656, %dma_wait3A_657] : memref<10x64xi32, #tpu.memory_space<vmem>> -> memref<1x64xi32, #tpu.memory_space<vmem>>
      %dma_wait3A_659 = tpu.memref_squeeze %dma_wait3A_658 : memref<1x64xi32, #tpu.memory_space<vmem>> -> memref<64xi32, #tpu.memory_space<vmem>>
      %dma_wait3A_660 = arith.constant 0 : i32
      %dma_wait3A_661 = arith.constant 0 : i32
      %dma_wait3A_662 = tpu.memref_slice %arg46[%dma_wait3A_660, %dma_wait3A_661] : memref<10016x64xf32, #tpu.memory_space<vmem_shared>> -> memref<10016x64xf32, #tpu.memory_space<vmem_shared>>
      tpu.wait_indirect_dma semaphore(%arg39 : memref<!tpu.dma_semaphore, #tpu.memory_space<semaphore_mem>>) src(%arg19 : memref<64x64xf32, #tpu.memory_space<vmem>>) dst(%dma_wait3A_662 : memref<10016x64xf32, #tpu.memory_space<vmem_shared>>)
      %lt3A_663 = arith.constant 31 : i32
      %lt3A_664 = arith.cmpi slt, %add3A_117, %lt3A_663 : i32
      %convert_element_type3A_665 = arith.extui %lt3A_664 : i1 to i32
      %cond3A_666 = arith.constant 0 : i32
      %cond3A_667 = arith.cmpi ne, %convert_element_type3A_665, %cond3A_666 : i32
      scf.if %cond3A_667 {
        %dma_start3A_685 = arith.constant 8 : i32
        %dma_start3A_686 = arith.constant 0 : i32
        %dma_start3A_687 = tpu.memref_slice %arg7[%dma_start3A_685, %dma_start3A_686] : memref<10x64xi32, #tpu.memory_space<vmem>> -> memref<1x64xi32, #tpu.memory_space<vmem>>
        %dma_start3A_688 = tpu.memref_squeeze %dma_start3A_687 : memref<1x64xi32, #tpu.memory_space<vmem>> -> memref<64xi32, #tpu.memory_space<vmem>>
        %dma_start3A_689 = arith.constant 0 : i32
        %dma_start3A_690 = arith.constant 0 : i32
        %dma_start3A_691 = tpu.memref_slice %arg45[%dma_start3A_689, %dma_start3A_690] : memref<10016x64xf32, #tpu.memory_space<vmem_shared>> -> memref<10016x64xf32, #tpu.memory_space<vmem_shared>>
        tpu.enqueue_indirect_dma source(%dma_start3A_691 : memref<10016x64xf32, #tpu.memory_space<vmem_shared>>) target(%arg19 : memref<64x64xf32, #tpu.memory_space<vmem>>) offsets(%dma_start3A_688 : memref<64xi32, #tpu.memory_space<vmem>>) semaphore(%arg29 : memref<!tpu.dma_semaphore, #tpu.memory_space<semaphore_mem>>)
      } else {
      }
      %dma_wait3A_668 = arith.constant 9 : i32
      %dma_wait3A_669 = arith.constant 0 : i32
      %dma_wait3A_670 = tpu.memref_slice %arg10[%dma_wait3A_668, %dma_wait3A_669] : memref<10x64xi32, #tpu.memory_space<vmem>> -> memref<1x64xi32, #tpu.memory_space<vmem>>
      %dma_wait3A_671 = tpu.memref_squeeze %dma_wait3A_670 : memref<1x64xi32, #tpu.memory_space<vmem>> -> memref<64xi32, #tpu.memory_space<vmem>>
      %dma_wait3A_672 = arith.constant 0 : i32
      %dma_wait3A_673 = arith.constant 0 : i32
      %dma_wait3A_674 = tpu.memref_slice %arg46[%dma_wait3A_672, %dma_wait3A_673] : memref<10016x64xf32, #tpu.memory_space<vmem_shared>> -> memref<10016x64xf32, #tpu.memory_space<vmem_shared>>
      tpu.wait_indirect_dma semaphore(%arg40 : memref<!tpu.dma_semaphore, #tpu.memory_space<semaphore_mem>>) src(%arg20 : memref<64x64xf32, #tpu.memory_space<vmem>>) dst(%dma_wait3A_674 : memref<10016x64xf32, #tpu.memory_space<vmem_shared>>)
      %lt3A_675 = arith.constant 31 : i32
      %lt3A_676 = arith.cmpi slt, %add3A_117, %lt3A_675 : i32
      %convert_element_type3A_677 = arith.extui %lt3A_676 : i1 to i32
      %cond3A_678 = arith.constant 0 : i32
      %cond3A_679 = arith.cmpi ne, %convert_element_type3A_677, %cond3A_678 : i32
      scf.if %cond3A_679 {
        %dma_start3A_685 = arith.constant 9 : i32
        %dma_start3A_686 = arith.constant 0 : i32
        %dma_start3A_687 = tpu.memref_slice %arg7[%dma_start3A_685, %dma_start3A_686] : memref<10x64xi32, #tpu.memory_space<vmem>> -> memref<1x64xi32, #tpu.memory_space<vmem>>
        %dma_start3A_688 = tpu.memref_squeeze %dma_start3A_687 : memref<1x64xi32, #tpu.memory_space<vmem>> -> memref<64xi32, #tpu.memory_space<vmem>>
        %dma_start3A_689 = arith.constant 0 : i32
        %dma_start3A_690 = arith.constant 0 : i32
        %dma_start3A_691 = tpu.memref_slice %arg45[%dma_start3A_689, %dma_start3A_690] : memref<10016x64xf32, #tpu.memory_space<vmem_shared>> -> memref<10016x64xf32, #tpu.memory_space<vmem_shared>>
        tpu.enqueue_indirect_dma source(%dma_start3A_691 : memref<10016x64xf32, #tpu.memory_space<vmem_shared>>) target(%arg20 : memref<64x64xf32, #tpu.memory_space<vmem>>) offsets(%dma_start3A_688 : memref<64xi32, #tpu.memory_space<vmem>>) semaphore(%arg30 : memref<!tpu.dma_semaphore, #tpu.memory_space<semaphore_mem>>)
      } else {
      }
      %lt3A_680 = arith.constant 15 : i32
      %lt3A_681 = arith.cmpi slt, %scan3A_114, %lt3A_680 : i32
      %convert_element_type3A_682 = arith.extui %lt3A_681 : i1 to i32
      %cond3A_683 = arith.constant 0 : i32
      %cond3A_684 = arith.cmpi ne, %convert_element_type3A_682, %cond3A_683 : i32
      scf.if %cond3A_684 {
        %add3A_685 = arith.constant 2 : i32
        %add3A_686 = arith.addi %add3A_117, %add3A_685 : i32
        %mul3A_687 = arith.constant 10 : i32
        %mul3A_688 = arith.muli %add3A_686, %mul3A_687 : i32
        %dma_start3A_689 = arith.constant 0 : i32
        %dma_start3A_690 = arith.constant 0 : i32
        %dma_start3A_691 = tpu.memref_slice %arg4[%arg1, %dma_start3A_689, %dma_start3A_690] : memref<16x320x64xi32, #tpu.memory_space<hbm>> -> memref<1x320x64xi32, #tpu.memory_space<hbm>>
        %dma_start3A_692 = tpu.memref_squeeze %dma_start3A_691 : memref<1x320x64xi32, #tpu.memory_space<hbm>> -> memref<320x64xi32, #tpu.memory_space<hbm>>
        %dma_start3A_693 = arith.constant 0 : i32
        %dma_start3A_694 = tpu.memref_slice %dma_start3A_692[%mul3A_688, %dma_start3A_693] : memref<320x64xi32, #tpu.memory_space<hbm>> -> memref<10x64xi32, #tpu.memory_space<hbm>>
        %dma_start3A_695 = arith.constant 0 : i32
        %dma_start3A_696 = arith.constant 0 : i32
        %dma_start3A_697 = tpu.memref_slice %arg4[%arg1, %dma_start3A_695, %dma_start3A_696] : memref<16x320x64xi32, #tpu.memory_space<hbm>> -> memref<1x320x64xi32, #tpu.memory_space<hbm>>
        %dma_start3A_698 = tpu.memref_squeeze %dma_start3A_697 : memref<1x320x64xi32, #tpu.memory_space<hbm>> -> memref<320x64xi32, #tpu.memory_space<hbm>>
        %dma_start3A_699 = arith.constant 0 : i32
        %dma_start3A_700 = tpu.memref_slice %dma_start3A_698[%mul3A_688, %dma_start3A_699] : memref<320x64xi32, #tpu.memory_space<hbm>> -> memref<10x64xi32, #tpu.memory_space<hbm>>
        tpu.enqueue_dma source(%dma_start3A_700 : memref<10x64xi32, #tpu.memory_space<hbm>>) target(%arg10 : memref<10x64xi32, #tpu.memory_space<vmem>>) target_semaphore(%arg44 : memref<!tpu.dma_semaphore, #tpu.memory_space<semaphore_mem>>)
        %add3A_701 = arith.constant 2 : i32
        %add3A_702 = arith.addi %mul3A_116, %add3A_701 : i32
        %mul3A_703 = arith.constant 10 : i32
        %mul3A_704 = arith.muli %add3A_702, %mul3A_703 : i32
        %dma_wait3A_705 = arith.constant 0 : i32
        %dma_wait3A_706 = arith.constant 0 : i32
        %dma_wait3A_707 = tpu.memref_slice %arg4[%arg1, %dma_wait3A_705, %dma_wait3A_706] : memref<16x320x64xi32, #tpu.memory_space<hbm>> -> memref<1x320x64xi32, #tpu.memory_space<hbm>>
        %dma_wait3A_708 = tpu.memref_squeeze %dma_wait3A_707 : memref<1x320x64xi32, #tpu.memory_space<hbm>> -> memref<320x64xi32, #tpu.memory_space<hbm>>
        %dma_wait3A_709 = arith.constant 0 : i32
        %dma_wait3A_710 = tpu.memref_slice %dma_wait3A_708[%mul3A_704, %dma_wait3A_709] : memref<320x64xi32, #tpu.memory_space<hbm>> -> memref<10x64xi32, #tpu.memory_space<hbm>>
        %dma_wait3A_711 = arith.constant 0 : i32
        %dma_wait3A_712 = arith.constant 0 : i32
        %dma_wait3A_713 = tpu.memref_slice %arg4[%arg1, %dma_wait3A_711, %dma_wait3A_712] : memref<16x320x64xi32, #tpu.memory_space<hbm>> -> memref<1x320x64xi32, #tpu.memory_space<hbm>>
        %dma_wait3A_714 = tpu.memref_squeeze %dma_wait3A_713 : memref<1x320x64xi32, #tpu.memory_space<hbm>> -> memref<320x64xi32, #tpu.memory_space<hbm>>
        %dma_wait3A_715 = arith.constant 0 : i32
        %dma_wait3A_716 = tpu.memref_slice %dma_wait3A_714[%mul3A_704, %dma_wait3A_715] : memref<320x64xi32, #tpu.memory_space<hbm>> -> memref<10x64xi32, #tpu.memory_space<hbm>>
        tpu.wait_dma2 semaphore(%arg42 : memref<!tpu.dma_semaphore, #tpu.memory_space<semaphore_mem>>) src(%dma_wait3A_716 : memref<10x64xi32, #tpu.memory_space<hbm>>) dst(%arg8 : memref<10x64xi32, #tpu.memory_space<vmem>>)
      } else {
      }
    }
    %scan3A_108 = arith.constant 16 : i32
    %barrier3A_109 = arith.constant 0 : index
    tpu.barrier barrier_id(%barrier3A_109)
    %mul3A_110 = arith.constant 626 : i32
    %mul3A_111 = arith.muli %arg1, %mul3A_110 : i32
    %mul3A_112 = arith.constant 626 : i32
    %mul3A_113 = arith.muli %arg1, %mul3A_112 : i32
    "tpu.region"() ({
      %run_scoped3A = tpu.sem_alloc : memref<!tpu.dma_semaphore, #tpu.memory_space<semaphore_mem>>
      %dma_start3A_114 = arith.constant 0 : i32
      %dma_start3A_115 = arith.constant 0 : i32
      %dma_start3A_116 = tpu.memref_slice %arg6[%arg0, %dma_start3A_114, %dma_start3A_115] : memref<2x10016x64xf32, #tpu.memory_space<hbm>> -> memref<1x10016x64xf32, #tpu.memory_space<hbm>>
      %dma_start3A_117 = tpu.memref_squeeze %dma_start3A_116 : memref<1x10016x64xf32, #tpu.memory_space<hbm>> -> memref<10016x64xf32, #tpu.memory_space<hbm>>
      %dma_start3A_118 = arith.constant 0 : i32
      %dma_start3A_119 = tpu.memref_slice %dma_start3A_117[%mul3A_113, %dma_start3A_118] : memref<10016x64xf32, #tpu.memory_space<hbm>> -> memref<626x64xf32, #tpu.memory_space<hbm>>
      %dma_start3A_120 = arith.constant 0 : i32
      %dma_start3A_121 = tpu.memref_slice %arg46[%mul3A_111, %dma_start3A_120] : memref<10016x64xf32, #tpu.memory_space<vmem_shared>> -> memref<626x64xf32, #tpu.memory_space<vmem_shared>>
      tpu.enqueue_dma source(%dma_start3A_121 : memref<626x64xf32, #tpu.memory_space<vmem_shared>>) target(%dma_start3A_119 : memref<626x64xf32, #tpu.memory_space<hbm>>) target_semaphore(%run_scoped3A : memref<!tpu.dma_semaphore, #tpu.memory_space<semaphore_mem>>)
      %dma_wait3A = arith.constant 0 : i32
      %dma_wait3A_122 = arith.constant 0 : i32
      %dma_wait3A_123 = tpu.memref_slice %arg6[%arg0, %dma_wait3A, %dma_wait3A_122] : memref<2x10016x64xf32, #tpu.memory_space<hbm>> -> memref<1x10016x64xf32, #tpu.memory_space<hbm>>
      %dma_wait3A_124 = tpu.memref_squeeze %dma_wait3A_123 : memref<1x10016x64xf32, #tpu.memory_space<hbm>> -> memref<10016x64xf32, #tpu.memory_space<hbm>>
      %dma_wait3A_125 = arith.constant 0 : i32
      %dma_wait3A_126 = tpu.memref_slice %dma_wait3A_124[%mul3A_113, %dma_wait3A_125] : memref<10016x64xf32, #tpu.memory_space<hbm>> -> memref<626x64xf32, #tpu.memory_space<hbm>>
      %dma_wait3A_127 = arith.constant 0 : i32
      %dma_wait3A_128 = tpu.memref_slice %arg46[%mul3A_111, %dma_wait3A_127] : memref<10016x64xf32, #tpu.memory_space<vmem_shared>> -> memref<626x64xf32, #tpu.memory_space<vmem_shared>>
      tpu.wait_dma2 semaphore(%run_scoped3A : memref<!tpu.dma_semaphore, #tpu.memory_space<semaphore_mem>>) src(%dma_wait3A_128 : memref<626x64xf32, #tpu.memory_space<vmem_shared>>) dst(%dma_wait3A_126 : memref<626x64xf32, #tpu.memory_space<hbm>>)
      tpu.yield
    }) : () -> ()
    return
  }
}

#map = affine_map<(d0, d1) -> (0, 0)>
#map1 = affine_map<(d0, d1) -> (0, 0, 0)>
module attributes {stable_mosaic.version = 14 : i64} {
  func.func @_agg16(%arg0: i32, %arg1: i32, %arg2: memref<10000x16xf32, #tpu.memory_space<hbm>>, %arg3: memref<32x160x64xi32, #tpu.memory_space<hbm>>, %arg4: memref<32x160x64xi32, #tpu.memory_space<hbm>>, %arg5: memref<626x16xf32, #tpu.memory_space<hbm>>, %arg6: memref<2x10016x16xf32, #tpu.memory_space<hbm>>, %arg7: memref<160x64xi32, #tpu.memory_space<vmem>>, %arg8: memref<160x64xi32, #tpu.memory_space<vmem>>, %arg9: memref<64x16xf32, #tpu.memory_space<vmem>>, %arg10: memref<64x16xf32, #tpu.memory_space<vmem>>, %arg11: memref<64x16xf32, #tpu.memory_space<vmem>>, %arg12: memref<64x16xf32, #tpu.memory_space<vmem>>, %arg13: memref<64x16xf32, #tpu.memory_space<vmem>>, %arg14: memref<64x16xf32, #tpu.memory_space<vmem>>, %arg15: memref<64x16xf32, #tpu.memory_space<vmem>>, %arg16: memref<64x16xf32, #tpu.memory_space<vmem>>, %arg17: memref<64x16xf32, #tpu.memory_space<vmem>>, %arg18: memref<64x16xf32, #tpu.memory_space<vmem>>, %arg19: memref<!tpu.dma_semaphore, #tpu.memory_space<semaphore_mem>>, %arg20: memref<!tpu.dma_semaphore, #tpu.memory_space<semaphore_mem>>, %arg21: memref<!tpu.dma_semaphore, #tpu.memory_space<semaphore_mem>>, %arg22: memref<!tpu.dma_semaphore, #tpu.memory_space<semaphore_mem>>, %arg23: memref<!tpu.dma_semaphore, #tpu.memory_space<semaphore_mem>>, %arg24: memref<!tpu.dma_semaphore, #tpu.memory_space<semaphore_mem>>, %arg25: memref<!tpu.dma_semaphore, #tpu.memory_space<semaphore_mem>>, %arg26: memref<!tpu.dma_semaphore, #tpu.memory_space<semaphore_mem>>, %arg27: memref<!tpu.dma_semaphore, #tpu.memory_space<semaphore_mem>>, %arg28: memref<!tpu.dma_semaphore, #tpu.memory_space<semaphore_mem>>, %arg29: memref<!tpu.dma_semaphore, #tpu.memory_space<semaphore_mem>>, %arg30: memref<!tpu.dma_semaphore, #tpu.memory_space<semaphore_mem>>, %arg31: memref<!tpu.dma_semaphore, #tpu.memory_space<semaphore_mem>>, %arg32: memref<!tpu.dma_semaphore, #tpu.memory_space<semaphore_mem>>, %arg33: memref<!tpu.dma_semaphore, #tpu.memory_space<semaphore_mem>>, %arg34: memref<!tpu.dma_semaphore, #tpu.memory_space<semaphore_mem>>, %arg35: memref<!tpu.dma_semaphore, #tpu.memory_space<semaphore_mem>>, %arg36: memref<!tpu.dma_semaphore, #tpu.memory_space<semaphore_mem>>, %arg37: memref<!tpu.dma_semaphore, #tpu.memory_space<semaphore_mem>>, %arg38: memref<!tpu.dma_semaphore, #tpu.memory_space<semaphore_mem>>, %arg39: memref<10016x16xf32, #tpu.memory_space<vmem_shared>>, %arg40: memref<10016x16xf32, #tpu.memory_space<vmem_shared>>) attributes {dimension_semantics = [#tpu.dimension_semantics<core_parallel>, #tpu.dimension_semantics<subcore_parallel>], iteration_bounds = array<i64: 2, 16>, scalar_prefetch = 0 : i64, scratch_operands = 34 : i64, tpu.core_type = #tpu.core_type<sc_vector_subcore>, window_params = [{transform_indices = #map}, {transform_indices = #map1}, {transform_indices = #map1}, {transform_indices = #map}, {transform_indices = #map1}]} {
    %mul3A = arith.constant 16 : i32
    %mul3A_0 = arith.muli %arg0, %mul3A : i32
    %add3A = arith.addi %mul3A_0, %arg1 : i32
    "tpu.region"() ({
      %run_scoped3A = tpu.sem_alloc : memref<!tpu.dma_semaphore, #tpu.memory_space<semaphore_mem>>
      %dma_start3A_88 = arith.constant 0 : i32
      %dma_start3A_89 = arith.constant 0 : i32
      %dma_start3A_90 = tpu.memref_slice %arg3[%add3A, %dma_start3A_88, %dma_start3A_89] : memref<32x160x64xi32, #tpu.memory_space<hbm>> -> memref<1x160x64xi32, #tpu.memory_space<hbm>>
      %dma_start3A_91 = tpu.memref_squeeze %dma_start3A_90 : memref<1x160x64xi32, #tpu.memory_space<hbm>> -> memref<160x64xi32, #tpu.memory_space<hbm>>
      %dma_start3A_92 = arith.constant 0 : i32
      %dma_start3A_93 = arith.constant 0 : i32
      %dma_start3A_94 = tpu.memref_slice %arg3[%add3A, %dma_start3A_92, %dma_start3A_93] : memref<32x160x64xi32, #tpu.memory_space<hbm>> -> memref<1x160x64xi32, #tpu.memory_space<hbm>>
      %dma_start3A_95 = tpu.memref_squeeze %dma_start3A_94 : memref<1x160x64xi32, #tpu.memory_space<hbm>> -> memref<160x64xi32, #tpu.memory_space<hbm>>
      tpu.enqueue_dma source(%dma_start3A_95 : memref<160x64xi32, #tpu.memory_space<hbm>>) target(%arg7 : memref<160x64xi32, #tpu.memory_space<vmem>>) target_semaphore(%run_scoped3A : memref<!tpu.dma_semaphore, #tpu.memory_space<semaphore_mem>>)
      %dma_wait3A = arith.constant 0 : i32
      %dma_wait3A_96 = arith.constant 0 : i32
      %dma_wait3A_97 = tpu.memref_slice %arg3[%add3A, %dma_wait3A, %dma_wait3A_96] : memref<32x160x64xi32, #tpu.memory_space<hbm>> -> memref<1x160x64xi32, #tpu.memory_space<hbm>>
      %dma_wait3A_98 = tpu.memref_squeeze %dma_wait3A_97 : memref<1x160x64xi32, #tpu.memory_space<hbm>> -> memref<160x64xi32, #tpu.memory_space<hbm>>
      %dma_wait3A_99 = arith.constant 0 : i32
      %dma_wait3A_100 = arith.constant 0 : i32
      %dma_wait3A_101 = tpu.memref_slice %arg3[%add3A, %dma_wait3A_99, %dma_wait3A_100] : memref<32x160x64xi32, #tpu.memory_space<hbm>> -> memref<1x160x64xi32, #tpu.memory_space<hbm>>
      %dma_wait3A_102 = tpu.memref_squeeze %dma_wait3A_101 : memref<1x160x64xi32, #tpu.memory_space<hbm>> -> memref<160x64xi32, #tpu.memory_space<hbm>>
      tpu.wait_dma2 semaphore(%run_scoped3A : memref<!tpu.dma_semaphore, #tpu.memory_space<semaphore_mem>>) src(%dma_wait3A_102 : memref<160x64xi32, #tpu.memory_space<hbm>>) dst(%arg7 : memref<160x64xi32, #tpu.memory_space<vmem>>)
      tpu.yield
    }) : () -> ()
    "tpu.region"() ({
      %run_scoped3A = tpu.sem_alloc : memref<!tpu.dma_semaphore, #tpu.memory_space<semaphore_mem>>
      %dma_start3A_88 = arith.constant 0 : i32
      %dma_start3A_89 = arith.constant 0 : i32
      %dma_start3A_90 = tpu.memref_slice %arg4[%add3A, %dma_start3A_88, %dma_start3A_89] : memref<32x160x64xi32, #tpu.memory_space<hbm>> -> memref<1x160x64xi32, #tpu.memory_space<hbm>>
      %dma_start3A_91 = tpu.memref_squeeze %dma_start3A_90 : memref<1x160x64xi32, #tpu.memory_space<hbm>> -> memref<160x64xi32, #tpu.memory_space<hbm>>
      %dma_start3A_92 = arith.constant 0 : i32
      %dma_start3A_93 = arith.constant 0 : i32
      %dma_start3A_94 = tpu.memref_slice %arg4[%add3A, %dma_start3A_92, %dma_start3A_93] : memref<32x160x64xi32, #tpu.memory_space<hbm>> -> memref<1x160x64xi32, #tpu.memory_space<hbm>>
      %dma_start3A_95 = tpu.memref_squeeze %dma_start3A_94 : memref<1x160x64xi32, #tpu.memory_space<hbm>> -> memref<160x64xi32, #tpu.memory_space<hbm>>
      tpu.enqueue_dma source(%dma_start3A_95 : memref<160x64xi32, #tpu.memory_space<hbm>>) target(%arg8 : memref<160x64xi32, #tpu.memory_space<vmem>>) target_semaphore(%run_scoped3A : memref<!tpu.dma_semaphore, #tpu.memory_space<semaphore_mem>>)
      %dma_wait3A = arith.constant 0 : i32
      %dma_wait3A_96 = arith.constant 0 : i32
      %dma_wait3A_97 = tpu.memref_slice %arg4[%add3A, %dma_wait3A, %dma_wait3A_96] : memref<32x160x64xi32, #tpu.memory_space<hbm>> -> memref<1x160x64xi32, #tpu.memory_space<hbm>>
      %dma_wait3A_98 = tpu.memref_squeeze %dma_wait3A_97 : memref<1x160x64xi32, #tpu.memory_space<hbm>> -> memref<160x64xi32, #tpu.memory_space<hbm>>
      %dma_wait3A_99 = arith.constant 0 : i32
      %dma_wait3A_100 = arith.constant 0 : i32
      %dma_wait3A_101 = tpu.memref_slice %arg4[%add3A, %dma_wait3A_99, %dma_wait3A_100] : memref<32x160x64xi32, #tpu.memory_space<hbm>> -> memref<1x160x64xi32, #tpu.memory_space<hbm>>
      %dma_wait3A_102 = tpu.memref_squeeze %dma_wait3A_101 : memref<1x160x64xi32, #tpu.memory_space<hbm>> -> memref<160x64xi32, #tpu.memory_space<hbm>>
      tpu.wait_dma2 semaphore(%run_scoped3A : memref<!tpu.dma_semaphore, #tpu.memory_space<semaphore_mem>>) src(%dma_wait3A_102 : memref<160x64xi32, #tpu.memory_space<hbm>>) dst(%arg8 : memref<160x64xi32, #tpu.memory_space<vmem>>)
      tpu.yield
    }) : () -> ()
    %mul3A_1 = arith.constant 626 : i32
    %mul3A_2 = arith.muli %arg1, %mul3A_1 : i32
    "tpu.region"() ({
      %run_scoped3A = tpu.sem_alloc : memref<!tpu.dma_semaphore, #tpu.memory_space<semaphore_mem>>
      %dma_start3A_88 = arith.constant 0 : i32
      %dma_start3A_89 = tpu.memref_slice %arg39[%mul3A_2, %dma_start3A_88] : memref<10016x16xf32, #tpu.memory_space<vmem_shared>> -> memref<626x16xf32, #tpu.memory_space<vmem_shared>>
      tpu.enqueue_dma source(%arg5 : memref<626x16xf32, #tpu.memory_space<hbm>>) target(%dma_start3A_89 : memref<626x16xf32, #tpu.memory_space<vmem_shared>>) target_semaphore(%run_scoped3A : memref<!tpu.dma_semaphore, #tpu.memory_space<semaphore_mem>>)
      %dma_wait3A = arith.constant 0 : i32
      %dma_wait3A_90 = tpu.memref_slice %arg39[%mul3A_2, %dma_wait3A] : memref<10016x16xf32, #tpu.memory_space<vmem_shared>> -> memref<626x16xf32, #tpu.memory_space<vmem_shared>>
      tpu.wait_dma2 semaphore(%run_scoped3A : memref<!tpu.dma_semaphore, #tpu.memory_space<semaphore_mem>>) src(%arg5 : memref<626x16xf32, #tpu.memory_space<hbm>>) dst(%dma_wait3A_90 : memref<626x16xf32, #tpu.memory_space<vmem_shared>>)
      tpu.yield
    }) : () -> ()
    %lt3A = arith.constant 15 : i32
    %lt3A_3 = arith.cmpi slt, %arg1, %lt3A : i32
    %convert_element_type3A = arith.extui %lt3A_3 : i1 to i32
    %cond3A = arith.constant 0 : i32
    %cond3A_4 = arith.cmpi ne, %convert_element_type3A, %cond3A : i32
    scf.if %cond3A_4 {
      %mul3A_88 = arith.constant 626 : i32
      %mul3A_89 = arith.muli %arg1, %mul3A_88 : i32
      %mul3A_90 = arith.constant 626 : i32
      %mul3A_91 = arith.muli %arg1, %mul3A_90 : i32
      "tpu.region"() ({
        %run_scoped3A = tpu.sem_alloc : memref<!tpu.dma_semaphore, #tpu.memory_space<semaphore_mem>>
        %dma_start3A_92 = arith.constant 0 : i32
        %dma_start3A_93 = tpu.memref_slice %arg40[%mul3A_91, %dma_start3A_92] : memref<10016x16xf32, #tpu.memory_space<vmem_shared>> -> memref<626x16xf32, #tpu.memory_space<vmem_shared>>
        %dma_start3A_94 = arith.constant 0 : i32
        %dma_start3A_95 = tpu.memref_slice %arg2[%mul3A_89, %dma_start3A_94] : memref<10000x16xf32, #tpu.memory_space<hbm>> -> memref<626x16xf32, #tpu.memory_space<hbm>>
        tpu.enqueue_dma source(%dma_start3A_95 : memref<626x16xf32, #tpu.memory_space<hbm>>) target(%dma_start3A_93 : memref<626x16xf32, #tpu.memory_space<vmem_shared>>) target_semaphore(%run_scoped3A : memref<!tpu.dma_semaphore, #tpu.memory_space<semaphore_mem>>)
        %dma_wait3A = arith.constant 0 : i32
        %dma_wait3A_96 = tpu.memref_slice %arg40[%mul3A_91, %dma_wait3A] : memref<10016x16xf32, #tpu.memory_space<vmem_shared>> -> memref<626x16xf32, #tpu.memory_space<vmem_shared>>
        %dma_wait3A_97 = arith.constant 0 : i32
        %dma_wait3A_98 = tpu.memref_slice %arg2[%mul3A_89, %dma_wait3A_97] : memref<10000x16xf32, #tpu.memory_space<hbm>> -> memref<626x16xf32, #tpu.memory_space<hbm>>
        tpu.wait_dma2 semaphore(%run_scoped3A : memref<!tpu.dma_semaphore, #tpu.memory_space<semaphore_mem>>) src(%dma_wait3A_98 : memref<626x16xf32, #tpu.memory_space<hbm>>) dst(%dma_wait3A_96 : memref<626x16xf32, #tpu.memory_space<vmem_shared>>)
        tpu.yield
      }) : () -> ()
    } else {
    }
    %eq3A = arith.constant 15 : i32
    %eq3A_5 = arith.cmpi eq, %arg1, %eq3A : i32
    %convert_element_type3A_6 = arith.extui %eq3A_5 : i1 to i32
    %cond3A_7 = arith.constant 0 : i32
    %cond3A_8 = arith.cmpi ne, %convert_element_type3A_6, %cond3A_7 : i32
    scf.if %cond3A_8 {
      "tpu.region"() ({
        %run_scoped3A = tpu.sem_alloc : memref<!tpu.dma_semaphore, #tpu.memory_space<semaphore_mem>>
        %dma_start3A_88 = arith.constant 9390 : i32
        %dma_start3A_89 = arith.constant 0 : i32
        %dma_start3A_90 = tpu.memref_slice %arg40[%dma_start3A_88, %dma_start3A_89] : memref<10016x16xf32, #tpu.memory_space<vmem_shared>> -> memref<610x16xf32, #tpu.memory_space<vmem_shared>>
        %dma_start3A_91 = arith.constant 9390 : i32
        %dma_start3A_92 = arith.constant 0 : i32
        %dma_start3A_93 = tpu.memref_slice %arg2[%dma_start3A_91, %dma_start3A_92] : memref<10000x16xf32, #tpu.memory_space<hbm>> -> memref<610x16xf32, #tpu.memory_space<hbm>>
        tpu.enqueue_dma source(%dma_start3A_93 : memref<610x16xf32, #tpu.memory_space<hbm>>) target(%dma_start3A_90 : memref<610x16xf32, #tpu.memory_space<vmem_shared>>) target_semaphore(%run_scoped3A : memref<!tpu.dma_semaphore, #tpu.memory_space<semaphore_mem>>)
        %dma_wait3A = arith.constant 9390 : i32
        %dma_wait3A_94 = arith.constant 0 : i32
        %dma_wait3A_95 = tpu.memref_slice %arg40[%dma_wait3A, %dma_wait3A_94] : memref<10016x16xf32, #tpu.memory_space<vmem_shared>> -> memref<610x16xf32, #tpu.memory_space<vmem_shared>>
        %dma_wait3A_96 = arith.constant 9390 : i32
        %dma_wait3A_97 = arith.constant 0 : i32
        %dma_wait3A_98 = tpu.memref_slice %arg2[%dma_wait3A_96, %dma_wait3A_97] : memref<10000x16xf32, #tpu.memory_space<hbm>> -> memref<610x16xf32, #tpu.memory_space<hbm>>
        tpu.wait_dma2 semaphore(%run_scoped3A : memref<!tpu.dma_semaphore, #tpu.memory_space<semaphore_mem>>) src(%dma_wait3A_98 : memref<610x16xf32, #tpu.memory_space<hbm>>) dst(%dma_wait3A_95 : memref<610x16xf32, #tpu.memory_space<vmem_shared>>)
        tpu.yield
      }) : () -> ()
    } else {
    }
    %barrier3A = arith.constant 0 : index
    tpu.barrier barrier_id(%barrier3A)
    %dma_start3A = arith.constant 0 : i32
    %dma_start3A_9 = arith.constant 0 : i32
    %dma_start3A_10 = tpu.memref_slice %arg7[%dma_start3A, %dma_start3A_9] : memref<160x64xi32, #tpu.memory_space<vmem>> -> memref<1x64xi32, #tpu.memory_space<vmem>>
    %dma_start3A_11 = tpu.memref_squeeze %dma_start3A_10 : memref<1x64xi32, #tpu.memory_space<vmem>> -> memref<64xi32, #tpu.memory_space<vmem>>
    %dma_start3A_12 = arith.constant 0 : i32
    %dma_start3A_13 = arith.constant 0 : i32
    %dma_start3A_14 = tpu.memref_slice %arg40[%dma_start3A_12, %dma_start3A_13] : memref<10016x16xf32, #tpu.memory_space<vmem_shared>> -> memref<10016x16xf32, #tpu.memory_space<vmem_shared>>
    tpu.enqueue_indirect_dma source(%dma_start3A_14 : memref<10016x16xf32, #tpu.memory_space<vmem_shared>>) target(%arg9 : memref<64x16xf32, #tpu.memory_space<vmem>>) offsets(%dma_start3A_11 : memref<64xi32, #tpu.memory_space<vmem>>) semaphore(%arg19 : memref<!tpu.dma_semaphore, #tpu.memory_space<semaphore_mem>>)
    %dma_start3A_15 = arith.constant 1 : i32
    %dma_start3A_16 = arith.constant 0 : i32
    %dma_start3A_17 = tpu.memref_slice %arg7[%dma_start3A_15, %dma_start3A_16] : memref<160x64xi32, #tpu.memory_space<vmem>> -> memref<1x64xi32, #tpu.memory_space<vmem>>
    %dma_start3A_18 = tpu.memref_squeeze %dma_start3A_17 : memref<1x64xi32, #tpu.memory_space<vmem>> -> memref<64xi32, #tpu.memory_space<vmem>>
    %dma_start3A_19 = arith.constant 0 : i32
    %dma_start3A_20 = arith.constant 0 : i32
    %dma_start3A_21 = tpu.memref_slice %arg40[%dma_start3A_19, %dma_start3A_20] : memref<10016x16xf32, #tpu.memory_space<vmem_shared>> -> memref<10016x16xf32, #tpu.memory_space<vmem_shared>>
    tpu.enqueue_indirect_dma source(%dma_start3A_21 : memref<10016x16xf32, #tpu.memory_space<vmem_shared>>) target(%arg10 : memref<64x16xf32, #tpu.memory_space<vmem>>) offsets(%dma_start3A_18 : memref<64xi32, #tpu.memory_space<vmem>>) semaphore(%arg20 : memref<!tpu.dma_semaphore, #tpu.memory_space<semaphore_mem>>)
    %dma_start3A_22 = arith.constant 2 : i32
    %dma_start3A_23 = arith.constant 0 : i32
    %dma_start3A_24 = tpu.memref_slice %arg7[%dma_start3A_22, %dma_start3A_23] : memref<160x64xi32, #tpu.memory_space<vmem>> -> memref<1x64xi32, #tpu.memory_space<vmem>>
    %dma_start3A_25 = tpu.memref_squeeze %dma_start3A_24 : memref<1x64xi32, #tpu.memory_space<vmem>> -> memref<64xi32, #tpu.memory_space<vmem>>
    %dma_start3A_26 = arith.constant 0 : i32
    %dma_start3A_27 = arith.constant 0 : i32
    %dma_start3A_28 = tpu.memref_slice %arg40[%dma_start3A_26, %dma_start3A_27] : memref<10016x16xf32, #tpu.memory_space<vmem_shared>> -> memref<10016x16xf32, #tpu.memory_space<vmem_shared>>
    tpu.enqueue_indirect_dma source(%dma_start3A_28 : memref<10016x16xf32, #tpu.memory_space<vmem_shared>>) target(%arg11 : memref<64x16xf32, #tpu.memory_space<vmem>>) offsets(%dma_start3A_25 : memref<64xi32, #tpu.memory_space<vmem>>) semaphore(%arg21 : memref<!tpu.dma_semaphore, #tpu.memory_space<semaphore_mem>>)
    %dma_start3A_29 = arith.constant 3 : i32
    %dma_start3A_30 = arith.constant 0 : i32
    %dma_start3A_31 = tpu.memref_slice %arg7[%dma_start3A_29, %dma_start3A_30] : memref<160x64xi32, #tpu.memory_space<vmem>> -> memref<1x64xi32, #tpu.memory_space<vmem>>
    %dma_start3A_32 = tpu.memref_squeeze %dma_start3A_31 : memref<1x64xi32, #tpu.memory_space<vmem>> -> memref<64xi32, #tpu.memory_space<vmem>>
    %dma_start3A_33 = arith.constant 0 : i32
    %dma_start3A_34 = arith.constant 0 : i32
    %dma_start3A_35 = tpu.memref_slice %arg40[%dma_start3A_33, %dma_start3A_34] : memref<10016x16xf32, #tpu.memory_space<vmem_shared>> -> memref<10016x16xf32, #tpu.memory_space<vmem_shared>>
    tpu.enqueue_indirect_dma source(%dma_start3A_35 : memref<10016x16xf32, #tpu.memory_space<vmem_shared>>) target(%arg12 : memref<64x16xf32, #tpu.memory_space<vmem>>) offsets(%dma_start3A_32 : memref<64xi32, #tpu.memory_space<vmem>>) semaphore(%arg22 : memref<!tpu.dma_semaphore, #tpu.memory_space<semaphore_mem>>)
    %dma_start3A_36 = arith.constant 4 : i32
    %dma_start3A_37 = arith.constant 0 : i32
    %dma_start3A_38 = tpu.memref_slice %arg7[%dma_start3A_36, %dma_start3A_37] : memref<160x64xi32, #tpu.memory_space<vmem>> -> memref<1x64xi32, #tpu.memory_space<vmem>>
    %dma_start3A_39 = tpu.memref_squeeze %dma_start3A_38 : memref<1x64xi32, #tpu.memory_space<vmem>> -> memref<64xi32, #tpu.memory_space<vmem>>
    %dma_start3A_40 = arith.constant 0 : i32
    %dma_start3A_41 = arith.constant 0 : i32
    %dma_start3A_42 = tpu.memref_slice %arg40[%dma_start3A_40, %dma_start3A_41] : memref<10016x16xf32, #tpu.memory_space<vmem_shared>> -> memref<10016x16xf32, #tpu.memory_space<vmem_shared>>
    tpu.enqueue_indirect_dma source(%dma_start3A_42 : memref<10016x16xf32, #tpu.memory_space<vmem_shared>>) target(%arg13 : memref<64x16xf32, #tpu.memory_space<vmem>>) offsets(%dma_start3A_39 : memref<64xi32, #tpu.memory_space<vmem>>) semaphore(%arg23 : memref<!tpu.dma_semaphore, #tpu.memory_space<semaphore_mem>>)
    %dma_start3A_43 = arith.constant 5 : i32
    %dma_start3A_44 = arith.constant 0 : i32
    %dma_start3A_45 = tpu.memref_slice %arg7[%dma_start3A_43, %dma_start3A_44] : memref<160x64xi32, #tpu.memory_space<vmem>> -> memref<1x64xi32, #tpu.memory_space<vmem>>
    %dma_start3A_46 = tpu.memref_squeeze %dma_start3A_45 : memref<1x64xi32, #tpu.memory_space<vmem>> -> memref<64xi32, #tpu.memory_space<vmem>>
    %dma_start3A_47 = arith.constant 0 : i32
    %dma_start3A_48 = arith.constant 0 : i32
    %dma_start3A_49 = tpu.memref_slice %arg40[%dma_start3A_47, %dma_start3A_48] : memref<10016x16xf32, #tpu.memory_space<vmem_shared>> -> memref<10016x16xf32, #tpu.memory_space<vmem_shared>>
    tpu.enqueue_indirect_dma source(%dma_start3A_49 : memref<10016x16xf32, #tpu.memory_space<vmem_shared>>) target(%arg14 : memref<64x16xf32, #tpu.memory_space<vmem>>) offsets(%dma_start3A_46 : memref<64xi32, #tpu.memory_space<vmem>>) semaphore(%arg24 : memref<!tpu.dma_semaphore, #tpu.memory_space<semaphore_mem>>)
    %dma_start3A_50 = arith.constant 6 : i32
    %dma_start3A_51 = arith.constant 0 : i32
    %dma_start3A_52 = tpu.memref_slice %arg7[%dma_start3A_50, %dma_start3A_51] : memref<160x64xi32, #tpu.memory_space<vmem>> -> memref<1x64xi32, #tpu.memory_space<vmem>>
    %dma_start3A_53 = tpu.memref_squeeze %dma_start3A_52 : memref<1x64xi32, #tpu.memory_space<vmem>> -> memref<64xi32, #tpu.memory_space<vmem>>
    %dma_start3A_54 = arith.constant 0 : i32
    %dma_start3A_55 = arith.constant 0 : i32
    %dma_start3A_56 = tpu.memref_slice %arg40[%dma_start3A_54, %dma_start3A_55] : memref<10016x16xf32, #tpu.memory_space<vmem_shared>> -> memref<10016x16xf32, #tpu.memory_space<vmem_shared>>
    tpu.enqueue_indirect_dma source(%dma_start3A_56 : memref<10016x16xf32, #tpu.memory_space<vmem_shared>>) target(%arg15 : memref<64x16xf32, #tpu.memory_space<vmem>>) offsets(%dma_start3A_53 : memref<64xi32, #tpu.memory_space<vmem>>) semaphore(%arg25 : memref<!tpu.dma_semaphore, #tpu.memory_space<semaphore_mem>>)
    %dma_start3A_57 = arith.constant 7 : i32
    %dma_start3A_58 = arith.constant 0 : i32
    %dma_start3A_59 = tpu.memref_slice %arg7[%dma_start3A_57, %dma_start3A_58] : memref<160x64xi32, #tpu.memory_space<vmem>> -> memref<1x64xi32, #tpu.memory_space<vmem>>
    %dma_start3A_60 = tpu.memref_squeeze %dma_start3A_59 : memref<1x64xi32, #tpu.memory_space<vmem>> -> memref<64xi32, #tpu.memory_space<vmem>>
    %dma_start3A_61 = arith.constant 0 : i32
    %dma_start3A_62 = arith.constant 0 : i32
    %dma_start3A_63 = tpu.memref_slice %arg40[%dma_start3A_61, %dma_start3A_62] : memref<10016x16xf32, #tpu.memory_space<vmem_shared>> -> memref<10016x16xf32, #tpu.memory_space<vmem_shared>>
    tpu.enqueue_indirect_dma source(%dma_start3A_63 : memref<10016x16xf32, #tpu.memory_space<vmem_shared>>) target(%arg16 : memref<64x16xf32, #tpu.memory_space<vmem>>) offsets(%dma_start3A_60 : memref<64xi32, #tpu.memory_space<vmem>>) semaphore(%arg26 : memref<!tpu.dma_semaphore, #tpu.memory_space<semaphore_mem>>)
    %dma_start3A_64 = arith.constant 8 : i32
    %dma_start3A_65 = arith.constant 0 : i32
    %dma_start3A_66 = tpu.memref_slice %arg7[%dma_start3A_64, %dma_start3A_65] : memref<160x64xi32, #tpu.memory_space<vmem>> -> memref<1x64xi32, #tpu.memory_space<vmem>>
    %dma_start3A_67 = tpu.memref_squeeze %dma_start3A_66 : memref<1x64xi32, #tpu.memory_space<vmem>> -> memref<64xi32, #tpu.memory_space<vmem>>
    %dma_start3A_68 = arith.constant 0 : i32
    %dma_start3A_69 = arith.constant 0 : i32
    %dma_start3A_70 = tpu.memref_slice %arg40[%dma_start3A_68, %dma_start3A_69] : memref<10016x16xf32, #tpu.memory_space<vmem_shared>> -> memref<10016x16xf32, #tpu.memory_space<vmem_shared>>
    tpu.enqueue_indirect_dma source(%dma_start3A_70 : memref<10016x16xf32, #tpu.memory_space<vmem_shared>>) target(%arg17 : memref<64x16xf32, #tpu.memory_space<vmem>>) offsets(%dma_start3A_67 : memref<64xi32, #tpu.memory_space<vmem>>) semaphore(%arg27 : memref<!tpu.dma_semaphore, #tpu.memory_space<semaphore_mem>>)
    %dma_start3A_71 = arith.constant 9 : i32
    %dma_start3A_72 = arith.constant 0 : i32
    %dma_start3A_73 = tpu.memref_slice %arg7[%dma_start3A_71, %dma_start3A_72] : memref<160x64xi32, #tpu.memory_space<vmem>> -> memref<1x64xi32, #tpu.memory_space<vmem>>
    %dma_start3A_74 = tpu.memref_squeeze %dma_start3A_73 : memref<1x64xi32, #tpu.memory_space<vmem>> -> memref<64xi32, #tpu.memory_space<vmem>>
    %dma_start3A_75 = arith.constant 0 : i32
    %dma_start3A_76 = arith.constant 0 : i32
    %dma_start3A_77 = tpu.memref_slice %arg40[%dma_start3A_75, %dma_start3A_76] : memref<10016x16xf32, #tpu.memory_space<vmem_shared>> -> memref<10016x16xf32, #tpu.memory_space<vmem_shared>>
    tpu.enqueue_indirect_dma source(%dma_start3A_77 : memref<10016x16xf32, #tpu.memory_space<vmem_shared>>) target(%arg18 : memref<64x16xf32, #tpu.memory_space<vmem>>) offsets(%dma_start3A_74 : memref<64xi32, #tpu.memory_space<vmem>>) semaphore(%arg28 : memref<!tpu.dma_semaphore, #tpu.memory_space<semaphore_mem>>)
    %scan3A = arith.constant 0 : i32
    %scan3A_78 = arith.constant 0 : i32
    %scan3A_79 = arith.constant 16 : i32
    %scan3A_80 = arith.addi %scan3A_78, %scan3A_79 : i32
    %scan3A_81 = arith.constant 1 : i32
    scf.for %scan3A_88 = %scan3A_78 to %scan3A_80 step %scan3A_81  : i32 {
      %mul3A_89 = arith.constant 10 : i32
      %mul3A_90 = arith.muli %mul3A_89, %scan3A_88 : i32
      %add3A_91 = arith.constant 0 : i32
      %add3A_92 = arith.addi %mul3A_90, %add3A_91 : i32
      %dma_wait3A = arith.constant 0 : i32
      %dma_wait3A_93 = tpu.memref_slice %arg7[%add3A_92, %dma_wait3A] : memref<160x64xi32, #tpu.memory_space<vmem>> -> memref<1x64xi32, #tpu.memory_space<vmem>>
      %dma_wait3A_94 = tpu.memref_squeeze %dma_wait3A_93 : memref<1x64xi32, #tpu.memory_space<vmem>> -> memref<64xi32, #tpu.memory_space<vmem>>
      %dma_wait3A_95 = arith.constant 0 : i32
      %dma_wait3A_96 = arith.constant 0 : i32
      %dma_wait3A_97 = tpu.memref_slice %arg40[%dma_wait3A_95, %dma_wait3A_96] : memref<10016x16xf32, #tpu.memory_space<vmem_shared>> -> memref<10016x16xf32, #tpu.memory_space<vmem_shared>>
      tpu.wait_indirect_dma semaphore(%arg19 : memref<!tpu.dma_semaphore, #tpu.memory_space<semaphore_mem>>) src(%dma_wait3A_97 : memref<10016x16xf32, #tpu.memory_space<vmem_shared>>) dst(%arg9 : memref<64x16xf32, #tpu.memory_space<vmem>>)
      %add3A_98 = arith.constant 0 : i32
      %add3A_99 = arith.addi %mul3A_90, %add3A_98 : i32
      %dma_start3A_100 = arith.constant 0 : i32
      %dma_start3A_101 = tpu.memref_slice %arg8[%add3A_99, %dma_start3A_100] : memref<160x64xi32, #tpu.memory_space<vmem>> -> memref<1x64xi32, #tpu.memory_space<vmem>>
      %dma_start3A_102 = tpu.memref_squeeze %dma_start3A_101 : memref<1x64xi32, #tpu.memory_space<vmem>> -> memref<64xi32, #tpu.memory_space<vmem>>
      %dma_start3A_103 = arith.constant 0 : i32
      %dma_start3A_104 = arith.constant 0 : i32
      %dma_start3A_105 = tpu.memref_slice %arg39[%dma_start3A_103, %dma_start3A_104] : memref<10016x16xf32, #tpu.memory_space<vmem_shared>> -> memref<10016x16xf32, #tpu.memory_space<vmem_shared>>
      tpu.enqueue_indirect_dma source(%arg9 : memref<64x16xf32, #tpu.memory_space<vmem>>) target(%dma_start3A_105 : memref<10016x16xf32, #tpu.memory_space<vmem_shared>>) offsets(%dma_start3A_102 : memref<64xi32, #tpu.memory_space<vmem>>) semaphore(%arg29 : memref<!tpu.dma_semaphore, #tpu.memory_space<semaphore_mem>>) {add = true}
      %add3A_106 = arith.constant 1 : i32
      %add3A_107 = arith.addi %mul3A_90, %add3A_106 : i32
      %dma_wait3A_108 = arith.constant 0 : i32
      %dma_wait3A_109 = tpu.memref_slice %arg7[%add3A_107, %dma_wait3A_108] : memref<160x64xi32, #tpu.memory_space<vmem>> -> memref<1x64xi32, #tpu.memory_space<vmem>>
      %dma_wait3A_110 = tpu.memref_squeeze %dma_wait3A_109 : memref<1x64xi32, #tpu.memory_space<vmem>> -> memref<64xi32, #tpu.memory_space<vmem>>
      %dma_wait3A_111 = arith.constant 0 : i32
      %dma_wait3A_112 = arith.constant 0 : i32
      %dma_wait3A_113 = tpu.memref_slice %arg40[%dma_wait3A_111, %dma_wait3A_112] : memref<10016x16xf32, #tpu.memory_space<vmem_shared>> -> memref<10016x16xf32, #tpu.memory_space<vmem_shared>>
      tpu.wait_indirect_dma semaphore(%arg20 : memref<!tpu.dma_semaphore, #tpu.memory_space<semaphore_mem>>) src(%dma_wait3A_113 : memref<10016x16xf32, #tpu.memory_space<vmem_shared>>) dst(%arg10 : memref<64x16xf32, #tpu.memory_space<vmem>>)
      %add3A_114 = arith.constant 1 : i32
      %add3A_115 = arith.addi %mul3A_90, %add3A_114 : i32
      %dma_start3A_116 = arith.constant 0 : i32
      %dma_start3A_117 = tpu.memref_slice %arg8[%add3A_115, %dma_start3A_116] : memref<160x64xi32, #tpu.memory_space<vmem>> -> memref<1x64xi32, #tpu.memory_space<vmem>>
      %dma_start3A_118 = tpu.memref_squeeze %dma_start3A_117 : memref<1x64xi32, #tpu.memory_space<vmem>> -> memref<64xi32, #tpu.memory_space<vmem>>
      %dma_start3A_119 = arith.constant 0 : i32
      %dma_start3A_120 = arith.constant 0 : i32
      %dma_start3A_121 = tpu.memref_slice %arg39[%dma_start3A_119, %dma_start3A_120] : memref<10016x16xf32, #tpu.memory_space<vmem_shared>> -> memref<10016x16xf32, #tpu.memory_space<vmem_shared>>
      tpu.enqueue_indirect_dma source(%arg10 : memref<64x16xf32, #tpu.memory_space<vmem>>) target(%dma_start3A_121 : memref<10016x16xf32, #tpu.memory_space<vmem_shared>>) offsets(%dma_start3A_118 : memref<64xi32, #tpu.memory_space<vmem>>) semaphore(%arg30 : memref<!tpu.dma_semaphore, #tpu.memory_space<semaphore_mem>>) {add = true}
      %add3A_122 = arith.constant 2 : i32
      %add3A_123 = arith.addi %mul3A_90, %add3A_122 : i32
      %dma_wait3A_124 = arith.constant 0 : i32
      %dma_wait3A_125 = tpu.memref_slice %arg7[%add3A_123, %dma_wait3A_124] : memref<160x64xi32, #tpu.memory_space<vmem>> -> memref<1x64xi32, #tpu.memory_space<vmem>>
      %dma_wait3A_126 = tpu.memref_squeeze %dma_wait3A_125 : memref<1x64xi32, #tpu.memory_space<vmem>> -> memref<64xi32, #tpu.memory_space<vmem>>
      %dma_wait3A_127 = arith.constant 0 : i32
      %dma_wait3A_128 = arith.constant 0 : i32
      %dma_wait3A_129 = tpu.memref_slice %arg40[%dma_wait3A_127, %dma_wait3A_128] : memref<10016x16xf32, #tpu.memory_space<vmem_shared>> -> memref<10016x16xf32, #tpu.memory_space<vmem_shared>>
      tpu.wait_indirect_dma semaphore(%arg21 : memref<!tpu.dma_semaphore, #tpu.memory_space<semaphore_mem>>) src(%dma_wait3A_129 : memref<10016x16xf32, #tpu.memory_space<vmem_shared>>) dst(%arg11 : memref<64x16xf32, #tpu.memory_space<vmem>>)
      %add3A_130 = arith.constant 2 : i32
      %add3A_131 = arith.addi %mul3A_90, %add3A_130 : i32
      %dma_start3A_132 = arith.constant 0 : i32
      %dma_start3A_133 = tpu.memref_slice %arg8[%add3A_131, %dma_start3A_132] : memref<160x64xi32, #tpu.memory_space<vmem>> -> memref<1x64xi32, #tpu.memory_space<vmem>>
      %dma_start3A_134 = tpu.memref_squeeze %dma_start3A_133 : memref<1x64xi32, #tpu.memory_space<vmem>> -> memref<64xi32, #tpu.memory_space<vmem>>
      %dma_start3A_135 = arith.constant 0 : i32
      %dma_start3A_136 = arith.constant 0 : i32
      %dma_start3A_137 = tpu.memref_slice %arg39[%dma_start3A_135, %dma_start3A_136] : memref<10016x16xf32, #tpu.memory_space<vmem_shared>> -> memref<10016x16xf32, #tpu.memory_space<vmem_shared>>
      tpu.enqueue_indirect_dma source(%arg11 : memref<64x16xf32, #tpu.memory_space<vmem>>) target(%dma_start3A_137 : memref<10016x16xf32, #tpu.memory_space<vmem_shared>>) offsets(%dma_start3A_134 : memref<64xi32, #tpu.memory_space<vmem>>) semaphore(%arg31 : memref<!tpu.dma_semaphore, #tpu.memory_space<semaphore_mem>>) {add = true}
      %add3A_138 = arith.constant 3 : i32
      %add3A_139 = arith.addi %mul3A_90, %add3A_138 : i32
      %dma_wait3A_140 = arith.constant 0 : i32
      %dma_wait3A_141 = tpu.memref_slice %arg7[%add3A_139, %dma_wait3A_140] : memref<160x64xi32, #tpu.memory_space<vmem>> -> memref<1x64xi32, #tpu.memory_space<vmem>>
      %dma_wait3A_142 = tpu.memref_squeeze %dma_wait3A_141 : memref<1x64xi32, #tpu.memory_space<vmem>> -> memref<64xi32, #tpu.memory_space<vmem>>
      %dma_wait3A_143 = arith.constant 0 : i32
      %dma_wait3A_144 = arith.constant 0 : i32
      %dma_wait3A_145 = tpu.memref_slice %arg40[%dma_wait3A_143, %dma_wait3A_144] : memref<10016x16xf32, #tpu.memory_space<vmem_shared>> -> memref<10016x16xf32, #tpu.memory_space<vmem_shared>>
      tpu.wait_indirect_dma semaphore(%arg22 : memref<!tpu.dma_semaphore, #tpu.memory_space<semaphore_mem>>) src(%dma_wait3A_145 : memref<10016x16xf32, #tpu.memory_space<vmem_shared>>) dst(%arg12 : memref<64x16xf32, #tpu.memory_space<vmem>>)
      %add3A_146 = arith.constant 3 : i32
      %add3A_147 = arith.addi %mul3A_90, %add3A_146 : i32
      %dma_start3A_148 = arith.constant 0 : i32
      %dma_start3A_149 = tpu.memref_slice %arg8[%add3A_147, %dma_start3A_148] : memref<160x64xi32, #tpu.memory_space<vmem>> -> memref<1x64xi32, #tpu.memory_space<vmem>>
      %dma_start3A_150 = tpu.memref_squeeze %dma_start3A_149 : memref<1x64xi32, #tpu.memory_space<vmem>> -> memref<64xi32, #tpu.memory_space<vmem>>
      %dma_start3A_151 = arith.constant 0 : i32
      %dma_start3A_152 = arith.constant 0 : i32
      %dma_start3A_153 = tpu.memref_slice %arg39[%dma_start3A_151, %dma_start3A_152] : memref<10016x16xf32, #tpu.memory_space<vmem_shared>> -> memref<10016x16xf32, #tpu.memory_space<vmem_shared>>
      tpu.enqueue_indirect_dma source(%arg12 : memref<64x16xf32, #tpu.memory_space<vmem>>) target(%dma_start3A_153 : memref<10016x16xf32, #tpu.memory_space<vmem_shared>>) offsets(%dma_start3A_150 : memref<64xi32, #tpu.memory_space<vmem>>) semaphore(%arg32 : memref<!tpu.dma_semaphore, #tpu.memory_space<semaphore_mem>>) {add = true}
      %add3A_154 = arith.constant 4 : i32
      %add3A_155 = arith.addi %mul3A_90, %add3A_154 : i32
      %dma_wait3A_156 = arith.constant 0 : i32
      %dma_wait3A_157 = tpu.memref_slice %arg7[%add3A_155, %dma_wait3A_156] : memref<160x64xi32, #tpu.memory_space<vmem>> -> memref<1x64xi32, #tpu.memory_space<vmem>>
      %dma_wait3A_158 = tpu.memref_squeeze %dma_wait3A_157 : memref<1x64xi32, #tpu.memory_space<vmem>> -> memref<64xi32, #tpu.memory_space<vmem>>
      %dma_wait3A_159 = arith.constant 0 : i32
      %dma_wait3A_160 = arith.constant 0 : i32
      %dma_wait3A_161 = tpu.memref_slice %arg40[%dma_wait3A_159, %dma_wait3A_160] : memref<10016x16xf32, #tpu.memory_space<vmem_shared>> -> memref<10016x16xf32, #tpu.memory_space<vmem_shared>>
      tpu.wait_indirect_dma semaphore(%arg23 : memref<!tpu.dma_semaphore, #tpu.memory_space<semaphore_mem>>) src(%dma_wait3A_161 : memref<10016x16xf32, #tpu.memory_space<vmem_shared>>) dst(%arg13 : memref<64x16xf32, #tpu.memory_space<vmem>>)
      %add3A_162 = arith.constant 4 : i32
      %add3A_163 = arith.addi %mul3A_90, %add3A_162 : i32
      %dma_start3A_164 = arith.constant 0 : i32
      %dma_start3A_165 = tpu.memref_slice %arg8[%add3A_163, %dma_start3A_164] : memref<160x64xi32, #tpu.memory_space<vmem>> -> memref<1x64xi32, #tpu.memory_space<vmem>>
      %dma_start3A_166 = tpu.memref_squeeze %dma_start3A_165 : memref<1x64xi32, #tpu.memory_space<vmem>> -> memref<64xi32, #tpu.memory_space<vmem>>
      %dma_start3A_167 = arith.constant 0 : i32
      %dma_start3A_168 = arith.constant 0 : i32
      %dma_start3A_169 = tpu.memref_slice %arg39[%dma_start3A_167, %dma_start3A_168] : memref<10016x16xf32, #tpu.memory_space<vmem_shared>> -> memref<10016x16xf32, #tpu.memory_space<vmem_shared>>
      tpu.enqueue_indirect_dma source(%arg13 : memref<64x16xf32, #tpu.memory_space<vmem>>) target(%dma_start3A_169 : memref<10016x16xf32, #tpu.memory_space<vmem_shared>>) offsets(%dma_start3A_166 : memref<64xi32, #tpu.memory_space<vmem>>) semaphore(%arg33 : memref<!tpu.dma_semaphore, #tpu.memory_space<semaphore_mem>>) {add = true}
      %add3A_170 = arith.constant 5 : i32
      %add3A_171 = arith.addi %mul3A_90, %add3A_170 : i32
      %dma_wait3A_172 = arith.constant 0 : i32
      %dma_wait3A_173 = tpu.memref_slice %arg7[%add3A_171, %dma_wait3A_172] : memref<160x64xi32, #tpu.memory_space<vmem>> -> memref<1x64xi32, #tpu.memory_space<vmem>>
      %dma_wait3A_174 = tpu.memref_squeeze %dma_wait3A_173 : memref<1x64xi32, #tpu.memory_space<vmem>> -> memref<64xi32, #tpu.memory_space<vmem>>
      %dma_wait3A_175 = arith.constant 0 : i32
      %dma_wait3A_176 = arith.constant 0 : i32
      %dma_wait3A_177 = tpu.memref_slice %arg40[%dma_wait3A_175, %dma_wait3A_176] : memref<10016x16xf32, #tpu.memory_space<vmem_shared>> -> memref<10016x16xf32, #tpu.memory_space<vmem_shared>>
      tpu.wait_indirect_dma semaphore(%arg24 : memref<!tpu.dma_semaphore, #tpu.memory_space<semaphore_mem>>) src(%dma_wait3A_177 : memref<10016x16xf32, #tpu.memory_space<vmem_shared>>) dst(%arg14 : memref<64x16xf32, #tpu.memory_space<vmem>>)
      %add3A_178 = arith.constant 5 : i32
      %add3A_179 = arith.addi %mul3A_90, %add3A_178 : i32
      %dma_start3A_180 = arith.constant 0 : i32
      %dma_start3A_181 = tpu.memref_slice %arg8[%add3A_179, %dma_start3A_180] : memref<160x64xi32, #tpu.memory_space<vmem>> -> memref<1x64xi32, #tpu.memory_space<vmem>>
      %dma_start3A_182 = tpu.memref_squeeze %dma_start3A_181 : memref<1x64xi32, #tpu.memory_space<vmem>> -> memref<64xi32, #tpu.memory_space<vmem>>
      %dma_start3A_183 = arith.constant 0 : i32
      %dma_start3A_184 = arith.constant 0 : i32
      %dma_start3A_185 = tpu.memref_slice %arg39[%dma_start3A_183, %dma_start3A_184] : memref<10016x16xf32, #tpu.memory_space<vmem_shared>> -> memref<10016x16xf32, #tpu.memory_space<vmem_shared>>
      tpu.enqueue_indirect_dma source(%arg14 : memref<64x16xf32, #tpu.memory_space<vmem>>) target(%dma_start3A_185 : memref<10016x16xf32, #tpu.memory_space<vmem_shared>>) offsets(%dma_start3A_182 : memref<64xi32, #tpu.memory_space<vmem>>) semaphore(%arg34 : memref<!tpu.dma_semaphore, #tpu.memory_space<semaphore_mem>>) {add = true}
      %add3A_186 = arith.constant 6 : i32
      %add3A_187 = arith.addi %mul3A_90, %add3A_186 : i32
      %dma_wait3A_188 = arith.constant 0 : i32
      %dma_wait3A_189 = tpu.memref_slice %arg7[%add3A_187, %dma_wait3A_188] : memref<160x64xi32, #tpu.memory_space<vmem>> -> memref<1x64xi32, #tpu.memory_space<vmem>>
      %dma_wait3A_190 = tpu.memref_squeeze %dma_wait3A_189 : memref<1x64xi32, #tpu.memory_space<vmem>> -> memref<64xi32, #tpu.memory_space<vmem>>
      %dma_wait3A_191 = arith.constant 0 : i32
      %dma_wait3A_192 = arith.constant 0 : i32
      %dma_wait3A_193 = tpu.memref_slice %arg40[%dma_wait3A_191, %dma_wait3A_192] : memref<10016x16xf32, #tpu.memory_space<vmem_shared>> -> memref<10016x16xf32, #tpu.memory_space<vmem_shared>>
      tpu.wait_indirect_dma semaphore(%arg25 : memref<!tpu.dma_semaphore, #tpu.memory_space<semaphore_mem>>) src(%dma_wait3A_193 : memref<10016x16xf32, #tpu.memory_space<vmem_shared>>) dst(%arg15 : memref<64x16xf32, #tpu.memory_space<vmem>>)
      %add3A_194 = arith.constant 6 : i32
      %add3A_195 = arith.addi %mul3A_90, %add3A_194 : i32
      %dma_start3A_196 = arith.constant 0 : i32
      %dma_start3A_197 = tpu.memref_slice %arg8[%add3A_195, %dma_start3A_196] : memref<160x64xi32, #tpu.memory_space<vmem>> -> memref<1x64xi32, #tpu.memory_space<vmem>>
      %dma_start3A_198 = tpu.memref_squeeze %dma_start3A_197 : memref<1x64xi32, #tpu.memory_space<vmem>> -> memref<64xi32, #tpu.memory_space<vmem>>
      %dma_start3A_199 = arith.constant 0 : i32
      %dma_start3A_200 = arith.constant 0 : i32
      %dma_start3A_201 = tpu.memref_slice %arg39[%dma_start3A_199, %dma_start3A_200] : memref<10016x16xf32, #tpu.memory_space<vmem_shared>> -> memref<10016x16xf32, #tpu.memory_space<vmem_shared>>
      tpu.enqueue_indirect_dma source(%arg15 : memref<64x16xf32, #tpu.memory_space<vmem>>) target(%dma_start3A_201 : memref<10016x16xf32, #tpu.memory_space<vmem_shared>>) offsets(%dma_start3A_198 : memref<64xi32, #tpu.memory_space<vmem>>) semaphore(%arg35 : memref<!tpu.dma_semaphore, #tpu.memory_space<semaphore_mem>>) {add = true}
      %add3A_202 = arith.constant 7 : i32
      %add3A_203 = arith.addi %mul3A_90, %add3A_202 : i32
      %dma_wait3A_204 = arith.constant 0 : i32
      %dma_wait3A_205 = tpu.memref_slice %arg7[%add3A_203, %dma_wait3A_204] : memref<160x64xi32, #tpu.memory_space<vmem>> -> memref<1x64xi32, #tpu.memory_space<vmem>>
      %dma_wait3A_206 = tpu.memref_squeeze %dma_wait3A_205 : memref<1x64xi32, #tpu.memory_space<vmem>> -> memref<64xi32, #tpu.memory_space<vmem>>
      %dma_wait3A_207 = arith.constant 0 : i32
      %dma_wait3A_208 = arith.constant 0 : i32
      %dma_wait3A_209 = tpu.memref_slice %arg40[%dma_wait3A_207, %dma_wait3A_208] : memref<10016x16xf32, #tpu.memory_space<vmem_shared>> -> memref<10016x16xf32, #tpu.memory_space<vmem_shared>>
      tpu.wait_indirect_dma semaphore(%arg26 : memref<!tpu.dma_semaphore, #tpu.memory_space<semaphore_mem>>) src(%dma_wait3A_209 : memref<10016x16xf32, #tpu.memory_space<vmem_shared>>) dst(%arg16 : memref<64x16xf32, #tpu.memory_space<vmem>>)
      %add3A_210 = arith.constant 7 : i32
      %add3A_211 = arith.addi %mul3A_90, %add3A_210 : i32
      %dma_start3A_212 = arith.constant 0 : i32
      %dma_start3A_213 = tpu.memref_slice %arg8[%add3A_211, %dma_start3A_212] : memref<160x64xi32, #tpu.memory_space<vmem>> -> memref<1x64xi32, #tpu.memory_space<vmem>>
      %dma_start3A_214 = tpu.memref_squeeze %dma_start3A_213 : memref<1x64xi32, #tpu.memory_space<vmem>> -> memref<64xi32, #tpu.memory_space<vmem>>
      %dma_start3A_215 = arith.constant 0 : i32
      %dma_start3A_216 = arith.constant 0 : i32
      %dma_start3A_217 = tpu.memref_slice %arg39[%dma_start3A_215, %dma_start3A_216] : memref<10016x16xf32, #tpu.memory_space<vmem_shared>> -> memref<10016x16xf32, #tpu.memory_space<vmem_shared>>
      tpu.enqueue_indirect_dma source(%arg16 : memref<64x16xf32, #tpu.memory_space<vmem>>) target(%dma_start3A_217 : memref<10016x16xf32, #tpu.memory_space<vmem_shared>>) offsets(%dma_start3A_214 : memref<64xi32, #tpu.memory_space<vmem>>) semaphore(%arg36 : memref<!tpu.dma_semaphore, #tpu.memory_space<semaphore_mem>>) {add = true}
      %add3A_218 = arith.constant 8 : i32
      %add3A_219 = arith.addi %mul3A_90, %add3A_218 : i32
      %dma_wait3A_220 = arith.constant 0 : i32
      %dma_wait3A_221 = tpu.memref_slice %arg7[%add3A_219, %dma_wait3A_220] : memref<160x64xi32, #tpu.memory_space<vmem>> -> memref<1x64xi32, #tpu.memory_space<vmem>>
      %dma_wait3A_222 = tpu.memref_squeeze %dma_wait3A_221 : memref<1x64xi32, #tpu.memory_space<vmem>> -> memref<64xi32, #tpu.memory_space<vmem>>
      %dma_wait3A_223 = arith.constant 0 : i32
      %dma_wait3A_224 = arith.constant 0 : i32
      %dma_wait3A_225 = tpu.memref_slice %arg40[%dma_wait3A_223, %dma_wait3A_224] : memref<10016x16xf32, #tpu.memory_space<vmem_shared>> -> memref<10016x16xf32, #tpu.memory_space<vmem_shared>>
      tpu.wait_indirect_dma semaphore(%arg27 : memref<!tpu.dma_semaphore, #tpu.memory_space<semaphore_mem>>) src(%dma_wait3A_225 : memref<10016x16xf32, #tpu.memory_space<vmem_shared>>) dst(%arg17 : memref<64x16xf32, #tpu.memory_space<vmem>>)
      %add3A_226 = arith.constant 8 : i32
      %add3A_227 = arith.addi %mul3A_90, %add3A_226 : i32
      %dma_start3A_228 = arith.constant 0 : i32
      %dma_start3A_229 = tpu.memref_slice %arg8[%add3A_227, %dma_start3A_228] : memref<160x64xi32, #tpu.memory_space<vmem>> -> memref<1x64xi32, #tpu.memory_space<vmem>>
      %dma_start3A_230 = tpu.memref_squeeze %dma_start3A_229 : memref<1x64xi32, #tpu.memory_space<vmem>> -> memref<64xi32, #tpu.memory_space<vmem>>
      %dma_start3A_231 = arith.constant 0 : i32
      %dma_start3A_232 = arith.constant 0 : i32
      %dma_start3A_233 = tpu.memref_slice %arg39[%dma_start3A_231, %dma_start3A_232] : memref<10016x16xf32, #tpu.memory_space<vmem_shared>> -> memref<10016x16xf32, #tpu.memory_space<vmem_shared>>
      tpu.enqueue_indirect_dma source(%arg17 : memref<64x16xf32, #tpu.memory_space<vmem>>) target(%dma_start3A_233 : memref<10016x16xf32, #tpu.memory_space<vmem_shared>>) offsets(%dma_start3A_230 : memref<64xi32, #tpu.memory_space<vmem>>) semaphore(%arg37 : memref<!tpu.dma_semaphore, #tpu.memory_space<semaphore_mem>>) {add = true}
      %add3A_234 = arith.constant 9 : i32
      %add3A_235 = arith.addi %mul3A_90, %add3A_234 : i32
      %dma_wait3A_236 = arith.constant 0 : i32
      %dma_wait3A_237 = tpu.memref_slice %arg7[%add3A_235, %dma_wait3A_236] : memref<160x64xi32, #tpu.memory_space<vmem>> -> memref<1x64xi32, #tpu.memory_space<vmem>>
      %dma_wait3A_238 = tpu.memref_squeeze %dma_wait3A_237 : memref<1x64xi32, #tpu.memory_space<vmem>> -> memref<64xi32, #tpu.memory_space<vmem>>
      %dma_wait3A_239 = arith.constant 0 : i32
      %dma_wait3A_240 = arith.constant 0 : i32
      %dma_wait3A_241 = tpu.memref_slice %arg40[%dma_wait3A_239, %dma_wait3A_240] : memref<10016x16xf32, #tpu.memory_space<vmem_shared>> -> memref<10016x16xf32, #tpu.memory_space<vmem_shared>>
      tpu.wait_indirect_dma semaphore(%arg28 : memref<!tpu.dma_semaphore, #tpu.memory_space<semaphore_mem>>) src(%dma_wait3A_241 : memref<10016x16xf32, #tpu.memory_space<vmem_shared>>) dst(%arg18 : memref<64x16xf32, #tpu.memory_space<vmem>>)
      %add3A_242 = arith.constant 9 : i32
      %add3A_243 = arith.addi %mul3A_90, %add3A_242 : i32
      %dma_start3A_244 = arith.constant 0 : i32
      %dma_start3A_245 = tpu.memref_slice %arg8[%add3A_243, %dma_start3A_244] : memref<160x64xi32, #tpu.memory_space<vmem>> -> memref<1x64xi32, #tpu.memory_space<vmem>>
      %dma_start3A_246 = tpu.memref_squeeze %dma_start3A_245 : memref<1x64xi32, #tpu.memory_space<vmem>> -> memref<64xi32, #tpu.memory_space<vmem>>
      %dma_start3A_247 = arith.constant 0 : i32
      %dma_start3A_248 = arith.constant 0 : i32
      %dma_start3A_249 = tpu.memref_slice %arg39[%dma_start3A_247, %dma_start3A_248] : memref<10016x16xf32, #tpu.memory_space<vmem_shared>> -> memref<10016x16xf32, #tpu.memory_space<vmem_shared>>
      tpu.enqueue_indirect_dma source(%arg18 : memref<64x16xf32, #tpu.memory_space<vmem>>) target(%dma_start3A_249 : memref<10016x16xf32, #tpu.memory_space<vmem_shared>>) offsets(%dma_start3A_246 : memref<64xi32, #tpu.memory_space<vmem>>) semaphore(%arg38 : memref<!tpu.dma_semaphore, #tpu.memory_space<semaphore_mem>>) {add = true}
      %add3A_250 = arith.constant 0 : i32
      %add3A_251 = arith.addi %mul3A_90, %add3A_250 : i32
      %dma_wait3A_252 = arith.constant 0 : i32
      %dma_wait3A_253 = tpu.memref_slice %arg8[%add3A_251, %dma_wait3A_252] : memref<160x64xi32, #tpu.memory_space<vmem>> -> memref<1x64xi32, #tpu.memory_space<vmem>>
      %dma_wait3A_254 = tpu.memref_squeeze %dma_wait3A_253 : memref<1x64xi32, #tpu.memory_space<vmem>> -> memref<64xi32, #tpu.memory_space<vmem>>
      %dma_wait3A_255 = arith.constant 0 : i32
      %dma_wait3A_256 = arith.constant 0 : i32
      %dma_wait3A_257 = tpu.memref_slice %arg39[%dma_wait3A_255, %dma_wait3A_256] : memref<10016x16xf32, #tpu.memory_space<vmem_shared>> -> memref<10016x16xf32, #tpu.memory_space<vmem_shared>>
      tpu.wait_indirect_dma semaphore(%arg29 : memref<!tpu.dma_semaphore, #tpu.memory_space<semaphore_mem>>) src(%arg9 : memref<64x16xf32, #tpu.memory_space<vmem>>) dst(%dma_wait3A_257 : memref<10016x16xf32, #tpu.memory_space<vmem_shared>>)
      %lt3A_258 = arith.constant 15 : i32
      %lt3A_259 = arith.cmpi slt, %scan3A_88, %lt3A_258 : i32
      %convert_element_type3A_260 = arith.extui %lt3A_259 : i1 to i32
      %cond3A_261 = arith.constant 0 : i32
      %cond3A_262 = arith.cmpi ne, %convert_element_type3A_260, %cond3A_261 : i32
      scf.if %cond3A_262 {
        %add3A_380 = arith.constant 10 : i32
        %add3A_381 = arith.addi %mul3A_90, %add3A_380 : i32
        %add3A_382 = arith.constant 0 : i32
        %add3A_383 = arith.addi %add3A_381, %add3A_382 : i32
        %dma_start3A_384 = arith.constant 0 : i32
        %dma_start3A_385 = tpu.memref_slice %arg7[%add3A_383, %dma_start3A_384] : memref<160x64xi32, #tpu.memory_space<vmem>> -> memref<1x64xi32, #tpu.memory_space<vmem>>
        %dma_start3A_386 = tpu.memref_squeeze %dma_start3A_385 : memref<1x64xi32, #tpu.memory_space<vmem>> -> memref<64xi32, #tpu.memory_space<vmem>>
        %dma_start3A_387 = arith.constant 0 : i32
        %dma_start3A_388 = arith.constant 0 : i32
        %dma_start3A_389 = tpu.memref_slice %arg40[%dma_start3A_387, %dma_start3A_388] : memref<10016x16xf32, #tpu.memory_space<vmem_shared>> -> memref<10016x16xf32, #tpu.memory_space<vmem_shared>>
        tpu.enqueue_indirect_dma source(%dma_start3A_389 : memref<10016x16xf32, #tpu.memory_space<vmem_shared>>) target(%arg9 : memref<64x16xf32, #tpu.memory_space<vmem>>) offsets(%dma_start3A_386 : memref<64xi32, #tpu.memory_space<vmem>>) semaphore(%arg19 : memref<!tpu.dma_semaphore, #tpu.memory_space<semaphore_mem>>)
      } else {
      }
      %add3A_263 = arith.constant 1 : i32
      %add3A_264 = arith.addi %mul3A_90, %add3A_263 : i32
      %dma_wait3A_265 = arith.constant 0 : i32
      %dma_wait3A_266 = tpu.memref_slice %arg8[%add3A_264, %dma_wait3A_265] : memref<160x64xi32, #tpu.memory_space<vmem>> -> memref<1x64xi32, #tpu.memory_space<vmem>>
      %dma_wait3A_267 = tpu.memref_squeeze %dma_wait3A_266 : memref<1x64xi32, #tpu.memory_space<vmem>> -> memref<64xi32, #tpu.memory_space<vmem>>
      %dma_wait3A_268 = arith.constant 0 : i32
      %dma_wait3A_269 = arith.constant 0 : i32
      %dma_wait3A_270 = tpu.memref_slice %arg39[%dma_wait3A_268, %dma_wait3A_269] : memref<10016x16xf32, #tpu.memory_space<vmem_shared>> -> memref<10016x16xf32, #tpu.memory_space<vmem_shared>>
      tpu.wait_indirect_dma semaphore(%arg30 : memref<!tpu.dma_semaphore, #tpu.memory_space<semaphore_mem>>) src(%arg10 : memref<64x16xf32, #tpu.memory_space<vmem>>) dst(%dma_wait3A_270 : memref<10016x16xf32, #tpu.memory_space<vmem_shared>>)
      %lt3A_271 = arith.constant 15 : i32
      %lt3A_272 = arith.cmpi slt, %scan3A_88, %lt3A_271 : i32
      %convert_element_type3A_273 = arith.extui %lt3A_272 : i1 to i32
      %cond3A_274 = arith.constant 0 : i32
      %cond3A_275 = arith.cmpi ne, %convert_element_type3A_273, %cond3A_274 : i32
      scf.if %cond3A_275 {
        %add3A_380 = arith.constant 10 : i32
        %add3A_381 = arith.addi %mul3A_90, %add3A_380 : i32
        %add3A_382 = arith.constant 1 : i32
        %add3A_383 = arith.addi %add3A_381, %add3A_382 : i32
        %dma_start3A_384 = arith.constant 0 : i32
        %dma_start3A_385 = tpu.memref_slice %arg7[%add3A_383, %dma_start3A_384] : memref<160x64xi32, #tpu.memory_space<vmem>> -> memref<1x64xi32, #tpu.memory_space<vmem>>
        %dma_start3A_386 = tpu.memref_squeeze %dma_start3A_385 : memref<1x64xi32, #tpu.memory_space<vmem>> -> memref<64xi32, #tpu.memory_space<vmem>>
        %dma_start3A_387 = arith.constant 0 : i32
        %dma_start3A_388 = arith.constant 0 : i32
        %dma_start3A_389 = tpu.memref_slice %arg40[%dma_start3A_387, %dma_start3A_388] : memref<10016x16xf32, #tpu.memory_space<vmem_shared>> -> memref<10016x16xf32, #tpu.memory_space<vmem_shared>>
        tpu.enqueue_indirect_dma source(%dma_start3A_389 : memref<10016x16xf32, #tpu.memory_space<vmem_shared>>) target(%arg10 : memref<64x16xf32, #tpu.memory_space<vmem>>) offsets(%dma_start3A_386 : memref<64xi32, #tpu.memory_space<vmem>>) semaphore(%arg20 : memref<!tpu.dma_semaphore, #tpu.memory_space<semaphore_mem>>)
      } else {
      }
      %add3A_276 = arith.constant 2 : i32
      %add3A_277 = arith.addi %mul3A_90, %add3A_276 : i32
      %dma_wait3A_278 = arith.constant 0 : i32
      %dma_wait3A_279 = tpu.memref_slice %arg8[%add3A_277, %dma_wait3A_278] : memref<160x64xi32, #tpu.memory_space<vmem>> -> memref<1x64xi32, #tpu.memory_space<vmem>>
      %dma_wait3A_280 = tpu.memref_squeeze %dma_wait3A_279 : memref<1x64xi32, #tpu.memory_space<vmem>> -> memref<64xi32, #tpu.memory_space<vmem>>
      %dma_wait3A_281 = arith.constant 0 : i32
      %dma_wait3A_282 = arith.constant 0 : i32
      %dma_wait3A_283 = tpu.memref_slice %arg39[%dma_wait3A_281, %dma_wait3A_282] : memref<10016x16xf32, #tpu.memory_space<vmem_shared>> -> memref<10016x16xf32, #tpu.memory_space<vmem_shared>>
      tpu.wait_indirect_dma semaphore(%arg31 : memref<!tpu.dma_semaphore, #tpu.memory_space<semaphore_mem>>) src(%arg11 : memref<64x16xf32, #tpu.memory_space<vmem>>) dst(%dma_wait3A_283 : memref<10016x16xf32, #tpu.memory_space<vmem_shared>>)
      %lt3A_284 = arith.constant 15 : i32
      %lt3A_285 = arith.cmpi slt, %scan3A_88, %lt3A_284 : i32
      %convert_element_type3A_286 = arith.extui %lt3A_285 : i1 to i32
      %cond3A_287 = arith.constant 0 : i32
      %cond3A_288 = arith.cmpi ne, %convert_element_type3A_286, %cond3A_287 : i32
      scf.if %cond3A_288 {
        %add3A_380 = arith.constant 10 : i32
        %add3A_381 = arith.addi %mul3A_90, %add3A_380 : i32
        %add3A_382 = arith.constant 2 : i32
        %add3A_383 = arith.addi %add3A_381, %add3A_382 : i32
        %dma_start3A_384 = arith.constant 0 : i32
        %dma_start3A_385 = tpu.memref_slice %arg7[%add3A_383, %dma_start3A_384] : memref<160x64xi32, #tpu.memory_space<vmem>> -> memref<1x64xi32, #tpu.memory_space<vmem>>
        %dma_start3A_386 = tpu.memref_squeeze %dma_start3A_385 : memref<1x64xi32, #tpu.memory_space<vmem>> -> memref<64xi32, #tpu.memory_space<vmem>>
        %dma_start3A_387 = arith.constant 0 : i32
        %dma_start3A_388 = arith.constant 0 : i32
        %dma_start3A_389 = tpu.memref_slice %arg40[%dma_start3A_387, %dma_start3A_388] : memref<10016x16xf32, #tpu.memory_space<vmem_shared>> -> memref<10016x16xf32, #tpu.memory_space<vmem_shared>>
        tpu.enqueue_indirect_dma source(%dma_start3A_389 : memref<10016x16xf32, #tpu.memory_space<vmem_shared>>) target(%arg11 : memref<64x16xf32, #tpu.memory_space<vmem>>) offsets(%dma_start3A_386 : memref<64xi32, #tpu.memory_space<vmem>>) semaphore(%arg21 : memref<!tpu.dma_semaphore, #tpu.memory_space<semaphore_mem>>)
      } else {
      }
      %add3A_289 = arith.constant 3 : i32
      %add3A_290 = arith.addi %mul3A_90, %add3A_289 : i32
      %dma_wait3A_291 = arith.constant 0 : i32
      %dma_wait3A_292 = tpu.memref_slice %arg8[%add3A_290, %dma_wait3A_291] : memref<160x64xi32, #tpu.memory_space<vmem>> -> memref<1x64xi32, #tpu.memory_space<vmem>>
      %dma_wait3A_293 = tpu.memref_squeeze %dma_wait3A_292 : memref<1x64xi32, #tpu.memory_space<vmem>> -> memref<64xi32, #tpu.memory_space<vmem>>
      %dma_wait3A_294 = arith.constant 0 : i32
      %dma_wait3A_295 = arith.constant 0 : i32
      %dma_wait3A_296 = tpu.memref_slice %arg39[%dma_wait3A_294, %dma_wait3A_295] : memref<10016x16xf32, #tpu.memory_space<vmem_shared>> -> memref<10016x16xf32, #tpu.memory_space<vmem_shared>>
      tpu.wait_indirect_dma semaphore(%arg32 : memref<!tpu.dma_semaphore, #tpu.memory_space<semaphore_mem>>) src(%arg12 : memref<64x16xf32, #tpu.memory_space<vmem>>) dst(%dma_wait3A_296 : memref<10016x16xf32, #tpu.memory_space<vmem_shared>>)
      %lt3A_297 = arith.constant 15 : i32
      %lt3A_298 = arith.cmpi slt, %scan3A_88, %lt3A_297 : i32
      %convert_element_type3A_299 = arith.extui %lt3A_298 : i1 to i32
      %cond3A_300 = arith.constant 0 : i32
      %cond3A_301 = arith.cmpi ne, %convert_element_type3A_299, %cond3A_300 : i32
      scf.if %cond3A_301 {
        %add3A_380 = arith.constant 10 : i32
        %add3A_381 = arith.addi %mul3A_90, %add3A_380 : i32
        %add3A_382 = arith.constant 3 : i32
        %add3A_383 = arith.addi %add3A_381, %add3A_382 : i32
        %dma_start3A_384 = arith.constant 0 : i32
        %dma_start3A_385 = tpu.memref_slice %arg7[%add3A_383, %dma_start3A_384] : memref<160x64xi32, #tpu.memory_space<vmem>> -> memref<1x64xi32, #tpu.memory_space<vmem>>
        %dma_start3A_386 = tpu.memref_squeeze %dma_start3A_385 : memref<1x64xi32, #tpu.memory_space<vmem>> -> memref<64xi32, #tpu.memory_space<vmem>>
        %dma_start3A_387 = arith.constant 0 : i32
        %dma_start3A_388 = arith.constant 0 : i32
        %dma_start3A_389 = tpu.memref_slice %arg40[%dma_start3A_387, %dma_start3A_388] : memref<10016x16xf32, #tpu.memory_space<vmem_shared>> -> memref<10016x16xf32, #tpu.memory_space<vmem_shared>>
        tpu.enqueue_indirect_dma source(%dma_start3A_389 : memref<10016x16xf32, #tpu.memory_space<vmem_shared>>) target(%arg12 : memref<64x16xf32, #tpu.memory_space<vmem>>) offsets(%dma_start3A_386 : memref<64xi32, #tpu.memory_space<vmem>>) semaphore(%arg22 : memref<!tpu.dma_semaphore, #tpu.memory_space<semaphore_mem>>)
      } else {
      }
      %add3A_302 = arith.constant 4 : i32
      %add3A_303 = arith.addi %mul3A_90, %add3A_302 : i32
      %dma_wait3A_304 = arith.constant 0 : i32
      %dma_wait3A_305 = tpu.memref_slice %arg8[%add3A_303, %dma_wait3A_304] : memref<160x64xi32, #tpu.memory_space<vmem>> -> memref<1x64xi32, #tpu.memory_space<vmem>>
      %dma_wait3A_306 = tpu.memref_squeeze %dma_wait3A_305 : memref<1x64xi32, #tpu.memory_space<vmem>> -> memref<64xi32, #tpu.memory_space<vmem>>
      %dma_wait3A_307 = arith.constant 0 : i32
      %dma_wait3A_308 = arith.constant 0 : i32
      %dma_wait3A_309 = tpu.memref_slice %arg39[%dma_wait3A_307, %dma_wait3A_308] : memref<10016x16xf32, #tpu.memory_space<vmem_shared>> -> memref<10016x16xf32, #tpu.memory_space<vmem_shared>>
      tpu.wait_indirect_dma semaphore(%arg33 : memref<!tpu.dma_semaphore, #tpu.memory_space<semaphore_mem>>) src(%arg13 : memref<64x16xf32, #tpu.memory_space<vmem>>) dst(%dma_wait3A_309 : memref<10016x16xf32, #tpu.memory_space<vmem_shared>>)
      %lt3A_310 = arith.constant 15 : i32
      %lt3A_311 = arith.cmpi slt, %scan3A_88, %lt3A_310 : i32
      %convert_element_type3A_312 = arith.extui %lt3A_311 : i1 to i32
      %cond3A_313 = arith.constant 0 : i32
      %cond3A_314 = arith.cmpi ne, %convert_element_type3A_312, %cond3A_313 : i32
      scf.if %cond3A_314 {
        %add3A_380 = arith.constant 10 : i32
        %add3A_381 = arith.addi %mul3A_90, %add3A_380 : i32
        %add3A_382 = arith.constant 4 : i32
        %add3A_383 = arith.addi %add3A_381, %add3A_382 : i32
        %dma_start3A_384 = arith.constant 0 : i32
        %dma_start3A_385 = tpu.memref_slice %arg7[%add3A_383, %dma_start3A_384] : memref<160x64xi32, #tpu.memory_space<vmem>> -> memref<1x64xi32, #tpu.memory_space<vmem>>
        %dma_start3A_386 = tpu.memref_squeeze %dma_start3A_385 : memref<1x64xi32, #tpu.memory_space<vmem>> -> memref<64xi32, #tpu.memory_space<vmem>>
        %dma_start3A_387 = arith.constant 0 : i32
        %dma_start3A_388 = arith.constant 0 : i32
        %dma_start3A_389 = tpu.memref_slice %arg40[%dma_start3A_387, %dma_start3A_388] : memref<10016x16xf32, #tpu.memory_space<vmem_shared>> -> memref<10016x16xf32, #tpu.memory_space<vmem_shared>>
        tpu.enqueue_indirect_dma source(%dma_start3A_389 : memref<10016x16xf32, #tpu.memory_space<vmem_shared>>) target(%arg13 : memref<64x16xf32, #tpu.memory_space<vmem>>) offsets(%dma_start3A_386 : memref<64xi32, #tpu.memory_space<vmem>>) semaphore(%arg23 : memref<!tpu.dma_semaphore, #tpu.memory_space<semaphore_mem>>)
      } else {
      }
      %add3A_315 = arith.constant 5 : i32
      %add3A_316 = arith.addi %mul3A_90, %add3A_315 : i32
      %dma_wait3A_317 = arith.constant 0 : i32
      %dma_wait3A_318 = tpu.memref_slice %arg8[%add3A_316, %dma_wait3A_317] : memref<160x64xi32, #tpu.memory_space<vmem>> -> memref<1x64xi32, #tpu.memory_space<vmem>>
      %dma_wait3A_319 = tpu.memref_squeeze %dma_wait3A_318 : memref<1x64xi32, #tpu.memory_space<vmem>> -> memref<64xi32, #tpu.memory_space<vmem>>
      %dma_wait3A_320 = arith.constant 0 : i32
      %dma_wait3A_321 = arith.constant 0 : i32
      %dma_wait3A_322 = tpu.memref_slice %arg39[%dma_wait3A_320, %dma_wait3A_321] : memref<10016x16xf32, #tpu.memory_space<vmem_shared>> -> memref<10016x16xf32, #tpu.memory_space<vmem_shared>>
      tpu.wait_indirect_dma semaphore(%arg34 : memref<!tpu.dma_semaphore, #tpu.memory_space<semaphore_mem>>) src(%arg14 : memref<64x16xf32, #tpu.memory_space<vmem>>) dst(%dma_wait3A_322 : memref<10016x16xf32, #tpu.memory_space<vmem_shared>>)
      %lt3A_323 = arith.constant 15 : i32
      %lt3A_324 = arith.cmpi slt, %scan3A_88, %lt3A_323 : i32
      %convert_element_type3A_325 = arith.extui %lt3A_324 : i1 to i32
      %cond3A_326 = arith.constant 0 : i32
      %cond3A_327 = arith.cmpi ne, %convert_element_type3A_325, %cond3A_326 : i32
      scf.if %cond3A_327 {
        %add3A_380 = arith.constant 10 : i32
        %add3A_381 = arith.addi %mul3A_90, %add3A_380 : i32
        %add3A_382 = arith.constant 5 : i32
        %add3A_383 = arith.addi %add3A_381, %add3A_382 : i32
        %dma_start3A_384 = arith.constant 0 : i32
        %dma_start3A_385 = tpu.memref_slice %arg7[%add3A_383, %dma_start3A_384] : memref<160x64xi32, #tpu.memory_space<vmem>> -> memref<1x64xi32, #tpu.memory_space<vmem>>
        %dma_start3A_386 = tpu.memref_squeeze %dma_start3A_385 : memref<1x64xi32, #tpu.memory_space<vmem>> -> memref<64xi32, #tpu.memory_space<vmem>>
        %dma_start3A_387 = arith.constant 0 : i32
        %dma_start3A_388 = arith.constant 0 : i32
        %dma_start3A_389 = tpu.memref_slice %arg40[%dma_start3A_387, %dma_start3A_388] : memref<10016x16xf32, #tpu.memory_space<vmem_shared>> -> memref<10016x16xf32, #tpu.memory_space<vmem_shared>>
        tpu.enqueue_indirect_dma source(%dma_start3A_389 : memref<10016x16xf32, #tpu.memory_space<vmem_shared>>) target(%arg14 : memref<64x16xf32, #tpu.memory_space<vmem>>) offsets(%dma_start3A_386 : memref<64xi32, #tpu.memory_space<vmem>>) semaphore(%arg24 : memref<!tpu.dma_semaphore, #tpu.memory_space<semaphore_mem>>)
      } else {
      }
      %add3A_328 = arith.constant 6 : i32
      %add3A_329 = arith.addi %mul3A_90, %add3A_328 : i32
      %dma_wait3A_330 = arith.constant 0 : i32
      %dma_wait3A_331 = tpu.memref_slice %arg8[%add3A_329, %dma_wait3A_330] : memref<160x64xi32, #tpu.memory_space<vmem>> -> memref<1x64xi32, #tpu.memory_space<vmem>>
      %dma_wait3A_332 = tpu.memref_squeeze %dma_wait3A_331 : memref<1x64xi32, #tpu.memory_space<vmem>> -> memref<64xi32, #tpu.memory_space<vmem>>
      %dma_wait3A_333 = arith.constant 0 : i32
      %dma_wait3A_334 = arith.constant 0 : i32
      %dma_wait3A_335 = tpu.memref_slice %arg39[%dma_wait3A_333, %dma_wait3A_334] : memref<10016x16xf32, #tpu.memory_space<vmem_shared>> -> memref<10016x16xf32, #tpu.memory_space<vmem_shared>>
      tpu.wait_indirect_dma semaphore(%arg35 : memref<!tpu.dma_semaphore, #tpu.memory_space<semaphore_mem>>) src(%arg15 : memref<64x16xf32, #tpu.memory_space<vmem>>) dst(%dma_wait3A_335 : memref<10016x16xf32, #tpu.memory_space<vmem_shared>>)
      %lt3A_336 = arith.constant 15 : i32
      %lt3A_337 = arith.cmpi slt, %scan3A_88, %lt3A_336 : i32
      %convert_element_type3A_338 = arith.extui %lt3A_337 : i1 to i32
      %cond3A_339 = arith.constant 0 : i32
      %cond3A_340 = arith.cmpi ne, %convert_element_type3A_338, %cond3A_339 : i32
      scf.if %cond3A_340 {
        %add3A_380 = arith.constant 10 : i32
        %add3A_381 = arith.addi %mul3A_90, %add3A_380 : i32
        %add3A_382 = arith.constant 6 : i32
        %add3A_383 = arith.addi %add3A_381, %add3A_382 : i32
        %dma_start3A_384 = arith.constant 0 : i32
        %dma_start3A_385 = tpu.memref_slice %arg7[%add3A_383, %dma_start3A_384] : memref<160x64xi32, #tpu.memory_space<vmem>> -> memref<1x64xi32, #tpu.memory_space<vmem>>
        %dma_start3A_386 = tpu.memref_squeeze %dma_start3A_385 : memref<1x64xi32, #tpu.memory_space<vmem>> -> memref<64xi32, #tpu.memory_space<vmem>>
        %dma_start3A_387 = arith.constant 0 : i32
        %dma_start3A_388 = arith.constant 0 : i32
        %dma_start3A_389 = tpu.memref_slice %arg40[%dma_start3A_387, %dma_start3A_388] : memref<10016x16xf32, #tpu.memory_space<vmem_shared>> -> memref<10016x16xf32, #tpu.memory_space<vmem_shared>>
        tpu.enqueue_indirect_dma source(%dma_start3A_389 : memref<10016x16xf32, #tpu.memory_space<vmem_shared>>) target(%arg15 : memref<64x16xf32, #tpu.memory_space<vmem>>) offsets(%dma_start3A_386 : memref<64xi32, #tpu.memory_space<vmem>>) semaphore(%arg25 : memref<!tpu.dma_semaphore, #tpu.memory_space<semaphore_mem>>)
      } else {
      }
      %add3A_341 = arith.constant 7 : i32
      %add3A_342 = arith.addi %mul3A_90, %add3A_341 : i32
      %dma_wait3A_343 = arith.constant 0 : i32
      %dma_wait3A_344 = tpu.memref_slice %arg8[%add3A_342, %dma_wait3A_343] : memref<160x64xi32, #tpu.memory_space<vmem>> -> memref<1x64xi32, #tpu.memory_space<vmem>>
      %dma_wait3A_345 = tpu.memref_squeeze %dma_wait3A_344 : memref<1x64xi32, #tpu.memory_space<vmem>> -> memref<64xi32, #tpu.memory_space<vmem>>
      %dma_wait3A_346 = arith.constant 0 : i32
      %dma_wait3A_347 = arith.constant 0 : i32
      %dma_wait3A_348 = tpu.memref_slice %arg39[%dma_wait3A_346, %dma_wait3A_347] : memref<10016x16xf32, #tpu.memory_space<vmem_shared>> -> memref<10016x16xf32, #tpu.memory_space<vmem_shared>>
      tpu.wait_indirect_dma semaphore(%arg36 : memref<!tpu.dma_semaphore, #tpu.memory_space<semaphore_mem>>) src(%arg16 : memref<64x16xf32, #tpu.memory_space<vmem>>) dst(%dma_wait3A_348 : memref<10016x16xf32, #tpu.memory_space<vmem_shared>>)
      %lt3A_349 = arith.constant 15 : i32
      %lt3A_350 = arith.cmpi slt, %scan3A_88, %lt3A_349 : i32
      %convert_element_type3A_351 = arith.extui %lt3A_350 : i1 to i32
      %cond3A_352 = arith.constant 0 : i32
      %cond3A_353 = arith.cmpi ne, %convert_element_type3A_351, %cond3A_352 : i32
      scf.if %cond3A_353 {
        %add3A_380 = arith.constant 10 : i32
        %add3A_381 = arith.addi %mul3A_90, %add3A_380 : i32
        %add3A_382 = arith.constant 7 : i32
        %add3A_383 = arith.addi %add3A_381, %add3A_382 : i32
        %dma_start3A_384 = arith.constant 0 : i32
        %dma_start3A_385 = tpu.memref_slice %arg7[%add3A_383, %dma_start3A_384] : memref<160x64xi32, #tpu.memory_space<vmem>> -> memref<1x64xi32, #tpu.memory_space<vmem>>
        %dma_start3A_386 = tpu.memref_squeeze %dma_start3A_385 : memref<1x64xi32, #tpu.memory_space<vmem>> -> memref<64xi32, #tpu.memory_space<vmem>>
        %dma_start3A_387 = arith.constant 0 : i32
        %dma_start3A_388 = arith.constant 0 : i32
        %dma_start3A_389 = tpu.memref_slice %arg40[%dma_start3A_387, %dma_start3A_388] : memref<10016x16xf32, #tpu.memory_space<vmem_shared>> -> memref<10016x16xf32, #tpu.memory_space<vmem_shared>>
        tpu.enqueue_indirect_dma source(%dma_start3A_389 : memref<10016x16xf32, #tpu.memory_space<vmem_shared>>) target(%arg16 : memref<64x16xf32, #tpu.memory_space<vmem>>) offsets(%dma_start3A_386 : memref<64xi32, #tpu.memory_space<vmem>>) semaphore(%arg26 : memref<!tpu.dma_semaphore, #tpu.memory_space<semaphore_mem>>)
      } else {
      }
      %add3A_354 = arith.constant 8 : i32
      %add3A_355 = arith.addi %mul3A_90, %add3A_354 : i32
      %dma_wait3A_356 = arith.constant 0 : i32
      %dma_wait3A_357 = tpu.memref_slice %arg8[%add3A_355, %dma_wait3A_356] : memref<160x64xi32, #tpu.memory_space<vmem>> -> memref<1x64xi32, #tpu.memory_space<vmem>>
      %dma_wait3A_358 = tpu.memref_squeeze %dma_wait3A_357 : memref<1x64xi32, #tpu.memory_space<vmem>> -> memref<64xi32, #tpu.memory_space<vmem>>
      %dma_wait3A_359 = arith.constant 0 : i32
      %dma_wait3A_360 = arith.constant 0 : i32
      %dma_wait3A_361 = tpu.memref_slice %arg39[%dma_wait3A_359, %dma_wait3A_360] : memref<10016x16xf32, #tpu.memory_space<vmem_shared>> -> memref<10016x16xf32, #tpu.memory_space<vmem_shared>>
      tpu.wait_indirect_dma semaphore(%arg37 : memref<!tpu.dma_semaphore, #tpu.memory_space<semaphore_mem>>) src(%arg17 : memref<64x16xf32, #tpu.memory_space<vmem>>) dst(%dma_wait3A_361 : memref<10016x16xf32, #tpu.memory_space<vmem_shared>>)
      %lt3A_362 = arith.constant 15 : i32
      %lt3A_363 = arith.cmpi slt, %scan3A_88, %lt3A_362 : i32
      %convert_element_type3A_364 = arith.extui %lt3A_363 : i1 to i32
      %cond3A_365 = arith.constant 0 : i32
      %cond3A_366 = arith.cmpi ne, %convert_element_type3A_364, %cond3A_365 : i32
      scf.if %cond3A_366 {
        %add3A_380 = arith.constant 10 : i32
        %add3A_381 = arith.addi %mul3A_90, %add3A_380 : i32
        %add3A_382 = arith.constant 8 : i32
        %add3A_383 = arith.addi %add3A_381, %add3A_382 : i32
        %dma_start3A_384 = arith.constant 0 : i32
        %dma_start3A_385 = tpu.memref_slice %arg7[%add3A_383, %dma_start3A_384] : memref<160x64xi32, #tpu.memory_space<vmem>> -> memref<1x64xi32, #tpu.memory_space<vmem>>
        %dma_start3A_386 = tpu.memref_squeeze %dma_start3A_385 : memref<1x64xi32, #tpu.memory_space<vmem>> -> memref<64xi32, #tpu.memory_space<vmem>>
        %dma_start3A_387 = arith.constant 0 : i32
        %dma_start3A_388 = arith.constant 0 : i32
        %dma_start3A_389 = tpu.memref_slice %arg40[%dma_start3A_387, %dma_start3A_388] : memref<10016x16xf32, #tpu.memory_space<vmem_shared>> -> memref<10016x16xf32, #tpu.memory_space<vmem_shared>>
        tpu.enqueue_indirect_dma source(%dma_start3A_389 : memref<10016x16xf32, #tpu.memory_space<vmem_shared>>) target(%arg17 : memref<64x16xf32, #tpu.memory_space<vmem>>) offsets(%dma_start3A_386 : memref<64xi32, #tpu.memory_space<vmem>>) semaphore(%arg27 : memref<!tpu.dma_semaphore, #tpu.memory_space<semaphore_mem>>)
      } else {
      }
      %add3A_367 = arith.constant 9 : i32
      %add3A_368 = arith.addi %mul3A_90, %add3A_367 : i32
      %dma_wait3A_369 = arith.constant 0 : i32
      %dma_wait3A_370 = tpu.memref_slice %arg8[%add3A_368, %dma_wait3A_369] : memref<160x64xi32, #tpu.memory_space<vmem>> -> memref<1x64xi32, #tpu.memory_space<vmem>>
      %dma_wait3A_371 = tpu.memref_squeeze %dma_wait3A_370 : memref<1x64xi32, #tpu.memory_space<vmem>> -> memref<64xi32, #tpu.memory_space<vmem>>
      %dma_wait3A_372 = arith.constant 0 : i32
      %dma_wait3A_373 = arith.constant 0 : i32
      %dma_wait3A_374 = tpu.memref_slice %arg39[%dma_wait3A_372, %dma_wait3A_373] : memref<10016x16xf32, #tpu.memory_space<vmem_shared>> -> memref<10016x16xf32, #tpu.memory_space<vmem_shared>>
      tpu.wait_indirect_dma semaphore(%arg38 : memref<!tpu.dma_semaphore, #tpu.memory_space<semaphore_mem>>) src(%arg18 : memref<64x16xf32, #tpu.memory_space<vmem>>) dst(%dma_wait3A_374 : memref<10016x16xf32, #tpu.memory_space<vmem_shared>>)
      %lt3A_375 = arith.constant 15 : i32
      %lt3A_376 = arith.cmpi slt, %scan3A_88, %lt3A_375 : i32
      %convert_element_type3A_377 = arith.extui %lt3A_376 : i1 to i32
      %cond3A_378 = arith.constant 0 : i32
      %cond3A_379 = arith.cmpi ne, %convert_element_type3A_377, %cond3A_378 : i32
      scf.if %cond3A_379 {
        %add3A_380 = arith.constant 10 : i32
        %add3A_381 = arith.addi %mul3A_90, %add3A_380 : i32
        %add3A_382 = arith.constant 9 : i32
        %add3A_383 = arith.addi %add3A_381, %add3A_382 : i32
        %dma_start3A_384 = arith.constant 0 : i32
        %dma_start3A_385 = tpu.memref_slice %arg7[%add3A_383, %dma_start3A_384] : memref<160x64xi32, #tpu.memory_space<vmem>> -> memref<1x64xi32, #tpu.memory_space<vmem>>
        %dma_start3A_386 = tpu.memref_squeeze %dma_start3A_385 : memref<1x64xi32, #tpu.memory_space<vmem>> -> memref<64xi32, #tpu.memory_space<vmem>>
        %dma_start3A_387 = arith.constant 0 : i32
        %dma_start3A_388 = arith.constant 0 : i32
        %dma_start3A_389 = tpu.memref_slice %arg40[%dma_start3A_387, %dma_start3A_388] : memref<10016x16xf32, #tpu.memory_space<vmem_shared>> -> memref<10016x16xf32, #tpu.memory_space<vmem_shared>>
        tpu.enqueue_indirect_dma source(%dma_start3A_389 : memref<10016x16xf32, #tpu.memory_space<vmem_shared>>) target(%arg18 : memref<64x16xf32, #tpu.memory_space<vmem>>) offsets(%dma_start3A_386 : memref<64xi32, #tpu.memory_space<vmem>>) semaphore(%arg28 : memref<!tpu.dma_semaphore, #tpu.memory_space<semaphore_mem>>)
      } else {
      }
    }
    %scan3A_82 = arith.constant 16 : i32
    %barrier3A_83 = arith.constant 0 : index
    tpu.barrier barrier_id(%barrier3A_83)
    %mul3A_84 = arith.constant 626 : i32
    %mul3A_85 = arith.muli %arg1, %mul3A_84 : i32
    %mul3A_86 = arith.constant 626 : i32
    %mul3A_87 = arith.muli %arg1, %mul3A_86 : i32
    "tpu.region"() ({
      %run_scoped3A = tpu.sem_alloc : memref<!tpu.dma_semaphore, #tpu.memory_space<semaphore_mem>>
      %dma_start3A_88 = arith.constant 0 : i32
      %dma_start3A_89 = arith.constant 0 : i32
      %dma_start3A_90 = tpu.memref_slice %arg6[%arg0, %dma_start3A_88, %dma_start3A_89] : memref<2x10016x16xf32, #tpu.memory_space<hbm>> -> memref<1x10016x16xf32, #tpu.memory_space<hbm>>
      %dma_start3A_91 = tpu.memref_squeeze %dma_start3A_90 : memref<1x10016x16xf32, #tpu.memory_space<hbm>> -> memref<10016x16xf32, #tpu.memory_space<hbm>>
      %dma_start3A_92 = arith.constant 0 : i32
      %dma_start3A_93 = tpu.memref_slice %dma_start3A_91[%mul3A_87, %dma_start3A_92] : memref<10016x16xf32, #tpu.memory_space<hbm>> -> memref<626x16xf32, #tpu.memory_space<hbm>>
      %dma_start3A_94 = arith.constant 0 : i32
      %dma_start3A_95 = tpu.memref_slice %arg39[%mul3A_85, %dma_start3A_94] : memref<10016x16xf32, #tpu.memory_space<vmem_shared>> -> memref<626x16xf32, #tpu.memory_space<vmem_shared>>
      tpu.enqueue_dma source(%dma_start3A_95 : memref<626x16xf32, #tpu.memory_space<vmem_shared>>) target(%dma_start3A_93 : memref<626x16xf32, #tpu.memory_space<hbm>>) target_semaphore(%run_scoped3A : memref<!tpu.dma_semaphore, #tpu.memory_space<semaphore_mem>>)
      %dma_wait3A = arith.constant 0 : i32
      %dma_wait3A_96 = arith.constant 0 : i32
      %dma_wait3A_97 = tpu.memref_slice %arg6[%arg0, %dma_wait3A, %dma_wait3A_96] : memref<2x10016x16xf32, #tpu.memory_space<hbm>> -> memref<1x10016x16xf32, #tpu.memory_space<hbm>>
      %dma_wait3A_98 = tpu.memref_squeeze %dma_wait3A_97 : memref<1x10016x16xf32, #tpu.memory_space<hbm>> -> memref<10016x16xf32, #tpu.memory_space<hbm>>
      %dma_wait3A_99 = arith.constant 0 : i32
      %dma_wait3A_100 = tpu.memref_slice %dma_wait3A_98[%mul3A_87, %dma_wait3A_99] : memref<10016x16xf32, #tpu.memory_space<hbm>> -> memref<626x16xf32, #tpu.memory_space<hbm>>
      %dma_wait3A_101 = arith.constant 0 : i32
      %dma_wait3A_102 = tpu.memref_slice %arg39[%mul3A_85, %dma_wait3A_101] : memref<10016x16xf32, #tpu.memory_space<vmem_shared>> -> memref<626x16xf32, #tpu.memory_space<vmem_shared>>
      tpu.wait_dma2 semaphore(%run_scoped3A : memref<!tpu.dma_semaphore, #tpu.memory_space<semaphore_mem>>) src(%dma_wait3A_102 : memref<626x16xf32, #tpu.memory_space<vmem_shared>>) dst(%dma_wait3A_100 : memref<626x16xf32, #tpu.memory_space<hbm>>)
      tpu.yield
    }) : () -> ()
    return
  }
}

module attributes {stable_mosaic.version = 14 : i64} {
  func.func @_tc1_body(%arg0: i32, %arg1: memref<2000x128xf32, #tpu.memory_space<vmem>>, %arg2: memref<128x128xf32, #tpu.memory_space<vmem>>, %arg3: memref<2x2000x16xf32, #tpu.memory_space<vmem>>, %arg4: memref<2x2000x64xf32, #tpu.memory_space<vmem>>, %arg5: memref<2000x1xf32, #tpu.memory_space<vmem>>) attributes {dimension_semantics = [#tpu.dimension_semantics<arbitrary>], iteration_bounds = array<i64: 5>, scalar_prefetch = 0 : i64, scratch_operands = 0 : i64, tpu.core_type = #tpu.core_type<tc>, window_params = [{transform_indices = @transform_0, window_bounds = array<i64: 2000, 128>}, {pipeline_mode = #tpu.pipeline_mode<synchronous>, transform_indices = @transform_1, window_bounds = array<i64: 128, 128>}, {transform_indices = @transform_2, window_bounds = array<i64: 2, 2000, 16>}, {transform_indices = @transform_3, window_bounds = array<i64: 2, 2000, 64>}, {transform_indices = @transform_4, window_bounds = array<i64: 2000, 1>}]} {
    %get3A = arith.constant 0 : index
    %get3A_0 = arith.constant 0 : index
    %get3A_1 = arith.constant 0 : index
    %get3A_2 = vector.load %arg3[%get3A, %get3A_0, %get3A_1] : memref<2x2000x16xf32, #tpu.memory_space<vmem>>, vector<1x2000x1xf32>
    %get3A_3 = vector.shape_cast %get3A_2 : vector<1x2000x1xf32> to vector<2000x1xf32>
    %get3A_4 = arith.constant 1 : index
    %get3A_5 = arith.constant 0 : index
    %get3A_6 = arith.constant 0 : index
    %get3A_7 = vector.load %arg3[%get3A_4, %get3A_5, %get3A_6] : memref<2x2000x16xf32, #tpu.memory_space<vmem>>, vector<1x2000x1xf32>
    %get3A_8 = vector.shape_cast %get3A_7 : vector<1x2000x1xf32> to vector<2000x1xf32>
    %add3A = arith.addf %get3A_3, %get3A_8 : vector<2000x1xf32>
    %add3A_9 = arith.constant 1.000000e+00 : f32
    %add3A_10 = vector.broadcast %add3A_9 : f32 to vector<2000x1xf32>
    %add3A_11 = arith.addf %add3A, %add3A_10 : vector<2000x1xf32>
    %rsqrt3A = math.rsqrt %add3A_11 : vector<2000x1xf32>
    %get3A_12 = arith.constant 0 : index
    %get3A_13 = arith.constant 0 : index
    %get3A_14 = vector.load %arg1[%get3A_12, %get3A_13] : memref<2000x128xf32, #tpu.memory_space<vmem>>, vector<2000x128xf32>
    %get3A_15 = arith.constant 0 : index
    %get3A_16 = arith.constant 0 : index
    %get3A_17 = vector.load %arg2[%get3A_15, %get3A_16] : memref<128x128xf32, #tpu.memory_space<vmem>>, vector<128x128xf32>
    %dot_general3A = arith.constant dense<0.000000e+00> : vector<2000x128xf32>
    %dot_general3A_18 = tpu.matmul %get3A_14, %get3A_17, %dot_general3A {dimension_numbers = #tpu.dot_dimension_numbers<[1], [0], [0], [1], [0, 0, 1, 1], [], []>, transpose_lhs_hint = false} : vector<2000x128xf32>, vector<128x128xf32>, vector<2000x128xf32> -> vector<2000x128xf32>
    %mul3A = vector.broadcast %rsqrt3A : vector<2000x1xf32> to vector<2000x128xf32>
    %mul3A_19 = arith.mulf %dot_general3A_18, %mul3A : vector<2000x128xf32>
    %slice3A = vector.extract_strided_slice %mul3A_19 {offsets = [0, 0], sizes = [2000, 64], strides = [1, 1]} : vector<2000x128xf32> to vector<2000x64xf32>
    %swap3A = arith.constant 0 : index
    %swap3A_20 = arith.constant 0 : index
    %swap3A_21 = arith.constant 0 : index
    %swap3A_22 = vector.load %arg4[%swap3A, %swap3A_20, %swap3A_21] : memref<2x2000x64xf32, #tpu.memory_space<vmem>>, vector<1x2000x64xf32>
    %swap3A_23 = vector.shape_cast %swap3A_22 : vector<1x2000x64xf32> to vector<2000x64xf32>
    %swap3A_24 = vector.shape_cast %slice3A : vector<2000x64xf32> to vector<1x2000x64xf32>
    tpu.vector_store %arg4[%swap3A, %swap3A_20, %swap3A_21], %swap3A_24 {strides = array<i32>} : memref<2x2000x64xf32, #tpu.memory_space<vmem>>, vector<1x2000x64xf32>,
    %slice3A_25 = vector.extract_strided_slice %mul3A_19 {offsets = [0, 64], sizes = [2000, 64], strides = [1, 1]} : vector<2000x128xf32> to vector<2000x64xf32>
    %swap3A_26 = arith.constant 1 : index
    %swap3A_27 = arith.constant 0 : index
    %swap3A_28 = arith.constant 0 : index
    %swap3A_29 = vector.load %arg4[%swap3A_26, %swap3A_27, %swap3A_28] : memref<2x2000x64xf32, #tpu.memory_space<vmem>>, vector<1x2000x64xf32>
    %swap3A_30 = vector.shape_cast %swap3A_29 : vector<1x2000x64xf32> to vector<2000x64xf32>
    %swap3A_31 = vector.shape_cast %slice3A_25 : vector<2000x64xf32> to vector<1x2000x64xf32>
    tpu.vector_store %arg4[%swap3A_26, %swap3A_27, %swap3A_28], %swap3A_31 {strides = array<i32>} : memref<2x2000x64xf32, #tpu.memory_space<vmem>>, vector<1x2000x64xf32>,
    %swap3A_32 = arith.constant 0 : index
    %swap3A_33 = arith.constant 0 : index
    %swap3A_34 = vector.load %arg5[%swap3A_32, %swap3A_33] : memref<2000x1xf32, #tpu.memory_space<vmem>>, vector<2000x1xf32>
    tpu.vector_store %arg5[%swap3A_32, %swap3A_33], %rsqrt3A {strides = array<i32>} : memref<2000x1xf32, #tpu.memory_space<vmem>>, vector<2000x1xf32>,
    return
  }
  func.func @transform_0(%arg0: i32) -> (i32, i32) {
    %c0_i32 = arith.constant 0 : i32
    %c0_i32_0 = arith.constant 0 : i32
    return %arg0, %c0_i32 : i32, i32
  }
  func.func @transform_1(%arg0: i32) -> (i32, i32) {
    %c0_i32 = arith.constant 0 : i32
    %c0_i32_0 = arith.constant 0 : i32
    %c0_i32_1 = arith.constant 0 : i32
    return %c0_i32, %c0_i32_0 : i32, i32
  }
  func.func @transform_2(%arg0: i32) -> (i32, i32, i32) {
    %c0_i32 = arith.constant 0 : i32
    %c0_i32_0 = arith.constant 0 : i32
    %c0_i32_1 = arith.constant 0 : i32
    return %c0_i32, %arg0, %c0_i32_0 : i32, i32, i32
  }
  func.func @transform_3(%arg0: i32) -> (i32, i32, i32) {
    %c0_i32 = arith.constant 0 : i32
    %c0_i32_0 = arith.constant 0 : i32
    %c0_i32_1 = arith.constant 0 : i32
    return %c0_i32, %arg0, %c0_i32_0 : i32, i32, i32
  }
  func.func @transform_4(%arg0: i32) -> (i32, i32) {
    %c0_i32 = arith.constant 0 : i32
    %c0_i32_0 = arith.constant 0 : i32
    return %arg0, %c0_i32 : i32, i32
  }
}

module attributes {stable_mosaic.version = 14 : i64} {
  func.func @_tc2_body(%arg0: i32, %arg1: memref<2x2000x64xf32, #tpu.memory_space<vmem>>, %arg2: memref<2x2000x64xf32, #tpu.memory_space<vmem>>, %arg3: memref<2000x1xf32, #tpu.memory_space<vmem>>, %arg4: memref<1x128xf32, #tpu.memory_space<vmem>>, %arg5: memref<128x16xf32, #tpu.memory_space<vmem>>, %arg6: memref<2000x16xf32, #tpu.memory_space<vmem>>) attributes {dimension_semantics = [#tpu.dimension_semantics<arbitrary>], iteration_bounds = array<i64: 5>, scalar_prefetch = 0 : i64, scratch_operands = 0 : i64, tpu.core_type = #tpu.core_type<tc>, window_params = [{transform_indices = @transform_0, window_bounds = array<i64: 2, 2000, 64>}, {transform_indices = @transform_1, window_bounds = array<i64: 2, 2000, 64>}, {transform_indices = @transform_2, window_bounds = array<i64: 2000, 1>}, {pipeline_mode = #tpu.pipeline_mode<synchronous>, transform_indices = @transform_3, window_bounds = array<i64: 1, 128>}, {pipeline_mode = #tpu.pipeline_mode<synchronous>, transform_indices = @transform_4, window_bounds = array<i64: 128, 16>}, {transform_indices = @transform_5, window_bounds = array<i64: 2000, 16>}]} {
    %get3A = arith.constant 0 : index
    %get3A_0 = arith.constant 0 : index
    %get3A_1 = vector.load %arg3[%get3A, %get3A_0] : memref<2000x1xf32, #tpu.memory_space<vmem>>, vector<2000x1xf32>
    %get3A_2 = arith.constant 0 : index
    %get3A_3 = arith.constant 0 : index
    %get3A_4 = arith.constant 0 : index
    %get3A_5 = vector.load %arg1[%get3A_2, %get3A_3, %get3A_4] : memref<2x2000x64xf32, #tpu.memory_space<vmem>>, vector<1x2000x64xf32>
    %get3A_6 = vector.shape_cast %get3A_5 : vector<1x2000x64xf32> to vector<2000x64xf32>
    %get3A_7 = arith.constant 0 : index
    %get3A_8 = arith.constant 0 : index
    %get3A_9 = arith.constant 0 : index
    %get3A_10 = vector.load %arg2[%get3A_7, %get3A_8, %get3A_9] : memref<2x2000x64xf32, #tpu.memory_space<vmem>>, vector<1x2000x64xf32>
    %get3A_11 = vector.shape_cast %get3A_10 : vector<1x2000x64xf32> to vector<2000x64xf32>
    %add3A = arith.addf %get3A_6, %get3A_11 : vector<2000x64xf32>
    %get3A_12 = arith.constant 1 : index
    %get3A_13 = arith.constant 0 : index
    %get3A_14 = arith.constant 0 : index
    %get3A_15 = vector.load %arg1[%get3A_12, %get3A_13, %get3A_14] : memref<2x2000x64xf32, #tpu.memory_space<vmem>>, vector<1x2000x64xf32>
    %get3A_16 = vector.shape_cast %get3A_15 : vector<1x2000x64xf32> to vector<2000x64xf32>
    %get3A_17 = arith.constant 1 : index
    %get3A_18 = arith.constant 0 : index
    %get3A_19 = arith.constant 0 : index
    %get3A_20 = vector.load %arg2[%get3A_17, %get3A_18, %get3A_19] : memref<2x2000x64xf32, #tpu.memory_space<vmem>>, vector<1x2000x64xf32>
    %get3A_21 = vector.shape_cast %get3A_20 : vector<1x2000x64xf32> to vector<2000x64xf32>
    %add3A_22 = arith.addf %get3A_16, %get3A_21 : vector<2000x64xf32>
    %concatenate3A = tpu.concatenate %add3A, %add3A_22 in 1 : vector<2000x64xf32>, vector<2000x64xf32> -> vector<2000x128xf32>
    %mul3A = vector.broadcast %get3A_1 : vector<2000x1xf32> to vector<2000x128xf32>
    %mul3A_23 = arith.mulf %concatenate3A, %mul3A : vector<2000x128xf32>
    %get3A_24 = arith.constant 0 : index
    %get3A_25 = arith.constant 0 : index
    %get3A_26 = vector.load %arg4[%get3A_24, %get3A_25] : memref<1x128xf32, #tpu.memory_space<vmem>>, vector<1x128xf32>
    %add3A_27 = vector.broadcast %get3A_26 : vector<1x128xf32> to vector<2000x128xf32>
    %add3A_28 = arith.addf %mul3A_23, %add3A_27 : vector<2000x128xf32>
    %max3A = arith.constant 0.000000e+00 : f32
    %max3A_29 = vector.broadcast %max3A : f32 to vector<2000x128xf32>
    %max3A_30 = arith.maximumf %add3A_28, %max3A_29 : vector<2000x128xf32>
    %get3A_31 = arith.constant 0 : index
    %get3A_32 = arith.constant 0 : index
    %get3A_33 = vector.load %arg5[%get3A_31, %get3A_32] : memref<128x16xf32, #tpu.memory_space<vmem>>, vector<128x16xf32>
    %dot_general3A = arith.constant dense<0.000000e+00> : vector<2000x16xf32>
    %dot_general3A_34 = tpu.matmul %max3A_30, %get3A_33, %dot_general3A {dimension_numbers = #tpu.dot_dimension_numbers<[1], [0], [0], [1], [0, 0, 1, 1], [], []>, transpose_lhs_hint = false} : vector<2000x128xf32>, vector<128x16xf32>, vector<2000x16xf32> -> vector<2000x16xf32>
    %mul3A_35 = vector.broadcast %get3A_1 : vector<2000x1xf32> to vector<2000x16xf32>
    %mul3A_36 = arith.mulf %dot_general3A_34, %mul3A_35 : vector<2000x16xf32>
    %swap3A = arith.constant 0 : index
    %swap3A_37 = arith.constant 0 : index
    %swap3A_38 = vector.load %arg6[%swap3A, %swap3A_37] : memref<2000x16xf32, #tpu.memory_space<vmem>>, vector<2000x16xf32>
    tpu.vector_store %arg6[%swap3A, %swap3A_37], %mul3A_36 {strides = array<i32>} : memref<2000x16xf32, #tpu.memory_space<vmem>>, vector<2000x16xf32>,
    return
  }
  func.func @transform_0(%arg0: i32) -> (i32, i32, i32) {
    %c0_i32 = arith.constant 0 : i32
    %c0_i32_0 = arith.constant 0 : i32
    %c0_i32_1 = arith.constant 0 : i32
    return %c0_i32, %arg0, %c0_i32_0 : i32, i32, i32
  }
  func.func @transform_1(%arg0: i32) -> (i32, i32, i32) {
    %c0_i32 = arith.constant 0 : i32
    %c0_i32_0 = arith.constant 0 : i32
    %c0_i32_1 = arith.constant 0 : i32
    return %c0_i32, %arg0, %c0_i32_0 : i32, i32, i32
  }
  func.func @transform_2(%arg0: i32) -> (i32, i32) {
    %c0_i32 = arith.constant 0 : i32
    %c0_i32_0 = arith.constant 0 : i32
    return %arg0, %c0_i32 : i32, i32
  }
  func.func @transform_3(%arg0: i32) -> (i32, i32) {
    %c0_i32 = arith.constant 0 : i32
    %c0_i32_0 = arith.constant 0 : i32
    %c0_i32_1 = arith.constant 0 : i32
    return %c0_i32, %c0_i32_0 : i32, i32
  }
  func.func @transform_4(%arg0: i32) -> (i32, i32) {
    %c0_i32 = arith.constant 0 : i32
    %c0_i32_0 = arith.constant 0 : i32
    %c0_i32_1 = arith.constant 0 : i32
    return %c0_i32, %c0_i32_0 : i32, i32
  }
  func.func @transform_5(%arg0: i32) -> (i32, i32) {
    %c0_i32 = arith.constant 0 : i32
    %c0_i32_0 = arith.constant 0 : i32
    return %arg0, %c0_i32 : i32, i32
  }
}

module attributes {stable_mosaic.version = 14 : i64} {
  func.func @_tc3_body(%arg0: i32, %arg1: memref<2x2000x16xf32, #tpu.memory_space<vmem>>, %arg2: memref<2000x16xf32, #tpu.memory_space<vmem>>, %arg3: memref<2000x1xf32, #tpu.memory_space<vmem>>, %arg4: memref<1x3xf32, #tpu.memory_space<vmem>>, %arg5: memref<2000x3xf32, #tpu.memory_space<vmem>>) attributes {dimension_semantics = [#tpu.dimension_semantics<arbitrary>], iteration_bounds = array<i64: 5>, scalar_prefetch = 0 : i64, scratch_operands = 0 : i64, tpu.core_type = #tpu.core_type<tc>, window_params = [{transform_indices = @transform_0, window_bounds = array<i64: 2, 2000, 16>}, {transform_indices = @transform_1, window_bounds = array<i64: 2000, 16>}, {transform_indices = @transform_2, window_bounds = array<i64: 2000, 1>}, {pipeline_mode = #tpu.pipeline_mode<synchronous>, transform_indices = @transform_3, window_bounds = array<i64: 1, 3>}, {transform_indices = @transform_4, window_bounds = array<i64: 2000, 3>}]} {
    %get3A = arith.constant 0 : index
    %get3A_0 = arith.constant 0 : index
    %get3A_1 = arith.constant 0 : index
    %get3A_2 = vector.load %arg1[%get3A, %get3A_0, %get3A_1] : memref<2x2000x16xf32, #tpu.memory_space<vmem>>, vector<1x2000x16xf32>
    %get3A_3 = vector.shape_cast %get3A_2 : vector<1x2000x16xf32> to vector<2000x16xf32>
    %get3A_4 = arith.constant 1 : index
    %get3A_5 = arith.constant 0 : index
    %get3A_6 = arith.constant 0 : index
    %get3A_7 = vector.load %arg1[%get3A_4, %get3A_5, %get3A_6] : memref<2x2000x16xf32, #tpu.memory_space<vmem>>, vector<1x2000x16xf32>
    %get3A_8 = vector.shape_cast %get3A_7 : vector<1x2000x16xf32> to vector<2000x16xf32>
    %add3A = arith.addf %get3A_3, %get3A_8 : vector<2000x16xf32>
    %get3A_9 = arith.constant 0 : index
    %get3A_10 = arith.constant 0 : index
    %get3A_11 = vector.load %arg2[%get3A_9, %get3A_10] : memref<2000x16xf32, #tpu.memory_space<vmem>>, vector<2000x16xf32>
    %add3A_12 = arith.addf %add3A, %get3A_11 : vector<2000x16xf32>
    %get3A_13 = arith.constant 0 : index
    %get3A_14 = arith.constant 0 : index
    %get3A_15 = vector.load %arg3[%get3A_13, %get3A_14] : memref<2000x1xf32, #tpu.memory_space<vmem>>, vector<2000x1xf32>
    %mul3A = vector.broadcast %get3A_15 : vector<2000x1xf32> to vector<2000x16xf32>
    %mul3A_16 = arith.mulf %add3A_12, %mul3A : vector<2000x16xf32>
    %slice3A = vector.extract_strided_slice %mul3A_16 {offsets = [0, 0], sizes = [2000, 3], strides = [1, 1]} : vector<2000x16xf32> to vector<2000x3xf32>
    %get3A_17 = arith.constant 0 : index
    %get3A_18 = arith.constant 0 : index
    %get3A_19 = vector.load %arg4[%get3A_17, %get3A_18] : memref<1x3xf32, #tpu.memory_space<vmem>>, vector<1x3xf32>
    %add3A_20 = vector.broadcast %get3A_19 : vector<1x3xf32> to vector<2000x3xf32>
    %add3A_21 = arith.addf %slice3A, %add3A_20 : vector<2000x3xf32>
    %swap3A = arith.constant 0 : index
    %swap3A_22 = arith.constant 0 : index
    %swap3A_23 = vector.load %arg5[%swap3A, %swap3A_22] : memref<2000x3xf32, #tpu.memory_space<vmem>>, vector<2000x3xf32>
    tpu.vector_store %arg5[%swap3A, %swap3A_22], %add3A_21 {strides = array<i32>} : memref<2000x3xf32, #tpu.memory_space<vmem>>, vector<2000x3xf32>,
    return
  }
  func.func @transform_0(%arg0: i32) -> (i32, i32, i32) {
    %c0_i32 = arith.constant 0 : i32
    %c0_i32_0 = arith.constant 0 : i32
    %c0_i32_1 = arith.constant 0 : i32
    return %c0_i32, %arg0, %c0_i32_0 : i32, i32, i32
  }
  func.func @transform_1(%arg0: i32) -> (i32, i32) {
    %c0_i32 = arith.constant 0 : i32
    %c0_i32_0 = arith.constant 0 : i32
    return %arg0, %c0_i32 : i32, i32
  }
  func.func @transform_2(%arg0: i32) -> (i32, i32) {
    %c0_i32 = arith.constant 0 : i32
    %c0_i32_0 = arith.constant 0 : i32
    return %arg0, %c0_i32 : i32, i32
  }
  func.func @transform_3(%arg0: i32) -> (i32, i32) {
    %c0_i32 = arith.constant 0 : i32
    %c0_i32_0 = arith.constant 0 : i32
    %c0_i32_1 = arith.constant 0 : i32
    return %c0_i32, %c0_i32_0 : i32, i32
  }
  func.func @transform_4(%arg0: i32) -> (i32, i32) {
    %c0_i32 = arith.constant 0 : i32
    %c0_i32_0 = arith.constant 0 : i32
    return %arg0, %c0_i32 : i32, i32
  }
}

</mosaic_0001>

<sc_bundles>
// kernel: kernel.11.cloned.1.call-start
scs
__scs_entry_jumppad:
0x0: {  	(pc) =	sbr.rel $0x88, $3  }
0x1: {  	(tag) =	ssettag $0x0;
	lr =	simm.s32 $0x1  }
0x2: {  	[smem:$0x3F9B] =	sst lr;
	_ =	strace $0xD0000000  }
0x3: {  	_ = 	snop  }
0x4: {  	_ = 	snop  }
0x5: {  	_ = 	snop  }
0x6: {  	_ = 	snop  }
0x7: {  	_ = 	snop  }
__scs_overlays_trampoline_lowered:
0x8: {  	[smem:$0x3FAA] =	sst s0  }
0x9: {  	[smem:$0x3FAB] =	sst s1  }
0xa: {  	[smem:$0x3FAC] =	sst s2  }
0xb: {  	[smem:$0x3FAD] =	sst s3  }
0xc: {  	[smem:$0x3FAE] =	sst s4  }
0xd: {  	[smem:$0x3FAF] =	sst s5  }
0xe: {  	[smem:$0x3FB0] =	sst s6  }
0xf: {  	[smem:$0x3FB1] =	sst s7  }
0x10: {  	[smem:$0x3FB2] =	sst s8  }
0x11: {  	[smem:$0x3FB3] =	sst s9;
	s0 =	simm.s32 @!p0 $0x0  }
0x12: {  	s1 =	sld [smem:$0x3F99];
	s0 =	simm.s32 @p0 $0x1  }
0x13: {  	[smem:$0x3FB4] =	sst s0;
	s0 =	simm.s32 @!p1 $0x0  }
0x14: {  	s2 =	sld [smem:$0x3F98];
	s0 =	simm.s32 @p1 $0x1  }
0x15: {  	[smem:$0x3FB5] =	sst s0;
	s0 =	simm.s32 @!p2 $0x0  }
0x16: {  	s3 =	sld [smem:$0x3FDB];
	s0 =	simm.s32 @p2 $0x1  }
0x17: {  	s4 =	simm.s32 $0x1BF5;
	[smem:$0x3FB7] =	sst s0  }
0x18: {  	s0 =	sld [smem:$0x3F9A];
	_ =	swait.ge [sflag:s4], $0x0  }
0x19: {  	s7 =	sld [smem:$0x3F9B]  }
0x1a: {  	s8 =	sadd.s32 $0xFFFFE003, lr  }
0x1b: {  	s9 =	sadd.s32 $0xFFFFFEF7, lr;
	s5 =	simm.s32 $0xFFFFFFFF;
	p2 =	slt.u32 s8, $0xFFFFF086  }
0x1c: {  	p1 =	slt.u32 s9, $0xF7A;
	s5 =	simm.s32 @!p2 $0x0  }
0x1d: {  	s5 =	simm.s32 @p1 $0x1;
	p0 =	seq.s32 s7, s2  }
0x1e: {  	s7 =	smul.u32 @!p0 $0xF7A, s2;
	p2 =	seq.s32 @!p0 s5, $0x0  }
0x1f: {  	s9 =	smul.u32 $0xF7A, s1;
	s8 =	simm.s32 @!p0 $0x1BF5;
	p2 =	por !p2, p0  }
0x20: {  	[sflag:s8] =	ssyncset.s32 @!p0 $0xFFFFF086;
	s6 =	sadd.s32 @!p0 s3, s7;
	s7 =	simm.s32 @!p0 $0x108  }
0x21: {  	s3 =	sadd.s32 s3, s9;
	s6 =	sadd.s32 @!p0 $0x88, s6;
	s7 =	simm.s32 @p2 $0x1082  }
0x22: {  	[simem:s7], [sflag:s8] =	dma.local @!p0 [hbm:s6], $0xF7A  }
0x23: {  	s9 =	sor.u32 $0xD0000000, s2;
	s6 =	simm.s32 $0x108;
	_ =	swait.ge @!p0 [sflag:s8], $0x0  }
0x24: {  	s3 =	sadd.s32 $0x88, s3;
	s6 =	simm.s32 @!p1 $0x1082;
	[sflag:s4] =	ssyncset.s32 $0xFFFFF086  }
0x25: {  	[simem:s6], [sflag:s4] =	dma.local [hbm:s3], $0xF7A  }
0x26: {  	[smem:$0x3F9B] =	sst s1;
	(tag) =	ssettag s2;
	_ =	strace s9  }
0x27: {  	s1 =	sld [smem:$0x3FAB]  }
0x28: {  	s2 =	sld [smem:$0x3FAC]  }
0x29: {  	s4 =	sld [smem:$0x3FAE]  }
0x2a: {  	p0 =	seq.s32 s5, $0x0;
	s5 =	sld [smem:$0x3FAF]  }
0x2b: {  	s6 =	sld [smem:$0x3FB0]  }
0x2c: {  	s7 =	sld [smem:$0x3FB1]  }
0x2d: {  	s3 =	simm.s32 $0x108;
	s8 =	sld [smem:$0x3FB2]  }
0x2e: {  	s3 =	simm.s32 @!p0 $0x1082;
	s9 =	sld [smem:$0x3FB3]  }
0x2f: {  	lr =	sadd.s32 s0, s3;
	s0 =	sld [smem:$0x3FAA]  }
0x30: {  	s3 =	sld [smem:$0x3FAD]  }
0x31: {  	[smem:$0x3FB6] =	sst s10  }
0x32: {  	s10 =	sld [smem:$0x3FB4];
	_ =	sdelay $0x3  }
0x33: {  	p0 =	seq.s32 s10, $0x1;
	s10 =	sld [smem:$0x3FB6];
	_ =	sdelay $0x3  }
0x34: {  	[smem:$0x3FB6] =	sst s10  }
0x35: {  	s10 =	sld [smem:$0x3FB5];
	_ =	sdelay $0x3  }
0x36: {  	p1 =	seq.s32 s10, $0x1;
	s10 =	sld [smem:$0x3FB6];
	_ =	sdelay $0x3  }
0x37: {  	[smem:$0x3FB6] =	sst s10  }
0x38: {  	s10 =	sld [smem:$0x3FB7]  }
0x39: {  	_ = 	snop;
	(pc) =	sbr.ind lr, $3  }
0x3a: {  	_ = 	snop  }
0x3b: {  	_ = 	snop  }
0x3c: {  	p2 =	seq.s32 s10, $0x1;
	s10 =	sld [smem:$0x3FB6]  }
0x3d: {  	_ =	shalt  }
0x3e: {  	_ =	shalt  }
0x3f: {  	_ =	shalt  }
0x40: {  	_ =	shalt  }
0x41: {  	_ =	shalt  }
0x42: {  	_ =	shalt  }
0x43: {  	_ =	shalt  }
0x44: {  	_ =	shalt  }
0x45: {  	_ =	shalt  }
0x46: {  	_ =	shalt  }
0x47: {  	_ =	shalt  }
0x48: {  	_ =	shalt  }
0x49: {  	_ =	shalt  }
0x4a: {  	_ =	shalt  }
0x4b: {  	_ =	shalt  }
0x4c: {  	_ =	shalt  }
0x4d: {  	_ =	shalt  }
0x4e: {  	_ =	shalt  }
0x4f: {  	_ =	shalt  }
0x50: {  	_ =	shalt  }
0x51: {  	_ =	shalt  }
0x52: {  	_ =	shalt  }
0x53: {  	_ =	shalt  }
0x54: {  	_ =	shalt  }
0x55: {  	_ =	shalt  }
0x56: {  	_ =	shalt  }
0x57: {  	_ =	shalt  }
0x58: {  	_ =	shalt  }
0x59: {  	_ =	shalt  }
0x5a: {  	_ =	shalt  }
0x5b: {  	_ =	shalt  }
0x5c: {  	_ =	shalt  }
0x5d: {  	_ =	shalt  }
0x5e: {  	_ =	shalt  }
0x5f: {  	_ =	shalt  }
0x60: {  	_ =	shalt  }
0x61: {  	_ =	shalt  }
0x62: {  	_ =	shalt  }
0x63: {  	_ =	shalt  }
0x64: {  	_ =	shalt  }
0x65: {  	_ =	shalt  }
0x66: {  	_ =	shalt  }
0x67: {  	_ =	shalt  }
0x68: {  	_ =	shalt  }
0x69: {  	_ =	shalt  }
0x6a: {  	_ =	shalt  }
0x6b: {  	_ =	shalt  }
0x6c: {  	_ =	shalt  }
0x6d: {  	_ =	shalt  }
0x6e: {  	_ =	shalt  }
0x6f: {  	_ =	shalt  }
0x70: {  	_ =	shalt  }
0x71: {  	_ =	shalt  }
0x72: {  	_ =	shalt  }
0x73: {  	_ =	shalt  }
0x74: {  	_ =	shalt  }
0x75: {  	_ =	shalt  }
0x76: {  	_ =	shalt  }
0x77: {  	_ =	shalt  }
0x78: {  	_ =	shalt  }
0x79: {  	_ =	shalt  }
0x7a: {  	_ =	shalt  }
0x7b: {  	_ =	shalt  }
0x7c: {  	_ =	shalt  }
0x7d: {  	_ =	shalt  }
0x7e: {  	_ =	shalt  }
0x7f: {  	_ =	shalt  }
0x80: {  	_ =	shalt  }
0x81: {  	_ =	shalt  }
0x82: {  	_ =	shalt  }
0x83: {  	_ =	shalt  }
0x84: {  	_ =	shalt  }
0x85: {  	_ =	shalt  }
0x86: {  	_ =	shalt  }
0x87: {  	_ =	shalt  }
.Lfunc_end0:
.L_simem_size_0:
called_computation.1_lowered:
.L_overlay_start_0:
0x88: {  	s2 =	sld [smem:$0x3FD9]  }
0x89: {  	s3 =	sld [smem:$0x3FFE];
	_ =	sdelay $0x1  }
0x8a: {  	s1 =	srdreg.scid  }
0x8b: {  	s0 =	sand.u32 $0x1, s1  }
0x8c: {  	s16 =	sshll.u32 s0, $0xA;
	s2 =	sadd.s32 s3, s2  }
0x8d: {  	s2 =	sadd.s32 s2, s16  }
0x8e: {  	[smem:$0x3FC2] =	sst s2  }
0x8f: {  	_ = 	snop  }
0x90: {  	(tm) =	ssettm $0x1  }
0x91: {  	s17 =	sld [smem:$0x3FFB];
	_ =	sdelay $0x3  }
0x92: {  	_ =	strace s17  }
0x93: {  	s2 =	sld [smem:$0x3FFC];
	_ =	sdelay $0x3  }
0x94: {  	_ =	strace s2  }
0x95: {  	s2 =	sld [smem:$0x3FFD];
	_ =	sdelay $0x3  }
0x96: {  	_ =	strace s2  }
0x97: {  	_ =	strace $0x8FFFFFFF  }
0x98: {  	s18 =	sld [smem:$0x3FDB];
	_ =	sdelay $0x1  }
0x99: {  	s19 =	simm.s32 $_scs_section_size  }
0x9a: {  	s4 =	simm.s32 $_size__tile_overlayer_lowered;
	s5 =	simm.s32 $_tile_overlayer_lowered  }
0x9b: {  	s22 =	simm.s32 $0x1BFF;
	s21 =	sshll.u32 s5, $0x1;
	s2 =	sadd.s32 s19, s18  }
0x9c: {  	s6 =	simm.s32 $0x0;
	s20 =	sshll.u32 s4, $0x1;
	s4 =	sadd.s32 s21, s2  }
0x9d: {  	[timem:s6], [sflag:s22] =	dma.local [hbm:s4], s20  }
0x9e: {  	_ =	swait.ge [sflag:s22], s20  }
0x9f: {  	s3 =	ssub.s32 $0x0, s20;
	[sflag:s22] =	ssyncset.done $0x0  }
0xa0: {  	[sflag:s22] =	ssyncadd.s32 s3;
	_ =	sdelay $0x1  }
0xa1: {  	s23 =	simm.s32 $0x1B8B  }
0xa2: {  	_ =	swait.ge [sflag:s23], $0x1  }
0xa3: {  	[sflag:s23] =	ssyncset.done $0x0  }
0xa4: {  	s25 =	simm.s32 $0x1B8E;
	s24 =	sld [smem:$0x3FFE];
	[sflag:s23] =	ssyncadd.s32 $0xFFFFFFFF  }
0xa5: {  	s26 =	simm.s32 $execute0_lowered;
	[smem:$0x3FD2] =	sst s25  }
0xa6: {  	s4 =	sshll.u32 s26, $0x1;
	_ =	strace $0x80000049;
	[dreg:$0x1] =	wrdreg $0xFFFFFFFF  }
0xa7: {  	s28 =	simm.s32 $_size_execute0_lowered;
	s2 =	sadd.s32 s2, s4;
	[dreg:$0x0] =	wrdreg $0x0  }
0xa8: {  	s4 =	sshll.u32 s28, $0x1;
	[dreg:$0x2] =	wrdreg s2  }
0xa9: {  	[dreg:$0x3] =	wrdreg s4  }
0xaa: {  	[dreg:$0x4] =	wrdreg $0xC0  }
0xab: {  	_ =	task [dreg:s6], $0x5FFFF  }
0xac: {  	[dreg:$0x1] =	wrdreg $0xFFFFFFFF  }
0xad: {  	[dreg:$0x0] =	wrdreg $0x60  }
0xae: {  	[dreg:$0x2] =	wrdreg s24  }
0xaf: {  	[dreg:$0x3] =	wrdreg $0x146800  }
0xb0: {  	[dreg:$0x4] =	wrdreg $0xAA000  }
0xb1: {  	[dreg:$0x5] =	wrdreg $0x9  }
0xb2: {  	_ =	task.clear_ibuf [dreg:s6], $0x6FFFF;
	_ =	strace $0x90000049  }
0xb3: {  	s29 =	simm.s32 $0x9;
	_ =	strace $0x8000004B  }
0xb4: {  	_ =	swait.ge [sflag:s29], $0x1  }
0xb5: {  	[sflag:s29] =	ssyncadd.s32 $0xFFFFFFFF  }
0xb6: {  	_ =	strace $0x9000004B  }
0xb7: {  	_ =	sfence  }
0xb8: {  	s30 =	sld [smem:$0x0];
	_ =	sdelay $0x2  }
0xb9: {  	s31 =	sshll.u32 s1, $0xD;
	s1 =	sshrl.u32 s1, $0x2  }
0xba: {  	s3 =	sand.u32 $0x4000, s31;
	s1 =	sadd.s32 s1, s30  }
0xbb: {  	s0 =	sor.u32 s3, s0;
	s1 =	sshll.u32 s1, $0x11  }
0xbc: {  	s0 =	sor.u32 s1, s0  }
0xbd: {  	s0 =	sadd.s32 $0x8F2B, s0  }
0xbe: {  	[sflag:s0] =	ssyncadd.remote.s32 $0x1  }
0xbf: {  	_ =	sfence.sel $0xFFFF  }
0xc0: {  	[dreg:$0x0] =	wrdreg $0xFFFFFFFF;
	(pc) =	sbr.abs _section_cstart, $3  }
0xc1: {  	[dreg:$0x1] =	wrdreg $0xFFFFFFFF  }
0xc2: {  	_ =	task.clear_ibuf [dreg:s6], $0x2FFFF;
	_ =	strace $0x9FFFFFFF  }
0xc3: {  	(tm) =	ssettm $0x7FFFFFFF  }
tec
execute0_lowered:
.L_overlay_start_1:
0x0: {  	(tag) =	ssettag $0x1  }
0x1: {  	s0 =	rddreg [dreg:$0x0]  }
0x2: {  	s1 =	rddreg [dreg:$0x1]  }
0x3: {  	s15 =	rddreg [dreg:$0x2]  }
0x4: {  	s3 =	srdreg.scid;
	s14 =	simm.s32 $0x0;
	s12 =	stileid.u32  }
0x5: {  	s20 =	simm.s32 $0x40;
	s2 =	simm.s32 $0x1A00;
	s13 =	simm.s32 $0x6A00  }
0x6: {  	s16 =	simm.s32 $0x7A00;
	s29 =	simm.s32 $0x9A00;
	s21 =	simm.s32 $0x7  }
0x7: {  	s28 =	simm.s32 $0xA;
	s31 =	simm.s32 $0xC;
	s3 =	sand.u32 $0x1, s3  }
0x8: {  	[smem:$0x7FF] =	sst s14;
	s5 =	smul.u32 $0xA00, s12;
	s7 =	sadd.s32 $0xC000, s0  }
0x9: {  	s8 =	smul.u32 $0x9C80, s12;
	s23 =	sshll.u32 s12, $0x6;
	s11 =	sadd.s32 $0x92B80, s15  }
0xa: {  	p0 =	seq.s32 s12, $0xF;
	s12 =	simm.s32 $0x19;
	s4 =	smul.u32 $0x13880, s3  }
0xb: {  	_ =	strace $0x8000004A;
	s6 =	smul.u32 $0x13900, s3;
	s3 =	ssub.s32 $0x2, s3  }
0xc: {  	[dreg:$0x4] =	wrdreg s7;
	s30 =	sor.u32 $0x1C19, s23;
	s23 =	simm.s32 $0x4A00  }
0xd: {  	s5 =	sadd.s32 s5, s0;
	s22 =	sshrl.u32 s3, $0x1;
	s9 =	sadd.s32 s8, s1  }
0xe: {  	s10 =	sshrl.u32 s8, $0x3;
	[dreg:$0x5] =	wrdreg s30;
	s4 =	sadd.s32 s4, s0  }
0xf: {  	s0 =	sadd.s32 s6, s0;
	s3 =	ssub.s32 s3, s22;
	s24 =	sadd.s32 $0x16000, s5  }
0x10: {  	s7 =	sadd.s32 $0x2000, s5;
	s5 =	sshrl.u32 s9, $0x3;
	[dreg:$0xe] =	wrdreg s24  }
0x11: {  	s6 =	sadd.s32 s8, s15;
	s8 =	simm.s32 $0x3A00;
	[dreg:$0x7] =	wrdreg s5  }
0x12: {  	s9 =	simm.s32 $0x0;
	s3 =	smax.u32 s3, $0x1;
	[dreg:$0x10] =	wrdreg s7  }
0x13: {  	s22 =	simm.s32 $0x8;
	s25 =	sadd.s32 $0x50, s24;
	[dreg:$0x6] =	wrdreg s3  }
0x14: {  	s4 =	sadd.s32 $0x47200, s4;
	s26 =	sadd.s32 $0x50, s7;
	[dreg:$0xc] =	wrdreg s25  }
0x15: {  	s0 =	sadd.s32 $0x6E400, s0;
	s3 =	sadd.s32 @p0 $0x12570, s4;
	[dreg:$0xd] =	wrdreg s26  }
0x16: {  	s24 =	simm.s32 $0x6;
	s0 =	sadd.s32 s10, s0;
	[dreg:$0x8] =	wrdreg s3  }
0x17: {  	s25 =	simm.s32 $0x9;
	s3 =	sshrl.u32 @p0 s11, $0x3;
	[dreg:$0xf] =	wrdreg s0  }
0x18: {  	s11 =	simm.s32 $0x8A00;
	[dreg:$0x9] =	wrdreg s3;
	s3 =	sadd.s32 @!p0 s10, s4  }
0x19: {  	s4 =	simm.s32 $0x780;
	[dreg:$0xa] =	wrdreg s3;
	s3 =	sshrl.u32 @!p0 s6, $0x3  }
0x1a: {  	s6 =	simm.s32 $0x2A00;
	[dreg:$0xb] =	wrdreg s3;
	s3 =	simm.s32 $0x5A00  }
.LBB2_1:
0x1b: {  	[dreg:$0x11] =	wrdreg s9  }
0x1c: {  	s0 =	rddreg [dreg:$0x4]  }
0x1d: {  	[spmem:s5], [sflag:s30] =	dma.local [hbm:s0], $0x1390  }
0x1e: {  	_ =	swait.ge [sflag:s12], $0x1390  }
0x1f: {  	[sflag:s12] =	ssyncset.done $0x0;
	s0 =	rddreg [dreg:$0x8]  }
0x20: {  	s5 =	rddreg [dreg:$0x9];
	[sflag:s12] =	ssyncadd.s32 $0xFFFFEC70  }
0x21: {  	[spmem:s5], [sflag:s30] =	dma.local @p0 [hbm:s0], $0x1310  }
0x22: {  	s0 =	simm.s32 @p0 $0x19  }
0x23: {  	_ =	swait.ge @p0 [sflag:s0], $0x1310  }
0x24: {  	[sflag:s0] =	ssyncset.done @p0 $0x0;
	s5 =	rddreg [dreg:$0xb]  }
0x25: {  	[sflag:s0] =	ssyncadd.s32 @p0 $0xFFFFECF0;
	s0 =	rddreg [dreg:$0xa]  }
0x26: {  	[spmem:s5], [sflag:s30] =	dma.local @!p0 [hbm:s0], $0x1390  }
0x27: {  	s0 =	simm.s32 @!p0 $0x19  }
0x28: {  	_ =	swait.ge @!p0 [sflag:s0], $0x1390  }
0x29: {  	[sflag:s0] =	ssyncset.done @!p0 $0x0  }
0x2a: {  	s10 =	rddreg [dreg:$0xe];
	[sflag:s0] =	ssyncadd.s32 @!p0 $0xFFFFEC70  }
0x2b: {  	[tilespmem:s14], [sflag:$0x19] =	stream.linear.gather [hbm4b:s10+s14], $0x280, $0x38;
	[tilespmem:$0x1E300] =	vst v63  }
0x2c: {  	_ =	swait.ge [sflag:s12], $0x280  }
0x2d: {  	[sflag:s12] =	ssyncset.done $0x0  }
0x2e: {  	s17 =	simm.s32 $0x280;
	[sflag:s12] =	ssyncadd.s32 $0xFFFFFD80  }
0x2f: {  	[tilespmem:s17], [sflag:$0x19] =	stream.linear.gather [hbm4b:s7+s14], $0x280, $0x38;
	[tilespmem:$0x1E300] =	vst v63  }
0x30: {  	_ =	swait.ge [sflag:s12], $0x280  }
0x31: {  	[sflag:s12] =	ssyncset.done $0x0  }
0x32: {  	s19 =	simm.s32 $0x500;
	s18 =	rddreg [dreg:$0xc];
	[sflag:s12] =	ssyncadd.s32 $0xFFFFFD80  }
0x33: {  	[tilespmem:s19], [sflag:$0x17] =	stream.linear.gather [hbm4b:s18+s14], $0x280, $0x38;
	[tilespmem:$0x1E300] =	vst v63  }
0x34: {  	s26 =	rddreg [dreg:$0xd]  }
0x35: {  	[tilespmem:s4], [sflag:$0x18] =	stream.linear.gather [hbm4b:s26+s14], $0x280, $0x38;
	[tilespmem:$0x1E300] =	vst v63  }
0x36: {  	s12 =	simm.s32 $0xA00;
	[bflag:$0x0] =	sbarrier.arrive $0xFFFF  }
0x37: {  	[tilespmem:s12], [sflag:$0x1] =	stream.indirect.gather [spmem:s15], $0x40, s14, s20, $0xb8;
	[tilespmem:$0x1E300] =	vst v63  }
0x38: {  	_ = 	snop  }
0x39: {  	[tilespmem:s2], [sflag:$0x2] =	stream.indirect.gather [spmem:s15], $0x40, s20, s20, $0xb8;
	[tilespmem:$0x1E300] =	vst v63  }
0x3a: {  	s5 =	simm.s32 $0x80  }
0x3b: {  	[tilespmem:s6], [sflag:$0x3] =	stream.indirect.gather [spmem:s15], $0x40, s5, s20, $0xb8;
	[tilespmem:$0x1E300] =	vst v63  }
0x3c: {  	s9 =	simm.s32 $0xC0  }
0x3d: {  	[tilespmem:s8], [sflag:$0x4] =	stream.indirect.gather [spmem:s15], $0x40, s9, s20, $0xb8;
	[tilespmem:$0x1E300] =	vst v63  }
0x3e: {  	s10 =	simm.s32 $0x100  }
0x3f: {  	[tilespmem:s23], [sflag:$0x5] =	stream.indirect.gather [spmem:s15], $0x40, s10, s20, $0xb8;
	[tilespmem:$0x1E300] =	vst v63  }
0x40: {  	s14 =	simm.s32 $0x140  }
0x41: {  	[tilespmem:s3], [sflag:$0x6] =	stream.indirect.gather [spmem:s15], $0x40, s14, s20, $0xb8;
	[tilespmem:$0x1E300] =	vst v63  }
0x42: {  	s17 =	simm.s32 $0x180  }
0x43: {  	[tilespmem:s13], [sflag:$0x7] =	stream.indirect.gather [spmem:s15], $0x40, s17, s20, $0xb8;
	[tilespmem:$0x1E300] =	vst v63  }
0x44: {  	s18 =	simm.s32 $0x1C0  }
0x45: {  	[tilespmem:s16], [sflag:$0x8] =	stream.indirect.gather [spmem:s15], $0x40, s18, s20, $0xb8;
	[tilespmem:$0x1E300] =	vst v63  }
.Ltmp0:
0x46: {  	_ = 	snop;
	(pc) =	sbr.rel .LBB2_2-.Ltmp0, $4  }
0x47: {  	s19 =	simm.s32 $0x200  }
0x48: {  	[tilespmem:s11], [sflag:$0x9] =	stream.indirect.gather [spmem:s15], $0x40, s19, s20, $0xb8;
	[tilespmem:$0x1E300] =	vst v63  }
0x49: {  	s30 =	simm.s32 $0x0;
	s0 =	simm.s32 $0x780;
	s26 =	simm.s32 $0x240  }
0x4a: {  	[tilespmem:s29], [sflag:$0xA] =	stream.indirect.gather [spmem:s15], $0x40, s26, s20, $0xb8;
	[tilespmem:$0x1E300] =	vst v63  }
.LBB2_3:
0x4b: {  	s14 =	simm.s32 $0x0;
	s5 =	simm.s32 $0xA00  }
0x4c: {  	[tilespmem:s5], [sflag:$0x1] =	stream.indirect.gather [spmem:s2], $0x40, s14, s20, $0xb8;
	[tilespmem:$0x1E300] =	vst v63  }
0x4d: {  	_ =	swait.ge [sflag:s31], $0x1000  }
0x4e: {  	[sflag:s31] =	ssyncset.done $0x0  }
0x4f: {  	s12 =	simm.s32 $0x1A00;
	[sflag:s31] =	ssyncadd.s32 $0xFFFFF000  }
0x50: {  	[tilespmem:s12], [sflag:$0x2] =	stream.indirect.gather [spmem:s2], $0x40, s20, s20, $0xb8;
	[tilespmem:$0x1E300] =	vst v63  }
0x51: {  	_ =	swait.ge [sflag:s11], $0x1000  }
0x52: {  	[sflag:s11] =	ssyncset.done $0x0  }
0x53: {  	s15 =	simm.s32 $0x80;
	s6 =	simm.s32 $0x2A00;
	[sflag:s11] =	ssyncadd.s32 $0xFFFFF000  }
0x54: {  	[tilespmem:s6], [sflag:$0x3] =	stream.indirect.gather [spmem:s2], $0x40, s15, s20, $0xb8;
	[tilespmem:$0x1E300] =	vst v63  }
0x55: {  	_ =	swait.ge [sflag:s16], $0x1000  }
0x56: {  	[sflag:s16] =	ssyncset.done $0x0  }
0x57: {  	s12 =	simm.s32 $0x3A00;
	s11 =	simm.s32 $0xC0;
	[sflag:s16] =	ssyncadd.s32 $0xFFFFF000  }
0x58: {  	[tilespmem:s12], [sflag:$0x4] =	stream.indirect.gather [spmem:s2], $0x40, s11, s20, $0xb8;
	[tilespmem:$0x1E300] =	vst v63  }
0x59: {  	_ =	swait.ge [sflag:s13], $0x1000  }
0x5a: {  	[sflag:s13] =	ssyncset.done $0x0  }
0x5b: {  	[sflag:s13] =	ssyncadd.s32 $0xFFFFF000;
	s13 =	simm.s32 $0x100  }
0x5c: {  	[tilespmem:s26], [sflag:$0x5] =	stream.indirect.gather [spmem:s2], $0x40, s13, s20, $0xb8;
	[tilespmem:$0x1E300] =	vst v63  }
0x5d: {  	_ =	swait.ge [sflag:s3], $0x1000  }
0x5e: {  	[sflag:s3] =	ssyncset.done $0x0  }
0x5f: {  	s15 =	simm.s32 $0x140;
	[sflag:s3] =	ssyncadd.s32 $0xFFFFF000  }
0x60: {  	[tilespmem:s19], [sflag:$0x6] =	stream.indirect.gather [spmem:s2], $0x40, s15, s20, $0xb8;
	[tilespmem:$0x1E300] =	vst v63  }
0x61: {  	_ =	swait.ge [sflag:s29], $0x1000  }
0x62: {  	[sflag:s29] =	ssyncset.done $0x0  }
0x63: {  	s16 =	simm.s32 $0x180;
	[sflag:s29] =	ssyncadd.s32 $0xFFFFF000  }
0x64: {  	[tilespmem:s18], [sflag:$0x7] =	stream.indirect.gather [spmem:s2], $0x40, s16, s20, $0xb8;
	[tilespmem:$0x1E300] =	vst v63  }
0x65: {  	_ =	swait.ge [sflag:s10], $0x1000  }
0x66: {  	[sflag:s10] =	ssyncset.done $0x0  }
0x67: {  	s19 =	simm.s32 $0x1C0;
	[sflag:s10] =	ssyncadd.s32 $0xFFFFF000  }
0x68: {  	[tilespmem:s17], [sflag:$0x8] =	stream.indirect.gather [spmem:s2], $0x40, s19, s20, $0xb8;
	[tilespmem:$0x1E300] =	vst v63  }
0x69: {  	_ =	swait.ge [sflag:s23], $0x1000  }
0x6a: {  	[sflag:s23] =	ssyncset.done $0x0  }
0x6b: {  	s6 =	simm.s32 $0x2A00;
	[sflag:s23] =	ssyncadd.s32 $0xFFFFF000;
	s23 =	simm.s32 $0x200  }
0x6c: {  	[tilespmem:s9], [sflag:$0x9] =	stream.indirect.gather [spmem:s2], $0x40, s23, s20, $0xb8;
	[tilespmem:$0x1E300] =	vst v63  }
0x6d: {  	s11 =	simm.s32 $0x8A00;
	s26 =	simm.s32 $0x240;
	_ =	swait.ge [sflag:s8], $0x1000  }
0x6e: {  	s13 =	simm.s32 $0x6A00;
	s3 =	simm.s32 $0x5A00;
	[sflag:s8] =	ssyncset.done $0x0  }
0x6f: {  	s29 =	simm.s32 $0x9A00;
	s16 =	simm.s32 $0x7A00;
	[sflag:s8] =	ssyncadd.s32 $0xFFFFF000  }
0x70: {  	[tilespmem:s7], [sflag:$0xA] =	stream.indirect.gather [spmem:s2], $0x40, s26, s20, $0xb8;
	[tilespmem:$0x1E300] =	vst v63  }
0x71: {  	s23 =	simm.s32 $0x4A00;
	s8 =	simm.s32 $0x3A00;
	s2 =	simm.s32 $0x1A00  }
.LBB2_5:
0x72: {  	s5 =	sshrl.u32 s0, $0x3;
	s7 =	rddreg [dreg:$0x10]  }
0x73: {  	s26 =	simm.s32 $0x16;
	s5 =	sadd.s32 s7, s5  }
0x74: {  	[tilespmem:s4], [sflag:$0x18] =	stream.linear.gather [hbm4b:s5+s14], $0x280, $0x38;
	[tilespmem:$0x1E300] =	vst v63  }
0x75: {  	_ =	swait.ge [sflag:s26], $0x280  }
0x76: {  	s30 =	sadd.s32 $0x1, s30;
	[sflag:s26] =	ssyncset.done $0x0  }
0x77: {  	s0 =	sadd.s32 $0x500, s0;
	s12 =	simm.s32 $0xA00;
	[sflag:s26] =	ssyncadd.s32 $0xFFFFFD80  }
.LBB2_2:
0x78: {  	s5 =	simm.s32 $0x17  }
0x79: {  	_ =	swait.ge [sflag:s5], $0x280  }
0x7a: {  	[sflag:s5] =	ssyncset.done $0x0  }
0x7b: {  	s9 =	simm.s32 $0x18;
	[sflag:s5] =	ssyncadd.s32 $0xFFFFFD80  }
0x7c: {  	_ =	swait.ge [sflag:s9], $0x280  }
0x7d: {  	[sflag:s9] =	ssyncset.done $0x0  }
0x7e: {  	s26 =	simm.s32 $0x1;
	[sflag:s9] =	ssyncadd.s32 $0xFFFFFD80  }
0x7f: {  	_ =	swait.ge [sflag:s26], $0x1000  }
0x80: {  	[sflag:s26] =	ssyncset.done $0x0  }
0x81: {  	s10 =	simm.s32 $0x280;
	s9 =	simm.s32 $0x2;
	[sflag:s26] =	ssyncadd.s32 $0xFFFFF000  }
0x82: {  	[spmem:s1] =	stream.indirect.scatter.add.f32 [tilespmem:s12], [sflag:$0xB], $0x40, s10, s20, $0xb8;
	[tilespmem:$0x1E300] =	vst v63  }
0x83: {  	_ =	swait.ge [sflag:s9], $0x1000  }
0x84: {  	[sflag:s9] =	ssyncset.done $0x0  }
0x85: {  	s18 =	simm.s32 $0x3;
	s12 =	simm.s32 $0x2C0;
	[sflag:s9] =	ssyncadd.s32 $0xFFFFF000  }
0x86: {  	[spmem:s1] =	stream.indirect.scatter.add.f32 [tilespmem:s2], [sflag:$0xC], $0x40, s12, s20, $0xb8;
	[tilespmem:$0x1E300] =	vst v63  }
0x87: {  	_ =	swait.ge [sflag:s18], $0x1000  }
0x88: {  	[sflag:s18] =	ssyncset.done $0x0  }
0x89: {  	s14 =	simm.s32 $0x300;
	s4 =	simm.s32 $0x4;
	[sflag:s18] =	ssyncadd.s32 $0xFFFFF000  }
0x8a: {  	[spmem:s1] =	stream.indirect.scatter.add.f32 [tilespmem:s6], [sflag:$0xD], $0x40, s14, s20, $0xb8;
	[tilespmem:$0x1E300] =	vst v63  }
0x8b: {  	_ =	swait.ge [sflag:s4], $0x1000  }
0x8c: {  	[sflag:s4] =	ssyncset.done $0x0  }
0x8d: {  	s15 =	simm.s32 $0x340;
	s19 =	simm.s32 $0x5;
	[sflag:s4] =	ssyncadd.s32 $0xFFFFF000  }
0x8e: {  	[spmem:s1] =	stream.indirect.scatter.add.f32 [tilespmem:s8], [sflag:$0xE], $0x40, s15, s20, $0xb8;
	[tilespmem:$0x1E300] =	vst v63  }
0x8f: {  	_ =	swait.ge [sflag:s19], $0x1000  }
0x90: {  	[sflag:s19] =	ssyncset.done $0x0  }
0x91: {  	s17 =	simm.s32 $0x380;
	[sflag:s19] =	ssyncadd.s32 $0xFFFFF000  }
0x92: {  	[spmem:s1] =	stream.indirect.scatter.add.f32 [tilespmem:s23], [sflag:$0xF], $0x40, s17, s20, $0xb8;
	[tilespmem:$0x1E300] =	vst v63  }
0x93: {  	_ =	swait.ge [sflag:s24], $0x1000  }
0x94: {  	[sflag:s24] =	ssyncset.done $0x0  }
0x95: {  	s23 =	simm.s32 $0x3C0;
	[sflag:s24] =	ssyncadd.s32 $0xFFFFF000  }
0x96: {  	[spmem:s1] =	stream.indirect.scatter.add.f32 [tilespmem:s3], [sflag:$0x10], $0x40, s23, s20, $0xb8;
	[tilespmem:$0x1E300] =	vst v63  }
0x97: {  	_ =	swait.ge [sflag:s21], $0x1000  }
0x98: {  	[sflag:s21] =	ssyncset.done $0x0  }
0x99: {  	s2 =	simm.s32 $0x400;
	[sflag:s21] =	ssyncadd.s32 $0xFFFFF000  }
0x9a: {  	[spmem:s1] =	stream.indirect.scatter.add.f32 [tilespmem:s13], [sflag:$0x11], $0x40, s2, s20, $0xb8;
	[tilespmem:$0x1E300] =	vst v63  }
0x9b: {  	_ =	swait.ge [sflag:s22], $0x1000  }
0x9c: {  	[sflag:s22] =	ssyncset.done $0x0  }
0x9d: {  	s5 =	simm.s32 $0x440;
	[sflag:s22] =	ssyncadd.s32 $0xFFFFF000  }
0x9e: {  	[spmem:s1] =	stream.indirect.scatter.add.f32 [tilespmem:s16], [sflag:$0x12], $0x40, s5, s20, $0xb8;
	[tilespmem:$0x1E300] =	vst v63  }
0x9f: {  	_ =	swait.ge [sflag:s25], $0x1000  }
0xa0: {  	[sflag:s25] =	ssyncset.done $0x0  }
0xa1: {  	s6 =	simm.s32 $0x480;
	[sflag:s25] =	ssyncadd.s32 $0xFFFFF000  }
0xa2: {  	[spmem:s1] =	stream.indirect.scatter.add.f32 [tilespmem:s11], [sflag:$0x13], $0x40, s6, s20, $0xb8;
	[tilespmem:$0x1E300] =	vst v63  }
0xa3: {  	p1 =	seq.s32 s30, $0xF;
	_ =	swait.ge [sflag:s28], $0x1000  }
0xa4: {  	s8 =	simm.s32 $0x4C0;
	s5 =	sadd.s32 @!p1 $0xFFFFFD80, s0;
	[sflag:s28] =	ssyncset.done $0x0  }
0xa5: {  	s12 =	sshrl.u32 @!p1 s5, $0x3;
	s6 =	rddreg [dreg:$0xe];
	[sflag:s28] =	ssyncadd.s32 $0xFFFFF000  }
0xa6: {  	[spmem:s1] =	stream.indirect.scatter.add.f32 [tilespmem:s29], [sflag:$0x14], $0x40, s8, s20, $0xb8;
	[tilespmem:$0x1E300] =	vst v63  }
0xa7: {  	s15 =	simm.s32 $0xB;
	s2 =	simm.s32 @!p1 $0x0;
	s14 =	sadd.s32 @!p1 s6, s12  }
0xa8: {  	[tilespmem:s2], [sflag:$0x15] =	stream.linear.gather @!p1 [hbm4b:s14+s2], $0x280, $0x38;
	[tilespmem:$0x1E300] =	vst v63  }
0xa9: {  	_ =	swait.ge [sflag:s15], $0x1000  }
0xaa: {  	[sflag:s15] =	ssyncset.done $0x0  }
0xab: {  	[sflag:s15] =	ssyncadd.s32 $0xFFFFF000  }
0xac: {  	s10 =	simm.s32 $0x500;
	s17 =	simm.s32 $0xA00;
	s2 =	rddreg [dreg:$0x2]  }
0xad: {  	[tilespmem:s17], [sflag:$0x1] =	stream.indirect.gather [spmem:s2], $0x40, s10, s20, $0xb8;
	[tilespmem:$0x1E300] =	vst v63  }
0xae: {  	_ =	swait.ge [sflag:s31], $0x1000  }
0xaf: {  	[sflag:s31] =	ssyncset.done $0x0  }
0xb0: {  	s11 =	simm.s32 $0x1A00;
	s10 =	simm.s32 $0x540;
	[sflag:s31] =	ssyncadd.s32 $0xFFFFF000  }
0xb1: {  	[tilespmem:s11], [sflag:$0x2] =	stream.indirect.gather [spmem:s2], $0x40, s10, s20, $0xb8;
	[tilespmem:$0x1E300] =	vst v63  }
0xb2: {  	s11 =	simm.s32 $0xD  }
0xb3: {  	_ =	swait.ge [sflag:s11], $0x1000  }
0xb4: {  	[sflag:s11] =	ssyncset.done $0x0  }
0xb5: {  	s16 =	simm.s32 $0x2A00;
	s14 =	simm.s32 $0x580;
	[sflag:s11] =	ssyncadd.s32 $0xFFFFF000  }
0xb6: {  	[tilespmem:s16], [sflag:$0x3] =	stream.indirect.gather [spmem:s2], $0x40, s14, s20, $0xb8;
	[tilespmem:$0x1E300] =	vst v63  }
0xb7: {  	s16 =	simm.s32 $0xE  }
0xb8: {  	_ =	swait.ge [sflag:s16], $0x1000  }
0xb9: {  	[sflag:s16] =	ssyncset.done $0x0  }
0xba: {  	s13 =	simm.s32 $0x3A00;
	s14 =	simm.s32 $0x5C0;
	[sflag:s16] =	ssyncadd.s32 $0xFFFFF000  }
0xbb: {  	[tilespmem:s13], [sflag:$0x4] =	stream.indirect.gather [spmem:s2], $0x40, s14, s20, $0xb8;
	[tilespmem:$0x1E300] =	vst v63  }
0xbc: {  	s13 =	simm.s32 $0xF  }
0xbd: {  	_ =	swait.ge [sflag:s13], $0x1000  }
0xbe: {  	[sflag:s13] =	ssyncset.done $0x0  }
0xbf: {  	s3 =	simm.s32 $0x4A00;
	s14 =	simm.s32 $0x600;
	[sflag:s13] =	ssyncadd.s32 $0xFFFFF000  }
0xc0: {  	[tilespmem:s3], [sflag:$0x5] =	stream.indirect.gather [spmem:s2], $0x40, s14, s20, $0xb8;
	[tilespmem:$0x1E300] =	vst v63  }
0xc1: {  	s3 =	simm.s32 $0x10  }
0xc2: {  	_ =	swait.ge [sflag:s3], $0x1000  }
0xc3: {  	[sflag:s3] =	ssyncset.done $0x0  }
0xc4: {  	s29 =	simm.s32 $0x5A00;
	s14 =	simm.s32 $0x640;
	[sflag:s3] =	ssyncadd.s32 $0xFFFFF000  }
0xc5: {  	[tilespmem:s29], [sflag:$0x6] =	stream.indirect.gather [spmem:s2], $0x40, s14, s20, $0xb8;
	[tilespmem:$0x1E300] =	vst v63  }
0xc6: {  	s29 =	simm.s32 $0x11  }
0xc7: {  	_ =	swait.ge [sflag:s29], $0x1000  }
0xc8: {  	s5 =	simm.s32 $0x6A00;
	[sflag:s29] =	ssyncset.done $0x0  }
0xc9: {  	s10 =	simm.s32 $0x12;
	s14 =	simm.s32 $0x680;
	[sflag:s29] =	ssyncadd.s32 $0xFFFFF000  }
0xca: {  	[tilespmem:s5], [sflag:$0x7] =	stream.indirect.gather [spmem:s2], $0x40, s14, s20, $0xb8;
	[tilespmem:$0x1E300] =	vst v63  }
0xcb: {  	_ =	swait.ge [sflag:s10], $0x1000  }
0xcc: {  	[sflag:s10] =	ssyncset.done $0x0  }
0xcd: {  	s23 =	simm.s32 $0x7A00;
	s5 =	simm.s32 $0x6C0;
	[sflag:s10] =	ssyncadd.s32 $0xFFFFF000  }
0xce: {  	[tilespmem:s23], [sflag:$0x8] =	stream.indirect.gather [spmem:s2], $0x40, s5, s20, $0xb8;
	[tilespmem:$0x1E300] =	vst v63  }
0xcf: {  	s23 =	simm.s32 $0x13  }
0xd0: {  	_ =	swait.ge [sflag:s23], $0x1000  }
0xd1: {  	[sflag:s23] =	ssyncset.done $0x0  }
0xd2: {  	s8 =	simm.s32 $0x8A00;
	s5 =	simm.s32 $0x700;
	[sflag:s23] =	ssyncadd.s32 $0xFFFFF000  }
0xd3: {  	[tilespmem:s8], [sflag:$0x9] =	stream.indirect.gather [spmem:s2], $0x40, s5, s20, $0xb8;
	[tilespmem:$0x1E300] =	vst v63  }
0xd4: {  	s8 =	simm.s32 $0x14  }
0xd5: {  	_ =	swait.ge [sflag:s8], $0x1000  }
0xd6: {  	[sflag:s8] =	ssyncset.done $0x0  }
0xd7: {  	s14 =	simm.s32 $0x740;
	s5 =	simm.s32 $0x9A00;
	[sflag:s8] =	ssyncadd.s32 $0xFFFFF000  }
0xd8: {  	[tilespmem:s5], [sflag:$0xA] =	stream.indirect.gather [spmem:s2], $0x40, s14, s20, $0xb8;
	[tilespmem:$0x1E300] =	vst v63  }
0xd9: {  	s12 =	sadd.s32 @!p1 s7, s12;
	s7 =	simm.s32 @!p1 $0x0;
	s14 =	simm.s32 @!p1 $0x280  }
0xda: {  	[tilespmem:s14], [sflag:$0x16] =	stream.linear.gather @!p1 [hbm4b:s12+s7], $0x280, $0x38;
	[tilespmem:$0x1E300] =	vst v63  }
0xdb: {  	s12 =	simm.s32 @!p1 $0x15  }
0xdc: {  	_ =	swait.ge @!p1 [sflag:s12], $0x280  }
0xdd: {  	[sflag:s12] =	ssyncset.done @!p1 $0x0  }
0xde: {  	[sflag:s12] =	ssyncadd.s32 @!p1 $0xFFFFFD80  }
0xdf: {  	_ =	swait.ge [sflag:s26], $0x1000  }
0xe0: {  	[sflag:s26] =	ssyncset.done $0x0  }
0xe1: {  	s12 =	simm.s32 $0x780;
	[sflag:s26] =	ssyncadd.s32 $0xFFFFF000  }
0xe2: {  	[spmem:s1] =	stream.indirect.scatter.add.f32 [tilespmem:s17], [sflag:$0xB], $0x40, s12, s20, $0xb8;
	[tilespmem:$0x1E300] =	vst v63  }
0xe3: {  	_ =	swait.ge [sflag:s9], $0x1000  }
0xe4: {  	[sflag:s9] =	ssyncset.done $0x0  }
0xe5: {  	s14 =	simm.s32 $0x7C0;
	s17 =	simm.s32 $0x1A00;
	[sflag:s9] =	ssyncadd.s32 $0xFFFFF000  }
0xe6: {  	[spmem:s1] =	stream.indirect.scatter.add.f32 [tilespmem:s17], [sflag:$0xC], $0x40, s14, s20, $0xb8;
	[tilespmem:$0x1E300] =	vst v63  }
0xe7: {  	_ =	swait.ge [sflag:s18], $0x1000  }
0xe8: {  	[sflag:s18] =	ssyncset.done $0x0  }
0xe9: {  	s14 =	simm.s32 $0x800;
	s17 =	simm.s32 $0x2A00;
	[sflag:s18] =	ssyncadd.s32 $0xFFFFF000  }
0xea: {  	[spmem:s1] =	stream.indirect.scatter.add.f32 [tilespmem:s17], [sflag:$0xD], $0x40, s14, s20, $0xb8;
	[tilespmem:$0x1E300] =	vst v63  }
0xeb: {  	_ =	swait.ge [sflag:s4], $0x1000  }
0xec: {  	[sflag:s4] =	ssyncset.done $0x0  }
0xed: {  	s14 =	simm.s32 $0x840;
	s17 =	simm.s32 $0x3A00;
	[sflag:s4] =	ssyncadd.s32 $0xFFFFF000  }
0xee: {  	[spmem:s1] =	stream.indirect.scatter.add.f32 [tilespmem:s17], [sflag:$0xE], $0x40, s14, s20, $0xb8;
	[tilespmem:$0x1E300] =	vst v63  }
0xef: {  	_ =	swait.ge [sflag:s19], $0x1000  }
0xf0: {  	[sflag:s19] =	ssyncset.done $0x0  }
0xf1: {  	s26 =	simm.s32 $0x4A00;
	s14 =	simm.s32 $0x880;
	[sflag:s19] =	ssyncadd.s32 $0xFFFFF000  }
0xf2: {  	[spmem:s1] =	stream.indirect.scatter.add.f32 [tilespmem:s26], [sflag:$0xF], $0x40, s14, s20, $0xb8;
	[tilespmem:$0x1E300] =	vst v63  }
0xf3: {  	_ =	swait.ge [sflag:s24], $0x1000  }
0xf4: {  	[sflag:s24] =	ssyncset.done $0x0  }
0xf5: {  	s17 =	simm.s32 $0x8C0;
	s19 =	simm.s32 $0x5A00;
	[sflag:s24] =	ssyncadd.s32 $0xFFFFF000  }
0xf6: {  	[spmem:s1] =	stream.indirect.scatter.add.f32 [tilespmem:s19], [sflag:$0x10], $0x40, s17, s20, $0xb8;
	[tilespmem:$0x1E300] =	vst v63  }
0xf7: {  	_ =	swait.ge [sflag:s21], $0x1000  }
0xf8: {  	[sflag:s21] =	ssyncset.done $0x0  }
0xf9: {  	s12 =	simm.s32 $0x900;
	s18 =	simm.s32 $0x6A00;
	[sflag:s21] =	ssyncadd.s32 $0xFFFFF000  }
0xfa: {  	[spmem:s1] =	stream.indirect.scatter.add.f32 [tilespmem:s18], [sflag:$0x11], $0x40, s12, s20, $0xb8;
	[tilespmem:$0x1E300] =	vst v63  }
0xfb: {  	_ =	swait.ge [sflag:s22], $0x1000  }
0xfc: {  	[sflag:s22] =	ssyncset.done $0x0  }
0xfd: {  	s5 =	simm.s32 $0x7A00;
	s14 =	simm.s32 $0x940;
	[sflag:s22] =	ssyncadd.s32 $0xFFFFF000  }
0xfe: {  	[spmem:s1] =	stream.indirect.scatter.add.f32 [tilespmem:s5], [sflag:$0x12], $0x40, s14, s20, $0xb8;
	[tilespmem:$0x1E300] =	vst v63  }
0xff: {  	_ =	swait.ge [sflag:s25], $0x1000  }
0x100: {  	[sflag:s25] =	ssyncset.done $0x0  }
0x101: {  	s9 =	simm.s32 $0x8A00;
	s12 =	simm.s32 $0x980;
	[sflag:s25] =	ssyncadd.s32 $0xFFFFF000  }
0x102: {  	[spmem:s1] =	stream.indirect.scatter.add.f32 [tilespmem:s9], [sflag:$0x13], $0x40, s12, s20, $0xb8;
	[tilespmem:$0x1E300] =	vst v63  }
0x103: {  	p2 =	sgt.u32 s30, $0xE;
	_ =	swait.ge [sflag:s28], $0x1000  }
0x104: {  	s7 =	simm.s32 $0x9A00;
	s4 =	simm.s32 @!p1 $0x0;
	[sflag:s28] =	ssyncset.done $0x0  }
0x105: {  	s14 =	simm.s32 $0x9C0;
	s12 =	sshrl.u32 @!p1 s0, $0x3;
	[sflag:s28] =	ssyncadd.s32 $0xFFFFF000  }
0x106: {  	[spmem:s1] =	stream.indirect.scatter.add.f32 [tilespmem:s7], [sflag:$0x14], $0x40, s14, s20, $0xb8;
	[tilespmem:$0x1E300] =	vst v63  }
.Ltmp1:
0x107: {  	s12 =	sadd.s32 @!p1 s6, s12;
	s14 =	simm.s32 @!p1 $0x500;
	(pc) =	sbr.rel @!p2 .LBB2_3-.Ltmp1, $4  }
0x108: {  	[tilespmem:s14], [sflag:$0x17] =	stream.linear.gather @!p1 [hbm4b:s12+s4], $0x280, $0x38;
	[tilespmem:$0x1E300] =	vst v63  }
0x109: {  	_ =	swait.ge [sflag:s15], $0x1000  }
0x10a: {  	[sflag:s15] =	ssyncset.done $0x0  }
0x10b: {  	s17 =	simm.s32 $0x7A00;
	s4 =	simm.s32 $0x780;
	[sflag:s15] =	ssyncadd.s32 $0xFFFFF000  }
0x10c: {  	_ =	swait.ge [sflag:s31], $0x1000  }
0x10d: {  	[sflag:s31] =	ssyncset.done $0x0  }
0x10e: {  	[sflag:s31] =	ssyncadd.s32 $0xFFFFF000  }
0x10f: {  	_ =	swait.ge [sflag:s11], $0x1000  }
0x110: {  	[sflag:s11] =	ssyncset.done $0x0  }
0x111: {  	[sflag:s11] =	ssyncadd.s32 $0xFFFFF000  }
0x112: {  	_ =	swait.ge [sflag:s16], $0x1000  }
0x113: {  	[sflag:s16] =	ssyncset.done $0x0  }
0x114: {  	[sflag:s16] =	ssyncadd.s32 $0xFFFFF000  }
0x115: {  	_ =	swait.ge [sflag:s13], $0x1000  }
0x116: {  	[sflag:s13] =	ssyncset.done $0x0  }
0x117: {  	[sflag:s13] =	ssyncadd.s32 $0xFFFFF000  }
0x118: {  	_ =	swait.ge [sflag:s3], $0x1000  }
0x119: {  	[sflag:s3] =	ssyncset.done $0x0  }
0x11a: {  	[sflag:s3] =	ssyncadd.s32 $0xFFFFF000  }
0x11b: {  	_ =	swait.ge [sflag:s29], $0x1000  }
0x11c: {  	[sflag:s29] =	ssyncset.done $0x0  }
0x11d: {  	[sflag:s29] =	ssyncadd.s32 $0xFFFFF000  }
0x11e: {  	_ =	swait.ge [sflag:s10], $0x1000  }
0x11f: {  	[sflag:s10] =	ssyncset.done $0x0  }
0x120: {  	[sflag:s10] =	ssyncadd.s32 $0xFFFFF000  }
0x121: {  	s14 =	simm.s32 $0x0;
	s12 =	simm.s32 $0x19;
	_ =	swait.ge [sflag:s23], $0x1000  }
.Ltmp2:
0x122: {  	s2 =	simm.s32 $0x1A00;
	[sflag:s23] =	ssyncset.done $0x0;
	(pc) =	sbr.rel @!p1 .LBB2_5-.Ltmp2, $4  }
0x123: {  	s6 =	simm.s32 $0x2A00;
	s11 =	simm.s32 $0x8A00;
	[sflag:s23] =	ssyncadd.s32 $0xFFFFF000  }
0x124: {  	s16 =	simm.s32 $0x7A00;
	s13 =	simm.s32 $0x6A00;
	_ =	swait.ge [sflag:s8], $0x1000  }
0x125: {  	s3 =	simm.s32 $0x5A00;
	s29 =	simm.s32 $0x9A00;
	[sflag:s8] =	ssyncset.done $0x0  }
0x126: {  	s23 =	simm.s32 $0x4A00;
	[sflag:s8] =	ssyncadd.s32 $0xFFFFF000;
	s8 =	simm.s32 $0x3A00  }
0x127: {  	[bflag:$0x0] =	sbarrier.arrive $0xFFFF  }
0x128: {  	s30 =	rddreg [dreg:$0x5]  }
0x129: {  	s5 =	rddreg [dreg:$0x7]  }
0x12a: {  	s0 =	rddreg [dreg:$0xf]  }
0x12b: {  	[hbm:s0], [sflag:s30] =	dma.local [spmem:s5], $0x1390  }
0x12c: {  	_ =	swait.ge [sflag:s12], $0x1390  }
0x12d: {  	s9 =	rddreg [dreg:$0x11]  }
0x12e: {  	s26 =	rddreg [dreg:$0x6];
	s9 =	sadd.s32 $0x1, s9  }
0x12f: {  	p1 =	sne.s32 s9, s26  }
.Ltmp3:
0x130: {  	_ = 	snop;
	(pc) =	sbr.rel @p1 .LBB2_1-.Ltmp3, $4  }
0x131: {  	_ = 	snop  }
0x132: {  	[sflag:s12] =	ssyncset.done $0x0  }
0x133: {  	s7 =	rddreg [dreg:$0x10];
	[sflag:s12] =	ssyncadd.s32 $0xFFFFEC70  }
0x134: {  	s15 =	rddreg [dreg:$0x2]  }
0x135: {  	_ =	sfence.sel $0x180000  }
0x136: {  	[bflag:$0x0] =	sbarrier.arrive $0xFFFF  }
0x137: {  	_ =	strace $0x9000004A  }
0x138: {  	s0 =	stileid.u32;
	[bflag:$0x2] =	sbarrier.arrive $0xFFFF  }
0x139: {  	p0 =	sne.s32 s0, $0x0;
	s0 =	rddreg [dreg:$0x3]  }
0x13a: {  	s0 =	sadd.s32 @!p0 $0x100000, s0  }
0x13b: {  	[sflag:s0] =	ssyncadd.tile.s32 @!p0 $0x1;
	_ =	shalt  }
.Lfunc_end2:
_tile_overlayer_lowered:
.L_overlay_start_2:
0x13c: {  	(tag) =	ssettag $0x2  }
0x13d: {  	s0 =	rddreg [dreg:$0x0];
	s2 =	stileid.u32  }
0x13e: {  	s1 =	rddreg [dreg:$0x1];
	p0 =	sne.s32 s2, $0x0  }
0x13f: {  	s3 =	rddreg [dreg:$0x2];
	[bflag:$0x3] =	sbarrier.arrive $0xFFFF;
	s2 =	simm.s32 @!p0 $0x1C19  }
0x140: {  	[timem:s3], [sflag:s2] =	dma.local @!p0 [hbm:s0], s1  }
0x141: {  	s0 =	simm.s32 @!p0 $0x19  }
0x142: {  	_ =	swait.ge @!p0 [sflag:s0], s1  }
0x143: {  	s1 =	ssub.s32 @!p0 $0x0, s1;
	[sflag:s0] =	ssyncset.done @!p0 $0x0  }
0x144: {  	[sflag:s0] =	ssyncadd.s32 @!p0 s1  }
0x145: {  	[bflag:$0x3] =	sbarrier.arrive $0xFFFF  }
0x146: {  	_ =	shalt  }

// kernel: kernel.14.cloned.1.call-start
scs
__scs_entry_jumppad:
0x0: {  	(pc) =	sbr.rel $0x88, $3  }
0x1: {  	(tag) =	ssettag $0x0;
	lr =	simm.s32 $0x1  }
0x2: {  	[smem:$0x3F9B] =	sst lr;
	_ =	strace $0xD0000000  }
0x3: {  	_ = 	snop  }
0x4: {  	_ = 	snop  }
0x5: {  	_ = 	snop  }
0x6: {  	_ = 	snop  }
0x7: {  	_ = 	snop  }
__scs_overlays_trampoline_lowered:
0x8: {  	[smem:$0x3FAA] =	sst s0  }
0x9: {  	[smem:$0x3FAB] =	sst s1  }
0xa: {  	[smem:$0x3FAC] =	sst s2  }
0xb: {  	[smem:$0x3FAD] =	sst s3  }
0xc: {  	[smem:$0x3FAE] =	sst s4  }
0xd: {  	[smem:$0x3FAF] =	sst s5  }
0xe: {  	[smem:$0x3FB0] =	sst s6  }
0xf: {  	[smem:$0x3FB1] =	sst s7  }
0x10: {  	[smem:$0x3FB2] =	sst s8  }
0x11: {  	[smem:$0x3FB3] =	sst s9;
	s0 =	simm.s32 @!p0 $0x0  }
0x12: {  	s1 =	sld [smem:$0x3F99];
	s0 =	simm.s32 @p0 $0x1  }
0x13: {  	[smem:$0x3FB4] =	sst s0;
	s0 =	simm.s32 @!p1 $0x0  }
0x14: {  	s2 =	sld [smem:$0x3F98];
	s0 =	simm.s32 @p1 $0x1  }
0x15: {  	[smem:$0x3FB5] =	sst s0;
	s0 =	simm.s32 @!p2 $0x0  }
0x16: {  	s3 =	sld [smem:$0x3FDB];
	s0 =	simm.s32 @p2 $0x1  }
0x17: {  	s4 =	simm.s32 $0x1BF5;
	[smem:$0x3FB7] =	sst s0  }
0x18: {  	s0 =	sld [smem:$0x3F9A];
	_ =	swait.ge [sflag:s4], $0x0  }
0x19: {  	s7 =	sld [smem:$0x3F9B]  }
0x1a: {  	s8 =	sadd.s32 $0xFFFFE003, lr  }
0x1b: {  	s9 =	sadd.s32 $0xFFFFFEF7, lr;
	s5 =	simm.s32 $0xFFFFFFFF;
	p2 =	slt.u32 s8, $0xFFFFF086  }
0x1c: {  	p1 =	slt.u32 s9, $0xF7A;
	s5 =	simm.s32 @!p2 $0x0  }
0x1d: {  	s5 =	simm.s32 @p1 $0x1;
	p0 =	seq.s32 s7, s2  }
0x1e: {  	s7 =	smul.u32 @!p0 $0xF7A, s2;
	p2 =	seq.s32 @!p0 s5, $0x0  }
0x1f: {  	s9 =	smul.u32 $0xF7A, s1;
	s8 =	simm.s32 @!p0 $0x1BF5;
	p2 =	por !p2, p0  }
0x20: {  	[sflag:s8] =	ssyncset.s32 @!p0 $0xFFFFF086;
	s6 =	sadd.s32 @!p0 s3, s7;
	s7 =	simm.s32 @!p0 $0x108  }
0x21: {  	s3 =	sadd.s32 s3, s9;
	s6 =	sadd.s32 @!p0 $0x88, s6;
	s7 =	simm.s32 @p2 $0x1082  }
0x22: {  	[simem:s7], [sflag:s8] =	dma.local @!p0 [hbm:s6], $0xF7A  }
0x23: {  	s9 =	sor.u32 $0xD0000000, s2;
	s6 =	simm.s32 $0x108;
	_ =	swait.ge @!p0 [sflag:s8], $0x0  }
0x24: {  	s3 =	sadd.s32 $0x88, s3;
	s6 =	simm.s32 @!p1 $0x1082;
	[sflag:s4] =	ssyncset.s32 $0xFFFFF086  }
0x25: {  	[simem:s6], [sflag:s4] =	dma.local [hbm:s3], $0xF7A  }
0x26: {  	[smem:$0x3F9B] =	sst s1;
	(tag) =	ssettag s2;
	_ =	strace s9  }
0x27: {  	s1 =	sld [smem:$0x3FAB]  }
0x28: {  	s2 =	sld [smem:$0x3FAC]  }
0x29: {  	s4 =	sld [smem:$0x3FAE]  }
0x2a: {  	p0 =	seq.s32 s5, $0x0;
	s5 =	sld [smem:$0x3FAF]  }
0x2b: {  	s6 =	sld [smem:$0x3FB0]  }
0x2c: {  	s7 =	sld [smem:$0x3FB1]  }
0x2d: {  	s3 =	simm.s32 $0x108;
	s8 =	sld [smem:$0x3FB2]  }
0x2e: {  	s3 =	simm.s32 @!p0 $0x1082;
	s9 =	sld [smem:$0x3FB3]  }
0x2f: {  	lr =	sadd.s32 s0, s3;
	s0 =	sld [smem:$0x3FAA]  }
0x30: {  	s3 =	sld [smem:$0x3FAD]  }
0x31: {  	[smem:$0x3FB6] =	sst s10  }
0x32: {  	s10 =	sld [smem:$0x3FB4];
	_ =	sdelay $0x3  }
0x33: {  	p0 =	seq.s32 s10, $0x1;
	s10 =	sld [smem:$0x3FB6];
	_ =	sdelay $0x3  }
0x34: {  	[smem:$0x3FB6] =	sst s10  }
0x35: {  	s10 =	sld [smem:$0x3FB5];
	_ =	sdelay $0x3  }
0x36: {  	p1 =	seq.s32 s10, $0x1;
	s10 =	sld [smem:$0x3FB6];
	_ =	sdelay $0x3  }
0x37: {  	[smem:$0x3FB6] =	sst s10  }
0x38: {  	s10 =	sld [smem:$0x3FB7]  }
0x39: {  	_ = 	snop;
	(pc) =	sbr.ind lr, $3  }
0x3a: {  	_ = 	snop  }
0x3b: {  	_ = 	snop  }
0x3c: {  	p2 =	seq.s32 s10, $0x1;
	s10 =	sld [smem:$0x3FB6]  }
0x3d: {  	_ =	shalt  }
0x3e: {  	_ =	shalt  }
0x3f: {  	_ =	shalt  }
0x40: {  	_ =	shalt  }
0x41: {  	_ =	shalt  }
0x42: {  	_ =	shalt  }
0x43: {  	_ =	shalt  }
0x44: {  	_ =	shalt  }
0x45: {  	_ =	shalt  }
0x46: {  	_ =	shalt  }
0x47: {  	_ =	shalt  }
0x48: {  	_ =	shalt  }
0x49: {  	_ =	shalt  }
0x4a: {  	_ =	shalt  }
0x4b: {  	_ =	shalt  }
0x4c: {  	_ =	shalt  }
0x4d: {  	_ =	shalt  }
0x4e: {  	_ =	shalt  }
0x4f: {  	_ =	shalt  }
0x50: {  	_ =	shalt  }
0x51: {  	_ =	shalt  }
0x52: {  	_ =	shalt  }
0x53: {  	_ =	shalt  }
0x54: {  	_ =	shalt  }
0x55: {  	_ =	shalt  }
0x56: {  	_ =	shalt  }
0x57: {  	_ =	shalt  }
0x58: {  	_ =	shalt  }
0x59: {  	_ =	shalt  }
0x5a: {  	_ =	shalt  }
0x5b: {  	_ =	shalt  }
0x5c: {  	_ =	shalt  }
0x5d: {  	_ =	shalt  }
0x5e: {  	_ =	shalt  }
0x5f: {  	_ =	shalt  }
0x60: {  	_ =	shalt  }
0x61: {  	_ =	shalt  }
0x62: {  	_ =	shalt  }
0x63: {  	_ =	shalt  }
0x64: {  	_ =	shalt  }
0x65: {  	_ =	shalt  }
0x66: {  	_ =	shalt  }
0x67: {  	_ =	shalt  }
0x68: {  	_ =	shalt  }
0x69: {  	_ =	shalt  }
0x6a: {  	_ =	shalt  }
0x6b: {  	_ =	shalt  }
0x6c: {  	_ =	shalt  }
0x6d: {  	_ =	shalt  }
0x6e: {  	_ =	shalt  }
0x6f: {  	_ =	shalt  }
0x70: {  	_ =	shalt  }
0x71: {  	_ =	shalt  }
0x72: {  	_ =	shalt  }
0x73: {  	_ =	shalt  }
0x74: {  	_ =	shalt  }
0x75: {  	_ =	shalt  }
0x76: {  	_ =	shalt  }
0x77: {  	_ =	shalt  }
0x78: {  	_ =	shalt  }
0x79: {  	_ =	shalt  }
0x7a: {  	_ =	shalt  }
0x7b: {  	_ =	shalt  }
0x7c: {  	_ =	shalt  }
0x7d: {  	_ =	shalt  }
0x7e: {  	_ =	shalt  }
0x7f: {  	_ =	shalt  }
0x80: {  	_ =	shalt  }
0x81: {  	_ =	shalt  }
0x82: {  	_ =	shalt  }
0x83: {  	_ =	shalt  }
0x84: {  	_ =	shalt  }
0x85: {  	_ =	shalt  }
0x86: {  	_ =	shalt  }
0x87: {  	_ =	shalt  }
.Lfunc_end0:
.L_simem_size_0:
called_computation.2_lowered:
.L_overlay_start_0:
0x88: {  	s2 =	sld [smem:$0x3FD9]  }
0x89: {  	s3 =	sld [smem:$0x3FFE];
	_ =	sdelay $0x1  }
0x8a: {  	s1 =	srdreg.scid  }
0x8b: {  	s0 =	sand.u32 $0x1, s1  }
0x8c: {  	s17 =	sshll.u32 s0, $0xA;
	s2 =	sadd.s32 s3, s2  }
0x8d: {  	s2 =	sadd.s32 s2, s17  }
0x8e: {  	[smem:$0x3FC2] =	sst s2  }
0x8f: {  	_ = 	snop  }
0x90: {  	s2 =	sld [smem:$0x3FD0];
	(tm) =	ssettm $0x1  }
0x91: {  	s18 =	sld [smem:$0x3FFB];
	_ =	sdelay $0x3  }
0x92: {  	_ =	strace s18  }
0x93: {  	s3 =	sld [smem:$0x3FFC];
	_ =	sdelay $0x3  }
0x94: {  	_ =	strace s3  }
0x95: {  	s3 =	sld [smem:$0x3FFD];
	_ =	sdelay $0x3  }
0x96: {  	_ =	strace s3  }
0x97: {  	_ =	strace $0x8FFFFFFF  }
0x98: {  	s19 =	sld [smem:$0x3FDB];
	_ =	sdelay $0x1  }
0x99: {  	s4 =	simm.s32 $_scs_section_size  }
0x9a: {  	s5 =	simm.s32 $_size__tile_overlayer_lowered;
	s6 =	simm.s32 $_tile_overlayer_lowered  }
0x9b: {  	s22 =	simm.s32 $0x1BFF;
	s21 =	sshll.u32 s6, $0x1;
	s3 =	sadd.s32 s4, s19  }
0x9c: {  	s7 =	simm.s32 $0x0;
	s20 =	sshll.u32 s5, $0x1;
	s5 =	sadd.s32 s21, s3  }
0x9d: {  	[timem:s7], [sflag:s22] =	dma.local [hbm:s5], s20  }
0x9e: {  	_ =	swait.ge [sflag:s22], s20  }
0x9f: {  	s4 =	ssub.s32 $0x0, s20;
	[sflag:s22] =	ssyncset.done $0x0  }
0xa0: {  	[sflag:s22] =	ssyncadd.s32 s4;
	_ =	sdelay $0x1  }
0xa1: {  	s23 =	simm.s32 $0x1B8B  }
0xa2: {  	_ =	swait.ge [sflag:s23], $0x1  }
0xa3: {  	[sflag:s23] =	ssyncset.done $0x0  }
0xa4: {  	s25 =	simm.s32 $0x1B8E;
	s24 =	sld [smem:$0x3FFE];
	[sflag:s23] =	ssyncadd.s32 $0xFFFFFFFF  }
0xa5: {  	s26 =	simm.s32 $execute0_lowered;
	[smem:$0x3FD2] =	sst s25  }
0xa6: {  	s5 =	sshll.u32 s26, $0x1;
	_ =	strace $0x8000004C;
	[dreg:$0x1] =	wrdreg $0xFFFFFFFF  }
0xa7: {  	s28 =	simm.s32 $_size_execute0_lowered;
	s3 =	sadd.s32 s3, s5;
	[dreg:$0x0] =	wrdreg $0x0  }
0xa8: {  	s5 =	sshll.u32 s28, $0x1;
	[dreg:$0x2] =	wrdreg s3  }
0xa9: {  	[dreg:$0x3] =	wrdreg s5  }
0xaa: {  	[dreg:$0x4] =	wrdreg $0xC0  }
0xab: {  	_ =	task [dreg:s7], $0x5FFFF  }
0xac: {  	[dreg:$0x1] =	wrdreg $0xFFFFFFFF  }
0xad: {  	[dreg:$0x0] =	wrdreg $0x60  }
0xae: {  	[dreg:$0x2] =	wrdreg s24  }
0xaf: {  	[dreg:$0x3] =	wrdreg s2  }
0xb0: {  	[dreg:$0x4] =	wrdreg $0x78000  }
0xb1: {  	[dreg:$0x5] =	wrdreg $0x9F200  }
0xb2: {  	[dreg:$0x6] =	wrdreg $0x9  }
0xb3: {  	_ =	task.clear_ibuf [dreg:s7], $0x7FFFF;
	_ =	strace $0x9000004C  }
0xb4: {  	s29 =	simm.s32 $0x9;
	_ =	strace $0x8000004E  }
0xb5: {  	_ =	swait.ge [sflag:s29], $0x1  }
0xb6: {  	[sflag:s29] =	ssyncadd.s32 $0xFFFFFFFF  }
0xb7: {  	_ =	strace $0x9000004E  }
0xb8: {  	_ =	sfence  }
0xb9: {  	s30 =	sld [smem:$0x0];
	_ =	sdelay $0x2  }
0xba: {  	s31 =	sshll.u32 s1, $0xD;
	s1 =	sshrl.u32 s1, $0x2  }
0xbb: {  	s3 =	sand.u32 $0x4000, s31;
	s1 =	sadd.s32 s1, s30  }
0xbc: {  	s0 =	sor.u32 s3, s0;
	s1 =	sshll.u32 s1, $0x11  }
0xbd: {  	s0 =	sor.u32 s1, s0  }
0xbe: {  	s0 =	sadd.s32 $0x8F2B, s0  }
0xbf: {  	[sflag:s0] =	ssyncadd.remote.s32 $0x1  }
0xc0: {  	_ =	sfence.sel $0xFFFF  }
0xc1: {  	[dreg:$0x0] =	wrdreg $0xFFFFFFFF;
	(pc) =	sbr.abs _section_cstart, $3  }
0xc2: {  	[dreg:$0x1] =	wrdreg $0xFFFFFFFF  }
0xc3: {  	_ =	task.clear_ibuf [dreg:s7], $0x2FFFF;
	_ =	strace $0x9FFFFFFF  }
0xc4: {  	(tm) =	ssettm $0x7FFFFFFF  }
0xc5: {  	_ =	shalt  }
tec
execute0_lowered:
.L_overlay_start_1:
0x0: {  	(tag) =	ssettag $0x1  }
0x1: {  	s0 =	rddreg [dreg:$0x0]  }
0x2: {  	s2 =	rddreg [dreg:$0x2]  }
0x3: {  	s3 =	rddreg [dreg:$0x3]  }
0x4: {  	s1 =	srdreg.scid;
	s5 =	simm.s32 $0x0;
	s10 =	stileid.u32  }
0x5: {  	s26 =	simm.s32 $0x15;
	s17 =	simm.s32 $0x40;
	s15 =	simm.s32 $0xC  }
0x6: {  	s16 =	simm.s32 $0xD;
	s14 =	simm.s32 $0x10;
	s13 =	simm.s32 $0x11  }
0x7: {  	s11 =	simm.s32 $0x12;
	s18 =	simm.s32 $0x13;
	s19 =	simm.s32 $0x14  }
0x8: {  	s29 =	simm.s32 $0x5000;
	s31 =	simm.s32 $0x5400;
	s28 =	simm.s32 $0x6800  }
0x9: {  	s30 =	simm.s32 $0x6C00;
	s1 =	sand.u32 $0x1, s1;
	[smem:$0x7FF] =	sst s5  }
0xa: {  	s20 =	smul.u32 $0x2720, s10;
	p0 =	seq.s32 s10, $0xF;
	s25 =	sshll.u32 s10, $0x6  }
0xb: {  	s4 =	sshll.u32 s1, $0x4;
	_ =	strace $0x8000004D;
	s7 =	smul.u32 $0x4E40, s1  }
0xc: {  	s1 =	ssub.s32 $0x2, s1;
	s23 =	sor.u32 $0x1C15, s25;
	s25 =	simm.s32 $0x6400  }
0xd: {  	s4 =	sor.u32 s10, s4;
	s6 =	sshrl.u32 s20, $0x3;
	s9 =	sshrl.u32 s1, $0x1  }
0xe: {  	s22 =	sadd.s32 s20, s2;
	s5 =	sadd.s32 s20, s3;
	s20 =	simm.s32 $0x6  }
0xf: {  	s10 =	simm.s32 $0xB;
	[dreg:$0xa] =	wrdreg s23;
	s4 =	smul.u32 $0x500, s4  }
0x10: {  	s8 =	sadd.s32 s6, s0;
	s7 =	sadd.s32 s7, s0;
	s1 =	ssub.s32 s1, s9  }
0x11: {  	s12 =	sshrl.u32 s22, $0x3;
	s9 =	simm.s32 $0xA;
	s22 =	simm.s32 $0x6000  }
0x12: {  	s8 =	sadd.s32 $0xC000, s8;
	s24 =	sadd.s32 $0x47200, s7;
	[dreg:$0xb] =	wrdreg s12  }
0x13: {  	s1 =	smax.u32 s1, $0x1;
	s7 =	simm.s32 $0x8;
	[dreg:$0x7] =	wrdreg s8  }
0x14: {  	s4 =	sadd.s32 s4, s0;
	s0 =	sadd.s32 $0x1095C, s0;
	[dreg:$0x9] =	wrdreg s1  }
0x15: {  	s8 =	sadd.s32 $0x24AE0, s3;
	s21 =	sadd.s32 $0x16000, s4;
	[dreg:$0x8] =	wrdreg s0  }
.Ltmp0:
0x16: {  	s4 =	sadd.s32 $0x2000, s4;
	[dreg:$0x5] =	wrdreg s21;
	(pc) =	sbr.rel .LBB2_1-.Ltmp0, $4  }
0x17: {  	s1 =	sshrl.u32 @p0 s8, $0x3;
	s0 =	sadd.s32 s6, s24;
	[dreg:$0x6] =	wrdreg s4  }
0x18: {  	s6 =	simm.s32 $0x7;
	s8 =	simm.s32 $0x9;
	[dreg:$0xc] =	wrdreg s1  }
0x19: {  	s24 =	simm.s32 $0xE;
	s1 =	sshrl.u32 @!p0 s5, $0x3;
	[dreg:$0xe] =	wrdreg s0  }
0x1a: {  	s5 =	simm.s32 $0xF;
	s0 =	simm.s32 $0x0;
	[dreg:$0xd] =	wrdreg s1  }
.LBB2_4:
0x1b: {  	_ =	swait.ge [sflag:s15], $0x400  }
0x1c: {  	[sflag:s15] =	ssyncset.done $0x0  }
0x1d: {  	[sflag:s15] =	ssyncadd.s32 $0xFFFFFC00  }
0x1e: {  	_ =	swait.ge [sflag:s16], $0x400  }
0x1f: {  	[sflag:s16] =	ssyncset.done $0x0  }
0x20: {  	[sflag:s16] =	ssyncadd.s32 $0xFFFFFC00  }
0x21: {  	_ =	swait.ge [sflag:s24], $0x400  }
0x22: {  	[sflag:s24] =	ssyncset.done $0x0  }
0x23: {  	[sflag:s24] =	ssyncadd.s32 $0xFFFFFC00  }
0x24: {  	_ =	swait.ge [sflag:s5], $0x400  }
0x25: {  	[sflag:s5] =	ssyncset.done $0x0  }
0x26: {  	[sflag:s5] =	ssyncadd.s32 $0xFFFFFC00  }
0x27: {  	_ =	swait.ge [sflag:s14], $0x400  }
0x28: {  	[sflag:s14] =	ssyncset.done $0x0  }
0x29: {  	[sflag:s14] =	ssyncadd.s32 $0xFFFFFC00  }
0x2a: {  	_ =	swait.ge [sflag:s13], $0x400  }
0x2b: {  	[sflag:s13] =	ssyncset.done $0x0  }
0x2c: {  	[sflag:s13] =	ssyncadd.s32 $0xFFFFFC00  }
0x2d: {  	_ =	swait.ge [sflag:s11], $0x400  }
0x2e: {  	[sflag:s11] =	ssyncset.done $0x0  }
0x2f: {  	[sflag:s11] =	ssyncadd.s32 $0xFFFFFC00  }
0x30: {  	_ =	swait.ge [sflag:s18], $0x400  }
0x31: {  	[sflag:s18] =	ssyncset.done $0x0  }
0x32: {  	[sflag:s18] =	ssyncadd.s32 $0xFFFFFC00  }
0x33: {  	_ =	swait.ge [sflag:s19], $0x400  }
0x34: {  	[sflag:s19] =	ssyncset.done $0x0  }
0x35: {  	[sflag:s19] =	ssyncadd.s32 $0xFFFFFC00  }
0x36: {  	[bflag:$0x0] =	sbarrier.arrive $0xFFFF  }
0x37: {  	s23 =	rddreg [dreg:$0xa]  }
0x38: {  	s12 =	rddreg [dreg:$0xb]  }
0x39: {  	s26 =	simm.s32 $0x15;
	s4 =	rddreg [dreg:$0xe]  }
0x3a: {  	[hbm:s4], [sflag:s23] =	dma.local [spmem:s12], $0x4E4  }
0x3b: {  	_ =	swait.ge [sflag:s26], $0x4E4  }
0x3c: {  	s0 =	rddreg [dreg:$0xf]  }
0x3d: {  	s21 =	rddreg [dreg:$0x9];
	s0 =	sadd.s32 $0x1, s0  }
0x3e: {  	p1 =	sne.s32 s0, s21  }
.Ltmp1:
0x3f: {  	_ = 	snop;
	(pc) =	sbr.rel @!p1 .LBB2_5-.Ltmp1, $3  }
0x40: {  	_ =	sdelay $0x1  }
0x41: {  	[sflag:s26] =	ssyncset.done $0x0  }
0x42: {  	[sflag:s26] =	ssyncadd.s32 $0xFFFFFB1C  }
.LBB2_1:
0x43: {  	[dreg:$0xf] =	wrdreg s0  }
0x44: {  	s0 =	simm.s32 $0x0;
	s21 =	rddreg [dreg:$0x5]  }
0x45: {  	[tilespmem:s0], [sflag:$0x15] =	stream.linear.gather [hbm4b:s21+s0], $0x2800, $0x38;
	[tilespmem:$0xC640] =	vst v63  }
0x46: {  	_ =	swait.ge [sflag:s26], $0x2800  }
0x47: {  	[sflag:s26] =	ssyncset.done $0x0  }
0x48: {  	s4 =	simm.s32 $0x2800;
	s21 =	rddreg [dreg:$0x6];
	[sflag:s26] =	ssyncadd.s32 $0xFFFFD800  }
0x49: {  	[tilespmem:s4], [sflag:$0x15] =	stream.linear.gather [hbm4b:s21+s0], $0x2800, $0x38;
	[tilespmem:$0xC640] =	vst v63  }
0x4a: {  	_ =	swait.ge [sflag:s26], $0x2800  }
0x4b: {  	[sflag:s26] =	ssyncset.done $0x0  }
0x4c: {  	[sflag:s26] =	ssyncadd.s32 $0xFFFFD800  }
0x4d: {  	s1 =	smov.u32 s23;
	s23 =	rddreg [dreg:$0x1]  }
0x4e: {  	[spmem:s12], [sflag:s1] =	dma.local [hbm:s23], $0x4E4  }
0x4f: {  	_ =	swait.ge [sflag:s26], $0x4E4  }
0x50: {  	[sflag:s26] =	ssyncset.done $0x0;
	s21 =	rddreg [dreg:$0x8]  }
0x51: {  	s23 =	rddreg [dreg:$0xc];
	[sflag:s26] =	ssyncadd.s32 $0xFFFFFB1C  }
0x52: {  	[spmem:s23], [sflag:s1] =	dma.local @p0 [hbm:s21], $0x4C4  }
0x53: {  	s21 =	simm.s32 @p0 $0x15  }
0x54: {  	_ =	swait.ge @p0 [sflag:s21], $0x4C4  }
0x55: {  	[sflag:s21] =	ssyncset.done @p0 $0x0;
	s23 =	rddreg [dreg:$0xd]  }
0x56: {  	[sflag:s21] =	ssyncadd.s32 @p0 $0xFFFFFB3C;
	s21 =	rddreg [dreg:$0x7]  }
0x57: {  	[spmem:s23], [sflag:s1] =	dma.local @!p0 [hbm:s21], $0x4E4  }
0x58: {  	s21 =	simm.s32 @!p0 $0x15  }
0x59: {  	_ =	swait.ge @!p0 [sflag:s21], $0x4E4  }
0x5a: {  	[sflag:s21] =	ssyncset.done @!p0 $0x0  }
0x5b: {  	[sflag:s21] =	ssyncadd.s32 @!p0 $0xFFFFFB1C  }
0x5c: {  	[bflag:$0x0] =	sbarrier.arrive $0xFFFF  }
0x5d: {  	[tilespmem:s29], [sflag:$0x1] =	stream.indirect.gather [spmem:s3], $0x10, s0, s17, $0xb8;
	[tilespmem:$0xC640] =	vst v63  }
0x5e: {  	_ = 	snop  }
0x5f: {  	[tilespmem:s31], [sflag:$0x2] =	stream.indirect.gather [spmem:s3], $0x10, s17, s17, $0xb8;
	[tilespmem:$0xC640] =	vst v63  }
0x60: {  	s4 =	simm.s32 $0x5800;
	s0 =	simm.s32 $0x80  }
0x61: {  	[tilespmem:s4], [sflag:$0x3] =	stream.indirect.gather [spmem:s3], $0x10, s0, s17, $0xb8;
	[tilespmem:$0xC640] =	vst v63  }
0x62: {  	s12 =	simm.s32 $0x5C00;
	s1 =	simm.s32 $0xC0  }
0x63: {  	[tilespmem:s12], [sflag:$0x4] =	stream.indirect.gather [spmem:s3], $0x10, s1, s17, $0xb8;
	[tilespmem:$0xC640] =	vst v63  }
0x64: {  	s23 =	simm.s32 $0x100  }
0x65: {  	[tilespmem:s22], [sflag:$0x5] =	stream.indirect.gather [spmem:s3], $0x10, s23, s17, $0xb8;
	[tilespmem:$0xC640] =	vst v63  }
0x66: {  	s26 =	simm.s32 $0x140  }
0x67: {  	[tilespmem:s25], [sflag:$0x6] =	stream.indirect.gather [spmem:s3], $0x10, s26, s17, $0xb8;
	[tilespmem:$0xC640] =	vst v63  }
0x68: {  	s0 =	simm.s32 $0x180  }
0x69: {  	[tilespmem:s28], [sflag:$0x7] =	stream.indirect.gather [spmem:s3], $0x10, s0, s17, $0xb8;
	[tilespmem:$0xC640] =	vst v63  }
0x6a: {  	s1 =	simm.s32 $0x1C0  }
0x6b: {  	[tilespmem:s30], [sflag:$0x8] =	stream.indirect.gather [spmem:s3], $0x10, s1, s17, $0xb8;
	[tilespmem:$0xC640] =	vst v63  }
0x6c: {  	s23 =	simm.s32 $0x200;
	s0 =	simm.s32 $0x7000  }
0x6d: {  	[tilespmem:s0], [sflag:$0x9] =	stream.indirect.gather [spmem:s3], $0x10, s23, s17, $0xb8;
	[tilespmem:$0xC640] =	vst v63  }
0x6e: {  	s21 =	simm.s32 $0x0;
	s26 =	simm.s32 $0x240;
	s1 =	simm.s32 $0x7400  }
0x6f: {  	[tilespmem:s1], [sflag:$0xA] =	stream.indirect.gather [spmem:s3], $0x10, s26, s17, $0xb8;
	[tilespmem:$0xC640] =	vst v63  }
.LBB2_2:
0x70: {  	s26 =	simm.s32 $0x1  }
0x71: {  	_ =	swait.ge [sflag:s26], $0x400  }
0x72: {  	s23 =	sshra.s32 s21, $0x2;
	[sflag:s26] =	ssyncset.done $0x0  }
0x73: {  	[sflag:s26] =	ssyncadd.s32 $0xFFFFFC00;
	s26 =	sadd.s32 $0x2800, s23  }
0x74: {  	[spmem:s2] =	stream.indirect.scatter.add.f32 [tilespmem:s29], [sflag:$0xB], $0x10, s26, s17, $0xb8;
	[tilespmem:$0xC640] =	vst v63  }
0x75: {  	s26 =	simm.s32 $0x2  }
0x76: {  	_ =	swait.ge [sflag:s26], $0x400  }
0x77: {  	[sflag:s26] =	ssyncset.done $0x0  }
0x78: {  	[sflag:s26] =	ssyncadd.s32 $0xFFFFFC00;
	s26 =	sadd.s32 $0x2840, s23  }
0x79: {  	[spmem:s2] =	stream.indirect.scatter.add.f32 [tilespmem:s31], [sflag:$0xC], $0x10, s26, s17, $0xb8;
	[tilespmem:$0xC640] =	vst v63  }
0x7a: {  	s26 =	simm.s32 $0x3  }
0x7b: {  	_ =	swait.ge [sflag:s26], $0x400  }
0x7c: {  	[sflag:s26] =	ssyncset.done $0x0  }
0x7d: {  	[sflag:s26] =	ssyncadd.s32 $0xFFFFFC00;
	s26 =	sadd.s32 $0x2880, s23  }
0x7e: {  	[spmem:s2] =	stream.indirect.scatter.add.f32 [tilespmem:s4], [sflag:$0xD], $0x10, s26, s17, $0xb8;
	[tilespmem:$0xC640] =	vst v63  }
0x7f: {  	s26 =	simm.s32 $0x4  }
0x80: {  	_ =	swait.ge [sflag:s26], $0x400  }
0x81: {  	[sflag:s26] =	ssyncset.done $0x0  }
0x82: {  	[sflag:s26] =	ssyncadd.s32 $0xFFFFFC00;
	s26 =	sadd.s32 $0x28C0, s23  }
0x83: {  	[spmem:s2] =	stream.indirect.scatter.add.f32 [tilespmem:s12], [sflag:$0xE], $0x10, s26, s17, $0xb8;
	[tilespmem:$0xC640] =	vst v63  }
0x84: {  	s26 =	simm.s32 $0x5  }
0x85: {  	_ =	swait.ge [sflag:s26], $0x400  }
0x86: {  	[sflag:s26] =	ssyncset.done $0x0  }
0x87: {  	[sflag:s26] =	ssyncadd.s32 $0xFFFFFC00;
	s26 =	sadd.s32 $0x2900, s23  }
0x88: {  	[spmem:s2] =	stream.indirect.scatter.add.f32 [tilespmem:s22], [sflag:$0xF], $0x10, s26, s17, $0xb8;
	[tilespmem:$0xC640] =	vst v63  }
0x89: {  	_ =	swait.ge [sflag:s20], $0x400  }
0x8a: {  	[sflag:s20] =	ssyncset.done $0x0  }
0x8b: {  	s26 =	sadd.s32 $0x2940, s23;
	[sflag:s20] =	ssyncadd.s32 $0xFFFFFC00  }
0x8c: {  	[spmem:s2] =	stream.indirect.scatter.add.f32 [tilespmem:s25], [sflag:$0x10], $0x10, s26, s17, $0xb8;
	[tilespmem:$0xC640] =	vst v63  }
0x8d: {  	_ =	swait.ge [sflag:s6], $0x400  }
0x8e: {  	[sflag:s6] =	ssyncset.done $0x0  }
0x8f: {  	s26 =	sadd.s32 $0x2980, s23;
	[sflag:s6] =	ssyncadd.s32 $0xFFFFFC00  }
0x90: {  	[spmem:s2] =	stream.indirect.scatter.add.f32 [tilespmem:s28], [sflag:$0x11], $0x10, s26, s17, $0xb8;
	[tilespmem:$0xC640] =	vst v63  }
0x91: {  	_ =	swait.ge [sflag:s7], $0x400  }
0x92: {  	[sflag:s7] =	ssyncset.done $0x0  }
0x93: {  	s26 =	sadd.s32 $0x29C0, s23;
	[sflag:s7] =	ssyncadd.s32 $0xFFFFFC00  }
0x94: {  	[spmem:s2] =	stream.indirect.scatter.add.f32 [tilespmem:s30], [sflag:$0x12], $0x10, s26, s17, $0xb8;
	[tilespmem:$0xC640] =	vst v63  }
0x95: {  	_ =	swait.ge [sflag:s8], $0x400  }
0x96: {  	[sflag:s8] =	ssyncset.done $0x0  }
0x97: {  	s26 =	sadd.s32 $0x2A00, s23;
	[sflag:s8] =	ssyncadd.s32 $0xFFFFFC00  }
0x98: {  	[spmem:s2] =	stream.indirect.scatter.add.f32 [tilespmem:s0], [sflag:$0x13], $0x10, s26, s17, $0xb8;
	[tilespmem:$0xC640] =	vst v63  }
0x99: {  	_ =	swait.ge [sflag:s9], $0x400  }
0x9a: {  	p1 =	seq.s32 s21, $0x9600;
	[sflag:s9] =	ssyncset.done $0x0  }
.Ltmp2:
0x9b: {  	s26 =	sadd.s32 $0x2A40, s23;
	[sflag:s9] =	ssyncadd.s32 $0xFFFFFC00;
	(pc) =	sbr.rel @p1 .LBB2_4-.Ltmp2, $4  }
0x9c: {  	[spmem:s2] =	stream.indirect.scatter.add.f32 [tilespmem:s1], [sflag:$0x14], $0x10, s26, s17, $0xb8;
	[tilespmem:$0xC640] =	vst v63  }
0x9d: {  	_ =	swait.ge [sflag:s10], $0x400  }
0x9e: {  	[sflag:s10] =	ssyncset.done $0x0  }
0x9f: {  	[sflag:s10] =	ssyncadd.s32 $0xFFFFFC00  }
0xa0: {  	s26 =	sadd.s32 $0x280, s23  }
0xa1: {  	[tilespmem:s29], [sflag:$0x1] =	stream.indirect.gather [spmem:s3], $0x10, s26, s17, $0xb8;
	[tilespmem:$0xC640] =	vst v63  }
0xa2: {  	_ =	swait.ge [sflag:s15], $0x400  }
0xa3: {  	[sflag:s15] =	ssyncset.done $0x0  }
0xa4: {  	s26 =	sadd.s32 $0x2C0, s23;
	[sflag:s15] =	ssyncadd.s32 $0xFFFFFC00  }
0xa5: {  	[tilespmem:s31], [sflag:$0x2] =	stream.indirect.gather [spmem:s3], $0x10, s26, s17, $0xb8;
	[tilespmem:$0xC640] =	vst v63  }
0xa6: {  	_ =	swait.ge [sflag:s16], $0x400  }
0xa7: {  	[sflag:s16] =	ssyncset.done $0x0  }
0xa8: {  	s26 =	sadd.s32 $0x300, s23;
	[sflag:s16] =	ssyncadd.s32 $0xFFFFFC00  }
0xa9: {  	[tilespmem:s4], [sflag:$0x3] =	stream.indirect.gather [spmem:s3], $0x10, s26, s17, $0xb8;
	[tilespmem:$0xC640] =	vst v63  }
0xaa: {  	_ =	swait.ge [sflag:s24], $0x400  }
0xab: {  	[sflag:s24] =	ssyncset.done $0x0  }
0xac: {  	s26 =	sadd.s32 $0x340, s23;
	[sflag:s24] =	ssyncadd.s32 $0xFFFFFC00  }
0xad: {  	[tilespmem:s12], [sflag:$0x4] =	stream.indirect.gather [spmem:s3], $0x10, s26, s17, $0xb8;
	[tilespmem:$0xC640] =	vst v63  }
0xae: {  	_ =	swait.ge [sflag:s5], $0x400  }
0xaf: {  	[sflag:s5] =	ssyncset.done $0x0  }
0xb0: {  	s26 =	sadd.s32 $0x380, s23;
	[sflag:s5] =	ssyncadd.s32 $0xFFFFFC00  }
0xb1: {  	[tilespmem:s22], [sflag:$0x5] =	stream.indirect.gather [spmem:s3], $0x10, s26, s17, $0xb8;
	[tilespmem:$0xC640] =	vst v63  }
0xb2: {  	_ =	swait.ge [sflag:s14], $0x400  }
0xb3: {  	[sflag:s14] =	ssyncset.done $0x0  }
0xb4: {  	s26 =	sadd.s32 $0x3C0, s23;
	[sflag:s14] =	ssyncadd.s32 $0xFFFFFC00  }
0xb5: {  	[tilespmem:s25], [sflag:$0x6] =	stream.indirect.gather [spmem:s3], $0x10, s26, s17, $0xb8;
	[tilespmem:$0xC640] =	vst v63  }
0xb6: {  	_ =	swait.ge [sflag:s13], $0x400  }
0xb7: {  	[sflag:s13] =	ssyncset.done $0x0  }
0xb8: {  	s26 =	sadd.s32 $0x400, s23;
	[sflag:s13] =	ssyncadd.s32 $0xFFFFFC00  }
0xb9: {  	[tilespmem:s28], [sflag:$0x7] =	stream.indirect.gather [spmem:s3], $0x10, s26, s17, $0xb8;
	[tilespmem:$0xC640] =	vst v63  }
0xba: {  	_ =	swait.ge [sflag:s11], $0x400  }
0xbb: {  	[sflag:s11] =	ssyncset.done $0x0  }
0xbc: {  	s26 =	sadd.s32 $0x440, s23;
	[sflag:s11] =	ssyncadd.s32 $0xFFFFFC00  }
0xbd: {  	[tilespmem:s30], [sflag:$0x8] =	stream.indirect.gather [spmem:s3], $0x10, s26, s17, $0xb8;
	[tilespmem:$0xC640] =	vst v63  }
0xbe: {  	_ =	swait.ge [sflag:s18], $0x400  }
0xbf: {  	[sflag:s18] =	ssyncset.done $0x0  }
0xc0: {  	s26 =	sadd.s32 $0x480, s23;
	[sflag:s18] =	ssyncadd.s32 $0xFFFFFC00  }
0xc1: {  	[tilespmem:s0], [sflag:$0x9] =	stream.indirect.gather [spmem:s3], $0x10, s26, s17, $0xb8;
	[tilespmem:$0xC640] =	vst v63  }
.Ltmp3:
0xc2: {  	_ = 	snop;
	(pc) =	sbr.rel .LBB2_2-.Ltmp3, $4  }
0xc3: {  	_ =	swait.ge [sflag:s19], $0x400  }
0xc4: {  	[sflag:s19] =	ssyncset.done $0x0  }
0xc5: {  	s21 =	sadd.s32 $0xA00, s21;
	s26 =	sadd.s32 $0x4C0, s23;
	[sflag:s19] =	ssyncadd.s32 $0xFFFFFC00  }
0xc6: {  	[tilespmem:s1], [sflag:$0xA] =	stream.indirect.gather [spmem:s3], $0x10, s26, s17, $0xb8;
	[tilespmem:$0xC640] =	vst v63  }
.LBB2_5:
0xc7: {  	_ =	sfence.sel $0x180000  }
0xc8: {  	[bflag:$0x0] =	sbarrier.arrive $0xFFFF  }
0xc9: {  	_ =	strace $0x9000004D  }
0xca: {  	s0 =	stileid.u32;
	[bflag:$0x2] =	sbarrier.arrive $0xFFFF  }
0xcb: {  	p0 =	sne.s32 s0, $0x0;
	s0 =	rddreg [dreg:$0x4]  }
0xcc: {  	s0 =	sadd.s32 @!p0 $0x100000, s0  }
0xcd: {  	[sflag:s0] =	ssyncadd.tile.s32 @!p0 $0x1;
	_ =	shalt  }
.Lfunc_end2:
_tile_overlayer_lowered:
.L_overlay_start_2:
0xce: {  	(tag) =	ssettag $0x2  }
0xcf: {  	s0 =	rddreg [dreg:$0x0];
	s2 =	stileid.u32  }
0xd0: {  	s1 =	rddreg [dreg:$0x1];
	p0 =	sne.s32 s2, $0x0  }
0xd1: {  	s3 =	rddreg [dreg:$0x2];
	[bflag:$0x3] =	sbarrier.arrive $0xFFFF;
	s2 =	simm.s32 @!p0 $0x1C15  }
0xd2: {  	[timem:s3], [sflag:s2] =	dma.local @!p0 [hbm:s0], s1  }
0xd3: {  	s0 =	simm.s32 @!p0 $0x15  }
0xd4: {  	_ =	swait.ge @!p0 [sflag:s0], s1  }
0xd5: {  	s1 =	ssub.s32 @!p0 $0x0, s1;
	[sflag:s0] =	ssyncset.done @!p0 $0x0  }
0xd6: {  	[sflag:s0] =	ssyncadd.s32 @!p0 s1  }
0xd7: {  	[bflag:$0x3] =	sbarrier.arrive $0xFFFF  }
0xd8: {  	_ =	shalt  }

// kernel: kernel.8.cloned.1.call-start
scs
__scs_entry_jumppad:
0x0: {  	(pc) =	sbr.rel $0x88, $3  }
0x1: {  	(tag) =	ssettag $0x0;
	lr =	simm.s32 $0x1  }
0x2: {  	[smem:$0x3F9B] =	sst lr;
	_ =	strace $0xD0000000  }
0x3: {  	_ = 	snop  }
0x4: {  	_ = 	snop  }
0x5: {  	_ = 	snop  }
0x6: {  	_ = 	snop  }
0x7: {  	_ = 	snop  }
__scs_overlays_trampoline_lowered:
0x8: {  	[smem:$0x3FAA] =	sst s0  }
0x9: {  	[smem:$0x3FAB] =	sst s1  }
0xa: {  	[smem:$0x3FAC] =	sst s2  }
0xb: {  	[smem:$0x3FAD] =	sst s3  }
0xc: {  	[smem:$0x3FAE] =	sst s4  }
0xd: {  	[smem:$0x3FAF] =	sst s5  }
0xe: {  	[smem:$0x3FB0] =	sst s6  }
0xf: {  	[smem:$0x3FB1] =	sst s7  }
0x10: {  	[smem:$0x3FB2] =	sst s8  }
0x11: {  	[smem:$0x3FB3] =	sst s9;
	s0 =	simm.s32 @!p0 $0x0  }
0x12: {  	s1 =	sld [smem:$0x3F99];
	s0 =	simm.s32 @p0 $0x1  }
0x13: {  	[smem:$0x3FB4] =	sst s0;
	s0 =	simm.s32 @!p1 $0x0  }
0x14: {  	s2 =	sld [smem:$0x3F98];
	s0 =	simm.s32 @p1 $0x1  }
0x15: {  	[smem:$0x3FB5] =	sst s0;
	s0 =	simm.s32 @!p2 $0x0  }
0x16: {  	s3 =	sld [smem:$0x3FDB];
	s0 =	simm.s32 @p2 $0x1  }
0x17: {  	s4 =	simm.s32 $0x1BF5;
	[smem:$0x3FB7] =	sst s0  }
0x18: {  	s0 =	sld [smem:$0x3F9A];
	_ =	swait.ge [sflag:s4], $0x0  }
0x19: {  	s7 =	sld [smem:$0x3F9B]  }
0x1a: {  	s8 =	sadd.s32 $0xFFFFE003, lr  }
0x1b: {  	s9 =	sadd.s32 $0xFFFFFEF7, lr;
	s5 =	simm.s32 $0xFFFFFFFF;
	p2 =	slt.u32 s8, $0xFFFFF086  }
0x1c: {  	p1 =	slt.u32 s9, $0xF7A;
	s5 =	simm.s32 @!p2 $0x0  }
0x1d: {  	s5 =	simm.s32 @p1 $0x1;
	p0 =	seq.s32 s7, s2  }
0x1e: {  	s7 =	smul.u32 @!p0 $0xF7A, s2;
	p2 =	seq.s32 @!p0 s5, $0x0  }
0x1f: {  	s9 =	smul.u32 $0xF7A, s1;
	s8 =	simm.s32 @!p0 $0x1BF5;
	p2 =	por !p2, p0  }
0x20: {  	[sflag:s8] =	ssyncset.s32 @!p0 $0xFFFFF086;
	s6 =	sadd.s32 @!p0 s3, s7;
	s7 =	simm.s32 @!p0 $0x108  }
0x21: {  	s3 =	sadd.s32 s3, s9;
	s6 =	sadd.s32 @!p0 $0x88, s6;
	s7 =	simm.s32 @p2 $0x1082  }
0x22: {  	[simem:s7], [sflag:s8] =	dma.local @!p0 [hbm:s6], $0xF7A  }
0x23: {  	s9 =	sor.u32 $0xD0000000, s2;
	s6 =	simm.s32 $0x108;
	_ =	swait.ge @!p0 [sflag:s8], $0x0  }
0x24: {  	s3 =	sadd.s32 $0x88, s3;
	s6 =	simm.s32 @!p1 $0x1082;
	[sflag:s4] =	ssyncset.s32 $0xFFFFF086  }
0x25: {  	[simem:s6], [sflag:s4] =	dma.local [hbm:s3], $0xF7A  }
0x26: {  	[smem:$0x3F9B] =	sst s1;
	(tag) =	ssettag s2;
	_ =	strace s9  }
0x27: {  	s1 =	sld [smem:$0x3FAB]  }
0x28: {  	s2 =	sld [smem:$0x3FAC]  }
0x29: {  	s4 =	sld [smem:$0x3FAE]  }
0x2a: {  	p0 =	seq.s32 s5, $0x0;
	s5 =	sld [smem:$0x3FAF]  }
0x2b: {  	s6 =	sld [smem:$0x3FB0]  }
0x2c: {  	s7 =	sld [smem:$0x3FB1]  }
0x2d: {  	s3 =	simm.s32 $0x108;
	s8 =	sld [smem:$0x3FB2]  }
0x2e: {  	s3 =	simm.s32 @!p0 $0x1082;
	s9 =	sld [smem:$0x3FB3]  }
0x2f: {  	lr =	sadd.s32 s0, s3;
	s0 =	sld [smem:$0x3FAA]  }
0x30: {  	s3 =	sld [smem:$0x3FAD]  }
0x31: {  	[smem:$0x3FB6] =	sst s10  }
0x32: {  	s10 =	sld [smem:$0x3FB4];
	_ =	sdelay $0x3  }
0x33: {  	p0 =	seq.s32 s10, $0x1;
	s10 =	sld [smem:$0x3FB6];
	_ =	sdelay $0x3  }
0x34: {  	[smem:$0x3FB6] =	sst s10  }
0x35: {  	s10 =	sld [smem:$0x3FB5];
	_ =	sdelay $0x3  }
0x36: {  	p1 =	seq.s32 s10, $0x1;
	s10 =	sld [smem:$0x3FB6];
	_ =	sdelay $0x3  }
0x37: {  	[smem:$0x3FB6] =	sst s10  }
0x38: {  	s10 =	sld [smem:$0x3FB7]  }
0x39: {  	_ = 	snop;
	(pc) =	sbr.ind lr, $3  }
0x3a: {  	_ = 	snop  }
0x3b: {  	_ = 	snop  }
0x3c: {  	p2 =	seq.s32 s10, $0x1;
	s10 =	sld [smem:$0x3FB6]  }
0x3d: {  	_ =	shalt  }
0x3e: {  	_ =	shalt  }
0x3f: {  	_ =	shalt  }
0x40: {  	_ =	shalt  }
0x41: {  	_ =	shalt  }
0x42: {  	_ =	shalt  }
0x43: {  	_ =	shalt  }
0x44: {  	_ =	shalt  }
0x45: {  	_ =	shalt  }
0x46: {  	_ =	shalt  }
0x47: {  	_ =	shalt  }
0x48: {  	_ =	shalt  }
0x49: {  	_ =	shalt  }
0x4a: {  	_ =	shalt  }
0x4b: {  	_ =	shalt  }
0x4c: {  	_ =	shalt  }
0x4d: {  	_ =	shalt  }
0x4e: {  	_ =	shalt  }
0x4f: {  	_ =	shalt  }
0x50: {  	_ =	shalt  }
0x51: {  	_ =	shalt  }
0x52: {  	_ =	shalt  }
0x53: {  	_ =	shalt  }
0x54: {  	_ =	shalt  }
0x55: {  	_ =	shalt  }
0x56: {  	_ =	shalt  }
0x57: {  	_ =	shalt  }
0x58: {  	_ =	shalt  }
0x59: {  	_ =	shalt  }
0x5a: {  	_ =	shalt  }
0x5b: {  	_ =	shalt  }
0x5c: {  	_ =	shalt  }
0x5d: {  	_ =	shalt  }
0x5e: {  	_ =	shalt  }
0x5f: {  	_ =	shalt  }
0x60: {  	_ =	shalt  }
0x61: {  	_ =	shalt  }
0x62: {  	_ =	shalt  }
0x63: {  	_ =	shalt  }
0x64: {  	_ =	shalt  }
0x65: {  	_ =	shalt  }
0x66: {  	_ =	shalt  }
0x67: {  	_ =	shalt  }
0x68: {  	_ =	shalt  }
0x69: {  	_ =	shalt  }
0x6a: {  	_ =	shalt  }
0x6b: {  	_ =	shalt  }
0x6c: {  	_ =	shalt  }
0x6d: {  	_ =	shalt  }
0x6e: {  	_ =	shalt  }
0x6f: {  	_ =	shalt  }
0x70: {  	_ =	shalt  }
0x71: {  	_ =	shalt  }
0x72: {  	_ =	shalt  }
0x73: {  	_ =	shalt  }
0x74: {  	_ =	shalt  }
0x75: {  	_ =	shalt  }
0x76: {  	_ =	shalt  }
0x77: {  	_ =	shalt  }
0x78: {  	_ =	shalt  }
0x79: {  	_ =	shalt  }
0x7a: {  	_ =	shalt  }
0x7b: {  	_ =	shalt  }
0x7c: {  	_ =	shalt  }
0x7d: {  	_ =	shalt  }
0x7e: {  	_ =	shalt  }
0x7f: {  	_ =	shalt  }
0x80: {  	_ =	shalt  }
0x81: {  	_ =	shalt  }
0x82: {  	_ =	shalt  }
0x83: {  	_ =	shalt  }
0x84: {  	_ =	shalt  }
0x85: {  	_ =	shalt  }
0x86: {  	_ =	shalt  }
0x87: {  	_ =	shalt  }
.Lfunc_end0:
.L_simem_size_0:
called_computation_lowered:
.L_overlay_start_0:
0x88: {  	s2 =	sld [smem:$0x3FD9]  }
0x89: {  	s3 =	sld [smem:$0x3FFE];
	_ =	sdelay $0x1  }
0x8a: {  	s1 =	srdreg.scid  }
0x8b: {  	s0 =	sand.u32 $0x1, s1  }
0x8c: {  	s17 =	sshll.u32 s0, $0xA;
	s2 =	sadd.s32 s3, s2  }
0x8d: {  	s2 =	sadd.s32 s2, s17  }
0x8e: {  	[smem:$0x3FC2] =	sst s2  }
0x8f: {  	_ = 	snop  }
0x90: {  	s2 =	sld [smem:$0x3FD0];
	(tm) =	ssettm $0x1  }
0x91: {  	s18 =	sld [smem:$0x3FFB];
	_ =	sdelay $0x3  }
0x92: {  	_ =	strace s18  }
0x93: {  	s3 =	sld [smem:$0x3FFC];
	_ =	sdelay $0x3  }
0x94: {  	_ =	strace s3  }
0x95: {  	s3 =	sld [smem:$0x3FFD];
	_ =	sdelay $0x3  }
0x96: {  	_ =	strace s3  }
0x97: {  	_ =	strace $0x8FFFFFFF  }
0x98: {  	s19 =	sld [smem:$0x3FDB];
	_ =	sdelay $0x1  }
0x99: {  	s4 =	simm.s32 $_scs_section_size  }
0x9a: {  	s5 =	simm.s32 $_size__tile_overlayer_lowered;
	s6 =	simm.s32 $_tile_overlayer_lowered  }
0x9b: {  	s22 =	simm.s32 $0x1BFF;
	s21 =	sshll.u32 s6, $0x1;
	s3 =	sadd.s32 s4, s19  }
0x9c: {  	s7 =	simm.s32 $0x0;
	s20 =	sshll.u32 s5, $0x1;
	s5 =	sadd.s32 s21, s3  }
0x9d: {  	[timem:s7], [sflag:s22] =	dma.local [hbm:s5], s20  }
0x9e: {  	_ =	swait.ge [sflag:s22], s20  }
0x9f: {  	s4 =	ssub.s32 $0x0, s20;
	[sflag:s22] =	ssyncset.done $0x0  }
0xa0: {  	[sflag:s22] =	ssyncadd.s32 s4;
	_ =	sdelay $0x1  }
0xa1: {  	s23 =	simm.s32 $0x1B8B  }
0xa2: {  	_ =	swait.ge [sflag:s23], $0x1  }
0xa3: {  	[sflag:s23] =	ssyncset.done $0x0  }
0xa4: {  	s25 =	simm.s32 $0x1B8E;
	s24 =	sld [smem:$0x3FFE];
	[sflag:s23] =	ssyncadd.s32 $0xFFFFFFFF  }
0xa5: {  	s26 =	simm.s32 $execute0_lowered;
	[smem:$0x3FD2] =	sst s25  }
0xa6: {  	s5 =	sshll.u32 s26, $0x1;
	_ =	strace $0x80000046;
	[dreg:$0x1] =	wrdreg $0xFFFFFFFF  }
0xa7: {  	s28 =	simm.s32 $_size_execute0_lowered;
	s3 =	sadd.s32 s3, s5;
	[dreg:$0x0] =	wrdreg $0x0  }
0xa8: {  	s5 =	sshll.u32 s28, $0x1;
	[dreg:$0x2] =	wrdreg s3  }
0xa9: {  	[dreg:$0x3] =	wrdreg s5  }
0xaa: {  	[dreg:$0x4] =	wrdreg $0xC0  }
0xab: {  	_ =	task [dreg:s7], $0x5FFFF  }
0xac: {  	[dreg:$0x1] =	wrdreg $0xFFFFFFFF  }
0xad: {  	[dreg:$0x0] =	wrdreg $0x60  }
0xae: {  	[dreg:$0x2] =	wrdreg s24  }
0xaf: {  	[dreg:$0x3] =	wrdreg s2  }
0xb0: {  	[dreg:$0x4] =	wrdreg $0x30000  }
0xb1: {  	[dreg:$0x5] =	wrdreg $0x9  }
0xb2: {  	_ =	task.clear_ibuf [dreg:s7], $0x6FFFF;
	_ =	strace $0x90000046  }
0xb3: {  	s29 =	simm.s32 $0x9;
	_ =	strace $0x80000048  }
0xb4: {  	_ =	swait.ge [sflag:s29], $0x1  }
0xb5: {  	[sflag:s29] =	ssyncadd.s32 $0xFFFFFFFF  }
0xb6: {  	_ =	strace $0x90000048  }
0xb7: {  	_ =	sfence  }
0xb8: {  	s30 =	sld [smem:$0x0];
	_ =	sdelay $0x2  }
0xb9: {  	s31 =	sshll.u32 s1, $0xD;
	s1 =	sshrl.u32 s1, $0x2  }
0xba: {  	s3 =	sand.u32 $0x4000, s31;
	s1 =	sadd.s32 s1, s30  }
0xbb: {  	s0 =	sor.u32 s3, s0;
	s1 =	sshll.u32 s1, $0x11  }
0xbc: {  	s0 =	sor.u32 s1, s0  }
0xbd: {  	s0 =	sadd.s32 $0x8F2B, s0  }
0xbe: {  	[sflag:s0] =	ssyncadd.remote.s32 $0x1  }
0xbf: {  	_ =	sfence.sel $0xFFFF  }
0xc0: {  	[dreg:$0x0] =	wrdreg $0xFFFFFFFF;
	(pc) =	sbr.abs _section_cstart, $3  }
0xc1: {  	[dreg:$0x1] =	wrdreg $0xFFFFFFFF  }
0xc2: {  	_ =	task.clear_ibuf [dreg:s7], $0x2FFFF;
	_ =	strace $0x9FFFFFFF  }
0xc3: {  	(tm) =	ssettm $0x7FFFFFFF  }
tec
execute0_lowered:
.L_overlay_start_1:
0x0: {  	(tag) =	ssettag $0x1  }
0x1: {  	s6 =	rddreg [dreg:$0x0]  }
0x2: {  	s2 =	rddreg [dreg:$0x1]  }
0x3: {  	s0 =	srdreg.scid;
	s3 =	rddreg [dreg:$0x2]  }
0x4: {  	s1 =	stileid.u32;
	s4 =	simm.s32 $0x0;
	s13 =	simm.s32 $0x100  }
0x5: {  	s14 =	simm.s32 $0x180;
	s15 =	simm.s32 $0x1;
	s16 =	simm.s32 $0x2  }
0x6: {  	s17 =	simm.s32 $0x3;
	s5 =	sand.u32 $0x1, s0;
	s0 =	rddreg [dreg:$0x3]  }
0x7: {  	s18 =	simm.s32 $0x4;
	[smem:$0x7FF] =	sst s4;
	s11 =	smul.u32 $0x2720, s1  }
0x8: {  	s31 =	sshll.u32 s1, $0x6;
	s7 =	sshll.u32 s5, $0x4;
	_ =	strace $0x80000047  }
0x9: {  	s8 =	smul.u32 $0x4E40, s5;
	s9 =	ssub.s32 $0x2, s5;
	s5 =	sadd.s32 $0xC000, s6  }
0xa: {  	s7 =	sor.u32 s1, s7;
	s10 =	sshrl.u32 s9, $0x1;
	s12 =	sadd.s32 s11, s3  }
0xb: {  	s20 =	sshrl.u32 s11, $0x3;
	s7 =	smul.u32 $0x500, s7;
	s8 =	sadd.s32 s8, s6  }
0xc: {  	s9 =	ssub.s32 s9, s10;
	s10 =	sor.u32 $0x1C05, s31;
	s11 =	sshrl.u32 s12, $0x3  }
0xd: {  	s12 =	simm.s32 $0x80;
	s19 =	sadd.s32 $0xC200, s8;
	s8 =	simm.s32 $0x5  }
0xe: {  	s7 =	sadd.s32 s7, s6;
	s19 =	sadd.s32 s20, s19;
	s20 =	simm.s32 $0x0  }
0xf: {  	s6 =	sadd.s32 $0x2000, s7;
	s7 =	smax.u32 s9, $0x1;
	s9 =	simm.s32 $0x2800  }
.LBB2_1:
0x10: {  	[tilespmem:s4], [sflag:$0x5] =	stream.linear.gather [hbm4b:s6+s4], $0x2800, $0x38;
	[tilespmem:$0x5720] =	vst v63  }
0x11: {  	_ =	swait.ge [sflag:s8], $0x2800  }
0x12: {  	[sflag:s8] =	ssyncset.done $0x0  }
0x13: {  	[sflag:s8] =	ssyncadd.s32 $0xFFFFD800  }
0x14: {  	[tilespmem:s9], [sflag:$0x5] =	stream.linear.gather [hbm4b:s5+s4], $0x800, $0x38;
	[tilespmem:$0x5720] =	vst v63  }
0x15: {  	_ =	swait.ge [sflag:s8], $0x800  }
0x16: {  	[sflag:s8] =	ssyncset.done $0x0  }
0x17: {  	[sflag:s8] =	ssyncadd.s32 $0xFFFFF800  }
0x18: {  	[spmem:s11], [sflag:s10] =	dma.local [hbm:s2], $0x4E4  }
0x19: {  	_ =	swait.ge [sflag:s8], $0x4E4  }
0x1a: {  	[sflag:s8] =	ssyncset.done $0x0  }
0x1b: {  	[sflag:s8] =	ssyncadd.s32 $0xFFFFFB1C  }
0x1c: {  	[bflag:$0x0] =	sbarrier.arrive $0xFFFF  }
0x1d: {  	[spmem:s3] =	stream.indirect.scatter.add.f32 [tilespmem:s9], [sflag:$0x1], $0x10, s4, s12, $0xb8;
	[tilespmem:$0x5720] =	vst v63  }
0x1e: {  	_ = 	snop  }
0x1f: {  	[spmem:s3] =	stream.indirect.scatter.add.f32 [tilespmem:s9], [sflag:$0x2], $0x10, s12, s12, $0xb8;
	[tilespmem:$0x5720] =	vst v63  }
0x20: {  	_ = 	snop  }
0x21: {  	[spmem:s3] =	stream.indirect.scatter.add.f32 [tilespmem:s9], [sflag:$0x3], $0x10, s13, s12, $0xb8;
	[tilespmem:$0x5720] =	vst v63  }
0x22: {  	_ = 	snop  }
0x23: {  	[spmem:s3] =	stream.indirect.scatter.add.f32 [tilespmem:s9], [sflag:$0x4], $0x10, s14, s12, $0xb8;
	[tilespmem:$0x5720] =	vst v63  }
0x24: {  	_ =	swait.ge [sflag:s15], $0x800  }
0x25: {  	[sflag:s15] =	ssyncset.done $0x0  }
0x26: {  	s21 =	simm.s32 $0x200;
	[sflag:s15] =	ssyncadd.s32 $0xFFFFF800  }
0x27: {  	[spmem:s3] =	stream.indirect.scatter.add.f32 [tilespmem:s9], [sflag:$0x1], $0x10, s21, s12, $0xb8;
	[tilespmem:$0x5720] =	vst v63  }
0x28: {  	_ =	swait.ge [sflag:s16], $0x800  }
0x29: {  	[sflag:s16] =	ssyncset.done $0x0  }
0x2a: {  	s30 =	simm.s32 $0x280;
	[sflag:s16] =	ssyncadd.s32 $0xFFFFF800  }
0x2b: {  	[spmem:s3] =	stream.indirect.scatter.add.f32 [tilespmem:s9], [sflag:$0x2], $0x10, s30, s12, $0xb8;
	[tilespmem:$0x5720] =	vst v63  }
0x2c: {  	_ =	swait.ge [sflag:s17], $0x800  }
0x2d: {  	[sflag:s17] =	ssyncset.done $0x0  }
0x2e: {  	s31 =	simm.s32 $0x300;
	[sflag:s17] =	ssyncadd.s32 $0xFFFFF800  }
0x2f: {  	[spmem:s3] =	stream.indirect.scatter.add.f32 [tilespmem:s9], [sflag:$0x3], $0x10, s31, s12, $0xb8;
	[tilespmem:$0x5720] =	vst v63  }
0x30: {  	_ =	swait.ge [sflag:s18], $0x800  }
0x31: {  	[sflag:s18] =	ssyncset.done $0x0  }
0x32: {  	s22 =	simm.s32 $0x380;
	s21 =	simm.s32 $0xFFFF7000;
	[sflag:s18] =	ssyncadd.s32 $0xFFFFF800  }
.LBB2_2:
0x33: {  	[spmem:s3] =	stream.indirect.scatter.add.f32 [tilespmem:s9], [sflag:$0x4], $0x10, s22, s12, $0xb8;
	[tilespmem:$0x5720] =	vst v63  }
0x34: {  	s22 =	smov.u32 s21  }
0x35: {  	p0 =	sne.s32 s21, $0xFFFFF800;
	s21 =	sadd.s32 $0x800, s21;
	_ =	swait.ge [sflag:s15], $0x800  }
0x36: {  	s22 =	sshra.s32 s22, $0x2;
	[sflag:s15] =	ssyncset.done $0x0  }
0x37: {  	s23 =	sadd.s32 $0x2800, s22;
	[sflag:s15] =	ssyncadd.s32 $0xFFFFF800  }
0x38: {  	[spmem:s3] =	stream.indirect.scatter.add.f32 [tilespmem:s9], [sflag:$0x1], $0x10, s23, s12, $0xb8;
	[tilespmem:$0x5720] =	vst v63  }
0x39: {  	_ =	swait.ge [sflag:s16], $0x800  }
0x3a: {  	[sflag:s16] =	ssyncset.done $0x0  }
0x3b: {  	s23 =	sadd.s32 $0x2880, s22;
	[sflag:s16] =	ssyncadd.s32 $0xFFFFF800  }
0x3c: {  	[spmem:s3] =	stream.indirect.scatter.add.f32 [tilespmem:s9], [sflag:$0x2], $0x10, s23, s12, $0xb8;
	[tilespmem:$0x5720] =	vst v63  }
0x3d: {  	_ =	swait.ge [sflag:s17], $0x800  }
0x3e: {  	[sflag:s17] =	ssyncset.done $0x0  }
.Ltmp0:
0x3f: {  	s23 =	sadd.s32 $0x2900, s22;
	[sflag:s17] =	ssyncadd.s32 $0xFFFFF800;
	(pc) =	sbr.rel @p0 .LBB2_2-.Ltmp0, $4  }
0x40: {  	[spmem:s3] =	stream.indirect.scatter.add.f32 [tilespmem:s9], [sflag:$0x3], $0x10, s23, s12, $0xb8;
	[tilespmem:$0x5720] =	vst v63  }
0x41: {  	_ =	swait.ge [sflag:s18], $0x800  }
0x42: {  	[sflag:s18] =	ssyncset.done $0x0  }
0x43: {  	s22 =	sadd.s32 $0x2980, s22;
	[sflag:s18] =	ssyncadd.s32 $0xFFFFF800  }
0x44: {  	[spmem:s3] =	stream.indirect.scatter.add.f32 [tilespmem:s9], [sflag:$0x4], $0x10, s22, s12, $0xb8;
	[tilespmem:$0x5720] =	vst v63  }
0x45: {  	_ =	swait.ge [sflag:s15], $0x800  }
0x46: {  	[sflag:s15] =	ssyncset.done $0x0  }
0x47: {  	[sflag:s15] =	ssyncadd.s32 $0xFFFFF800  }
0x48: {  	_ =	swait.ge [sflag:s16], $0x800  }
0x49: {  	[sflag:s16] =	ssyncset.done $0x0  }
0x4a: {  	[sflag:s16] =	ssyncadd.s32 $0xFFFFF800  }
0x4b: {  	_ =	swait.ge [sflag:s17], $0x800  }
0x4c: {  	[sflag:s17] =	ssyncset.done $0x0  }
0x4d: {  	[sflag:s17] =	ssyncadd.s32 $0xFFFFF800  }
0x4e: {  	_ =	swait.ge [sflag:s18], $0x800  }
0x4f: {  	s20 =	sadd.s32 $0x1, s20;
	[sflag:s18] =	ssyncset.done $0x0  }
0x50: {  	p0 =	sne.s32 s20, s7;
	[sflag:s18] =	ssyncadd.s32 $0xFFFFF800  }
.Ltmp1:
0x51: {  	[bflag:$0x0] =	sbarrier.arrive $0xFFFF;
	(pc) =	sbr.rel @p0 .LBB2_1-.Ltmp1, $4  }
0x52: {  	[hbm:s19], [sflag:s10] =	dma.local [spmem:s11], $0x4E4  }
0x53: {  	_ =	swait.ge [sflag:s8], $0x4E4  }
0x54: {  	[sflag:s8] =	ssyncset.done $0x0  }
0x55: {  	[sflag:s8] =	ssyncadd.s32 $0xFFFFFB1C  }
0x56: {  	_ =	sfence.sel $0x180000  }
0x57: {  	[bflag:$0x0] =	sbarrier.arrive $0xFFFF  }
0x58: {  	p0 =	sne.s32 s1, $0x0;
	_ =	strace $0x90000047  }
0x59: {  	s0 =	sadd.s32 @!p0 $0x100000, s0;
	[bflag:$0x2] =	sbarrier.arrive $0xFFFF  }
0x5a: {  	[sflag:s0] =	ssyncadd.tile.s32 @!p0 $0x1;
	_ =	shalt  }
.Lfunc_end2:
_tile_overlayer_lowered:
.L_overlay_start_2:
0x5b: {  	(tag) =	ssettag $0x2  }
0x5c: {  	s0 =	rddreg [dreg:$0x0];
	s2 =	stileid.u32  }
0x5d: {  	s1 =	rddreg [dreg:$0x1];
	p0 =	sne.s32 s2, $0x0  }
0x5e: {  	s3 =	rddreg [dreg:$0x2];
	[bflag:$0x3] =	sbarrier.arrive $0xFFFF;
	s2 =	simm.s32 @!p0 $0x1C05  }
0x5f: {  	[timem:s3], [sflag:s2] =	dma.local @!p0 [hbm:s0], s1  }
0x60: {  	s0 =	simm.s32 @!p0 $0x5  }
0x61: {  	_ =	swait.ge @!p0 [sflag:s0], s1  }
0x62: {  	s1 =	ssub.s32 @!p0 $0x0, s1;
	[sflag:s0] =	ssyncset.done @!p0 $0x0  }
0x63: {  	[sflag:s0] =	ssyncadd.s32 @!p0 s1  }
0x64: {  	[bflag:$0x3] =	sbarrier.arrive $0xFFFF  }
0x65: {  	_ =	shalt  }

</sc_bundles>
